<compile_context>
chip_gen: v7x
topology: tpu7x:2x2x1
jax: 0.10.2.dev20260603
libtpu: 0.0.44.dev20260713+nightly
codegen_flags: <defaults>
</compile_context>

<pallas_src>
import functools

import jax
import jax.numpy as jnp
from jax import lax
from jax.experimental import pallas as pl
from jax.experimental.pallas import tpu as pltpu
from jax.experimental.pallas import tpu_sc as plsc

NC = 2
NS = 16
NW = NC * NS
L = 16

K = 7
D = 128
CH = 16
IDXW = CH * K
NBUF = 4
OBUF = 2
CHUNKS = 84
WPN = CH * CHUNKS
PAD_NODES = NW * WPN
SCALE = 1.0 / K


def _pool_body(nn, tail, x_hbm, idx_hbm, out_hbm, idx_v, r0, r1, r2, r3,
               ob0, ob1, g0, g1, g2, g3, s0, s1):
    rows = [r0, r1, r2, r3]
    gsem = [g0, g1, g2, g3]
    obs = [ob0, ob1]
    ssem = [s0, s1]
    w = lax.axis_index("s") * NC + lax.axis_index("c")

    pltpu.sync_copy(idx_hbm.at[pl.ds(w * CHUNKS * IDXW, CHUNKS * IDXW)],
                    idx_v)

    def start_gather(i, b):
        pltpu.make_async_copy(x_hbm.at[idx_v.at[pl.ds(i * IDXW, IDXW)]],
                              rows[b], gsem[b]).start()

    def wait_gather(b):
        pltpu.make_async_copy(x_hbm.at[pl.ds(0, IDXW)], rows[b],
                              gsem[b]).wait()

    def start_store(base, b):
        pltpu.make_async_copy(obs[b], out_hbm.at[pl.ds(base, CH)],
                              ssem[b]).start()

    def wait_store(b):
        pltpu.make_async_copy(obs[b], out_hbm.at[pl.ds(0, CH)],
                              ssem[b]).wait()

    def reduce(b, ob):
        src = rows[b]
        dst = obs[ob]

        @plsc.parallel_loop(0, CH, 1, unroll=4)
        def _(n):
            rbase = n * K
            for g in range(D // L):
                sl = pl.ds(g * L, L)
                acc = src[rbase, sl]
                for j in range(1, K):
                    acc = acc + src[rbase + j, sl]
                dst[n, sl] = acc * SCALE

    for b in range(NBUF):
        start_gather(b, b)

    def outer(t, carry):
        for b in range(NBUF):
            i = t * NBUF + b
            wait_gather(b)
            base_raw = w * WPN + i * CH
            rem = nn - base_raw

            @pl.when(jnp.logical_and(i >= OBUF, nn - (base_raw - OBUF * CH) >= CH))
            def _():
                wait_store(b % OBUF)

            reduce(b, b % OBUF)

            @pl.when(i + NBUF < CHUNKS)
            def _():
                start_gather(i + NBUF, b)

            @pl.when(rem >= CH)
            def _():
                start_store(base_raw, b % OBUF)

            @pl.when(jnp.logical_and(rem > 0, rem < CH))
            def _():
                pltpu.sync_copy(obs[b % OBUF].at[pl.ds(0, tail)],
                                out_hbm.at[pl.ds(base_raw, tail)])
        return carry

    lax.fori_loop(0, CHUNKS // NBUF, outer, 0)

    for e in range(OBUF):
        i = CHUNKS - OBUF + e

        @pl.when(nn - (w * WPN + i * CH) >= CH)
        def _():
            wait_store(i % OBUF)


def kernel(x, neigh_orders):
    nn = (x.shape[0] + 6) // 4
    pad = jnp.arange(PAD_NODES * K - nn * K, dtype=jnp.int32) % x.shape[0]
    idx = jnp.concatenate([neigh_orders[: nn * K], pad])

    mesh = plsc.VectorSubcoreMesh(core_axis_name="c", subcore_axis_name="s")
    pool = pl.kernel(
        functools.partial(_pool_body, nn, nn % CH),
        mesh=mesh,
        out_type=jax.ShapeDtypeStruct((nn, D), jnp.float32),
        scratch_types=[
            pltpu.VMEM((CHUNKS * IDXW,), jnp.int32),
            pltpu.VMEM((IDXW, D), jnp.float32),
            pltpu.VMEM((IDXW, D), jnp.float32),
            pltpu.VMEM((IDXW, D), jnp.float32),
            pltpu.VMEM((IDXW, D), jnp.float32),
            pltpu.VMEM((CH, D), jnp.float32),
            pltpu.VMEM((CH, D), jnp.float32),
            pltpu.SemaphoreType.DMA,
            pltpu.SemaphoreType.DMA,
            pltpu.SemaphoreType.DMA,
            pltpu.SemaphoreType.DMA,
            pltpu.SemaphoreType.DMA,
            pltpu.SemaphoreType.DMA,
        ],
    )
    return pool(x, idx)

# --- scband reference (transcript-rebuilt; emitter-appended) ---
"""Pipeline reference for scband-pool-layer-26388279067294 (READ-ONLY COPY).

The authoritative reference and input builder live on the scoring server;
editing this copy changes nothing except your own understanding.
"""

import jax, jax.numpy as jnp
import numpy as np

N = 163842  # icosphere level-7 node count: (N+6)/4 = 40962 (level-6)
D = 128
NUM_NODES = (N + 6) // 4  # 40962


def setup_inputs(seed: int = 0) -> dict:
    key = jax.random.key(seed)
    k1, k2 = jax.random.split(key)
    x = jax.random.normal(k1, (N, D), dtype=jnp.float32)
    # 1-ring neighborhood order indices: num_nodes * 7 indices into the fine mesh.
    neigh_orders = jax.random.randint(k2, (NUM_NODES * 7,), 0, N, dtype=jnp.int32)
    return {"x": x, "neigh_orders": neigh_orders}


def reference(x, neigh_orders):
    num_nodes = (x.shape[0] + 6) // 4
    feat_num = x.shape[1]
    gathered = jnp.take(x, neigh_orders[: num_nodes * 7], axis=0)
    gathered = gathered.reshape(num_nodes, 7, feat_num)
    # pooling_type == 'mean'
    return jnp.mean(gathered, axis=1)

if __name__ == "__main__":
    import jax
    _d = setup_inputs()
    print(jax.jit(kernel)(*tuple(_d.values())))

</pallas_src>

<mosaic_0001>
#map = affine_map<(d0, d1) -> (0, 0)>
#map1 = affine_map<(d0, d1) -> (0)>
module attributes {stable_mosaic.version = 14 : i64} {
  func.func @_pool_body(%arg0: i32, %arg1: i32, %arg2: memref<163842x128xf32, #tpu.memory_space<hbm>>, %arg3: memref<301056xi32, #tpu.memory_space<hbm>>, %arg4: memref<40962x128xf32, #tpu.memory_space<hbm>>, %arg5: memref<9408xi32, #tpu.memory_space<vmem>>, %arg6: memref<112x128xf32, #tpu.memory_space<vmem>>, %arg7: memref<112x128xf32, #tpu.memory_space<vmem>>, %arg8: memref<112x128xf32, #tpu.memory_space<vmem>>, %arg9: memref<112x128xf32, #tpu.memory_space<vmem>>, %arg10: memref<16x128xf32, #tpu.memory_space<vmem>>, %arg11: memref<16x128xf32, #tpu.memory_space<vmem>>, %arg12: memref<!tpu.dma_semaphore, #tpu.memory_space<semaphore_mem>>, %arg13: memref<!tpu.dma_semaphore, #tpu.memory_space<semaphore_mem>>, %arg14: memref<!tpu.dma_semaphore, #tpu.memory_space<semaphore_mem>>, %arg15: memref<!tpu.dma_semaphore, #tpu.memory_space<semaphore_mem>>, %arg16: memref<!tpu.dma_semaphore, #tpu.memory_space<semaphore_mem>>, %arg17: memref<!tpu.dma_semaphore, #tpu.memory_space<semaphore_mem>>) attributes {dimension_semantics = [#tpu.dimension_semantics<core_parallel>, #tpu.dimension_semantics<subcore_parallel>], iteration_bounds = array<i64: 2, 16>, scalar_prefetch = 0 : i64, scratch_operands = 13 : i64, tpu.core_type = #tpu.core_type<sc_vector_subcore>, window_params = [{transform_indices = #map}, {transform_indices = #map1}, {transform_indices = #map}]} {
    %mul3A = arith.constant 2 : i32
    %mul3A_0 = arith.muli %arg1, %mul3A : i32
    %add3A = arith.addi %mul3A_0, %arg0 : i32
    %mul3A_1 = arith.constant 84 : i32
    %mul3A_2 = arith.muli %add3A, %mul3A_1 : i32
    %mul3A_3 = arith.constant 112 : i32
    %mul3A_4 = arith.muli %mul3A_2, %mul3A_3 : i32
    "tpu.region"() ({
      %run_scoped3A = tpu.sem_alloc : memref<!tpu.dma_semaphore, #tpu.memory_space<semaphore_mem>>
      %dma_start3A_47 = tpu.memref_slice %arg3[%mul3A_4] : memref<301056xi32, #tpu.memory_space<hbm>> -> memref<9408xi32, #tpu.memory_space<hbm>>
      %dma_start3A_48 = tpu.memref_slice %arg3[%mul3A_4] : memref<301056xi32, #tpu.memory_space<hbm>> -> memref<9408xi32, #tpu.memory_space<hbm>>
      tpu.enqueue_dma source(%dma_start3A_48 : memref<9408xi32, #tpu.memory_space<hbm>>) target(%arg5 : memref<9408xi32, #tpu.memory_space<vmem>>) target_semaphore(%run_scoped3A : memref<!tpu.dma_semaphore, #tpu.memory_space<semaphore_mem>>)
      %dma_wait3A = tpu.memref_slice %arg3[%mul3A_4] : memref<301056xi32, #tpu.memory_space<hbm>> -> memref<9408xi32, #tpu.memory_space<hbm>>
      %dma_wait3A_49 = tpu.memref_slice %arg3[%mul3A_4] : memref<301056xi32, #tpu.memory_space<hbm>> -> memref<9408xi32, #tpu.memory_space<hbm>>
      tpu.wait_dma2 semaphore(%run_scoped3A : memref<!tpu.dma_semaphore, #tpu.memory_space<semaphore_mem>>) src(%dma_wait3A_49 : memref<9408xi32, #tpu.memory_space<hbm>>) dst(%arg5 : memref<9408xi32, #tpu.memory_space<vmem>>)
      tpu.yield
    }) : () -> ()
    %dma_start3A = arith.constant 0 : i32
    %dma_start3A_5 = tpu.memref_slice %arg5[%dma_start3A] : memref<9408xi32, #tpu.memory_space<vmem>> -> memref<112xi32, #tpu.memory_space<vmem>>
    %dma_start3A_6 = arith.constant 0 : i32
    %dma_start3A_7 = arith.constant 0 : i32
    %dma_start3A_8 = tpu.memref_slice %arg2[%dma_start3A_6, %dma_start3A_7] : memref<163842x128xf32, #tpu.memory_space<hbm>> -> memref<163842x128xf32, #tpu.memory_space<hbm>>
    tpu.enqueue_indirect_dma source(%dma_start3A_8 : memref<163842x128xf32, #tpu.memory_space<hbm>>) target(%arg6 : memref<112x128xf32, #tpu.memory_space<vmem>>) offsets(%dma_start3A_5 : memref<112xi32, #tpu.memory_space<vmem>>) semaphore(%arg12 : memref<!tpu.dma_semaphore, #tpu.memory_space<semaphore_mem>>)
    %dma_start3A_9 = arith.constant 112 : i32
    %dma_start3A_10 = tpu.memref_slice %arg5[%dma_start3A_9] : memref<9408xi32, #tpu.memory_space<vmem>> -> memref<112xi32, #tpu.memory_space<vmem>>
    %dma_start3A_11 = arith.constant 0 : i32
    %dma_start3A_12 = arith.constant 0 : i32
    %dma_start3A_13 = tpu.memref_slice %arg2[%dma_start3A_11, %dma_start3A_12] : memref<163842x128xf32, #tpu.memory_space<hbm>> -> memref<163842x128xf32, #tpu.memory_space<hbm>>
    tpu.enqueue_indirect_dma source(%dma_start3A_13 : memref<163842x128xf32, #tpu.memory_space<hbm>>) target(%arg7 : memref<112x128xf32, #tpu.memory_space<vmem>>) offsets(%dma_start3A_10 : memref<112xi32, #tpu.memory_space<vmem>>) semaphore(%arg13 : memref<!tpu.dma_semaphore, #tpu.memory_space<semaphore_mem>>)
    %dma_start3A_14 = arith.constant 224 : i32
    %dma_start3A_15 = tpu.memref_slice %arg5[%dma_start3A_14] : memref<9408xi32, #tpu.memory_space<vmem>> -> memref<112xi32, #tpu.memory_space<vmem>>
    %dma_start3A_16 = arith.constant 0 : i32
    %dma_start3A_17 = arith.constant 0 : i32
    %dma_start3A_18 = tpu.memref_slice %arg2[%dma_start3A_16, %dma_start3A_17] : memref<163842x128xf32, #tpu.memory_space<hbm>> -> memref<163842x128xf32, #tpu.memory_space<hbm>>
    tpu.enqueue_indirect_dma source(%dma_start3A_18 : memref<163842x128xf32, #tpu.memory_space<hbm>>) target(%arg8 : memref<112x128xf32, #tpu.memory_space<vmem>>) offsets(%dma_start3A_15 : memref<112xi32, #tpu.memory_space<vmem>>) semaphore(%arg14 : memref<!tpu.dma_semaphore, #tpu.memory_space<semaphore_mem>>)
    %dma_start3A_19 = arith.constant 336 : i32
    %dma_start3A_20 = tpu.memref_slice %arg5[%dma_start3A_19] : memref<9408xi32, #tpu.memory_space<vmem>> -> memref<112xi32, #tpu.memory_space<vmem>>
    %dma_start3A_21 = arith.constant 0 : i32
    %dma_start3A_22 = arith.constant 0 : i32
    %dma_start3A_23 = tpu.memref_slice %arg2[%dma_start3A_21, %dma_start3A_22] : memref<163842x128xf32, #tpu.memory_space<hbm>> -> memref<163842x128xf32, #tpu.memory_space<hbm>>
    tpu.enqueue_indirect_dma source(%dma_start3A_23 : memref<163842x128xf32, #tpu.memory_space<hbm>>) target(%arg9 : memref<112x128xf32, #tpu.memory_space<vmem>>) offsets(%dma_start3A_20 : memref<112xi32, #tpu.memory_space<vmem>>) semaphore(%arg15 : memref<!tpu.dma_semaphore, #tpu.memory_space<semaphore_mem>>)
    %scan3A = arith.constant 0 : i32
    %scan3A_24 = arith.constant 0 : i32
    %scan3A_25 = arith.constant 21 : i32
    %scan3A_26 = arith.addi %scan3A_24, %scan3A_25 : i32
    %scan3A_27 = arith.constant 1 : i32
    scf.for %scan3A_47 = %scan3A_24 to %scan3A_26 step %scan3A_27  : i32 {
      %mul3A_48 = arith.constant 4 : i32
      %mul3A_49 = arith.muli %scan3A_47, %mul3A_48 : i32
      %add3A_50 = arith.constant 0 : i32
      %add3A_51 = arith.addi %mul3A_49, %add3A_50 : i32
      %dma_wait3A = arith.constant 0 : i32
      %dma_wait3A_52 = arith.constant 0 : i32
      %dma_wait3A_53 = tpu.memref_slice %arg2[%dma_wait3A, %dma_wait3A_52] : memref<163842x128xf32, #tpu.memory_space<hbm>> -> memref<112x128xf32, #tpu.memory_space<hbm>>
      %dma_wait3A_54 = arith.constant 0 : i32
      %dma_wait3A_55 = arith.constant 0 : i32
      %dma_wait3A_56 = tpu.memref_slice %arg2[%dma_wait3A_54, %dma_wait3A_55] : memref<163842x128xf32, #tpu.memory_space<hbm>> -> memref<112x128xf32, #tpu.memory_space<hbm>>
      tpu.wait_dma2 semaphore(%arg12 : memref<!tpu.dma_semaphore, #tpu.memory_space<semaphore_mem>>) src(%dma_wait3A_56 : memref<112x128xf32, #tpu.memory_space<hbm>>) dst(%arg6 : memref<112x128xf32, #tpu.memory_space<vmem>>)
      %mul3A_57 = arith.constant 1344 : i32
      %mul3A_58 = arith.muli %add3A, %mul3A_57 : i32
      %mul3A_59 = arith.constant 16 : i32
      %mul3A_60 = arith.muli %add3A_51, %mul3A_59 : i32
      %add3A_61 = arith.addi %mul3A_58, %mul3A_60 : i32
      %sub3A_62 = arith.constant 40962 : i32
      %sub3A_63 = arith.subi %sub3A_62, %add3A_61 : i32
      %ge3A_64 = arith.constant 2 : i32
      %ge3A_65 = arith.cmpi sge, %add3A_51, %ge3A_64 : i32
      %sub3A_66 = arith.constant 32 : i32
      %sub3A_67 = arith.subi %add3A_61, %sub3A_66 : i32
      %sub3A_68 = arith.constant 40962 : i32
      %sub3A_69 = arith.subi %sub3A_68, %sub3A_67 : i32
      %ge3A_70 = arith.constant 16 : i32
      %ge3A_71 = arith.cmpi sge, %sub3A_69, %ge3A_70 : i32
      %and3A = arith.andi %ge3A_65, %ge3A_71 : i1
      %convert_element_type3A_72 = arith.extui %and3A : i1 to i32
      %cond3A_73 = arith.constant 0 : i32
      %cond3A_74 = arith.cmpi ne, %convert_element_type3A_72, %cond3A_73 : i32
      scf.if %cond3A_74 {
        %dma_wait3A_251 = arith.constant 0 : i32
        %dma_wait3A_252 = arith.constant 0 : i32
        %dma_wait3A_253 = tpu.memref_slice %arg4[%dma_wait3A_251, %dma_wait3A_252] : memref<40962x128xf32, #tpu.memory_space<hbm>> -> memref<16x128xf32, #tpu.memory_space<hbm>>
        %dma_wait3A_254 = arith.constant 0 : i32
        %dma_wait3A_255 = arith.constant 0 : i32
        %dma_wait3A_256 = tpu.memref_slice %arg4[%dma_wait3A_254, %dma_wait3A_255] : memref<40962x128xf32, #tpu.memory_space<hbm>> -> memref<16x128xf32, #tpu.memory_space<hbm>>
        tpu.wait_dma2 semaphore(%arg16 : memref<!tpu.dma_semaphore, #tpu.memory_space<semaphore_mem>>) src(%arg10 : memref<16x128xf32, #tpu.memory_space<vmem>>) dst(%dma_wait3A_256 : memref<16x128xf32, #tpu.memory_space<hbm>>)
      } else {
      }
      %parallel_loop3A = arith.constant 0 : i32
      %parallel_loop3A_75 = arith.constant 16 : i32
      %parallel_loop3A_76 = arith.constant 1 : i32
      scf.for %parallel_loop3A_251 = %parallel_loop3A to %parallel_loop3A_75 step %parallel_loop3A_76  : i32 {
        %parallel_loop3A_252 = arith.constant 7 : i32
        %parallel_loop3A_253 = arith.muli %parallel_loop3A_251, %parallel_loop3A_252 : i32
        %parallel_loop3A_254 = arith.index_cast %parallel_loop3A_253 : i32 to index
        %parallel_loop3A_255 = arith.constant 0 : index
        %parallel_loop3A_256 = tpu.vector_load %arg6[%parallel_loop3A_254, %parallel_loop3A_255] {strides = array<i32>} : memref<112x128xf32, #tpu.memory_space<vmem>>, vector<1x16xf32>,
        %parallel_loop3A_257 = vector.shape_cast %parallel_loop3A_256 : vector<1x16xf32> to vector<16xf32>
        %parallel_loop3A_258 = arith.constant 1 : i32
        %parallel_loop3A_259 = arith.addi %parallel_loop3A_253, %parallel_loop3A_258 : i32
        %parallel_loop3A_260 = arith.index_cast %parallel_loop3A_259 : i32 to index
        %parallel_loop3A_261 = arith.constant 0 : index
        %parallel_loop3A_262 = tpu.vector_load %arg6[%parallel_loop3A_260, %parallel_loop3A_261] {strides = array<i32>} : memref<112x128xf32, #tpu.memory_space<vmem>>, vector<1x16xf32>,
        %parallel_loop3A_263 = vector.shape_cast %parallel_loop3A_262 : vector<1x16xf32> to vector<16xf32>
        %parallel_loop3A_264 = arith.addf %parallel_loop3A_257, %parallel_loop3A_263 : vector<16xf32>
        %parallel_loop3A_265 = arith.constant 2 : i32
        %parallel_loop3A_266 = arith.addi %parallel_loop3A_253, %parallel_loop3A_265 : i32
        %parallel_loop3A_267 = arith.index_cast %parallel_loop3A_266 : i32 to index
        %parallel_loop3A_268 = arith.constant 0 : index
        %parallel_loop3A_269 = tpu.vector_load %arg6[%parallel_loop3A_267, %parallel_loop3A_268] {strides = array<i32>} : memref<112x128xf32, #tpu.memory_space<vmem>>, vector<1x16xf32>,
        %parallel_loop3A_270 = vector.shape_cast %parallel_loop3A_269 : vector<1x16xf32> to vector<16xf32>
        %parallel_loop3A_271 = arith.addf %parallel_loop3A_264, %parallel_loop3A_270 : vector<16xf32>
        %parallel_loop3A_272 = arith.constant 3 : i32
        %parallel_loop3A_273 = arith.addi %parallel_loop3A_253, %parallel_loop3A_272 : i32
        %parallel_loop3A_274 = arith.index_cast %parallel_loop3A_273 : i32 to index
        %parallel_loop3A_275 = arith.constant 0 : index
        %parallel_loop3A_276 = tpu.vector_load %arg6[%parallel_loop3A_274, %parallel_loop3A_275] {strides = array<i32>} : memref<112x128xf32, #tpu.memory_space<vmem>>, vector<1x16xf32>,
        %parallel_loop3A_277 = vector.shape_cast %parallel_loop3A_276 : vector<1x16xf32> to vector<16xf32>
        %parallel_loop3A_278 = arith.addf %parallel_loop3A_271, %parallel_loop3A_277 : vector<16xf32>
        %parallel_loop3A_279 = arith.constant 4 : i32
        %parallel_loop3A_280 = arith.addi %parallel_loop3A_253, %parallel_loop3A_279 : i32
        %parallel_loop3A_281 = arith.index_cast %parallel_loop3A_280 : i32 to index
        %parallel_loop3A_282 = arith.constant 0 : index
        %parallel_loop3A_283 = tpu.vector_load %arg6[%parallel_loop3A_281, %parallel_loop3A_282] {strides = array<i32>} : memref<112x128xf32, #tpu.memory_space<vmem>>, vector<1x16xf32>,
        %parallel_loop3A_284 = vector.shape_cast %parallel_loop3A_283 : vector<1x16xf32> to vector<16xf32>
        %parallel_loop3A_285 = arith.addf %parallel_loop3A_278, %parallel_loop3A_284 : vector<16xf32>
        %parallel_loop3A_286 = arith.constant 5 : i32
        %parallel_loop3A_287 = arith.addi %parallel_loop3A_253, %parallel_loop3A_286 : i32
        %parallel_loop3A_288 = arith.index_cast %parallel_loop3A_287 : i32 to index
        %parallel_loop3A_289 = arith.constant 0 : index
        %parallel_loop3A_290 = tpu.vector_load %arg6[%parallel_loop3A_288, %parallel_loop3A_289] {strides = array<i32>} : memref<112x128xf32, #tpu.memory_space<vmem>>, vector<1x16xf32>,
        %parallel_loop3A_291 = vector.shape_cast %parallel_loop3A_290 : vector<1x16xf32> to vector<16xf32>
        %parallel_loop3A_292 = arith.addf %parallel_loop3A_285, %parallel_loop3A_291 : vector<16xf32>
        %parallel_loop3A_293 = arith.constant 6 : i32
        %parallel_loop3A_294 = arith.addi %parallel_loop3A_253, %parallel_loop3A_293 : i32
        %parallel_loop3A_295 = arith.index_cast %parallel_loop3A_294 : i32 to index
        %parallel_loop3A_296 = arith.constant 0 : index
        %parallel_loop3A_297 = tpu.vector_load %arg6[%parallel_loop3A_295, %parallel_loop3A_296] {strides = array<i32>} : memref<112x128xf32, #tpu.memory_space<vmem>>, vector<1x16xf32>,
        %parallel_loop3A_298 = vector.shape_cast %parallel_loop3A_297 : vector<1x16xf32> to vector<16xf32>
        %parallel_loop3A_299 = arith.addf %parallel_loop3A_292, %parallel_loop3A_298 : vector<16xf32>
        %parallel_loop3A_300 = arith.constant 0.142857149 : f32
        %parallel_loop3A_301 = vector.broadcast %parallel_loop3A_300 : f32 to vector<16xf32>
        %parallel_loop3A_302 = arith.mulf %parallel_loop3A_299, %parallel_loop3A_301 : vector<16xf32>
        %parallel_loop3A_303 = arith.index_cast %parallel_loop3A_251 : i32 to index
        %parallel_loop3A_304 = arith.constant 0 : index
        %parallel_loop3A_305 = tpu.vector_load %arg10[%parallel_loop3A_303, %parallel_loop3A_304] {strides = array<i32>} : memref<16x128xf32, #tpu.memory_space<vmem>>, vector<1x16xf32>,
        %parallel_loop3A_306 = vector.shape_cast %parallel_loop3A_305 : vector<1x16xf32> to vector<16xf32>
        %parallel_loop3A_307 = vector.shape_cast %parallel_loop3A_302 : vector<16xf32> to vector<1x16xf32>
        tpu.vector_store %arg10[%parallel_loop3A_303, %parallel_loop3A_304], %parallel_loop3A_307 {strides = array<i32>} : memref<16x128xf32, #tpu.memory_space<vmem>>, vector<1x16xf32>,
        %parallel_loop3A_308 = arith.index_cast %parallel_loop3A_253 : i32 to index
        %parallel_loop3A_309 = arith.constant 16 : index
        %parallel_loop3A_310 = tpu.vector_load %arg6[%parallel_loop3A_308, %parallel_loop3A_309] {strides = array<i32>} : memref<112x128xf32, #tpu.memory_space<vmem>>, vector<1x16xf32>,
        %parallel_loop3A_311 = vector.shape_cast %parallel_loop3A_310 : vector<1x16xf32> to vector<16xf32>
        %parallel_loop3A_312 = arith.constant 1 : i32
        %parallel_loop3A_313 = arith.addi %parallel_loop3A_253, %parallel_loop3A_312 : i32
        %parallel_loop3A_314 = arith.index_cast %parallel_loop3A_313 : i32 to index
        %parallel_loop3A_315 = arith.constant 16 : index
        %parallel_loop3A_316 = tpu.vector_load %arg6[%parallel_loop3A_314, %parallel_loop3A_315] {strides = array<i32>} : memref<112x128xf32, #tpu.memory_space<vmem>>, vector<1x16xf32>,
        %parallel_loop3A_317 = vector.shape_cast %parallel_loop3A_316 : vector<1x16xf32> to vector<16xf32>
        %parallel_loop3A_318 = arith.addf %parallel_loop3A_311, %parallel_loop3A_317 : vector<16xf32>
        %parallel_loop3A_319 = arith.constant 2 : i32
        %parallel_loop3A_320 = arith.addi %parallel_loop3A_253, %parallel_loop3A_319 : i32
        %parallel_loop3A_321 = arith.index_cast %parallel_loop3A_320 : i32 to index
        %parallel_loop3A_322 = arith.constant 16 : index
        %parallel_loop3A_323 = tpu.vector_load %arg6[%parallel_loop3A_321, %parallel_loop3A_322] {strides = array<i32>} : memref<112x128xf32, #tpu.memory_space<vmem>>, vector<1x16xf32>,
        %parallel_loop3A_324 = vector.shape_cast %parallel_loop3A_323 : vector<1x16xf32> to vector<16xf32>
        %parallel_loop3A_325 = arith.addf %parallel_loop3A_318, %parallel_loop3A_324 : vector<16xf32>
        %parallel_loop3A_326 = arith.constant 3 : i32
        %parallel_loop3A_327 = arith.addi %parallel_loop3A_253, %parallel_loop3A_326 : i32
        %parallel_loop3A_328 = arith.index_cast %parallel_loop3A_327 : i32 to index
        %parallel_loop3A_329 = arith.constant 16 : index
        %parallel_loop3A_330 = tpu.vector_load %arg6[%parallel_loop3A_328, %parallel_loop3A_329] {strides = array<i32>} : memref<112x128xf32, #tpu.memory_space<vmem>>, vector<1x16xf32>,
        %parallel_loop3A_331 = vector.shape_cast %parallel_loop3A_330 : vector<1x16xf32> to vector<16xf32>
        %parallel_loop3A_332 = arith.addf %parallel_loop3A_325, %parallel_loop3A_331 : vector<16xf32>
        %parallel_loop3A_333 = arith.constant 4 : i32
        %parallel_loop3A_334 = arith.addi %parallel_loop3A_253, %parallel_loop3A_333 : i32
        %parallel_loop3A_335 = arith.index_cast %parallel_loop3A_334 : i32 to index
        %parallel_loop3A_336 = arith.constant 16 : index
        %parallel_loop3A_337 = tpu.vector_load %arg6[%parallel_loop3A_335, %parallel_loop3A_336] {strides = array<i32>} : memref<112x128xf32, #tpu.memory_space<vmem>>, vector<1x16xf32>,
        %parallel_loop3A_338 = vector.shape_cast %parallel_loop3A_337 : vector<1x16xf32> to vector<16xf32>
        %parallel_loop3A_339 = arith.addf %parallel_loop3A_332, %parallel_loop3A_338 : vector<16xf32>
        %parallel_loop3A_340 = arith.constant 5 : i32
        %parallel_loop3A_341 = arith.addi %parallel_loop3A_253, %parallel_loop3A_340 : i32
        %parallel_loop3A_342 = arith.index_cast %parallel_loop3A_341 : i32 to index
        %parallel_loop3A_343 = arith.constant 16 : index
        %parallel_loop3A_344 = tpu.vector_load %arg6[%parallel_loop3A_342, %parallel_loop3A_343] {strides = array<i32>} : memref<112x128xf32, #tpu.memory_space<vmem>>, vector<1x16xf32>,
        %parallel_loop3A_345 = vector.shape_cast %parallel_loop3A_344 : vector<1x16xf32> to vector<16xf32>
        %parallel_loop3A_346 = arith.addf %parallel_loop3A_339, %parallel_loop3A_345 : vector<16xf32>
        %parallel_loop3A_347 = arith.constant 6 : i32
        %parallel_loop3A_348 = arith.addi %parallel_loop3A_253, %parallel_loop3A_347 : i32
        %parallel_loop3A_349 = arith.index_cast %parallel_loop3A_348 : i32 to index
        %parallel_loop3A_350 = arith.constant 16 : index
        %parallel_loop3A_351 = tpu.vector_load %arg6[%parallel_loop3A_349, %parallel_loop3A_350] {strides = array<i32>} : memref<112x128xf32, #tpu.memory_space<vmem>>, vector<1x16xf32>,
        %parallel_loop3A_352 = vector.shape_cast %parallel_loop3A_351 : vector<1x16xf32> to vector<16xf32>
        %parallel_loop3A_353 = arith.addf %parallel_loop3A_346, %parallel_loop3A_352 : vector<16xf32>
        %parallel_loop3A_354 = arith.constant 0.142857149 : f32
        %parallel_loop3A_355 = vector.broadcast %parallel_loop3A_354 : f32 to vector<16xf32>
        %parallel_loop3A_356 = arith.mulf %parallel_loop3A_353, %parallel_loop3A_355 : vector<16xf32>
        %parallel_loop3A_357 = arith.index_cast %parallel_loop3A_251 : i32 to index
        %parallel_loop3A_358 = arith.constant 16 : index
        %parallel_loop3A_359 = tpu.vector_load %arg10[%parallel_loop3A_357, %parallel_loop3A_358] {strides = array<i32>} : memref<16x128xf32, #tpu.memory_space<vmem>>, vector<1x16xf32>,
        %parallel_loop3A_360 = vector.shape_cast %parallel_loop3A_359 : vector<1x16xf32> to vector<16xf32>
        %parallel_loop3A_361 = vector.shape_cast %parallel_loop3A_356 : vector<16xf32> to vector<1x16xf32>
        tpu.vector_store %arg10[%parallel_loop3A_357, %parallel_loop3A_358], %parallel_loop3A_361 {strides = array<i32>} : memref<16x128xf32, #tpu.memory_space<vmem>>, vector<1x16xf32>,
        %parallel_loop3A_362 = arith.index_cast %parallel_loop3A_253 : i32 to index
        %parallel_loop3A_363 = arith.constant 32 : index
        %parallel_loop3A_364 = tpu.vector_load %arg6[%parallel_loop3A_362, %parallel_loop3A_363] {strides = array<i32>} : memref<112x128xf32, #tpu.memory_space<vmem>>, vector<1x16xf32>,
        %parallel_loop3A_365 = vector.shape_cast %parallel_loop3A_364 : vector<1x16xf32> to vector<16xf32>
        %parallel_loop3A_366 = arith.constant 1 : i32
        %parallel_loop3A_367 = arith.addi %parallel_loop3A_253, %parallel_loop3A_366 : i32
        %parallel_loop3A_368 = arith.index_cast %parallel_loop3A_367 : i32 to index
        %parallel_loop3A_369 = arith.constant 32 : index
        %parallel_loop3A_370 = tpu.vector_load %arg6[%parallel_loop3A_368, %parallel_loop3A_369] {strides = array<i32>} : memref<112x128xf32, #tpu.memory_space<vmem>>, vector<1x16xf32>,
        %parallel_loop3A_371 = vector.shape_cast %parallel_loop3A_370 : vector<1x16xf32> to vector<16xf32>
        %parallel_loop3A_372 = arith.addf %parallel_loop3A_365, %parallel_loop3A_371 : vector<16xf32>
        %parallel_loop3A_373 = arith.constant 2 : i32
        %parallel_loop3A_374 = arith.addi %parallel_loop3A_253, %parallel_loop3A_373 : i32
        %parallel_loop3A_375 = arith.index_cast %parallel_loop3A_374 : i32 to index
        %parallel_loop3A_376 = arith.constant 32 : index
        %parallel_loop3A_377 = tpu.vector_load %arg6[%parallel_loop3A_375, %parallel_loop3A_376] {strides = array<i32>} : memref<112x128xf32, #tpu.memory_space<vmem>>, vector<1x16xf32>,
        %parallel_loop3A_378 = vector.shape_cast %parallel_loop3A_377 : vector<1x16xf32> to vector<16xf32>
        %parallel_loop3A_379 = arith.addf %parallel_loop3A_372, %parallel_loop3A_378 : vector<16xf32>
        %parallel_loop3A_380 = arith.constant 3 : i32
        %parallel_loop3A_381 = arith.addi %parallel_loop3A_253, %parallel_loop3A_380 : i32
        %parallel_loop3A_382 = arith.index_cast %parallel_loop3A_381 : i32 to index
        %parallel_loop3A_383 = arith.constant 32 : index
        %parallel_loop3A_384 = tpu.vector_load %arg6[%parallel_loop3A_382, %parallel_loop3A_383] {strides = array<i32>} : memref<112x128xf32, #tpu.memory_space<vmem>>, vector<1x16xf32>,
        %parallel_loop3A_385 = vector.shape_cast %parallel_loop3A_384 : vector<1x16xf32> to vector<16xf32>
        %parallel_loop3A_386 = arith.addf %parallel_loop3A_379, %parallel_loop3A_385 : vector<16xf32>
        %parallel_loop3A_387 = arith.constant 4 : i32
        %parallel_loop3A_388 = arith.addi %parallel_loop3A_253, %parallel_loop3A_387 : i32
        %parallel_loop3A_389 = arith.index_cast %parallel_loop3A_388 : i32 to index
        %parallel_loop3A_390 = arith.constant 32 : index
        %parallel_loop3A_391 = tpu.vector_load %arg6[%parallel_loop3A_389, %parallel_loop3A_390] {strides = array<i32>} : memref<112x128xf32, #tpu.memory_space<vmem>>, vector<1x16xf32>,
        %parallel_loop3A_392 = vector.shape_cast %parallel_loop3A_391 : vector<1x16xf32> to vector<16xf32>
        %parallel_loop3A_393 = arith.addf %parallel_loop3A_386, %parallel_loop3A_392 : vector<16xf32>
        %parallel_loop3A_394 = arith.constant 5 : i32
        %parallel_loop3A_395 = arith.addi %parallel_loop3A_253, %parallel_loop3A_394 : i32
        %parallel_loop3A_396 = arith.index_cast %parallel_loop3A_395 : i32 to index
        %parallel_loop3A_397 = arith.constant 32 : index
        %parallel_loop3A_398 = tpu.vector_load %arg6[%parallel_loop3A_396, %parallel_loop3A_397] {strides = array<i32>} : memref<112x128xf32, #tpu.memory_space<vmem>>, vector<1x16xf32>,
        %parallel_loop3A_399 = vector.shape_cast %parallel_loop3A_398 : vector<1x16xf32> to vector<16xf32>
        %parallel_loop3A_400 = arith.addf %parallel_loop3A_393, %parallel_loop3A_399 : vector<16xf32>
        %parallel_loop3A_401 = arith.constant 6 : i32
        %parallel_loop3A_402 = arith.addi %parallel_loop3A_253, %parallel_loop3A_401 : i32
        %parallel_loop3A_403 = arith.index_cast %parallel_loop3A_402 : i32 to index
        %parallel_loop3A_404 = arith.constant 32 : index
        %parallel_loop3A_405 = tpu.vector_load %arg6[%parallel_loop3A_403, %parallel_loop3A_404] {strides = array<i32>} : memref<112x128xf32, #tpu.memory_space<vmem>>, vector<1x16xf32>,
        %parallel_loop3A_406 = vector.shape_cast %parallel_loop3A_405 : vector<1x16xf32> to vector<16xf32>
        %parallel_loop3A_407 = arith.addf %parallel_loop3A_400, %parallel_loop3A_406 : vector<16xf32>
        %parallel_loop3A_408 = arith.constant 0.142857149 : f32
        %parallel_loop3A_409 = vector.broadcast %parallel_loop3A_408 : f32 to vector<16xf32>
        %parallel_loop3A_410 = arith.mulf %parallel_loop3A_407, %parallel_loop3A_409 : vector<16xf32>
        %parallel_loop3A_411 = arith.index_cast %parallel_loop3A_251 : i32 to index
        %parallel_loop3A_412 = arith.constant 32 : index
        %parallel_loop3A_413 = tpu.vector_load %arg10[%parallel_loop3A_411, %parallel_loop3A_412] {strides = array<i32>} : memref<16x128xf32, #tpu.memory_space<vmem>>, vector<1x16xf32>,
        %parallel_loop3A_414 = vector.shape_cast %parallel_loop3A_413 : vector<1x16xf32> to vector<16xf32>
        %parallel_loop3A_415 = vector.shape_cast %parallel_loop3A_410 : vector<16xf32> to vector<1x16xf32>
        tpu.vector_store %arg10[%parallel_loop3A_411, %parallel_loop3A_412], %parallel_loop3A_415 {strides = array<i32>} : memref<16x128xf32, #tpu.memory_space<vmem>>, vector<1x16xf32>,
        %parallel_loop3A_416 = arith.index_cast %parallel_loop3A_253 : i32 to index
        %parallel_loop3A_417 = arith.constant 48 : index
        %parallel_loop3A_418 = tpu.vector_load %arg6[%parallel_loop3A_416, %parallel_loop3A_417] {strides = array<i32>} : memref<112x128xf32, #tpu.memory_space<vmem>>, vector<1x16xf32>,
        %parallel_loop3A_419 = vector.shape_cast %parallel_loop3A_418 : vector<1x16xf32> to vector<16xf32>
        %parallel_loop3A_420 = arith.constant 1 : i32
        %parallel_loop3A_421 = arith.addi %parallel_loop3A_253, %parallel_loop3A_420 : i32
        %parallel_loop3A_422 = arith.index_cast %parallel_loop3A_421 : i32 to index
        %parallel_loop3A_423 = arith.constant 48 : index
        %parallel_loop3A_424 = tpu.vector_load %arg6[%parallel_loop3A_422, %parallel_loop3A_423] {strides = array<i32>} : memref<112x128xf32, #tpu.memory_space<vmem>>, vector<1x16xf32>,
        %parallel_loop3A_425 = vector.shape_cast %parallel_loop3A_424 : vector<1x16xf32> to vector<16xf32>
        %parallel_loop3A_426 = arith.addf %parallel_loop3A_419, %parallel_loop3A_425 : vector<16xf32>
        %parallel_loop3A_427 = arith.constant 2 : i32
        %parallel_loop3A_428 = arith.addi %parallel_loop3A_253, %parallel_loop3A_427 : i32
        %parallel_loop3A_429 = arith.index_cast %parallel_loop3A_428 : i32 to index
        %parallel_loop3A_430 = arith.constant 48 : index
        %parallel_loop3A_431 = tpu.vector_load %arg6[%parallel_loop3A_429, %parallel_loop3A_430] {strides = array<i32>} : memref<112x128xf32, #tpu.memory_space<vmem>>, vector<1x16xf32>,
        %parallel_loop3A_432 = vector.shape_cast %parallel_loop3A_431 : vector<1x16xf32> to vector<16xf32>
        %parallel_loop3A_433 = arith.addf %parallel_loop3A_426, %parallel_loop3A_432 : vector<16xf32>
        %parallel_loop3A_434 = arith.constant 3 : i32
        %parallel_loop3A_435 = arith.addi %parallel_loop3A_253, %parallel_loop3A_434 : i32
        %parallel_loop3A_436 = arith.index_cast %parallel_loop3A_435 : i32 to index
        %parallel_loop3A_437 = arith.constant 48 : index
        %parallel_loop3A_438 = tpu.vector_load %arg6[%parallel_loop3A_436, %parallel_loop3A_437] {strides = array<i32>} : memref<112x128xf32, #tpu.memory_space<vmem>>, vector<1x16xf32>,
        %parallel_loop3A_439 = vector.shape_cast %parallel_loop3A_438 : vector<1x16xf32> to vector<16xf32>
        %parallel_loop3A_440 = arith.addf %parallel_loop3A_433, %parallel_loop3A_439 : vector<16xf32>
        %parallel_loop3A_441 = arith.constant 4 : i32
        %parallel_loop3A_442 = arith.addi %parallel_loop3A_253, %parallel_loop3A_441 : i32
        %parallel_loop3A_443 = arith.index_cast %parallel_loop3A_442 : i32 to index
        %parallel_loop3A_444 = arith.constant 48 : index
        %parallel_loop3A_445 = tpu.vector_load %arg6[%parallel_loop3A_443, %parallel_loop3A_444] {strides = array<i32>} : memref<112x128xf32, #tpu.memory_space<vmem>>, vector<1x16xf32>,
        %parallel_loop3A_446 = vector.shape_cast %parallel_loop3A_445 : vector<1x16xf32> to vector<16xf32>
        %parallel_loop3A_447 = arith.addf %parallel_loop3A_440, %parallel_loop3A_446 : vector<16xf32>
        %parallel_loop3A_448 = arith.constant 5 : i32
        %parallel_loop3A_449 = arith.addi %parallel_loop3A_253, %parallel_loop3A_448 : i32
        %parallel_loop3A_450 = arith.index_cast %parallel_loop3A_449 : i32 to index
        %parallel_loop3A_451 = arith.constant 48 : index
        %parallel_loop3A_452 = tpu.vector_load %arg6[%parallel_loop3A_450, %parallel_loop3A_451] {strides = array<i32>} : memref<112x128xf32, #tpu.memory_space<vmem>>, vector<1x16xf32>,
        %parallel_loop3A_453 = vector.shape_cast %parallel_loop3A_452 : vector<1x16xf32> to vector<16xf32>
        %parallel_loop3A_454 = arith.addf %parallel_loop3A_447, %parallel_loop3A_453 : vector<16xf32>
        %parallel_loop3A_455 = arith.constant 6 : i32
        %parallel_loop3A_456 = arith.addi %parallel_loop3A_253, %parallel_loop3A_455 : i32
        %parallel_loop3A_457 = arith.index_cast %parallel_loop3A_456 : i32 to index
        %parallel_loop3A_458 = arith.constant 48 : index
        %parallel_loop3A_459 = tpu.vector_load %arg6[%parallel_loop3A_457, %parallel_loop3A_458] {strides = array<i32>} : memref<112x128xf32, #tpu.memory_space<vmem>>, vector<1x16xf32>,
        %parallel_loop3A_460 = vector.shape_cast %parallel_loop3A_459 : vector<1x16xf32> to vector<16xf32>
        %parallel_loop3A_461 = arith.addf %parallel_loop3A_454, %parallel_loop3A_460 : vector<16xf32>
        %parallel_loop3A_462 = arith.constant 0.142857149 : f32
        %parallel_loop3A_463 = vector.broadcast %parallel_loop3A_462 : f32 to vector<16xf32>
        %parallel_loop3A_464 = arith.mulf %parallel_loop3A_461, %parallel_loop3A_463 : vector<16xf32>
        %parallel_loop3A_465 = arith.index_cast %parallel_loop3A_251 : i32 to index
        %parallel_loop3A_466 = arith.constant 48 : index
        %parallel_loop3A_467 = tpu.vector_load %arg10[%parallel_loop3A_465, %parallel_loop3A_466] {strides = array<i32>} : memref<16x128xf32, #tpu.memory_space<vmem>>, vector<1x16xf32>,
        %parallel_loop3A_468 = vector.shape_cast %parallel_loop3A_467 : vector<1x16xf32> to vector<16xf32>
        %parallel_loop3A_469 = vector.shape_cast %parallel_loop3A_464 : vector<16xf32> to vector<1x16xf32>
        tpu.vector_store %arg10[%parallel_loop3A_465, %parallel_loop3A_466], %parallel_loop3A_469 {strides = array<i32>} : memref<16x128xf32, #tpu.memory_space<vmem>>, vector<1x16xf32>,
        %parallel_loop3A_470 = arith.index_cast %parallel_loop3A_253 : i32 to index
        %parallel_loop3A_471 = arith.constant 64 : index
        %parallel_loop3A_472 = tpu.vector_load %arg6[%parallel_loop3A_470, %parallel_loop3A_471] {strides = array<i32>} : memref<112x128xf32, #tpu.memory_space<vmem>>, vector<1x16xf32>,
        %parallel_loop3A_473 = vector.shape_cast %parallel_loop3A_472 : vector<1x16xf32> to vector<16xf32>
        %parallel_loop3A_474 = arith.constant 1 : i32
        %parallel_loop3A_475 = arith.addi %parallel_loop3A_253, %parallel_loop3A_474 : i32
        %parallel_loop3A_476 = arith.index_cast %parallel_loop3A_475 : i32 to index
        %parallel_loop3A_477 = arith.constant 64 : index
        %parallel_loop3A_478 = tpu.vector_load %arg6[%parallel_loop3A_476, %parallel_loop3A_477] {strides = array<i32>} : memref<112x128xf32, #tpu.memory_space<vmem>>, vector<1x16xf32>,
        %parallel_loop3A_479 = vector.shape_cast %parallel_loop3A_478 : vector<1x16xf32> to vector<16xf32>
        %parallel_loop3A_480 = arith.addf %parallel_loop3A_473, %parallel_loop3A_479 : vector<16xf32>
        %parallel_loop3A_481 = arith.constant 2 : i32
        %parallel_loop3A_482 = arith.addi %parallel_loop3A_253, %parallel_loop3A_481 : i32
        %parallel_loop3A_483 = arith.index_cast %parallel_loop3A_482 : i32 to index
        %parallel_loop3A_484 = arith.constant 64 : index
        %parallel_loop3A_485 = tpu.vector_load %arg6[%parallel_loop3A_483, %parallel_loop3A_484] {strides = array<i32>} : memref<112x128xf32, #tpu.memory_space<vmem>>, vector<1x16xf32>,
        %parallel_loop3A_486 = vector.shape_cast %parallel_loop3A_485 : vector<1x16xf32> to vector<16xf32>
        %parallel_loop3A_487 = arith.addf %parallel_loop3A_480, %parallel_loop3A_486 : vector<16xf32>
        %parallel_loop3A_488 = arith.constant 3 : i32
        %parallel_loop3A_489 = arith.addi %parallel_loop3A_253, %parallel_loop3A_488 : i32
        %parallel_loop3A_490 = arith.index_cast %parallel_loop3A_489 : i32 to index
        %parallel_loop3A_491 = arith.constant 64 : index
        %parallel_loop3A_492 = tpu.vector_load %arg6[%parallel_loop3A_490, %parallel_loop3A_491] {strides = array<i32>} : memref<112x128xf32, #tpu.memory_space<vmem>>, vector<1x16xf32>,
        %parallel_loop3A_493 = vector.shape_cast %parallel_loop3A_492 : vector<1x16xf32> to vector<16xf32>
        %parallel_loop3A_494 = arith.addf %parallel_loop3A_487, %parallel_loop3A_493 : vector<16xf32>
        %parallel_loop3A_495 = arith.constant 4 : i32
        %parallel_loop3A_496 = arith.addi %parallel_loop3A_253, %parallel_loop3A_495 : i32
        %parallel_loop3A_497 = arith.index_cast %parallel_loop3A_496 : i32 to index
        %parallel_loop3A_498 = arith.constant 64 : index
        %parallel_loop3A_499 = tpu.vector_load %arg6[%parallel_loop3A_497, %parallel_loop3A_498] {strides = array<i32>} : memref<112x128xf32, #tpu.memory_space<vmem>>, vector<1x16xf32>,
        %parallel_loop3A_500 = vector.shape_cast %parallel_loop3A_499 : vector<1x16xf32> to vector<16xf32>
        %parallel_loop3A_501 = arith.addf %parallel_loop3A_494, %parallel_loop3A_500 : vector<16xf32>
        %parallel_loop3A_502 = arith.constant 5 : i32
        %parallel_loop3A_503 = arith.addi %parallel_loop3A_253, %parallel_loop3A_502 : i32
        %parallel_loop3A_504 = arith.index_cast %parallel_loop3A_503 : i32 to index
        %parallel_loop3A_505 = arith.constant 64 : index
        %parallel_loop3A_506 = tpu.vector_load %arg6[%parallel_loop3A_504, %parallel_loop3A_505] {strides = array<i32>} : memref<112x128xf32, #tpu.memory_space<vmem>>, vector<1x16xf32>,
        %parallel_loop3A_507 = vector.shape_cast %parallel_loop3A_506 : vector<1x16xf32> to vector<16xf32>
        %parallel_loop3A_508 = arith.addf %parallel_loop3A_501, %parallel_loop3A_507 : vector<16xf32>
        %parallel_loop3A_509 = arith.constant 6 : i32
        %parallel_loop3A_510 = arith.addi %parallel_loop3A_253, %parallel_loop3A_509 : i32
        %parallel_loop3A_511 = arith.index_cast %parallel_loop3A_510 : i32 to index
        %parallel_loop3A_512 = arith.constant 64 : index
        %parallel_loop3A_513 = tpu.vector_load %arg6[%parallel_loop3A_511, %parallel_loop3A_512] {strides = array<i32>} : memref<112x128xf32, #tpu.memory_space<vmem>>, vector<1x16xf32>,
        %parallel_loop3A_514 = vector.shape_cast %parallel_loop3A_513 : vector<1x16xf32> to vector<16xf32>
        %parallel_loop3A_515 = arith.addf %parallel_loop3A_508, %parallel_loop3A_514 : vector<16xf32>
        %parallel_loop3A_516 = arith.constant 0.142857149 : f32
        %parallel_loop3A_517 = vector.broadcast %parallel_loop3A_516 : f32 to vector<16xf32>
        %parallel_loop3A_518 = arith.mulf %parallel_loop3A_515, %parallel_loop3A_517 : vector<16xf32>
        %parallel_loop3A_519 = arith.index_cast %parallel_loop3A_251 : i32 to index
        %parallel_loop3A_520 = arith.constant 64 : index
        %parallel_loop3A_521 = tpu.vector_load %arg10[%parallel_loop3A_519, %parallel_loop3A_520] {strides = array<i32>} : memref<16x128xf32, #tpu.memory_space<vmem>>, vector<1x16xf32>,
        %parallel_loop3A_522 = vector.shape_cast %parallel_loop3A_521 : vector<1x16xf32> to vector<16xf32>
        %parallel_loop3A_523 = vector.shape_cast %parallel_loop3A_518 : vector<16xf32> to vector<1x16xf32>
        tpu.vector_store %arg10[%parallel_loop3A_519, %parallel_loop3A_520], %parallel_loop3A_523 {strides = array<i32>} : memref<16x128xf32, #tpu.memory_space<vmem>>, vector<1x16xf32>,
        %parallel_loop3A_524 = arith.index_cast %parallel_loop3A_253 : i32 to index
        %parallel_loop3A_525 = arith.constant 80 : index
        %parallel_loop3A_526 = tpu.vector_load %arg6[%parallel_loop3A_524, %parallel_loop3A_525] {strides = array<i32>} : memref<112x128xf32, #tpu.memory_space<vmem>>, vector<1x16xf32>,
        %parallel_loop3A_527 = vector.shape_cast %parallel_loop3A_526 : vector<1x16xf32> to vector<16xf32>
        %parallel_loop3A_528 = arith.constant 1 : i32
        %parallel_loop3A_529 = arith.addi %parallel_loop3A_253, %parallel_loop3A_528 : i32
        %parallel_loop3A_530 = arith.index_cast %parallel_loop3A_529 : i32 to index
        %parallel_loop3A_531 = arith.constant 80 : index
        %parallel_loop3A_532 = tpu.vector_load %arg6[%parallel_loop3A_530, %parallel_loop3A_531] {strides = array<i32>} : memref<112x128xf32, #tpu.memory_space<vmem>>, vector<1x16xf32>,
        %parallel_loop3A_533 = vector.shape_cast %parallel_loop3A_532 : vector<1x16xf32> to vector<16xf32>
        %parallel_loop3A_534 = arith.addf %parallel_loop3A_527, %parallel_loop3A_533 : vector<16xf32>
        %parallel_loop3A_535 = arith.constant 2 : i32
        %parallel_loop3A_536 = arith.addi %parallel_loop3A_253, %parallel_loop3A_535 : i32
        %parallel_loop3A_537 = arith.index_cast %parallel_loop3A_536 : i32 to index
        %parallel_loop3A_538 = arith.constant 80 : index
        %parallel_loop3A_539 = tpu.vector_load %arg6[%parallel_loop3A_537, %parallel_loop3A_538] {strides = array<i32>} : memref<112x128xf32, #tpu.memory_space<vmem>>, vector<1x16xf32>,
        %parallel_loop3A_540 = vector.shape_cast %parallel_loop3A_539 : vector<1x16xf32> to vector<16xf32>
        %parallel_loop3A_541 = arith.addf %parallel_loop3A_534, %parallel_loop3A_540 : vector<16xf32>
        %parallel_loop3A_542 = arith.constant 3 : i32
        %parallel_loop3A_543 = arith.addi %parallel_loop3A_253, %parallel_loop3A_542 : i32
        %parallel_loop3A_544 = arith.index_cast %parallel_loop3A_543 : i32 to index
        %parallel_loop3A_545 = arith.constant 80 : index
        %parallel_loop3A_546 = tpu.vector_load %arg6[%parallel_loop3A_544, %parallel_loop3A_545] {strides = array<i32>} : memref<112x128xf32, #tpu.memory_space<vmem>>, vector<1x16xf32>,
        %parallel_loop3A_547 = vector.shape_cast %parallel_loop3A_546 : vector<1x16xf32> to vector<16xf32>
        %parallel_loop3A_548 = arith.addf %parallel_loop3A_541, %parallel_loop3A_547 : vector<16xf32>
        %parallel_loop3A_549 = arith.constant 4 : i32
        %parallel_loop3A_550 = arith.addi %parallel_loop3A_253, %parallel_loop3A_549 : i32
        %parallel_loop3A_551 = arith.index_cast %parallel_loop3A_550 : i32 to index
        %parallel_loop3A_552 = arith.constant 80 : index
        %parallel_loop3A_553 = tpu.vector_load %arg6[%parallel_loop3A_551, %parallel_loop3A_552] {strides = array<i32>} : memref<112x128xf32, #tpu.memory_space<vmem>>, vector<1x16xf32>,
        %parallel_loop3A_554 = vector.shape_cast %parallel_loop3A_553 : vector<1x16xf32> to vector<16xf32>
        %parallel_loop3A_555 = arith.addf %parallel_loop3A_548, %parallel_loop3A_554 : vector<16xf32>
        %parallel_loop3A_556 = arith.constant 5 : i32
        %parallel_loop3A_557 = arith.addi %parallel_loop3A_253, %parallel_loop3A_556 : i32
        %parallel_loop3A_558 = arith.index_cast %parallel_loop3A_557 : i32 to index
        %parallel_loop3A_559 = arith.constant 80 : index
        %parallel_loop3A_560 = tpu.vector_load %arg6[%parallel_loop3A_558, %parallel_loop3A_559] {strides = array<i32>} : memref<112x128xf32, #tpu.memory_space<vmem>>, vector<1x16xf32>,
        %parallel_loop3A_561 = vector.shape_cast %parallel_loop3A_560 : vector<1x16xf32> to vector<16xf32>
        %parallel_loop3A_562 = arith.addf %parallel_loop3A_555, %parallel_loop3A_561 : vector<16xf32>
        %parallel_loop3A_563 = arith.constant 6 : i32
        %parallel_loop3A_564 = arith.addi %parallel_loop3A_253, %parallel_loop3A_563 : i32
        %parallel_loop3A_565 = arith.index_cast %parallel_loop3A_564 : i32 to index
        %parallel_loop3A_566 = arith.constant 80 : index
        %parallel_loop3A_567 = tpu.vector_load %arg6[%parallel_loop3A_565, %parallel_loop3A_566] {strides = array<i32>} : memref<112x128xf32, #tpu.memory_space<vmem>>, vector<1x16xf32>,
        %parallel_loop3A_568 = vector.shape_cast %parallel_loop3A_567 : vector<1x16xf32> to vector<16xf32>
        %parallel_loop3A_569 = arith.addf %parallel_loop3A_562, %parallel_loop3A_568 : vector<16xf32>
        %parallel_loop3A_570 = arith.constant 0.142857149 : f32
        %parallel_loop3A_571 = vector.broadcast %parallel_loop3A_570 : f32 to vector<16xf32>
        %parallel_loop3A_572 = arith.mulf %parallel_loop3A_569, %parallel_loop3A_571 : vector<16xf32>
        %parallel_loop3A_573 = arith.index_cast %parallel_loop3A_251 : i32 to index
        %parallel_loop3A_574 = arith.constant 80 : index
        %parallel_loop3A_575 = tpu.vector_load %arg10[%parallel_loop3A_573, %parallel_loop3A_574] {strides = array<i32>} : memref<16x128xf32, #tpu.memory_space<vmem>>, vector<1x16xf32>,
        %parallel_loop3A_576 = vector.shape_cast %parallel_loop3A_575 : vector<1x16xf32> to vector<16xf32>
        %parallel_loop3A_577 = vector.shape_cast %parallel_loop3A_572 : vector<16xf32> to vector<1x16xf32>
        tpu.vector_store %arg10[%parallel_loop3A_573, %parallel_loop3A_574], %parallel_loop3A_577 {strides = array<i32>} : memref<16x128xf32, #tpu.memory_space<vmem>>, vector<1x16xf32>,
        %parallel_loop3A_578 = arith.index_cast %parallel_loop3A_253 : i32 to index
        %parallel_loop3A_579 = arith.constant 96 : index
        %parallel_loop3A_580 = tpu.vector_load %arg6[%parallel_loop3A_578, %parallel_loop3A_579] {strides = array<i32>} : memref<112x128xf32, #tpu.memory_space<vmem>>, vector<1x16xf32>,
        %parallel_loop3A_581 = vector.shape_cast %parallel_loop3A_580 : vector<1x16xf32> to vector<16xf32>
        %parallel_loop3A_582 = arith.constant 1 : i32
        %parallel_loop3A_583 = arith.addi %parallel_loop3A_253, %parallel_loop3A_582 : i32
        %parallel_loop3A_584 = arith.index_cast %parallel_loop3A_583 : i32 to index
        %parallel_loop3A_585 = arith.constant 96 : index
        %parallel_loop3A_586 = tpu.vector_load %arg6[%parallel_loop3A_584, %parallel_loop3A_585] {strides = array<i32>} : memref<112x128xf32, #tpu.memory_space<vmem>>, vector<1x16xf32>,
        %parallel_loop3A_587 = vector.shape_cast %parallel_loop3A_586 : vector<1x16xf32> to vector<16xf32>
        %parallel_loop3A_588 = arith.addf %parallel_loop3A_581, %parallel_loop3A_587 : vector<16xf32>
        %parallel_loop3A_589 = arith.constant 2 : i32
        %parallel_loop3A_590 = arith.addi %parallel_loop3A_253, %parallel_loop3A_589 : i32
        %parallel_loop3A_591 = arith.index_cast %parallel_loop3A_590 : i32 to index
        %parallel_loop3A_592 = arith.constant 96 : index
        %parallel_loop3A_593 = tpu.vector_load %arg6[%parallel_loop3A_591, %parallel_loop3A_592] {strides = array<i32>} : memref<112x128xf32, #tpu.memory_space<vmem>>, vector<1x16xf32>,
        %parallel_loop3A_594 = vector.shape_cast %parallel_loop3A_593 : vector<1x16xf32> to vector<16xf32>
        %parallel_loop3A_595 = arith.addf %parallel_loop3A_588, %parallel_loop3A_594 : vector<16xf32>
        %parallel_loop3A_596 = arith.constant 3 : i32
        %parallel_loop3A_597 = arith.addi %parallel_loop3A_253, %parallel_loop3A_596 : i32
        %parallel_loop3A_598 = arith.index_cast %parallel_loop3A_597 : i32 to index
        %parallel_loop3A_599 = arith.constant 96 : index
        %parallel_loop3A_600 = tpu.vector_load %arg6[%parallel_loop3A_598, %parallel_loop3A_599] {strides = array<i32>} : memref<112x128xf32, #tpu.memory_space<vmem>>, vector<1x16xf32>,
        %parallel_loop3A_601 = vector.shape_cast %parallel_loop3A_600 : vector<1x16xf32> to vector<16xf32>
        %parallel_loop3A_602 = arith.addf %parallel_loop3A_595, %parallel_loop3A_601 : vector<16xf32>
        %parallel_loop3A_603 = arith.constant 4 : i32
        %parallel_loop3A_604 = arith.addi %parallel_loop3A_253, %parallel_loop3A_603 : i32
        %parallel_loop3A_605 = arith.index_cast %parallel_loop3A_604 : i32 to index
        %parallel_loop3A_606 = arith.constant 96 : index
        %parallel_loop3A_607 = tpu.vector_load %arg6[%parallel_loop3A_605, %parallel_loop3A_606] {strides = array<i32>} : memref<112x128xf32, #tpu.memory_space<vmem>>, vector<1x16xf32>,
        %parallel_loop3A_608 = vector.shape_cast %parallel_loop3A_607 : vector<1x16xf32> to vector<16xf32>
        %parallel_loop3A_609 = arith.addf %parallel_loop3A_602, %parallel_loop3A_608 : vector<16xf32>
        %parallel_loop3A_610 = arith.constant 5 : i32
        %parallel_loop3A_611 = arith.addi %parallel_loop3A_253, %parallel_loop3A_610 : i32
        %parallel_loop3A_612 = arith.index_cast %parallel_loop3A_611 : i32 to index
        %parallel_loop3A_613 = arith.constant 96 : index
        %parallel_loop3A_614 = tpu.vector_load %arg6[%parallel_loop3A_612, %parallel_loop3A_613] {strides = array<i32>} : memref<112x128xf32, #tpu.memory_space<vmem>>, vector<1x16xf32>,
        %parallel_loop3A_615 = vector.shape_cast %parallel_loop3A_614 : vector<1x16xf32> to vector<16xf32>
        %parallel_loop3A_616 = arith.addf %parallel_loop3A_609, %parallel_loop3A_615 : vector<16xf32>
        %parallel_loop3A_617 = arith.constant 6 : i32
        %parallel_loop3A_618 = arith.addi %parallel_loop3A_253, %parallel_loop3A_617 : i32
        %parallel_loop3A_619 = arith.index_cast %parallel_loop3A_618 : i32 to index
        %parallel_loop3A_620 = arith.constant 96 : index
        %parallel_loop3A_621 = tpu.vector_load %arg6[%parallel_loop3A_619, %parallel_loop3A_620] {strides = array<i32>} : memref<112x128xf32, #tpu.memory_space<vmem>>, vector<1x16xf32>,
        %parallel_loop3A_622 = vector.shape_cast %parallel_loop3A_621 : vector<1x16xf32> to vector<16xf32>
        %parallel_loop3A_623 = arith.addf %parallel_loop3A_616, %parallel_loop3A_622 : vector<16xf32>
        %parallel_loop3A_624 = arith.constant 0.142857149 : f32
        %parallel_loop3A_625 = vector.broadcast %parallel_loop3A_624 : f32 to vector<16xf32>
        %parallel_loop3A_626 = arith.mulf %parallel_loop3A_623, %parallel_loop3A_625 : vector<16xf32>
        %parallel_loop3A_627 = arith.index_cast %parallel_loop3A_251 : i32 to index
        %parallel_loop3A_628 = arith.constant 96 : index
        %parallel_loop3A_629 = tpu.vector_load %arg10[%parallel_loop3A_627, %parallel_loop3A_628] {strides = array<i32>} : memref<16x128xf32, #tpu.memory_space<vmem>>, vector<1x16xf32>,
        %parallel_loop3A_630 = vector.shape_cast %parallel_loop3A_629 : vector<1x16xf32> to vector<16xf32>
        %parallel_loop3A_631 = vector.shape_cast %parallel_loop3A_626 : vector<16xf32> to vector<1x16xf32>
        tpu.vector_store %arg10[%parallel_loop3A_627, %parallel_loop3A_628], %parallel_loop3A_631 {strides = array<i32>} : memref<16x128xf32, #tpu.memory_space<vmem>>, vector<1x16xf32>,
        %parallel_loop3A_632 = arith.index_cast %parallel_loop3A_253 : i32 to index
        %parallel_loop3A_633 = arith.constant 112 : index
        %parallel_loop3A_634 = tpu.vector_load %arg6[%parallel_loop3A_632, %parallel_loop3A_633] {strides = array<i32>} : memref<112x128xf32, #tpu.memory_space<vmem>>, vector<1x16xf32>,
        %parallel_loop3A_635 = vector.shape_cast %parallel_loop3A_634 : vector<1x16xf32> to vector<16xf32>
        %parallel_loop3A_636 = arith.constant 1 : i32
        %parallel_loop3A_637 = arith.addi %parallel_loop3A_253, %parallel_loop3A_636 : i32
        %parallel_loop3A_638 = arith.index_cast %parallel_loop3A_637 : i32 to index
        %parallel_loop3A_639 = arith.constant 112 : index
        %parallel_loop3A_640 = tpu.vector_load %arg6[%parallel_loop3A_638, %parallel_loop3A_639] {strides = array<i32>} : memref<112x128xf32, #tpu.memory_space<vmem>>, vector<1x16xf32>,
        %parallel_loop3A_641 = vector.shape_cast %parallel_loop3A_640 : vector<1x16xf32> to vector<16xf32>
        %parallel_loop3A_642 = arith.addf %parallel_loop3A_635, %parallel_loop3A_641 : vector<16xf32>
        %parallel_loop3A_643 = arith.constant 2 : i32
        %parallel_loop3A_644 = arith.addi %parallel_loop3A_253, %parallel_loop3A_643 : i32
        %parallel_loop3A_645 = arith.index_cast %parallel_loop3A_644 : i32 to index
        %parallel_loop3A_646 = arith.constant 112 : index
        %parallel_loop3A_647 = tpu.vector_load %arg6[%parallel_loop3A_645, %parallel_loop3A_646] {strides = array<i32>} : memref<112x128xf32, #tpu.memory_space<vmem>>, vector<1x16xf32>,
        %parallel_loop3A_648 = vector.shape_cast %parallel_loop3A_647 : vector<1x16xf32> to vector<16xf32>
        %parallel_loop3A_649 = arith.addf %parallel_loop3A_642, %parallel_loop3A_648 : vector<16xf32>
        %parallel_loop3A_650 = arith.constant 3 : i32
        %parallel_loop3A_651 = arith.addi %parallel_loop3A_253, %parallel_loop3A_650 : i32
        %parallel_loop3A_652 = arith.index_cast %parallel_loop3A_651 : i32 to index
        %parallel_loop3A_653 = arith.constant 112 : index
        %parallel_loop3A_654 = tpu.vector_load %arg6[%parallel_loop3A_652, %parallel_loop3A_653] {strides = array<i32>} : memref<112x128xf32, #tpu.memory_space<vmem>>, vector<1x16xf32>,
        %parallel_loop3A_655 = vector.shape_cast %parallel_loop3A_654 : vector<1x16xf32> to vector<16xf32>
        %parallel_loop3A_656 = arith.addf %parallel_loop3A_649, %parallel_loop3A_655 : vector<16xf32>
        %parallel_loop3A_657 = arith.constant 4 : i32
        %parallel_loop3A_658 = arith.addi %parallel_loop3A_253, %parallel_loop3A_657 : i32
        %parallel_loop3A_659 = arith.index_cast %parallel_loop3A_658 : i32 to index
        %parallel_loop3A_660 = arith.constant 112 : index
        %parallel_loop3A_661 = tpu.vector_load %arg6[%parallel_loop3A_659, %parallel_loop3A_660] {strides = array<i32>} : memref<112x128xf32, #tpu.memory_space<vmem>>, vector<1x16xf32>,
        %parallel_loop3A_662 = vector.shape_cast %parallel_loop3A_661 : vector<1x16xf32> to vector<16xf32>
        %parallel_loop3A_663 = arith.addf %parallel_loop3A_656, %parallel_loop3A_662 : vector<16xf32>
        %parallel_loop3A_664 = arith.constant 5 : i32
        %parallel_loop3A_665 = arith.addi %parallel_loop3A_253, %parallel_loop3A_664 : i32
        %parallel_loop3A_666 = arith.index_cast %parallel_loop3A_665 : i32 to index
        %parallel_loop3A_667 = arith.constant 112 : index
        %parallel_loop3A_668 = tpu.vector_load %arg6[%parallel_loop3A_666, %parallel_loop3A_667] {strides = array<i32>} : memref<112x128xf32, #tpu.memory_space<vmem>>, vector<1x16xf32>,
        %parallel_loop3A_669 = vector.shape_cast %parallel_loop3A_668 : vector<1x16xf32> to vector<16xf32>
        %parallel_loop3A_670 = arith.addf %parallel_loop3A_663, %parallel_loop3A_669 : vector<16xf32>
        %parallel_loop3A_671 = arith.constant 6 : i32
        %parallel_loop3A_672 = arith.addi %parallel_loop3A_253, %parallel_loop3A_671 : i32
        %parallel_loop3A_673 = arith.index_cast %parallel_loop3A_672 : i32 to index
        %parallel_loop3A_674 = arith.constant 112 : index
        %parallel_loop3A_675 = tpu.vector_load %arg6[%parallel_loop3A_673, %parallel_loop3A_674] {strides = array<i32>} : memref<112x128xf32, #tpu.memory_space<vmem>>, vector<1x16xf32>,
        %parallel_loop3A_676 = vector.shape_cast %parallel_loop3A_675 : vector<1x16xf32> to vector<16xf32>
        %parallel_loop3A_677 = arith.addf %parallel_loop3A_670, %parallel_loop3A_676 : vector<16xf32>
        %parallel_loop3A_678 = arith.constant 0.142857149 : f32
        %parallel_loop3A_679 = vector.broadcast %parallel_loop3A_678 : f32 to vector<16xf32>
        %parallel_loop3A_680 = arith.mulf %parallel_loop3A_677, %parallel_loop3A_679 : vector<16xf32>
        %parallel_loop3A_681 = arith.index_cast %parallel_loop3A_251 : i32 to index
        %parallel_loop3A_682 = arith.constant 112 : index
        %parallel_loop3A_683 = tpu.vector_load %arg10[%parallel_loop3A_681, %parallel_loop3A_682] {strides = array<i32>} : memref<16x128xf32, #tpu.memory_space<vmem>>, vector<1x16xf32>,
        %parallel_loop3A_684 = vector.shape_cast %parallel_loop3A_683 : vector<1x16xf32> to vector<16xf32>
        %parallel_loop3A_685 = vector.shape_cast %parallel_loop3A_680 : vector<16xf32> to vector<1x16xf32>
        tpu.vector_store %arg10[%parallel_loop3A_681, %parallel_loop3A_682], %parallel_loop3A_685 {strides = array<i32>} : memref<16x128xf32, #tpu.memory_space<vmem>>, vector<1x16xf32>,
      } {sc.loop_unroll_factor = 4 : i64, sc.parallel_access}
      %add3A_77 = arith.constant 4 : i32
      %add3A_78 = arith.addi %add3A_51, %add3A_77 : i32
      %lt3A = arith.constant 84 : i32
      %lt3A_79 = arith.cmpi slt, %add3A_78, %lt3A : i32
      %convert_element_type3A_80 = arith.extui %lt3A_79 : i1 to i32
      %cond3A_81 = arith.constant 0 : i32
      %cond3A_82 = arith.cmpi ne, %convert_element_type3A_80, %cond3A_81 : i32
      scf.if %cond3A_82 {
        %add3A_251 = arith.constant 4 : i32
        %add3A_252 = arith.addi %add3A_51, %add3A_251 : i32
        %mul3A_253 = arith.constant 112 : i32
        %mul3A_254 = arith.muli %add3A_252, %mul3A_253 : i32
        %dma_start3A_255 = tpu.memref_slice %arg5[%mul3A_254] : memref<9408xi32, #tpu.memory_space<vmem>> -> memref<112xi32, #tpu.memory_space<vmem>>
        %dma_start3A_256 = arith.constant 0 : i32
        %dma_start3A_257 = arith.constant 0 : i32
        %dma_start3A_258 = tpu.memref_slice %arg2[%dma_start3A_256, %dma_start3A_257] : memref<163842x128xf32, #tpu.memory_space<hbm>> -> memref<163842x128xf32, #tpu.memory_space<hbm>>
        tpu.enqueue_indirect_dma source(%dma_start3A_258 : memref<163842x128xf32, #tpu.memory_space<hbm>>) target(%arg6 : memref<112x128xf32, #tpu.memory_space<vmem>>) offsets(%dma_start3A_255 : memref<112xi32, #tpu.memory_space<vmem>>) semaphore(%arg12 : memref<!tpu.dma_semaphore, #tpu.memory_space<semaphore_mem>>)
      } else {
      }
      %ge3A_83 = arith.constant 16 : i32
      %ge3A_84 = arith.cmpi sge, %sub3A_63, %ge3A_83 : i32
      %convert_element_type3A_85 = arith.extui %ge3A_84 : i1 to i32
      %cond3A_86 = arith.constant 0 : i32
      %cond3A_87 = arith.cmpi ne, %convert_element_type3A_85, %cond3A_86 : i32
      scf.if %cond3A_87 {
        %dma_start3A_251 = arith.constant 0 : i32
        %dma_start3A_252 = tpu.memref_slice %arg4[%add3A_61, %dma_start3A_251] : memref<40962x128xf32, #tpu.memory_space<hbm>> -> memref<16x128xf32, #tpu.memory_space<hbm>>
        %dma_start3A_253 = arith.constant 0 : i32
        %dma_start3A_254 = tpu.memref_slice %arg4[%add3A_61, %dma_start3A_253] : memref<40962x128xf32, #tpu.memory_space<hbm>> -> memref<16x128xf32, #tpu.memory_space<hbm>>
        tpu.enqueue_dma source(%arg10 : memref<16x128xf32, #tpu.memory_space<vmem>>) target(%dma_start3A_254 : memref<16x128xf32, #tpu.memory_space<hbm>>) target_semaphore(%arg16 : memref<!tpu.dma_semaphore, #tpu.memory_space<semaphore_mem>>)
      } else {
      }
      %gt3A = arith.constant 0 : i32
      %gt3A_88 = arith.cmpi sgt, %sub3A_63, %gt3A : i32
      %lt3A_89 = arith.constant 16 : i32
      %lt3A_90 = arith.cmpi slt, %sub3A_63, %lt3A_89 : i32
      %and3A_91 = arith.andi %gt3A_88, %lt3A_90 : i1
      %convert_element_type3A_92 = arith.extui %and3A_91 : i1 to i32
      %cond3A_93 = arith.constant 0 : i32
      %cond3A_94 = arith.cmpi ne, %convert_element_type3A_92, %cond3A_93 : i32
      scf.if %cond3A_94 {
        "tpu.region"() ({
          %run_scoped3A = tpu.sem_alloc : memref<!tpu.dma_semaphore, #tpu.memory_space<semaphore_mem>>
          %dma_start3A_251 = arith.constant 0 : i32
          %dma_start3A_252 = arith.constant 0 : i32
          %dma_start3A_253 = tpu.memref_slice %arg10[%dma_start3A_251, %dma_start3A_252] : memref<16x128xf32, #tpu.memory_space<vmem>> -> memref<2x128xf32, #tpu.memory_space<vmem>>
          %dma_start3A_254 = arith.constant 0 : i32
          %dma_start3A_255 = tpu.memref_slice %arg4[%add3A_61, %dma_start3A_254] : memref<40962x128xf32, #tpu.memory_space<hbm>> -> memref<2x128xf32, #tpu.memory_space<hbm>>
          %dma_start3A_256 = arith.constant 0 : i32
          %dma_start3A_257 = tpu.memref_slice %arg4[%add3A_61, %dma_start3A_256] : memref<40962x128xf32, #tpu.memory_space<hbm>> -> memref<2x128xf32, #tpu.memory_space<hbm>>
          %dma_start3A_258 = arith.constant 0 : i32
          %dma_start3A_259 = arith.constant 0 : i32
          %dma_start3A_260 = tpu.memref_slice %arg10[%dma_start3A_258, %dma_start3A_259] : memref<16x128xf32, #tpu.memory_space<vmem>> -> memref<2x128xf32, #tpu.memory_space<vmem>>
          tpu.enqueue_dma source(%dma_start3A_260 : memref<2x128xf32, #tpu.memory_space<vmem>>) target(%dma_start3A_257 : memref<2x128xf32, #tpu.memory_space<hbm>>) target_semaphore(%run_scoped3A : memref<!tpu.dma_semaphore, #tpu.memory_space<semaphore_mem>>)
          %dma_wait3A_261 = arith.constant 0 : i32
          %dma_wait3A_262 = arith.constant 0 : i32
          %dma_wait3A_263 = tpu.memref_slice %arg10[%dma_wait3A_261, %dma_wait3A_262] : memref<16x128xf32, #tpu.memory_space<vmem>> -> memref<2x128xf32, #tpu.memory_space<vmem>>
          %dma_wait3A_264 = arith.constant 0 : i32
          %dma_wait3A_265 = tpu.memref_slice %arg4[%add3A_61, %dma_wait3A_264] : memref<40962x128xf32, #tpu.memory_space<hbm>> -> memref<2x128xf32, #tpu.memory_space<hbm>>
          %dma_wait3A_266 = arith.constant 0 : i32
          %dma_wait3A_267 = tpu.memref_slice %arg4[%add3A_61, %dma_wait3A_266] : memref<40962x128xf32, #tpu.memory_space<hbm>> -> memref<2x128xf32, #tpu.memory_space<hbm>>
          %dma_wait3A_268 = arith.constant 0 : i32
          %dma_wait3A_269 = arith.constant 0 : i32
          %dma_wait3A_270 = tpu.memref_slice %arg10[%dma_wait3A_268, %dma_wait3A_269] : memref<16x128xf32, #tpu.memory_space<vmem>> -> memref<2x128xf32, #tpu.memory_space<vmem>>
          tpu.wait_dma2 semaphore(%run_scoped3A : memref<!tpu.dma_semaphore, #tpu.memory_space<semaphore_mem>>) src(%dma_wait3A_270 : memref<2x128xf32, #tpu.memory_space<vmem>>) dst(%dma_wait3A_267 : memref<2x128xf32, #tpu.memory_space<hbm>>)
          tpu.yield
        }) : () -> ()
      } else {
      }
      %mul3A_95 = arith.constant 4 : i32
      %mul3A_96 = arith.muli %scan3A_47, %mul3A_95 : i32
      %add3A_97 = arith.constant 1 : i32
      %add3A_98 = arith.addi %mul3A_96, %add3A_97 : i32
      %dma_wait3A_99 = arith.constant 0 : i32
      %dma_wait3A_100 = arith.constant 0 : i32
      %dma_wait3A_101 = tpu.memref_slice %arg2[%dma_wait3A_99, %dma_wait3A_100] : memref<163842x128xf32, #tpu.memory_space<hbm>> -> memref<112x128xf32, #tpu.memory_space<hbm>>
      %dma_wait3A_102 = arith.constant 0 : i32
      %dma_wait3A_103 = arith.constant 0 : i32
      %dma_wait3A_104 = tpu.memref_slice %arg2[%dma_wait3A_102, %dma_wait3A_103] : memref<163842x128xf32, #tpu.memory_space<hbm>> -> memref<112x128xf32, #tpu.memory_space<hbm>>
      tpu.wait_dma2 semaphore(%arg13 : memref<!tpu.dma_semaphore, #tpu.memory_space<semaphore_mem>>) src(%dma_wait3A_104 : memref<112x128xf32, #tpu.memory_space<hbm>>) dst(%arg7 : memref<112x128xf32, #tpu.memory_space<vmem>>)
      %mul3A_105 = arith.constant 1344 : i32
      %mul3A_106 = arith.muli %add3A, %mul3A_105 : i32
      %mul3A_107 = arith.constant 16 : i32
      %mul3A_108 = arith.muli %add3A_98, %mul3A_107 : i32
      %add3A_109 = arith.addi %mul3A_106, %mul3A_108 : i32
      %sub3A_110 = arith.constant 40962 : i32
      %sub3A_111 = arith.subi %sub3A_110, %add3A_109 : i32
      %ge3A_112 = arith.constant 2 : i32
      %ge3A_113 = arith.cmpi sge, %add3A_98, %ge3A_112 : i32
      %sub3A_114 = arith.constant 32 : i32
      %sub3A_115 = arith.subi %add3A_109, %sub3A_114 : i32
      %sub3A_116 = arith.constant 40962 : i32
      %sub3A_117 = arith.subi %sub3A_116, %sub3A_115 : i32
      %ge3A_118 = arith.constant 16 : i32
      %ge3A_119 = arith.cmpi sge, %sub3A_117, %ge3A_118 : i32
      %and3A_120 = arith.andi %ge3A_113, %ge3A_119 : i1
      %convert_element_type3A_121 = arith.extui %and3A_120 : i1 to i32
      %cond3A_122 = arith.constant 0 : i32
      %cond3A_123 = arith.cmpi ne, %convert_element_type3A_121, %cond3A_122 : i32
      scf.if %cond3A_123 {
        %dma_wait3A_251 = arith.constant 0 : i32
        %dma_wait3A_252 = arith.constant 0 : i32
        %dma_wait3A_253 = tpu.memref_slice %arg4[%dma_wait3A_251, %dma_wait3A_252] : memref<40962x128xf32, #tpu.memory_space<hbm>> -> memref<16x128xf32, #tpu.memory_space<hbm>>
        %dma_wait3A_254 = arith.constant 0 : i32
        %dma_wait3A_255 = arith.constant 0 : i32
        %dma_wait3A_256 = tpu.memref_slice %arg4[%dma_wait3A_254, %dma_wait3A_255] : memref<40962x128xf32, #tpu.memory_space<hbm>> -> memref<16x128xf32, #tpu.memory_space<hbm>>
        tpu.wait_dma2 semaphore(%arg17 : memref<!tpu.dma_semaphore, #tpu.memory_space<semaphore_mem>>) src(%arg11 : memref<16x128xf32, #tpu.memory_space<vmem>>) dst(%dma_wait3A_256 : memref<16x128xf32, #tpu.memory_space<hbm>>)
      } else {
      }
      %parallel_loop3A_124 = arith.constant 0 : i32
      %parallel_loop3A_125 = arith.constant 16 : i32
      %parallel_loop3A_126 = arith.constant 1 : i32
      scf.for %parallel_loop3A_251 = %parallel_loop3A_124 to %parallel_loop3A_125 step %parallel_loop3A_126  : i32 {
        %parallel_loop3A_252 = arith.constant 7 : i32
        %parallel_loop3A_253 = arith.muli %parallel_loop3A_251, %parallel_loop3A_252 : i32
        %parallel_loop3A_254 = arith.index_cast %parallel_loop3A_253 : i32 to index
        %parallel_loop3A_255 = arith.constant 0 : index
        %parallel_loop3A_256 = tpu.vector_load %arg7[%parallel_loop3A_254, %parallel_loop3A_255] {strides = array<i32>} : memref<112x128xf32, #tpu.memory_space<vmem>>, vector<1x16xf32>,
        %parallel_loop3A_257 = vector.shape_cast %parallel_loop3A_256 : vector<1x16xf32> to vector<16xf32>
        %parallel_loop3A_258 = arith.constant 1 : i32
        %parallel_loop3A_259 = arith.addi %parallel_loop3A_253, %parallel_loop3A_258 : i32
        %parallel_loop3A_260 = arith.index_cast %parallel_loop3A_259 : i32 to index
        %parallel_loop3A_261 = arith.constant 0 : index
        %parallel_loop3A_262 = tpu.vector_load %arg7[%parallel_loop3A_260, %parallel_loop3A_261] {strides = array<i32>} : memref<112x128xf32, #tpu.memory_space<vmem>>, vector<1x16xf32>,
        %parallel_loop3A_263 = vector.shape_cast %parallel_loop3A_262 : vector<1x16xf32> to vector<16xf32>
        %parallel_loop3A_264 = arith.addf %parallel_loop3A_257, %parallel_loop3A_263 : vector<16xf32>
        %parallel_loop3A_265 = arith.constant 2 : i32
        %parallel_loop3A_266 = arith.addi %parallel_loop3A_253, %parallel_loop3A_265 : i32
        %parallel_loop3A_267 = arith.index_cast %parallel_loop3A_266 : i32 to index
        %parallel_loop3A_268 = arith.constant 0 : index
        %parallel_loop3A_269 = tpu.vector_load %arg7[%parallel_loop3A_267, %parallel_loop3A_268] {strides = array<i32>} : memref<112x128xf32, #tpu.memory_space<vmem>>, vector<1x16xf32>,
        %parallel_loop3A_270 = vector.shape_cast %parallel_loop3A_269 : vector<1x16xf32> to vector<16xf32>
        %parallel_loop3A_271 = arith.addf %parallel_loop3A_264, %parallel_loop3A_270 : vector<16xf32>
        %parallel_loop3A_272 = arith.constant 3 : i32
        %parallel_loop3A_273 = arith.addi %parallel_loop3A_253, %parallel_loop3A_272 : i32
        %parallel_loop3A_274 = arith.index_cast %parallel_loop3A_273 : i32 to index
        %parallel_loop3A_275 = arith.constant 0 : index
        %parallel_loop3A_276 = tpu.vector_load %arg7[%parallel_loop3A_274, %parallel_loop3A_275] {strides = array<i32>} : memref<112x128xf32, #tpu.memory_space<vmem>>, vector<1x16xf32>,
        %parallel_loop3A_277 = vector.shape_cast %parallel_loop3A_276 : vector<1x16xf32> to vector<16xf32>
        %parallel_loop3A_278 = arith.addf %parallel_loop3A_271, %parallel_loop3A_277 : vector<16xf32>
        %parallel_loop3A_279 = arith.constant 4 : i32
        %parallel_loop3A_280 = arith.addi %parallel_loop3A_253, %parallel_loop3A_279 : i32
        %parallel_loop3A_281 = arith.index_cast %parallel_loop3A_280 : i32 to index
        %parallel_loop3A_282 = arith.constant 0 : index
        %parallel_loop3A_283 = tpu.vector_load %arg7[%parallel_loop3A_281, %parallel_loop3A_282] {strides = array<i32>} : memref<112x128xf32, #tpu.memory_space<vmem>>, vector<1x16xf32>,
        %parallel_loop3A_284 = vector.shape_cast %parallel_loop3A_283 : vector<1x16xf32> to vector<16xf32>
        %parallel_loop3A_285 = arith.addf %parallel_loop3A_278, %parallel_loop3A_284 : vector<16xf32>
        %parallel_loop3A_286 = arith.constant 5 : i32
        %parallel_loop3A_287 = arith.addi %parallel_loop3A_253, %parallel_loop3A_286 : i32
        %parallel_loop3A_288 = arith.index_cast %parallel_loop3A_287 : i32 to index
        %parallel_loop3A_289 = arith.constant 0 : index
        %parallel_loop3A_290 = tpu.vector_load %arg7[%parallel_loop3A_288, %parallel_loop3A_289] {strides = array<i32>} : memref<112x128xf32, #tpu.memory_space<vmem>>, vector<1x16xf32>,
        %parallel_loop3A_291 = vector.shape_cast %parallel_loop3A_290 : vector<1x16xf32> to vector<16xf32>
        %parallel_loop3A_292 = arith.addf %parallel_loop3A_285, %parallel_loop3A_291 : vector<16xf32>
        %parallel_loop3A_293 = arith.constant 6 : i32
        %parallel_loop3A_294 = arith.addi %parallel_loop3A_253, %parallel_loop3A_293 : i32
        %parallel_loop3A_295 = arith.index_cast %parallel_loop3A_294 : i32 to index
        %parallel_loop3A_296 = arith.constant 0 : index
        %parallel_loop3A_297 = tpu.vector_load %arg7[%parallel_loop3A_295, %parallel_loop3A_296] {strides = array<i32>} : memref<112x128xf32, #tpu.memory_space<vmem>>, vector<1x16xf32>,
        %parallel_loop3A_298 = vector.shape_cast %parallel_loop3A_297 : vector<1x16xf32> to vector<16xf32>
        %parallel_loop3A_299 = arith.addf %parallel_loop3A_292, %parallel_loop3A_298 : vector<16xf32>
        %parallel_loop3A_300 = arith.constant 0.142857149 : f32
        %parallel_loop3A_301 = vector.broadcast %parallel_loop3A_300 : f32 to vector<16xf32>
        %parallel_loop3A_302 = arith.mulf %parallel_loop3A_299, %parallel_loop3A_301 : vector<16xf32>
        %parallel_loop3A_303 = arith.index_cast %parallel_loop3A_251 : i32 to index
        %parallel_loop3A_304 = arith.constant 0 : index
        %parallel_loop3A_305 = tpu.vector_load %arg11[%parallel_loop3A_303, %parallel_loop3A_304] {strides = array<i32>} : memref<16x128xf32, #tpu.memory_space<vmem>>, vector<1x16xf32>,
        %parallel_loop3A_306 = vector.shape_cast %parallel_loop3A_305 : vector<1x16xf32> to vector<16xf32>
        %parallel_loop3A_307 = vector.shape_cast %parallel_loop3A_302 : vector<16xf32> to vector<1x16xf32>
        tpu.vector_store %arg11[%parallel_loop3A_303, %parallel_loop3A_304], %parallel_loop3A_307 {strides = array<i32>} : memref<16x128xf32, #tpu.memory_space<vmem>>, vector<1x16xf32>,
        %parallel_loop3A_308 = arith.index_cast %parallel_loop3A_253 : i32 to index
        %parallel_loop3A_309 = arith.constant 16 : index
        %parallel_loop3A_310 = tpu.vector_load %arg7[%parallel_loop3A_308, %parallel_loop3A_309] {strides = array<i32>} : memref<112x128xf32, #tpu.memory_space<vmem>>, vector<1x16xf32>,
        %parallel_loop3A_311 = vector.shape_cast %parallel_loop3A_310 : vector<1x16xf32> to vector<16xf32>
        %parallel_loop3A_312 = arith.constant 1 : i32
        %parallel_loop3A_313 = arith.addi %parallel_loop3A_253, %parallel_loop3A_312 : i32
        %parallel_loop3A_314 = arith.index_cast %parallel_loop3A_313 : i32 to index
        %parallel_loop3A_315 = arith.constant 16 : index
        %parallel_loop3A_316 = tpu.vector_load %arg7[%parallel_loop3A_314, %parallel_loop3A_315] {strides = array<i32>} : memref<112x128xf32, #tpu.memory_space<vmem>>, vector<1x16xf32>,
        %parallel_loop3A_317 = vector.shape_cast %parallel_loop3A_316 : vector<1x16xf32> to vector<16xf32>
        %parallel_loop3A_318 = arith.addf %parallel_loop3A_311, %parallel_loop3A_317 : vector<16xf32>
        %parallel_loop3A_319 = arith.constant 2 : i32
        %parallel_loop3A_320 = arith.addi %parallel_loop3A_253, %parallel_loop3A_319 : i32
        %parallel_loop3A_321 = arith.index_cast %parallel_loop3A_320 : i32 to index
        %parallel_loop3A_322 = arith.constant 16 : index
        %parallel_loop3A_323 = tpu.vector_load %arg7[%parallel_loop3A_321, %parallel_loop3A_322] {strides = array<i32>} : memref<112x128xf32, #tpu.memory_space<vmem>>, vector<1x16xf32>,
        %parallel_loop3A_324 = vector.shape_cast %parallel_loop3A_323 : vector<1x16xf32> to vector<16xf32>
        %parallel_loop3A_325 = arith.addf %parallel_loop3A_318, %parallel_loop3A_324 : vector<16xf32>
        %parallel_loop3A_326 = arith.constant 3 : i32
        %parallel_loop3A_327 = arith.addi %parallel_loop3A_253, %parallel_loop3A_326 : i32
        %parallel_loop3A_328 = arith.index_cast %parallel_loop3A_327 : i32 to index
        %parallel_loop3A_329 = arith.constant 16 : index
        %parallel_loop3A_330 = tpu.vector_load %arg7[%parallel_loop3A_328, %parallel_loop3A_329] {strides = array<i32>} : memref<112x128xf32, #tpu.memory_space<vmem>>, vector<1x16xf32>,
        %parallel_loop3A_331 = vector.shape_cast %parallel_loop3A_330 : vector<1x16xf32> to vector<16xf32>
        %parallel_loop3A_332 = arith.addf %parallel_loop3A_325, %parallel_loop3A_331 : vector<16xf32>
        %parallel_loop3A_333 = arith.constant 4 : i32
        %parallel_loop3A_334 = arith.addi %parallel_loop3A_253, %parallel_loop3A_333 : i32
        %parallel_loop3A_335 = arith.index_cast %parallel_loop3A_334 : i32 to index
        %parallel_loop3A_336 = arith.constant 16 : index
        %parallel_loop3A_337 = tpu.vector_load %arg7[%parallel_loop3A_335, %parallel_loop3A_336] {strides = array<i32>} : memref<112x128xf32, #tpu.memory_space<vmem>>, vector<1x16xf32>,
        %parallel_loop3A_338 = vector.shape_cast %parallel_loop3A_337 : vector<1x16xf32> to vector<16xf32>
        %parallel_loop3A_339 = arith.addf %parallel_loop3A_332, %parallel_loop3A_338 : vector<16xf32>
        %parallel_loop3A_340 = arith.constant 5 : i32
        %parallel_loop3A_341 = arith.addi %parallel_loop3A_253, %parallel_loop3A_340 : i32
        %parallel_loop3A_342 = arith.index_cast %parallel_loop3A_341 : i32 to index
        %parallel_loop3A_343 = arith.constant 16 : index
        %parallel_loop3A_344 = tpu.vector_load %arg7[%parallel_loop3A_342, %parallel_loop3A_343] {strides = array<i32>} : memref<112x128xf32, #tpu.memory_space<vmem>>, vector<1x16xf32>,
        %parallel_loop3A_345 = vector.shape_cast %parallel_loop3A_344 : vector<1x16xf32> to vector<16xf32>
        %parallel_loop3A_346 = arith.addf %parallel_loop3A_339, %parallel_loop3A_345 : vector<16xf32>
        %parallel_loop3A_347 = arith.constant 6 : i32
        %parallel_loop3A_348 = arith.addi %parallel_loop3A_253, %parallel_loop3A_347 : i32
        %parallel_loop3A_349 = arith.index_cast %parallel_loop3A_348 : i32 to index
        %parallel_loop3A_350 = arith.constant 16 : index
        %parallel_loop3A_351 = tpu.vector_load %arg7[%parallel_loop3A_349, %parallel_loop3A_350] {strides = array<i32>} : memref<112x128xf32, #tpu.memory_space<vmem>>, vector<1x16xf32>,
        %parallel_loop3A_352 = vector.shape_cast %parallel_loop3A_351 : vector<1x16xf32> to vector<16xf32>
        %parallel_loop3A_353 = arith.addf %parallel_loop3A_346, %parallel_loop3A_352 : vector<16xf32>
        %parallel_loop3A_354 = arith.constant 0.142857149 : f32
        %parallel_loop3A_355 = vector.broadcast %parallel_loop3A_354 : f32 to vector<16xf32>
        %parallel_loop3A_356 = arith.mulf %parallel_loop3A_353, %parallel_loop3A_355 : vector<16xf32>
        %parallel_loop3A_357 = arith.index_cast %parallel_loop3A_251 : i32 to index
        %parallel_loop3A_358 = arith.constant 16 : index
        %parallel_loop3A_359 = tpu.vector_load %arg11[%parallel_loop3A_357, %parallel_loop3A_358] {strides = array<i32>} : memref<16x128xf32, #tpu.memory_space<vmem>>, vector<1x16xf32>,
        %parallel_loop3A_360 = vector.shape_cast %parallel_loop3A_359 : vector<1x16xf32> to vector<16xf32>
        %parallel_loop3A_361 = vector.shape_cast %parallel_loop3A_356 : vector<16xf32> to vector<1x16xf32>
        tpu.vector_store %arg11[%parallel_loop3A_357, %parallel_loop3A_358], %parallel_loop3A_361 {strides = array<i32>} : memref<16x128xf32, #tpu.memory_space<vmem>>, vector<1x16xf32>,
        %parallel_loop3A_362 = arith.index_cast %parallel_loop3A_253 : i32 to index
        %parallel_loop3A_363 = arith.constant 32 : index
        %parallel_loop3A_364 = tpu.vector_load %arg7[%parallel_loop3A_362, %parallel_loop3A_363] {strides = array<i32>} : memref<112x128xf32, #tpu.memory_space<vmem>>, vector<1x16xf32>,
        %parallel_loop3A_365 = vector.shape_cast %parallel_loop3A_364 : vector<1x16xf32> to vector<16xf32>
        %parallel_loop3A_366 = arith.constant 1 : i32
        %parallel_loop3A_367 = arith.addi %parallel_loop3A_253, %parallel_loop3A_366 : i32
        %parallel_loop3A_368 = arith.index_cast %parallel_loop3A_367 : i32 to index
        %parallel_loop3A_369 = arith.constant 32 : index
        %parallel_loop3A_370 = tpu.vector_load %arg7[%parallel_loop3A_368, %parallel_loop3A_369] {strides = array<i32>} : memref<112x128xf32, #tpu.memory_space<vmem>>, vector<1x16xf32>,
        %parallel_loop3A_371 = vector.shape_cast %parallel_loop3A_370 : vector<1x16xf32> to vector<16xf32>
        %parallel_loop3A_372 = arith.addf %parallel_loop3A_365, %parallel_loop3A_371 : vector<16xf32>
        %parallel_loop3A_373 = arith.constant 2 : i32
        %parallel_loop3A_374 = arith.addi %parallel_loop3A_253, %parallel_loop3A_373 : i32
        %parallel_loop3A_375 = arith.index_cast %parallel_loop3A_374 : i32 to index
        %parallel_loop3A_376 = arith.constant 32 : index
        %parallel_loop3A_377 = tpu.vector_load %arg7[%parallel_loop3A_375, %parallel_loop3A_376] {strides = array<i32>} : memref<112x128xf32, #tpu.memory_space<vmem>>, vector<1x16xf32>,
        %parallel_loop3A_378 = vector.shape_cast %parallel_loop3A_377 : vector<1x16xf32> to vector<16xf32>
        %parallel_loop3A_379 = arith.addf %parallel_loop3A_372, %parallel_loop3A_378 : vector<16xf32>
        %parallel_loop3A_380 = arith.constant 3 : i32
        %parallel_loop3A_381 = arith.addi %parallel_loop3A_253, %parallel_loop3A_380 : i32
        %parallel_loop3A_382 = arith.index_cast %parallel_loop3A_381 : i32 to index
        %parallel_loop3A_383 = arith.constant 32 : index
        %parallel_loop3A_384 = tpu.vector_load %arg7[%parallel_loop3A_382, %parallel_loop3A_383] {strides = array<i32>} : memref<112x128xf32, #tpu.memory_space<vmem>>, vector<1x16xf32>,
        %parallel_loop3A_385 = vector.shape_cast %parallel_loop3A_384 : vector<1x16xf32> to vector<16xf32>
        %parallel_loop3A_386 = arith.addf %parallel_loop3A_379, %parallel_loop3A_385 : vector<16xf32>
        %parallel_loop3A_387 = arith.constant 4 : i32
        %parallel_loop3A_388 = arith.addi %parallel_loop3A_253, %parallel_loop3A_387 : i32
        %parallel_loop3A_389 = arith.index_cast %parallel_loop3A_388 : i32 to index
        %parallel_loop3A_390 = arith.constant 32 : index
        %parallel_loop3A_391 = tpu.vector_load %arg7[%parallel_loop3A_389, %parallel_loop3A_390] {strides = array<i32>} : memref<112x128xf32, #tpu.memory_space<vmem>>, vector<1x16xf32>,
        %parallel_loop3A_392 = vector.shape_cast %parallel_loop3A_391 : vector<1x16xf32> to vector<16xf32>
        %parallel_loop3A_393 = arith.addf %parallel_loop3A_386, %parallel_loop3A_392 : vector<16xf32>
        %parallel_loop3A_394 = arith.constant 5 : i32
        %parallel_loop3A_395 = arith.addi %parallel_loop3A_253, %parallel_loop3A_394 : i32
        %parallel_loop3A_396 = arith.index_cast %parallel_loop3A_395 : i32 to index
        %parallel_loop3A_397 = arith.constant 32 : index
        %parallel_loop3A_398 = tpu.vector_load %arg7[%parallel_loop3A_396, %parallel_loop3A_397] {strides = array<i32>} : memref<112x128xf32, #tpu.memory_space<vmem>>, vector<1x16xf32>,
        %parallel_loop3A_399 = vector.shape_cast %parallel_loop3A_398 : vector<1x16xf32> to vector<16xf32>
        %parallel_loop3A_400 = arith.addf %parallel_loop3A_393, %parallel_loop3A_399 : vector<16xf32>
        %parallel_loop3A_401 = arith.constant 6 : i32
        %parallel_loop3A_402 = arith.addi %parallel_loop3A_253, %parallel_loop3A_401 : i32
        %parallel_loop3A_403 = arith.index_cast %parallel_loop3A_402 : i32 to index
        %parallel_loop3A_404 = arith.constant 32 : index
        %parallel_loop3A_405 = tpu.vector_load %arg7[%parallel_loop3A_403, %parallel_loop3A_404] {strides = array<i32>} : memref<112x128xf32, #tpu.memory_space<vmem>>, vector<1x16xf32>,
        %parallel_loop3A_406 = vector.shape_cast %parallel_loop3A_405 : vector<1x16xf32> to vector<16xf32>
        %parallel_loop3A_407 = arith.addf %parallel_loop3A_400, %parallel_loop3A_406 : vector<16xf32>
        %parallel_loop3A_408 = arith.constant 0.142857149 : f32
        %parallel_loop3A_409 = vector.broadcast %parallel_loop3A_408 : f32 to vector<16xf32>
        %parallel_loop3A_410 = arith.mulf %parallel_loop3A_407, %parallel_loop3A_409 : vector<16xf32>
        %parallel_loop3A_411 = arith.index_cast %parallel_loop3A_251 : i32 to index
        %parallel_loop3A_412 = arith.constant 32 : index
        %parallel_loop3A_413 = tpu.vector_load %arg11[%parallel_loop3A_411, %parallel_loop3A_412] {strides = array<i32>} : memref<16x128xf32, #tpu.memory_space<vmem>>, vector<1x16xf32>,
        %parallel_loop3A_414 = vector.shape_cast %parallel_loop3A_413 : vector<1x16xf32> to vector<16xf32>
        %parallel_loop3A_415 = vector.shape_cast %parallel_loop3A_410 : vector<16xf32> to vector<1x16xf32>
        tpu.vector_store %arg11[%parallel_loop3A_411, %parallel_loop3A_412], %parallel_loop3A_415 {strides = array<i32>} : memref<16x128xf32, #tpu.memory_space<vmem>>, vector<1x16xf32>,
        %parallel_loop3A_416 = arith.index_cast %parallel_loop3A_253 : i32 to index
        %parallel_loop3A_417 = arith.constant 48 : index
        %parallel_loop3A_418 = tpu.vector_load %arg7[%parallel_loop3A_416, %parallel_loop3A_417] {strides = array<i32>} : memref<112x128xf32, #tpu.memory_space<vmem>>, vector<1x16xf32>,
        %parallel_loop3A_419 = vector.shape_cast %parallel_loop3A_418 : vector<1x16xf32> to vector<16xf32>
        %parallel_loop3A_420 = arith.constant 1 : i32
        %parallel_loop3A_421 = arith.addi %parallel_loop3A_253, %parallel_loop3A_420 : i32
        %parallel_loop3A_422 = arith.index_cast %parallel_loop3A_421 : i32 to index
        %parallel_loop3A_423 = arith.constant 48 : index
        %parallel_loop3A_424 = tpu.vector_load %arg7[%parallel_loop3A_422, %parallel_loop3A_423] {strides = array<i32>} : memref<112x128xf32, #tpu.memory_space<vmem>>, vector<1x16xf32>,
        %parallel_loop3A_425 = vector.shape_cast %parallel_loop3A_424 : vector<1x16xf32> to vector<16xf32>
        %parallel_loop3A_426 = arith.addf %parallel_loop3A_419, %parallel_loop3A_425 : vector<16xf32>
        %parallel_loop3A_427 = arith.constant 2 : i32
        %parallel_loop3A_428 = arith.addi %parallel_loop3A_253, %parallel_loop3A_427 : i32
        %parallel_loop3A_429 = arith.index_cast %parallel_loop3A_428 : i32 to index
        %parallel_loop3A_430 = arith.constant 48 : index
        %parallel_loop3A_431 = tpu.vector_load %arg7[%parallel_loop3A_429, %parallel_loop3A_430] {strides = array<i32>} : memref<112x128xf32, #tpu.memory_space<vmem>>, vector<1x16xf32>,
        %parallel_loop3A_432 = vector.shape_cast %parallel_loop3A_431 : vector<1x16xf32> to vector<16xf32>
        %parallel_loop3A_433 = arith.addf %parallel_loop3A_426, %parallel_loop3A_432 : vector<16xf32>
        %parallel_loop3A_434 = arith.constant 3 : i32
        %parallel_loop3A_435 = arith.addi %parallel_loop3A_253, %parallel_loop3A_434 : i32
        %parallel_loop3A_436 = arith.index_cast %parallel_loop3A_435 : i32 to index
        %parallel_loop3A_437 = arith.constant 48 : index
        %parallel_loop3A_438 = tpu.vector_load %arg7[%parallel_loop3A_436, %parallel_loop3A_437] {strides = array<i32>} : memref<112x128xf32, #tpu.memory_space<vmem>>, vector<1x16xf32>,
        %parallel_loop3A_439 = vector.shape_cast %parallel_loop3A_438 : vector<1x16xf32> to vector<16xf32>
        %parallel_loop3A_440 = arith.addf %parallel_loop3A_433, %parallel_loop3A_439 : vector<16xf32>
        %parallel_loop3A_441 = arith.constant 4 : i32
        %parallel_loop3A_442 = arith.addi %parallel_loop3A_253, %parallel_loop3A_441 : i32
        %parallel_loop3A_443 = arith.index_cast %parallel_loop3A_442 : i32 to index
        %parallel_loop3A_444 = arith.constant 48 : index
        %parallel_loop3A_445 = tpu.vector_load %arg7[%parallel_loop3A_443, %parallel_loop3A_444] {strides = array<i32>} : memref<112x128xf32, #tpu.memory_space<vmem>>, vector<1x16xf32>,
        %parallel_loop3A_446 = vector.shape_cast %parallel_loop3A_445 : vector<1x16xf32> to vector<16xf32>
        %parallel_loop3A_447 = arith.addf %parallel_loop3A_440, %parallel_loop3A_446 : vector<16xf32>
        %parallel_loop3A_448 = arith.constant 5 : i32
        %parallel_loop3A_449 = arith.addi %parallel_loop3A_253, %parallel_loop3A_448 : i32
        %parallel_loop3A_450 = arith.index_cast %parallel_loop3A_449 : i32 to index
        %parallel_loop3A_451 = arith.constant 48 : index
        %parallel_loop3A_452 = tpu.vector_load %arg7[%parallel_loop3A_450, %parallel_loop3A_451] {strides = array<i32>} : memref<112x128xf32, #tpu.memory_space<vmem>>, vector<1x16xf32>,
        %parallel_loop3A_453 = vector.shape_cast %parallel_loop3A_452 : vector<1x16xf32> to vector<16xf32>
        %parallel_loop3A_454 = arith.addf %parallel_loop3A_447, %parallel_loop3A_453 : vector<16xf32>
        %parallel_loop3A_455 = arith.constant 6 : i32
        %parallel_loop3A_456 = arith.addi %parallel_loop3A_253, %parallel_loop3A_455 : i32
        %parallel_loop3A_457 = arith.index_cast %parallel_loop3A_456 : i32 to index
        %parallel_loop3A_458 = arith.constant 48 : index
        %parallel_loop3A_459 = tpu.vector_load %arg7[%parallel_loop3A_457, %parallel_loop3A_458] {strides = array<i32>} : memref<112x128xf32, #tpu.memory_space<vmem>>, vector<1x16xf32>,
        %parallel_loop3A_460 = vector.shape_cast %parallel_loop3A_459 : vector<1x16xf32> to vector<16xf32>
        %parallel_loop3A_461 = arith.addf %parallel_loop3A_454, %parallel_loop3A_460 : vector<16xf32>
        %parallel_loop3A_462 = arith.constant 0.142857149 : f32
        %parallel_loop3A_463 = vector.broadcast %parallel_loop3A_462 : f32 to vector<16xf32>
        %parallel_loop3A_464 = arith.mulf %parallel_loop3A_461, %parallel_loop3A_463 : vector<16xf32>
        %parallel_loop3A_465 = arith.index_cast %parallel_loop3A_251 : i32 to index
        %parallel_loop3A_466 = arith.constant 48 : index
        %parallel_loop3A_467 = tpu.vector_load %arg11[%parallel_loop3A_465, %parallel_loop3A_466] {strides = array<i32>} : memref<16x128xf32, #tpu.memory_space<vmem>>, vector<1x16xf32>,
        %parallel_loop3A_468 = vector.shape_cast %parallel_loop3A_467 : vector<1x16xf32> to vector<16xf32>
        %parallel_loop3A_469 = vector.shape_cast %parallel_loop3A_464 : vector<16xf32> to vector<1x16xf32>
        tpu.vector_store %arg11[%parallel_loop3A_465, %parallel_loop3A_466], %parallel_loop3A_469 {strides = array<i32>} : memref<16x128xf32, #tpu.memory_space<vmem>>, vector<1x16xf32>,
        %parallel_loop3A_470 = arith.index_cast %parallel_loop3A_253 : i32 to index
        %parallel_loop3A_471 = arith.constant 64 : index
        %parallel_loop3A_472 = tpu.vector_load %arg7[%parallel_loop3A_470, %parallel_loop3A_471] {strides = array<i32>} : memref<112x128xf32, #tpu.memory_space<vmem>>, vector<1x16xf32>,
        %parallel_loop3A_473 = vector.shape_cast %parallel_loop3A_472 : vector<1x16xf32> to vector<16xf32>
        %parallel_loop3A_474 = arith.constant 1 : i32
        %parallel_loop3A_475 = arith.addi %parallel_loop3A_253, %parallel_loop3A_474 : i32
        %parallel_loop3A_476 = arith.index_cast %parallel_loop3A_475 : i32 to index
        %parallel_loop3A_477 = arith.constant 64 : index
        %parallel_loop3A_478 = tpu.vector_load %arg7[%parallel_loop3A_476, %parallel_loop3A_477] {strides = array<i32>} : memref<112x128xf32, #tpu.memory_space<vmem>>, vector<1x16xf32>,
        %parallel_loop3A_479 = vector.shape_cast %parallel_loop3A_478 : vector<1x16xf32> to vector<16xf32>
        %parallel_loop3A_480 = arith.addf %parallel_loop3A_473, %parallel_loop3A_479 : vector<16xf32>
        %parallel_loop3A_481 = arith.constant 2 : i32
        %parallel_loop3A_482 = arith.addi %parallel_loop3A_253, %parallel_loop3A_481 : i32
        %parallel_loop3A_483 = arith.index_cast %parallel_loop3A_482 : i32 to index
        %parallel_loop3A_484 = arith.constant 64 : index
        %parallel_loop3A_485 = tpu.vector_load %arg7[%parallel_loop3A_483, %parallel_loop3A_484] {strides = array<i32>} : memref<112x128xf32, #tpu.memory_space<vmem>>, vector<1x16xf32>,
        %parallel_loop3A_486 = vector.shape_cast %parallel_loop3A_485 : vector<1x16xf32> to vector<16xf32>
        %parallel_loop3A_487 = arith.addf %parallel_loop3A_480, %parallel_loop3A_486 : vector<16xf32>
        %parallel_loop3A_488 = arith.constant 3 : i32
        %parallel_loop3A_489 = arith.addi %parallel_loop3A_253, %parallel_loop3A_488 : i32
        %parallel_loop3A_490 = arith.index_cast %parallel_loop3A_489 : i32 to index
        %parallel_loop3A_491 = arith.constant 64 : index
        %parallel_loop3A_492 = tpu.vector_load %arg7[%parallel_loop3A_490, %parallel_loop3A_491] {strides = array<i32>} : memref<112x128xf32, #tpu.memory_space<vmem>>, vector<1x16xf32>,
        %parallel_loop3A_493 = vector.shape_cast %parallel_loop3A_492 : vector<1x16xf32> to vector<16xf32>
        %parallel_loop3A_494 = arith.addf %parallel_loop3A_487, %parallel_loop3A_493 : vector<16xf32>
        %parallel_loop3A_495 = arith.constant 4 : i32
        %parallel_loop3A_496 = arith.addi %parallel_loop3A_253, %parallel_loop3A_495 : i32
        %parallel_loop3A_497 = arith.index_cast %parallel_loop3A_496 : i32 to index
        %parallel_loop3A_498 = arith.constant 64 : index
        %parallel_loop3A_499 = tpu.vector_load %arg7[%parallel_loop3A_497, %parallel_loop3A_498] {strides = array<i32>} : memref<112x128xf32, #tpu.memory_space<vmem>>, vector<1x16xf32>,
        %parallel_loop3A_500 = vector.shape_cast %parallel_loop3A_499 : vector<1x16xf32> to vector<16xf32>
        %parallel_loop3A_501 = arith.addf %parallel_loop3A_494, %parallel_loop3A_500 : vector<16xf32>
        %parallel_loop3A_502 = arith.constant 5 : i32
        %parallel_loop3A_503 = arith.addi %parallel_loop3A_253, %parallel_loop3A_502 : i32
        %parallel_loop3A_504 = arith.index_cast %parallel_loop3A_503 : i32 to index
        %parallel_loop3A_505 = arith.constant 64 : index
        %parallel_loop3A_506 = tpu.vector_load %arg7[%parallel_loop3A_504, %parallel_loop3A_505] {strides = array<i32>} : memref<112x128xf32, #tpu.memory_space<vmem>>, vector<1x16xf32>,
        %parallel_loop3A_507 = vector.shape_cast %parallel_loop3A_506 : vector<1x16xf32> to vector<16xf32>
        %parallel_loop3A_508 = arith.addf %parallel_loop3A_501, %parallel_loop3A_507 : vector<16xf32>
        %parallel_loop3A_509 = arith.constant 6 : i32
        %parallel_loop3A_510 = arith.addi %parallel_loop3A_253, %parallel_loop3A_509 : i32
        %parallel_loop3A_511 = arith.index_cast %parallel_loop3A_510 : i32 to index
        %parallel_loop3A_512 = arith.constant 64 : index
        %parallel_loop3A_513 = tpu.vector_load %arg7[%parallel_loop3A_511, %parallel_loop3A_512] {strides = array<i32>} : memref<112x128xf32, #tpu.memory_space<vmem>>, vector<1x16xf32>,
        %parallel_loop3A_514 = vector.shape_cast %parallel_loop3A_513 : vector<1x16xf32> to vector<16xf32>
        %parallel_loop3A_515 = arith.addf %parallel_loop3A_508, %parallel_loop3A_514 : vector<16xf32>
        %parallel_loop3A_516 = arith.constant 0.142857149 : f32
        %parallel_loop3A_517 = vector.broadcast %parallel_loop3A_516 : f32 to vector<16xf32>
        %parallel_loop3A_518 = arith.mulf %parallel_loop3A_515, %parallel_loop3A_517 : vector<16xf32>
        %parallel_loop3A_519 = arith.index_cast %parallel_loop3A_251 : i32 to index
        %parallel_loop3A_520 = arith.constant 64 : index
        %parallel_loop3A_521 = tpu.vector_load %arg11[%parallel_loop3A_519, %parallel_loop3A_520] {strides = array<i32>} : memref<16x128xf32, #tpu.memory_space<vmem>>, vector<1x16xf32>,
        %parallel_loop3A_522 = vector.shape_cast %parallel_loop3A_521 : vector<1x16xf32> to vector<16xf32>
        %parallel_loop3A_523 = vector.shape_cast %parallel_loop3A_518 : vector<16xf32> to vector<1x16xf32>
        tpu.vector_store %arg11[%parallel_loop3A_519, %parallel_loop3A_520], %parallel_loop3A_523 {strides = array<i32>} : memref<16x128xf32, #tpu.memory_space<vmem>>, vector<1x16xf32>,
        %parallel_loop3A_524 = arith.index_cast %parallel_loop3A_253 : i32 to index
        %parallel_loop3A_525 = arith.constant 80 : index
        %parallel_loop3A_526 = tpu.vector_load %arg7[%parallel_loop3A_524, %parallel_loop3A_525] {strides = array<i32>} : memref<112x128xf32, #tpu.memory_space<vmem>>, vector<1x16xf32>,
        %parallel_loop3A_527 = vector.shape_cast %parallel_loop3A_526 : vector<1x16xf32> to vector<16xf32>
        %parallel_loop3A_528 = arith.constant 1 : i32
        %parallel_loop3A_529 = arith.addi %parallel_loop3A_253, %parallel_loop3A_528 : i32
        %parallel_loop3A_530 = arith.index_cast %parallel_loop3A_529 : i32 to index
        %parallel_loop3A_531 = arith.constant 80 : index
        %parallel_loop3A_532 = tpu.vector_load %arg7[%parallel_loop3A_530, %parallel_loop3A_531] {strides = array<i32>} : memref<112x128xf32, #tpu.memory_space<vmem>>, vector<1x16xf32>,
        %parallel_loop3A_533 = vector.shape_cast %parallel_loop3A_532 : vector<1x16xf32> to vector<16xf32>
        %parallel_loop3A_534 = arith.addf %parallel_loop3A_527, %parallel_loop3A_533 : vector<16xf32>
        %parallel_loop3A_535 = arith.constant 2 : i32
        %parallel_loop3A_536 = arith.addi %parallel_loop3A_253, %parallel_loop3A_535 : i32
        %parallel_loop3A_537 = arith.index_cast %parallel_loop3A_536 : i32 to index
        %parallel_loop3A_538 = arith.constant 80 : index
        %parallel_loop3A_539 = tpu.vector_load %arg7[%parallel_loop3A_537, %parallel_loop3A_538] {strides = array<i32>} : memref<112x128xf32, #tpu.memory_space<vmem>>, vector<1x16xf32>,
        %parallel_loop3A_540 = vector.shape_cast %parallel_loop3A_539 : vector<1x16xf32> to vector<16xf32>
        %parallel_loop3A_541 = arith.addf %parallel_loop3A_534, %parallel_loop3A_540 : vector<16xf32>
        %parallel_loop3A_542 = arith.constant 3 : i32
        %parallel_loop3A_543 = arith.addi %parallel_loop3A_253, %parallel_loop3A_542 : i32
        %parallel_loop3A_544 = arith.index_cast %parallel_loop3A_543 : i32 to index
        %parallel_loop3A_545 = arith.constant 80 : index
        %parallel_loop3A_546 = tpu.vector_load %arg7[%parallel_loop3A_544, %parallel_loop3A_545] {strides = array<i32>} : memref<112x128xf32, #tpu.memory_space<vmem>>, vector<1x16xf32>,
        %parallel_loop3A_547 = vector.shape_cast %parallel_loop3A_546 : vector<1x16xf32> to vector<16xf32>
        %parallel_loop3A_548 = arith.addf %parallel_loop3A_541, %parallel_loop3A_547 : vector<16xf32>
        %parallel_loop3A_549 = arith.constant 4 : i32
        %parallel_loop3A_550 = arith.addi %parallel_loop3A_253, %parallel_loop3A_549 : i32
        %parallel_loop3A_551 = arith.index_cast %parallel_loop3A_550 : i32 to index
        %parallel_loop3A_552 = arith.constant 80 : index
        %parallel_loop3A_553 = tpu.vector_load %arg7[%parallel_loop3A_551, %parallel_loop3A_552] {strides = array<i32>} : memref<112x128xf32, #tpu.memory_space<vmem>>, vector<1x16xf32>,
        %parallel_loop3A_554 = vector.shape_cast %parallel_loop3A_553 : vector<1x16xf32> to vector<16xf32>
        %parallel_loop3A_555 = arith.addf %parallel_loop3A_548, %parallel_loop3A_554 : vector<16xf32>
        %parallel_loop3A_556 = arith.constant 5 : i32
        %parallel_loop3A_557 = arith.addi %parallel_loop3A_253, %parallel_loop3A_556 : i32
        %parallel_loop3A_558 = arith.index_cast %parallel_loop3A_557 : i32 to index
        %parallel_loop3A_559 = arith.constant 80 : index
        %parallel_loop3A_560 = tpu.vector_load %arg7[%parallel_loop3A_558, %parallel_loop3A_559] {strides = array<i32>} : memref<112x128xf32, #tpu.memory_space<vmem>>, vector<1x16xf32>,
        %parallel_loop3A_561 = vector.shape_cast %parallel_loop3A_560 : vector<1x16xf32> to vector<16xf32>
        %parallel_loop3A_562 = arith.addf %parallel_loop3A_555, %parallel_loop3A_561 : vector<16xf32>
        %parallel_loop3A_563 = arith.constant 6 : i32
        %parallel_loop3A_564 = arith.addi %parallel_loop3A_253, %parallel_loop3A_563 : i32
        %parallel_loop3A_565 = arith.index_cast %parallel_loop3A_564 : i32 to index
        %parallel_loop3A_566 = arith.constant 80 : index
        %parallel_loop3A_567 = tpu.vector_load %arg7[%parallel_loop3A_565, %parallel_loop3A_566] {strides = array<i32>} : memref<112x128xf32, #tpu.memory_space<vmem>>, vector<1x16xf32>,
        %parallel_loop3A_568 = vector.shape_cast %parallel_loop3A_567 : vector<1x16xf32> to vector<16xf32>
        %parallel_loop3A_569 = arith.addf %parallel_loop3A_562, %parallel_loop3A_568 : vector<16xf32>
        %parallel_loop3A_570 = arith.constant 0.142857149 : f32
        %parallel_loop3A_571 = vector.broadcast %parallel_loop3A_570 : f32 to vector<16xf32>
        %parallel_loop3A_572 = arith.mulf %parallel_loop3A_569, %parallel_loop3A_571 : vector<16xf32>
        %parallel_loop3A_573 = arith.index_cast %parallel_loop3A_251 : i32 to index
        %parallel_loop3A_574 = arith.constant 80 : index
        %parallel_loop3A_575 = tpu.vector_load %arg11[%parallel_loop3A_573, %parallel_loop3A_574] {strides = array<i32>} : memref<16x128xf32, #tpu.memory_space<vmem>>, vector<1x16xf32>,
        %parallel_loop3A_576 = vector.shape_cast %parallel_loop3A_575 : vector<1x16xf32> to vector<16xf32>
        %parallel_loop3A_577 = vector.shape_cast %parallel_loop3A_572 : vector<16xf32> to vector<1x16xf32>
        tpu.vector_store %arg11[%parallel_loop3A_573, %parallel_loop3A_574], %parallel_loop3A_577 {strides = array<i32>} : memref<16x128xf32, #tpu.memory_space<vmem>>, vector<1x16xf32>,
        %parallel_loop3A_578 = arith.index_cast %parallel_loop3A_253 : i32 to index
        %parallel_loop3A_579 = arith.constant 96 : index
        %parallel_loop3A_580 = tpu.vector_load %arg7[%parallel_loop3A_578, %parallel_loop3A_579] {strides = array<i32>} : memref<112x128xf32, #tpu.memory_space<vmem>>, vector<1x16xf32>,
        %parallel_loop3A_581 = vector.shape_cast %parallel_loop3A_580 : vector<1x16xf32> to vector<16xf32>
        %parallel_loop3A_582 = arith.constant 1 : i32
        %parallel_loop3A_583 = arith.addi %parallel_loop3A_253, %parallel_loop3A_582 : i32
        %parallel_loop3A_584 = arith.index_cast %parallel_loop3A_583 : i32 to index
        %parallel_loop3A_585 = arith.constant 96 : index
        %parallel_loop3A_586 = tpu.vector_load %arg7[%parallel_loop3A_584, %parallel_loop3A_585] {strides = array<i32>} : memref<112x128xf32, #tpu.memory_space<vmem>>, vector<1x16xf32>,
        %parallel_loop3A_587 = vector.shape_cast %parallel_loop3A_586 : vector<1x16xf32> to vector<16xf32>
        %parallel_loop3A_588 = arith.addf %parallel_loop3A_581, %parallel_loop3A_587 : vector<16xf32>
        %parallel_loop3A_589 = arith.constant 2 : i32
        %parallel_loop3A_590 = arith.addi %parallel_loop3A_253, %parallel_loop3A_589 : i32
        %parallel_loop3A_591 = arith.index_cast %parallel_loop3A_590 : i32 to index
        %parallel_loop3A_592 = arith.constant 96 : index
        %parallel_loop3A_593 = tpu.vector_load %arg7[%parallel_loop3A_591, %parallel_loop3A_592] {strides = array<i32>} : memref<112x128xf32, #tpu.memory_space<vmem>>, vector<1x16xf32>,
        %parallel_loop3A_594 = vector.shape_cast %parallel_loop3A_593 : vector<1x16xf32> to vector<16xf32>
        %parallel_loop3A_595 = arith.addf %parallel_loop3A_588, %parallel_loop3A_594 : vector<16xf32>
        %parallel_loop3A_596 = arith.constant 3 : i32
        %parallel_loop3A_597 = arith.addi %parallel_loop3A_253, %parallel_loop3A_596 : i32
        %parallel_loop3A_598 = arith.index_cast %parallel_loop3A_597 : i32 to index
        %parallel_loop3A_599 = arith.constant 96 : index
        %parallel_loop3A_600 = tpu.vector_load %arg7[%parallel_loop3A_598, %parallel_loop3A_599] {strides = array<i32>} : memref<112x128xf32, #tpu.memory_space<vmem>>, vector<1x16xf32>,
        %parallel_loop3A_601 = vector.shape_cast %parallel_loop3A_600 : vector<1x16xf32> to vector<16xf32>
        %parallel_loop3A_602 = arith.addf %parallel_loop3A_595, %parallel_loop3A_601 : vector<16xf32>
        %parallel_loop3A_603 = arith.constant 4 : i32
        %parallel_loop3A_604 = arith.addi %parallel_loop3A_253, %parallel_loop3A_603 : i32
        %parallel_loop3A_605 = arith.index_cast %parallel_loop3A_604 : i32 to index
        %parallel_loop3A_606 = arith.constant 96 : index
        %parallel_loop3A_607 = tpu.vector_load %arg7[%parallel_loop3A_605, %parallel_loop3A_606] {strides = array<i32>} : memref<112x128xf32, #tpu.memory_space<vmem>>, vector<1x16xf32>,
        %parallel_loop3A_608 = vector.shape_cast %parallel_loop3A_607 : vector<1x16xf32> to vector<16xf32>
        %parallel_loop3A_609 = arith.addf %parallel_loop3A_602, %parallel_loop3A_608 : vector<16xf32>
        %parallel_loop3A_610 = arith.constant 5 : i32
        %parallel_loop3A_611 = arith.addi %parallel_loop3A_253, %parallel_loop3A_610 : i32
        %parallel_loop3A_612 = arith.index_cast %parallel_loop3A_611 : i32 to index
        %parallel_loop3A_613 = arith.constant 96 : index
        %parallel_loop3A_614 = tpu.vector_load %arg7[%parallel_loop3A_612, %parallel_loop3A_613] {strides = array<i32>} : memref<112x128xf32, #tpu.memory_space<vmem>>, vector<1x16xf32>,
        %parallel_loop3A_615 = vector.shape_cast %parallel_loop3A_614 : vector<1x16xf32> to vector<16xf32>
        %parallel_loop3A_616 = arith.addf %parallel_loop3A_609, %parallel_loop3A_615 : vector<16xf32>
        %parallel_loop3A_617 = arith.constant 6 : i32
        %parallel_loop3A_618 = arith.addi %parallel_loop3A_253, %parallel_loop3A_617 : i32
        %parallel_loop3A_619 = arith.index_cast %parallel_loop3A_618 : i32 to index
        %parallel_loop3A_620 = arith.constant 96 : index
        %parallel_loop3A_621 = tpu.vector_load %arg7[%parallel_loop3A_619, %parallel_loop3A_620] {strides = array<i32>} : memref<112x128xf32, #tpu.memory_space<vmem>>, vector<1x16xf32>,
        %parallel_loop3A_622 = vector.shape_cast %parallel_loop3A_621 : vector<1x16xf32> to vector<16xf32>
        %parallel_loop3A_623 = arith.addf %parallel_loop3A_616, %parallel_loop3A_622 : vector<16xf32>
        %parallel_loop3A_624 = arith.constant 0.142857149 : f32
        %parallel_loop3A_625 = vector.broadcast %parallel_loop3A_624 : f32 to vector<16xf32>
        %parallel_loop3A_626 = arith.mulf %parallel_loop3A_623, %parallel_loop3A_625 : vector<16xf32>
        %parallel_loop3A_627 = arith.index_cast %parallel_loop3A_251 : i32 to index
        %parallel_loop3A_628 = arith.constant 96 : index
        %parallel_loop3A_629 = tpu.vector_load %arg11[%parallel_loop3A_627, %parallel_loop3A_628] {strides = array<i32>} : memref<16x128xf32, #tpu.memory_space<vmem>>, vector<1x16xf32>,
        %parallel_loop3A_630 = vector.shape_cast %parallel_loop3A_629 : vector<1x16xf32> to vector<16xf32>
        %parallel_loop3A_631 = vector.shape_cast %parallel_loop3A_626 : vector<16xf32> to vector<1x16xf32>
        tpu.vector_store %arg11[%parallel_loop3A_627, %parallel_loop3A_628], %parallel_loop3A_631 {strides = array<i32>} : memref<16x128xf32, #tpu.memory_space<vmem>>, vector<1x16xf32>,
        %parallel_loop3A_632 = arith.index_cast %parallel_loop3A_253 : i32 to index
        %parallel_loop3A_633 = arith.constant 112 : index
        %parallel_loop3A_634 = tpu.vector_load %arg7[%parallel_loop3A_632, %parallel_loop3A_633] {strides = array<i32>} : memref<112x128xf32, #tpu.memory_space<vmem>>, vector<1x16xf32>,
        %parallel_loop3A_635 = vector.shape_cast %parallel_loop3A_634 : vector<1x16xf32> to vector<16xf32>
        %parallel_loop3A_636 = arith.constant 1 : i32
        %parallel_loop3A_637 = arith.addi %parallel_loop3A_253, %parallel_loop3A_636 : i32
        %parallel_loop3A_638 = arith.index_cast %parallel_loop3A_637 : i32 to index
        %parallel_loop3A_639 = arith.constant 112 : index
        %parallel_loop3A_640 = tpu.vector_load %arg7[%parallel_loop3A_638, %parallel_loop3A_639] {strides = array<i32>} : memref<112x128xf32, #tpu.memory_space<vmem>>, vector<1x16xf32>,
        %parallel_loop3A_641 = vector.shape_cast %parallel_loop3A_640 : vector<1x16xf32> to vector<16xf32>
        %parallel_loop3A_642 = arith.addf %parallel_loop3A_635, %parallel_loop3A_641 : vector<16xf32>
        %parallel_loop3A_643 = arith.constant 2 : i32
        %parallel_loop3A_644 = arith.addi %parallel_loop3A_253, %parallel_loop3A_643 : i32
        %parallel_loop3A_645 = arith.index_cast %parallel_loop3A_644 : i32 to index
        %parallel_loop3A_646 = arith.constant 112 : index
        %parallel_loop3A_647 = tpu.vector_load %arg7[%parallel_loop3A_645, %parallel_loop3A_646] {strides = array<i32>} : memref<112x128xf32, #tpu.memory_space<vmem>>, vector<1x16xf32>,
        %parallel_loop3A_648 = vector.shape_cast %parallel_loop3A_647 : vector<1x16xf32> to vector<16xf32>
        %parallel_loop3A_649 = arith.addf %parallel_loop3A_642, %parallel_loop3A_648 : vector<16xf32>
        %parallel_loop3A_650 = arith.constant 3 : i32
        %parallel_loop3A_651 = arith.addi %parallel_loop3A_253, %parallel_loop3A_650 : i32
        %parallel_loop3A_652 = arith.index_cast %parallel_loop3A_651 : i32 to index
        %parallel_loop3A_653 = arith.constant 112 : index
        %parallel_loop3A_654 = tpu.vector_load %arg7[%parallel_loop3A_652, %parallel_loop3A_653] {strides = array<i32>} : memref<112x128xf32, #tpu.memory_space<vmem>>, vector<1x16xf32>,
        %parallel_loop3A_655 = vector.shape_cast %parallel_loop3A_654 : vector<1x16xf32> to vector<16xf32>
        %parallel_loop3A_656 = arith.addf %parallel_loop3A_649, %parallel_loop3A_655 : vector<16xf32>
        %parallel_loop3A_657 = arith.constant 4 : i32
        %parallel_loop3A_658 = arith.addi %parallel_loop3A_253, %parallel_loop3A_657 : i32
        %parallel_loop3A_659 = arith.index_cast %parallel_loop3A_658 : i32 to index
        %parallel_loop3A_660 = arith.constant 112 : index
        %parallel_loop3A_661 = tpu.vector_load %arg7[%parallel_loop3A_659, %parallel_loop3A_660] {strides = array<i32>} : memref<112x128xf32, #tpu.memory_space<vmem>>, vector<1x16xf32>,
        %parallel_loop3A_662 = vector.shape_cast %parallel_loop3A_661 : vector<1x16xf32> to vector<16xf32>
        %parallel_loop3A_663 = arith.addf %parallel_loop3A_656, %parallel_loop3A_662 : vector<16xf32>
        %parallel_loop3A_664 = arith.constant 5 : i32
        %parallel_loop3A_665 = arith.addi %parallel_loop3A_253, %parallel_loop3A_664 : i32
        %parallel_loop3A_666 = arith.index_cast %parallel_loop3A_665 : i32 to index
        %parallel_loop3A_667 = arith.constant 112 : index
        %parallel_loop3A_668 = tpu.vector_load %arg7[%parallel_loop3A_666, %parallel_loop3A_667] {strides = array<i32>} : memref<112x128xf32, #tpu.memory_space<vmem>>, vector<1x16xf32>,
        %parallel_loop3A_669 = vector.shape_cast %parallel_loop3A_668 : vector<1x16xf32> to vector<16xf32>
        %parallel_loop3A_670 = arith.addf %parallel_loop3A_663, %parallel_loop3A_669 : vector<16xf32>
        %parallel_loop3A_671 = arith.constant 6 : i32
        %parallel_loop3A_672 = arith.addi %parallel_loop3A_253, %parallel_loop3A_671 : i32
        %parallel_loop3A_673 = arith.index_cast %parallel_loop3A_672 : i32 to index
        %parallel_loop3A_674 = arith.constant 112 : index
        %parallel_loop3A_675 = tpu.vector_load %arg7[%parallel_loop3A_673, %parallel_loop3A_674] {strides = array<i32>} : memref<112x128xf32, #tpu.memory_space<vmem>>, vector<1x16xf32>,
        %parallel_loop3A_676 = vector.shape_cast %parallel_loop3A_675 : vector<1x16xf32> to vector<16xf32>
        %parallel_loop3A_677 = arith.addf %parallel_loop3A_670, %parallel_loop3A_676 : vector<16xf32>
        %parallel_loop3A_678 = arith.constant 0.142857149 : f32
        %parallel_loop3A_679 = vector.broadcast %parallel_loop3A_678 : f32 to vector<16xf32>
        %parallel_loop3A_680 = arith.mulf %parallel_loop3A_677, %parallel_loop3A_679 : vector<16xf32>
        %parallel_loop3A_681 = arith.index_cast %parallel_loop3A_251 : i32 to index
        %parallel_loop3A_682 = arith.constant 112 : index
        %parallel_loop3A_683 = tpu.vector_load %arg11[%parallel_loop3A_681, %parallel_loop3A_682] {strides = array<i32>} : memref<16x128xf32, #tpu.memory_space<vmem>>, vector<1x16xf32>,
        %parallel_loop3A_684 = vector.shape_cast %parallel_loop3A_683 : vector<1x16xf32> to vector<16xf32>
        %parallel_loop3A_685 = vector.shape_cast %parallel_loop3A_680 : vector<16xf32> to vector<1x16xf32>
        tpu.vector_store %arg11[%parallel_loop3A_681, %parallel_loop3A_682], %parallel_loop3A_685 {strides = array<i32>} : memref<16x128xf32, #tpu.memory_space<vmem>>, vector<1x16xf32>,
      } {sc.loop_unroll_factor = 4 : i64, sc.parallel_access}
      %add3A_127 = arith.constant 4 : i32
      %add3A_128 = arith.addi %add3A_98, %add3A_127 : i32
      %lt3A_129 = arith.constant 84 : i32
      %lt3A_130 = arith.cmpi slt, %add3A_128, %lt3A_129 : i32
      %convert_element_type3A_131 = arith.extui %lt3A_130 : i1 to i32
      %cond3A_132 = arith.constant 0 : i32
      %cond3A_133 = arith.cmpi ne, %convert_element_type3A_131, %cond3A_132 : i32
      scf.if %cond3A_133 {
        %add3A_251 = arith.constant 4 : i32
        %add3A_252 = arith.addi %add3A_98, %add3A_251 : i32
        %mul3A_253 = arith.constant 112 : i32
        %mul3A_254 = arith.muli %add3A_252, %mul3A_253 : i32
        %dma_start3A_255 = tpu.memref_slice %arg5[%mul3A_254] : memref<9408xi32, #tpu.memory_space<vmem>> -> memref<112xi32, #tpu.memory_space<vmem>>
        %dma_start3A_256 = arith.constant 0 : i32
        %dma_start3A_257 = arith.constant 0 : i32
        %dma_start3A_258 = tpu.memref_slice %arg2[%dma_start3A_256, %dma_start3A_257] : memref<163842x128xf32, #tpu.memory_space<hbm>> -> memref<163842x128xf32, #tpu.memory_space<hbm>>
        tpu.enqueue_indirect_dma source(%dma_start3A_258 : memref<163842x128xf32, #tpu.memory_space<hbm>>) target(%arg7 : memref<112x128xf32, #tpu.memory_space<vmem>>) offsets(%dma_start3A_255 : memref<112xi32, #tpu.memory_space<vmem>>) semaphore(%arg13 : memref<!tpu.dma_semaphore, #tpu.memory_space<semaphore_mem>>)
      } else {
      }
      %ge3A_134 = arith.constant 16 : i32
      %ge3A_135 = arith.cmpi sge, %sub3A_111, %ge3A_134 : i32
      %convert_element_type3A_136 = arith.extui %ge3A_135 : i1 to i32
      %cond3A_137 = arith.constant 0 : i32
      %cond3A_138 = arith.cmpi ne, %convert_element_type3A_136, %cond3A_137 : i32
      scf.if %cond3A_138 {
        %dma_start3A_251 = arith.constant 0 : i32
        %dma_start3A_252 = tpu.memref_slice %arg4[%add3A_109, %dma_start3A_251] : memref<40962x128xf32, #tpu.memory_space<hbm>> -> memref<16x128xf32, #tpu.memory_space<hbm>>
        %dma_start3A_253 = arith.constant 0 : i32
        %dma_start3A_254 = tpu.memref_slice %arg4[%add3A_109, %dma_start3A_253] : memref<40962x128xf32, #tpu.memory_space<hbm>> -> memref<16x128xf32, #tpu.memory_space<hbm>>
        tpu.enqueue_dma source(%arg11 : memref<16x128xf32, #tpu.memory_space<vmem>>) target(%dma_start3A_254 : memref<16x128xf32, #tpu.memory_space<hbm>>) target_semaphore(%arg17 : memref<!tpu.dma_semaphore, #tpu.memory_space<semaphore_mem>>)
      } else {
      }
      %gt3A_139 = arith.constant 0 : i32
      %gt3A_140 = arith.cmpi sgt, %sub3A_111, %gt3A_139 : i32
      %lt3A_141 = arith.constant 16 : i32
      %lt3A_142 = arith.cmpi slt, %sub3A_111, %lt3A_141 : i32
      %and3A_143 = arith.andi %gt3A_140, %lt3A_142 : i1
      %convert_element_type3A_144 = arith.extui %and3A_143 : i1 to i32
      %cond3A_145 = arith.constant 0 : i32
      %cond3A_146 = arith.cmpi ne, %convert_element_type3A_144, %cond3A_145 : i32
      scf.if %cond3A_146 {
        "tpu.region"() ({
          %run_scoped3A = tpu.sem_alloc : memref<!tpu.dma_semaphore, #tpu.memory_space<semaphore_mem>>
          %dma_start3A_251 = arith.constant 0 : i32
          %dma_start3A_252 = arith.constant 0 : i32
          %dma_start3A_253 = tpu.memref_slice %arg11[%dma_start3A_251, %dma_start3A_252] : memref<16x128xf32, #tpu.memory_space<vmem>> -> memref<2x128xf32, #tpu.memory_space<vmem>>
          %dma_start3A_254 = arith.constant 0 : i32
          %dma_start3A_255 = tpu.memref_slice %arg4[%add3A_109, %dma_start3A_254] : memref<40962x128xf32, #tpu.memory_space<hbm>> -> memref<2x128xf32, #tpu.memory_space<hbm>>
          %dma_start3A_256 = arith.constant 0 : i32
          %dma_start3A_257 = tpu.memref_slice %arg4[%add3A_109, %dma_start3A_256] : memref<40962x128xf32, #tpu.memory_space<hbm>> -> memref<2x128xf32, #tpu.memory_space<hbm>>
          %dma_start3A_258 = arith.constant 0 : i32
          %dma_start3A_259 = arith.constant 0 : i32
          %dma_start3A_260 = tpu.memref_slice %arg11[%dma_start3A_258, %dma_start3A_259] : memref<16x128xf32, #tpu.memory_space<vmem>> -> memref<2x128xf32, #tpu.memory_space<vmem>>
          tpu.enqueue_dma source(%dma_start3A_260 : memref<2x128xf32, #tpu.memory_space<vmem>>) target(%dma_start3A_257 : memref<2x128xf32, #tpu.memory_space<hbm>>) target_semaphore(%run_scoped3A : memref<!tpu.dma_semaphore, #tpu.memory_space<semaphore_mem>>)
          %dma_wait3A_261 = arith.constant 0 : i32
          %dma_wait3A_262 = arith.constant 0 : i32
          %dma_wait3A_263 = tpu.memref_slice %arg11[%dma_wait3A_261, %dma_wait3A_262] : memref<16x128xf32, #tpu.memory_space<vmem>> -> memref<2x128xf32, #tpu.memory_space<vmem>>
          %dma_wait3A_264 = arith.constant 0 : i32
          %dma_wait3A_265 = tpu.memref_slice %arg4[%add3A_109, %dma_wait3A_264] : memref<40962x128xf32, #tpu.memory_space<hbm>> -> memref<2x128xf32, #tpu.memory_space<hbm>>
          %dma_wait3A_266 = arith.constant 0 : i32
          %dma_wait3A_267 = tpu.memref_slice %arg4[%add3A_109, %dma_wait3A_266] : memref<40962x128xf32, #tpu.memory_space<hbm>> -> memref<2x128xf32, #tpu.memory_space<hbm>>
          %dma_wait3A_268 = arith.constant 0 : i32
          %dma_wait3A_269 = arith.constant 0 : i32
          %dma_wait3A_270 = tpu.memref_slice %arg11[%dma_wait3A_268, %dma_wait3A_269] : memref<16x128xf32, #tpu.memory_space<vmem>> -> memref<2x128xf32, #tpu.memory_space<vmem>>
          tpu.wait_dma2 semaphore(%run_scoped3A : memref<!tpu.dma_semaphore, #tpu.memory_space<semaphore_mem>>) src(%dma_wait3A_270 : memref<2x128xf32, #tpu.memory_space<vmem>>) dst(%dma_wait3A_267 : memref<2x128xf32, #tpu.memory_space<hbm>>)
          tpu.yield
        }) : () -> ()
      } else {
      }
      %mul3A_147 = arith.constant 4 : i32
      %mul3A_148 = arith.muli %scan3A_47, %mul3A_147 : i32
      %add3A_149 = arith.constant 2 : i32
      %add3A_150 = arith.addi %mul3A_148, %add3A_149 : i32
      %dma_wait3A_151 = arith.constant 0 : i32
      %dma_wait3A_152 = arith.constant 0 : i32
      %dma_wait3A_153 = tpu.memref_slice %arg2[%dma_wait3A_151, %dma_wait3A_152] : memref<163842x128xf32, #tpu.memory_space<hbm>> -> memref<112x128xf32, #tpu.memory_space<hbm>>
      %dma_wait3A_154 = arith.constant 0 : i32
      %dma_wait3A_155 = arith.constant 0 : i32
      %dma_wait3A_156 = tpu.memref_slice %arg2[%dma_wait3A_154, %dma_wait3A_155] : memref<163842x128xf32, #tpu.memory_space<hbm>> -> memref<112x128xf32, #tpu.memory_space<hbm>>
      tpu.wait_dma2 semaphore(%arg14 : memref<!tpu.dma_semaphore, #tpu.memory_space<semaphore_mem>>) src(%dma_wait3A_156 : memref<112x128xf32, #tpu.memory_space<hbm>>) dst(%arg8 : memref<112x128xf32, #tpu.memory_space<vmem>>)
      %mul3A_157 = arith.constant 1344 : i32
      %mul3A_158 = arith.muli %add3A, %mul3A_157 : i32
      %mul3A_159 = arith.constant 16 : i32
      %mul3A_160 = arith.muli %add3A_150, %mul3A_159 : i32
      %add3A_161 = arith.addi %mul3A_158, %mul3A_160 : i32
      %sub3A_162 = arith.constant 40962 : i32
      %sub3A_163 = arith.subi %sub3A_162, %add3A_161 : i32
      %ge3A_164 = arith.constant 2 : i32
      %ge3A_165 = arith.cmpi sge, %add3A_150, %ge3A_164 : i32
      %sub3A_166 = arith.constant 32 : i32
      %sub3A_167 = arith.subi %add3A_161, %sub3A_166 : i32
      %sub3A_168 = arith.constant 40962 : i32
      %sub3A_169 = arith.subi %sub3A_168, %sub3A_167 : i32
      %ge3A_170 = arith.constant 16 : i32
      %ge3A_171 = arith.cmpi sge, %sub3A_169, %ge3A_170 : i32
      %and3A_172 = arith.andi %ge3A_165, %ge3A_171 : i1
      %convert_element_type3A_173 = arith.extui %and3A_172 : i1 to i32
      %cond3A_174 = arith.constant 0 : i32
      %cond3A_175 = arith.cmpi ne, %convert_element_type3A_173, %cond3A_174 : i32
      scf.if %cond3A_175 {
        %dma_wait3A_251 = arith.constant 0 : i32
        %dma_wait3A_252 = arith.constant 0 : i32
        %dma_wait3A_253 = tpu.memref_slice %arg4[%dma_wait3A_251, %dma_wait3A_252] : memref<40962x128xf32, #tpu.memory_space<hbm>> -> memref<16x128xf32, #tpu.memory_space<hbm>>
        %dma_wait3A_254 = arith.constant 0 : i32
        %dma_wait3A_255 = arith.constant 0 : i32
        %dma_wait3A_256 = tpu.memref_slice %arg4[%dma_wait3A_254, %dma_wait3A_255] : memref<40962x128xf32, #tpu.memory_space<hbm>> -> memref<16x128xf32, #tpu.memory_space<hbm>>
        tpu.wait_dma2 semaphore(%arg16 : memref<!tpu.dma_semaphore, #tpu.memory_space<semaphore_mem>>) src(%arg10 : memref<16x128xf32, #tpu.memory_space<vmem>>) dst(%dma_wait3A_256 : memref<16x128xf32, #tpu.memory_space<hbm>>)
      } else {
      }
      %parallel_loop3A_176 = arith.constant 0 : i32
      %parallel_loop3A_177 = arith.constant 16 : i32
      %parallel_loop3A_178 = arith.constant 1 : i32
      scf.for %parallel_loop3A_251 = %parallel_loop3A_176 to %parallel_loop3A_177 step %parallel_loop3A_178  : i32 {
        %parallel_loop3A_252 = arith.constant 7 : i32
        %parallel_loop3A_253 = arith.muli %parallel_loop3A_251, %parallel_loop3A_252 : i32
        %parallel_loop3A_254 = arith.index_cast %parallel_loop3A_253 : i32 to index
        %parallel_loop3A_255 = arith.constant 0 : index
        %parallel_loop3A_256 = tpu.vector_load %arg8[%parallel_loop3A_254, %parallel_loop3A_255] {strides = array<i32>} : memref<112x128xf32, #tpu.memory_space<vmem>>, vector<1x16xf32>,
        %parallel_loop3A_257 = vector.shape_cast %parallel_loop3A_256 : vector<1x16xf32> to vector<16xf32>
        %parallel_loop3A_258 = arith.constant 1 : i32
        %parallel_loop3A_259 = arith.addi %parallel_loop3A_253, %parallel_loop3A_258 : i32
        %parallel_loop3A_260 = arith.index_cast %parallel_loop3A_259 : i32 to index
        %parallel_loop3A_261 = arith.constant 0 : index
        %parallel_loop3A_262 = tpu.vector_load %arg8[%parallel_loop3A_260, %parallel_loop3A_261] {strides = array<i32>} : memref<112x128xf32, #tpu.memory_space<vmem>>, vector<1x16xf32>,
        %parallel_loop3A_263 = vector.shape_cast %parallel_loop3A_262 : vector<1x16xf32> to vector<16xf32>
        %parallel_loop3A_264 = arith.addf %parallel_loop3A_257, %parallel_loop3A_263 : vector<16xf32>
        %parallel_loop3A_265 = arith.constant 2 : i32
        %parallel_loop3A_266 = arith.addi %parallel_loop3A_253, %parallel_loop3A_265 : i32
        %parallel_loop3A_267 = arith.index_cast %parallel_loop3A_266 : i32 to index
        %parallel_loop3A_268 = arith.constant 0 : index
        %parallel_loop3A_269 = tpu.vector_load %arg8[%parallel_loop3A_267, %parallel_loop3A_268] {strides = array<i32>} : memref<112x128xf32, #tpu.memory_space<vmem>>, vector<1x16xf32>,
        %parallel_loop3A_270 = vector.shape_cast %parallel_loop3A_269 : vector<1x16xf32> to vector<16xf32>
        %parallel_loop3A_271 = arith.addf %parallel_loop3A_264, %parallel_loop3A_270 : vector<16xf32>
        %parallel_loop3A_272 = arith.constant 3 : i32
        %parallel_loop3A_273 = arith.addi %parallel_loop3A_253, %parallel_loop3A_272 : i32
        %parallel_loop3A_274 = arith.index_cast %parallel_loop3A_273 : i32 to index
        %parallel_loop3A_275 = arith.constant 0 : index
        %parallel_loop3A_276 = tpu.vector_load %arg8[%parallel_loop3A_274, %parallel_loop3A_275] {strides = array<i32>} : memref<112x128xf32, #tpu.memory_space<vmem>>, vector<1x16xf32>,
        %parallel_loop3A_277 = vector.shape_cast %parallel_loop3A_276 : vector<1x16xf32> to vector<16xf32>
        %parallel_loop3A_278 = arith.addf %parallel_loop3A_271, %parallel_loop3A_277 : vector<16xf32>
        %parallel_loop3A_279 = arith.constant 4 : i32
        %parallel_loop3A_280 = arith.addi %parallel_loop3A_253, %parallel_loop3A_279 : i32
        %parallel_loop3A_281 = arith.index_cast %parallel_loop3A_280 : i32 to index
        %parallel_loop3A_282 = arith.constant 0 : index
        %parallel_loop3A_283 = tpu.vector_load %arg8[%parallel_loop3A_281, %parallel_loop3A_282] {strides = array<i32>} : memref<112x128xf32, #tpu.memory_space<vmem>>, vector<1x16xf32>,
        %parallel_loop3A_284 = vector.shape_cast %parallel_loop3A_283 : vector<1x16xf32> to vector<16xf32>
        %parallel_loop3A_285 = arith.addf %parallel_loop3A_278, %parallel_loop3A_284 : vector<16xf32>
        %parallel_loop3A_286 = arith.constant 5 : i32
        %parallel_loop3A_287 = arith.addi %parallel_loop3A_253, %parallel_loop3A_286 : i32
        %parallel_loop3A_288 = arith.index_cast %parallel_loop3A_287 : i32 to index
        %parallel_loop3A_289 = arith.constant 0 : index
        %parallel_loop3A_290 = tpu.vector_load %arg8[%parallel_loop3A_288, %parallel_loop3A_289] {strides = array<i32>} : memref<112x128xf32, #tpu.memory_space<vmem>>, vector<1x16xf32>,
        %parallel_loop3A_291 = vector.shape_cast %parallel_loop3A_290 : vector<1x16xf32> to vector<16xf32>
        %parallel_loop3A_292 = arith.addf %parallel_loop3A_285, %parallel_loop3A_291 : vector<16xf32>
        %parallel_loop3A_293 = arith.constant 6 : i32
        %parallel_loop3A_294 = arith.addi %parallel_loop3A_253, %parallel_loop3A_293 : i32
        %parallel_loop3A_295 = arith.index_cast %parallel_loop3A_294 : i32 to index
        %parallel_loop3A_296 = arith.constant 0 : index
        %parallel_loop3A_297 = tpu.vector_load %arg8[%parallel_loop3A_295, %parallel_loop3A_296] {strides = array<i32>} : memref<112x128xf32, #tpu.memory_space<vmem>>, vector<1x16xf32>,
        %parallel_loop3A_298 = vector.shape_cast %parallel_loop3A_297 : vector<1x16xf32> to vector<16xf32>
        %parallel_loop3A_299 = arith.addf %parallel_loop3A_292, %parallel_loop3A_298 : vector<16xf32>
        %parallel_loop3A_300 = arith.constant 0.142857149 : f32
        %parallel_loop3A_301 = vector.broadcast %parallel_loop3A_300 : f32 to vector<16xf32>
        %parallel_loop3A_302 = arith.mulf %parallel_loop3A_299, %parallel_loop3A_301 : vector<16xf32>
        %parallel_loop3A_303 = arith.index_cast %parallel_loop3A_251 : i32 to index
        %parallel_loop3A_304 = arith.constant 0 : index
        %parallel_loop3A_305 = tpu.vector_load %arg10[%parallel_loop3A_303, %parallel_loop3A_304] {strides = array<i32>} : memref<16x128xf32, #tpu.memory_space<vmem>>, vector<1x16xf32>,
        %parallel_loop3A_306 = vector.shape_cast %parallel_loop3A_305 : vector<1x16xf32> to vector<16xf32>
        %parallel_loop3A_307 = vector.shape_cast %parallel_loop3A_302 : vector<16xf32> to vector<1x16xf32>
        tpu.vector_store %arg10[%parallel_loop3A_303, %parallel_loop3A_304], %parallel_loop3A_307 {strides = array<i32>} : memref<16x128xf32, #tpu.memory_space<vmem>>, vector<1x16xf32>,
        %parallel_loop3A_308 = arith.index_cast %parallel_loop3A_253 : i32 to index
        %parallel_loop3A_309 = arith.constant 16 : index
        %parallel_loop3A_310 = tpu.vector_load %arg8[%parallel_loop3A_308, %parallel_loop3A_309] {strides = array<i32>} : memref<112x128xf32, #tpu.memory_space<vmem>>, vector<1x16xf32>,
        %parallel_loop3A_311 = vector.shape_cast %parallel_loop3A_310 : vector<1x16xf32> to vector<16xf32>
        %parallel_loop3A_312 = arith.constant 1 : i32
        %parallel_loop3A_313 = arith.addi %parallel_loop3A_253, %parallel_loop3A_312 : i32
        %parallel_loop3A_314 = arith.index_cast %parallel_loop3A_313 : i32 to index
        %parallel_loop3A_315 = arith.constant 16 : index
        %parallel_loop3A_316 = tpu.vector_load %arg8[%parallel_loop3A_314, %parallel_loop3A_315] {strides = array<i32>} : memref<112x128xf32, #tpu.memory_space<vmem>>, vector<1x16xf32>,
        %parallel_loop3A_317 = vector.shape_cast %parallel_loop3A_316 : vector<1x16xf32> to vector<16xf32>
        %parallel_loop3A_318 = arith.addf %parallel_loop3A_311, %parallel_loop3A_317 : vector<16xf32>
        %parallel_loop3A_319 = arith.constant 2 : i32
        %parallel_loop3A_320 = arith.addi %parallel_loop3A_253, %parallel_loop3A_319 : i32
        %parallel_loop3A_321 = arith.index_cast %parallel_loop3A_320 : i32 to index
        %parallel_loop3A_322 = arith.constant 16 : index
        %parallel_loop3A_323 = tpu.vector_load %arg8[%parallel_loop3A_321, %parallel_loop3A_322] {strides = array<i32>} : memref<112x128xf32, #tpu.memory_space<vmem>>, vector<1x16xf32>,
        %parallel_loop3A_324 = vector.shape_cast %parallel_loop3A_323 : vector<1x16xf32> to vector<16xf32>
        %parallel_loop3A_325 = arith.addf %parallel_loop3A_318, %parallel_loop3A_324 : vector<16xf32>
        %parallel_loop3A_326 = arith.constant 3 : i32
        %parallel_loop3A_327 = arith.addi %parallel_loop3A_253, %parallel_loop3A_326 : i32
        %parallel_loop3A_328 = arith.index_cast %parallel_loop3A_327 : i32 to index
        %parallel_loop3A_329 = arith.constant 16 : index
        %parallel_loop3A_330 = tpu.vector_load %arg8[%parallel_loop3A_328, %parallel_loop3A_329] {strides = array<i32>} : memref<112x128xf32, #tpu.memory_space<vmem>>, vector<1x16xf32>,
        %parallel_loop3A_331 = vector.shape_cast %parallel_loop3A_330 : vector<1x16xf32> to vector<16xf32>
        %parallel_loop3A_332 = arith.addf %parallel_loop3A_325, %parallel_loop3A_331 : vector<16xf32>
        %parallel_loop3A_333 = arith.constant 4 : i32
        %parallel_loop3A_334 = arith.addi %parallel_loop3A_253, %parallel_loop3A_333 : i32
        %parallel_loop3A_335 = arith.index_cast %parallel_loop3A_334 : i32 to index
        %parallel_loop3A_336 = arith.constant 16 : index
        %parallel_loop3A_337 = tpu.vector_load %arg8[%parallel_loop3A_335, %parallel_loop3A_336] {strides = array<i32>} : memref<112x128xf32, #tpu.memory_space<vmem>>, vector<1x16xf32>,
        %parallel_loop3A_338 = vector.shape_cast %parallel_loop3A_337 : vector<1x16xf32> to vector<16xf32>
        %parallel_loop3A_339 = arith.addf %parallel_loop3A_332, %parallel_loop3A_338 : vector<16xf32>
        %parallel_loop3A_340 = arith.constant 5 : i32
        %parallel_loop3A_341 = arith.addi %parallel_loop3A_253, %parallel_loop3A_340 : i32
        %parallel_loop3A_342 = arith.index_cast %parallel_loop3A_341 : i32 to index
        %parallel_loop3A_343 = arith.constant 16 : index
        %parallel_loop3A_344 = tpu.vector_load %arg8[%parallel_loop3A_342, %parallel_loop3A_343] {strides = array<i32>} : memref<112x128xf32, #tpu.memory_space<vmem>>, vector<1x16xf32>,
        %parallel_loop3A_345 = vector.shape_cast %parallel_loop3A_344 : vector<1x16xf32> to vector<16xf32>
        %parallel_loop3A_346 = arith.addf %parallel_loop3A_339, %parallel_loop3A_345 : vector<16xf32>
        %parallel_loop3A_347 = arith.constant 6 : i32
        %parallel_loop3A_348 = arith.addi %parallel_loop3A_253, %parallel_loop3A_347 : i32
        %parallel_loop3A_349 = arith.index_cast %parallel_loop3A_348 : i32 to index
        %parallel_loop3A_350 = arith.constant 16 : index
        %parallel_loop3A_351 = tpu.vector_load %arg8[%parallel_loop3A_349, %parallel_loop3A_350] {strides = array<i32>} : memref<112x128xf32, #tpu.memory_space<vmem>>, vector<1x16xf32>,
        %parallel_loop3A_352 = vector.shape_cast %parallel_loop3A_351 : vector<1x16xf32> to vector<16xf32>
        %parallel_loop3A_353 = arith.addf %parallel_loop3A_346, %parallel_loop3A_352 : vector<16xf32>
        %parallel_loop3A_354 = arith.constant 0.142857149 : f32
        %parallel_loop3A_355 = vector.broadcast %parallel_loop3A_354 : f32 to vector<16xf32>
        %parallel_loop3A_356 = arith.mulf %parallel_loop3A_353, %parallel_loop3A_355 : vector<16xf32>
        %parallel_loop3A_357 = arith.index_cast %parallel_loop3A_251 : i32 to index
        %parallel_loop3A_358 = arith.constant 16 : index
        %parallel_loop3A_359 = tpu.vector_load %arg10[%parallel_loop3A_357, %parallel_loop3A_358] {strides = array<i32>} : memref<16x128xf32, #tpu.memory_space<vmem>>, vector<1x16xf32>,
        %parallel_loop3A_360 = vector.shape_cast %parallel_loop3A_359 : vector<1x16xf32> to vector<16xf32>
        %parallel_loop3A_361 = vector.shape_cast %parallel_loop3A_356 : vector<16xf32> to vector<1x16xf32>
        tpu.vector_store %arg10[%parallel_loop3A_357, %parallel_loop3A_358], %parallel_loop3A_361 {strides = array<i32>} : memref<16x128xf32, #tpu.memory_space<vmem>>, vector<1x16xf32>,
        %parallel_loop3A_362 = arith.index_cast %parallel_loop3A_253 : i32 to index
        %parallel_loop3A_363 = arith.constant 32 : index
        %parallel_loop3A_364 = tpu.vector_load %arg8[%parallel_loop3A_362, %parallel_loop3A_363] {strides = array<i32>} : memref<112x128xf32, #tpu.memory_space<vmem>>, vector<1x16xf32>,
        %parallel_loop3A_365 = vector.shape_cast %parallel_loop3A_364 : vector<1x16xf32> to vector<16xf32>
        %parallel_loop3A_366 = arith.constant 1 : i32
        %parallel_loop3A_367 = arith.addi %parallel_loop3A_253, %parallel_loop3A_366 : i32
        %parallel_loop3A_368 = arith.index_cast %parallel_loop3A_367 : i32 to index
        %parallel_loop3A_369 = arith.constant 32 : index
        %parallel_loop3A_370 = tpu.vector_load %arg8[%parallel_loop3A_368, %parallel_loop3A_369] {strides = array<i32>} : memref<112x128xf32, #tpu.memory_space<vmem>>, vector<1x16xf32>,
        %parallel_loop3A_371 = vector.shape_cast %parallel_loop3A_370 : vector<1x16xf32> to vector<16xf32>
        %parallel_loop3A_372 = arith.addf %parallel_loop3A_365, %parallel_loop3A_371 : vector<16xf32>
        %parallel_loop3A_373 = arith.constant 2 : i32
        %parallel_loop3A_374 = arith.addi %parallel_loop3A_253, %parallel_loop3A_373 : i32
        %parallel_loop3A_375 = arith.index_cast %parallel_loop3A_374 : i32 to index
        %parallel_loop3A_376 = arith.constant 32 : index
        %parallel_loop3A_377 = tpu.vector_load %arg8[%parallel_loop3A_375, %parallel_loop3A_376] {strides = array<i32>} : memref<112x128xf32, #tpu.memory_space<vmem>>, vector<1x16xf32>,
        %parallel_loop3A_378 = vector.shape_cast %parallel_loop3A_377 : vector<1x16xf32> to vector<16xf32>
        %parallel_loop3A_379 = arith.addf %parallel_loop3A_372, %parallel_loop3A_378 : vector<16xf32>
        %parallel_loop3A_380 = arith.constant 3 : i32
        %parallel_loop3A_381 = arith.addi %parallel_loop3A_253, %parallel_loop3A_380 : i32
        %parallel_loop3A_382 = arith.index_cast %parallel_loop3A_381 : i32 to index
        %parallel_loop3A_383 = arith.constant 32 : index
        %parallel_loop3A_384 = tpu.vector_load %arg8[%parallel_loop3A_382, %parallel_loop3A_383] {strides = array<i32>} : memref<112x128xf32, #tpu.memory_space<vmem>>, vector<1x16xf32>,
        %parallel_loop3A_385 = vector.shape_cast %parallel_loop3A_384 : vector<1x16xf32> to vector<16xf32>
        %parallel_loop3A_386 = arith.addf %parallel_loop3A_379, %parallel_loop3A_385 : vector<16xf32>
        %parallel_loop3A_387 = arith.constant 4 : i32
        %parallel_loop3A_388 = arith.addi %parallel_loop3A_253, %parallel_loop3A_387 : i32
        %parallel_loop3A_389 = arith.index_cast %parallel_loop3A_388 : i32 to index
        %parallel_loop3A_390 = arith.constant 32 : index
        %parallel_loop3A_391 = tpu.vector_load %arg8[%parallel_loop3A_389, %parallel_loop3A_390] {strides = array<i32>} : memref<112x128xf32, #tpu.memory_space<vmem>>, vector<1x16xf32>,
        %parallel_loop3A_392 = vector.shape_cast %parallel_loop3A_391 : vector<1x16xf32> to vector<16xf32>
        %parallel_loop3A_393 = arith.addf %parallel_loop3A_386, %parallel_loop3A_392 : vector<16xf32>
        %parallel_loop3A_394 = arith.constant 5 : i32
        %parallel_loop3A_395 = arith.addi %parallel_loop3A_253, %parallel_loop3A_394 : i32
        %parallel_loop3A_396 = arith.index_cast %parallel_loop3A_395 : i32 to index
        %parallel_loop3A_397 = arith.constant 32 : index
        %parallel_loop3A_398 = tpu.vector_load %arg8[%parallel_loop3A_396, %parallel_loop3A_397] {strides = array<i32>} : memref<112x128xf32, #tpu.memory_space<vmem>>, vector<1x16xf32>,
        %parallel_loop3A_399 = vector.shape_cast %parallel_loop3A_398 : vector<1x16xf32> to vector<16xf32>
        %parallel_loop3A_400 = arith.addf %parallel_loop3A_393, %parallel_loop3A_399 : vector<16xf32>
        %parallel_loop3A_401 = arith.constant 6 : i32
        %parallel_loop3A_402 = arith.addi %parallel_loop3A_253, %parallel_loop3A_401 : i32
        %parallel_loop3A_403 = arith.index_cast %parallel_loop3A_402 : i32 to index
        %parallel_loop3A_404 = arith.constant 32 : index
        %parallel_loop3A_405 = tpu.vector_load %arg8[%parallel_loop3A_403, %parallel_loop3A_404] {strides = array<i32>} : memref<112x128xf32, #tpu.memory_space<vmem>>, vector<1x16xf32>,
        %parallel_loop3A_406 = vector.shape_cast %parallel_loop3A_405 : vector<1x16xf32> to vector<16xf32>
        %parallel_loop3A_407 = arith.addf %parallel_loop3A_400, %parallel_loop3A_406 : vector<16xf32>
        %parallel_loop3A_408 = arith.constant 0.142857149 : f32
        %parallel_loop3A_409 = vector.broadcast %parallel_loop3A_408 : f32 to vector<16xf32>
        %parallel_loop3A_410 = arith.mulf %parallel_loop3A_407, %parallel_loop3A_409 : vector<16xf32>
        %parallel_loop3A_411 = arith.index_cast %parallel_loop3A_251 : i32 to index
        %parallel_loop3A_412 = arith.constant 32 : index
        %parallel_loop3A_413 = tpu.vector_load %arg10[%parallel_loop3A_411, %parallel_loop3A_412] {strides = array<i32>} : memref<16x128xf32, #tpu.memory_space<vmem>>, vector<1x16xf32>,
        %parallel_loop3A_414 = vector.shape_cast %parallel_loop3A_413 : vector<1x16xf32> to vector<16xf32>
        %parallel_loop3A_415 = vector.shape_cast %parallel_loop3A_410 : vector<16xf32> to vector<1x16xf32>
        tpu.vector_store %arg10[%parallel_loop3A_411, %parallel_loop3A_412], %parallel_loop3A_415 {strides = array<i32>} : memref<16x128xf32, #tpu.memory_space<vmem>>, vector<1x16xf32>,
        %parallel_loop3A_416 = arith.index_cast %parallel_loop3A_253 : i32 to index
        %parallel_loop3A_417 = arith.constant 48 : index
        %parallel_loop3A_418 = tpu.vector_load %arg8[%parallel_loop3A_416, %parallel_loop3A_417] {strides = array<i32>} : memref<112x128xf32, #tpu.memory_space<vmem>>, vector<1x16xf32>,
        %parallel_loop3A_419 = vector.shape_cast %parallel_loop3A_418 : vector<1x16xf32> to vector<16xf32>
        %parallel_loop3A_420 = arith.constant 1 : i32
        %parallel_loop3A_421 = arith.addi %parallel_loop3A_253, %parallel_loop3A_420 : i32
        %parallel_loop3A_422 = arith.index_cast %parallel_loop3A_421 : i32 to index
        %parallel_loop3A_423 = arith.constant 48 : index
        %parallel_loop3A_424 = tpu.vector_load %arg8[%parallel_loop3A_422, %parallel_loop3A_423] {strides = array<i32>} : memref<112x128xf32, #tpu.memory_space<vmem>>, vector<1x16xf32>,
        %parallel_loop3A_425 = vector.shape_cast %parallel_loop3A_424 : vector<1x16xf32> to vector<16xf32>
        %parallel_loop3A_426 = arith.addf %parallel_loop3A_419, %parallel_loop3A_425 : vector<16xf32>
        %parallel_loop3A_427 = arith.constant 2 : i32
        %parallel_loop3A_428 = arith.addi %parallel_loop3A_253, %parallel_loop3A_427 : i32
        %parallel_loop3A_429 = arith.index_cast %parallel_loop3A_428 : i32 to index
        %parallel_loop3A_430 = arith.constant 48 : index
        %parallel_loop3A_431 = tpu.vector_load %arg8[%parallel_loop3A_429, %parallel_loop3A_430] {strides = array<i32>} : memref<112x128xf32, #tpu.memory_space<vmem>>, vector<1x16xf32>,
        %parallel_loop3A_432 = vector.shape_cast %parallel_loop3A_431 : vector<1x16xf32> to vector<16xf32>
        %parallel_loop3A_433 = arith.addf %parallel_loop3A_426, %parallel_loop3A_432 : vector<16xf32>
        %parallel_loop3A_434 = arith.constant 3 : i32
        %parallel_loop3A_435 = arith.addi %parallel_loop3A_253, %parallel_loop3A_434 : i32
        %parallel_loop3A_436 = arith.index_cast %parallel_loop3A_435 : i32 to index
        %parallel_loop3A_437 = arith.constant 48 : index
        %parallel_loop3A_438 = tpu.vector_load %arg8[%parallel_loop3A_436, %parallel_loop3A_437] {strides = array<i32>} : memref<112x128xf32, #tpu.memory_space<vmem>>, vector<1x16xf32>,
        %parallel_loop3A_439 = vector.shape_cast %parallel_loop3A_438 : vector<1x16xf32> to vector<16xf32>
        %parallel_loop3A_440 = arith.addf %parallel_loop3A_433, %parallel_loop3A_439 : vector<16xf32>
        %parallel_loop3A_441 = arith.constant 4 : i32
        %parallel_loop3A_442 = arith.addi %parallel_loop3A_253, %parallel_loop3A_441 : i32
        %parallel_loop3A_443 = arith.index_cast %parallel_loop3A_442 : i32 to index
        %parallel_loop3A_444 = arith.constant 48 : index
        %parallel_loop3A_445 = tpu.vector_load %arg8[%parallel_loop3A_443, %parallel_loop3A_444] {strides = array<i32>} : memref<112x128xf32, #tpu.memory_space<vmem>>, vector<1x16xf32>,
        %parallel_loop3A_446 = vector.shape_cast %parallel_loop3A_445 : vector<1x16xf32> to vector<16xf32>
        %parallel_loop3A_447 = arith.addf %parallel_loop3A_440, %parallel_loop3A_446 : vector<16xf32>
        %parallel_loop3A_448 = arith.constant 5 : i32
        %parallel_loop3A_449 = arith.addi %parallel_loop3A_253, %parallel_loop3A_448 : i32
        %parallel_loop3A_450 = arith.index_cast %parallel_loop3A_449 : i32 to index
        %parallel_loop3A_451 = arith.constant 48 : index
        %parallel_loop3A_452 = tpu.vector_load %arg8[%parallel_loop3A_450, %parallel_loop3A_451] {strides = array<i32>} : memref<112x128xf32, #tpu.memory_space<vmem>>, vector<1x16xf32>,
        %parallel_loop3A_453 = vector.shape_cast %parallel_loop3A_452 : vector<1x16xf32> to vector<16xf32>
        %parallel_loop3A_454 = arith.addf %parallel_loop3A_447, %parallel_loop3A_453 : vector<16xf32>
        %parallel_loop3A_455 = arith.constant 6 : i32
        %parallel_loop3A_456 = arith.addi %parallel_loop3A_253, %parallel_loop3A_455 : i32
        %parallel_loop3A_457 = arith.index_cast %parallel_loop3A_456 : i32 to index
        %parallel_loop3A_458 = arith.constant 48 : index
        %parallel_loop3A_459 = tpu.vector_load %arg8[%parallel_loop3A_457, %parallel_loop3A_458] {strides = array<i32>} : memref<112x128xf32, #tpu.memory_space<vmem>>, vector<1x16xf32>,
        %parallel_loop3A_460 = vector.shape_cast %parallel_loop3A_459 : vector<1x16xf32> to vector<16xf32>
        %parallel_loop3A_461 = arith.addf %parallel_loop3A_454, %parallel_loop3A_460 : vector<16xf32>
        %parallel_loop3A_462 = arith.constant 0.142857149 : f32
        %parallel_loop3A_463 = vector.broadcast %parallel_loop3A_462 : f32 to vector<16xf32>
        %parallel_loop3A_464 = arith.mulf %parallel_loop3A_461, %parallel_loop3A_463 : vector<16xf32>
        %parallel_loop3A_465 = arith.index_cast %parallel_loop3A_251 : i32 to index
        %parallel_loop3A_466 = arith.constant 48 : index
        %parallel_loop3A_467 = tpu.vector_load %arg10[%parallel_loop3A_465, %parallel_loop3A_466] {strides = array<i32>} : memref<16x128xf32, #tpu.memory_space<vmem>>, vector<1x16xf32>,
        %parallel_loop3A_468 = vector.shape_cast %parallel_loop3A_467 : vector<1x16xf32> to vector<16xf32>
        %parallel_loop3A_469 = vector.shape_cast %parallel_loop3A_464 : vector<16xf32> to vector<1x16xf32>
        tpu.vector_store %arg10[%parallel_loop3A_465, %parallel_loop3A_466], %parallel_loop3A_469 {strides = array<i32>} : memref<16x128xf32, #tpu.memory_space<vmem>>, vector<1x16xf32>,
        %parallel_loop3A_470 = arith.index_cast %parallel_loop3A_253 : i32 to index
        %parallel_loop3A_471 = arith.constant 64 : index
        %parallel_loop3A_472 = tpu.vector_load %arg8[%parallel_loop3A_470, %parallel_loop3A_471] {strides = array<i32>} : memref<112x128xf32, #tpu.memory_space<vmem>>, vector<1x16xf32>,
        %parallel_loop3A_473 = vector.shape_cast %parallel_loop3A_472 : vector<1x16xf32> to vector<16xf32>
        %parallel_loop3A_474 = arith.constant 1 : i32
        %parallel_loop3A_475 = arith.addi %parallel_loop3A_253, %parallel_loop3A_474 : i32
        %parallel_loop3A_476 = arith.index_cast %parallel_loop3A_475 : i32 to index
        %parallel_loop3A_477 = arith.constant 64 : index
        %parallel_loop3A_478 = tpu.vector_load %arg8[%parallel_loop3A_476, %parallel_loop3A_477] {strides = array<i32>} : memref<112x128xf32, #tpu.memory_space<vmem>>, vector<1x16xf32>,
        %parallel_loop3A_479 = vector.shape_cast %parallel_loop3A_478 : vector<1x16xf32> to vector<16xf32>
        %parallel_loop3A_480 = arith.addf %parallel_loop3A_473, %parallel_loop3A_479 : vector<16xf32>
        %parallel_loop3A_481 = arith.constant 2 : i32
        %parallel_loop3A_482 = arith.addi %parallel_loop3A_253, %parallel_loop3A_481 : i32
        %parallel_loop3A_483 = arith.index_cast %parallel_loop3A_482 : i32 to index
        %parallel_loop3A_484 = arith.constant 64 : index
        %parallel_loop3A_485 = tpu.vector_load %arg8[%parallel_loop3A_483, %parallel_loop3A_484] {strides = array<i32>} : memref<112x128xf32, #tpu.memory_space<vmem>>, vector<1x16xf32>,
        %parallel_loop3A_486 = vector.shape_cast %parallel_loop3A_485 : vector<1x16xf32> to vector<16xf32>
        %parallel_loop3A_487 = arith.addf %parallel_loop3A_480, %parallel_loop3A_486 : vector<16xf32>
        %parallel_loop3A_488 = arith.constant 3 : i32
        %parallel_loop3A_489 = arith.addi %parallel_loop3A_253, %parallel_loop3A_488 : i32
        %parallel_loop3A_490 = arith.index_cast %parallel_loop3A_489 : i32 to index
        %parallel_loop3A_491 = arith.constant 64 : index
        %parallel_loop3A_492 = tpu.vector_load %arg8[%parallel_loop3A_490, %parallel_loop3A_491] {strides = array<i32>} : memref<112x128xf32, #tpu.memory_space<vmem>>, vector<1x16xf32>,
        %parallel_loop3A_493 = vector.shape_cast %parallel_loop3A_492 : vector<1x16xf32> to vector<16xf32>
        %parallel_loop3A_494 = arith.addf %parallel_loop3A_487, %parallel_loop3A_493 : vector<16xf32>
        %parallel_loop3A_495 = arith.constant 4 : i32
        %parallel_loop3A_496 = arith.addi %parallel_loop3A_253, %parallel_loop3A_495 : i32
        %parallel_loop3A_497 = arith.index_cast %parallel_loop3A_496 : i32 to index
        %parallel_loop3A_498 = arith.constant 64 : index
        %parallel_loop3A_499 = tpu.vector_load %arg8[%parallel_loop3A_497, %parallel_loop3A_498] {strides = array<i32>} : memref<112x128xf32, #tpu.memory_space<vmem>>, vector<1x16xf32>,
        %parallel_loop3A_500 = vector.shape_cast %parallel_loop3A_499 : vector<1x16xf32> to vector<16xf32>
        %parallel_loop3A_501 = arith.addf %parallel_loop3A_494, %parallel_loop3A_500 : vector<16xf32>
        %parallel_loop3A_502 = arith.constant 5 : i32
        %parallel_loop3A_503 = arith.addi %parallel_loop3A_253, %parallel_loop3A_502 : i32
        %parallel_loop3A_504 = arith.index_cast %parallel_loop3A_503 : i32 to index
        %parallel_loop3A_505 = arith.constant 64 : index
        %parallel_loop3A_506 = tpu.vector_load %arg8[%parallel_loop3A_504, %parallel_loop3A_505] {strides = array<i32>} : memref<112x128xf32, #tpu.memory_space<vmem>>, vector<1x16xf32>,
        %parallel_loop3A_507 = vector.shape_cast %parallel_loop3A_506 : vector<1x16xf32> to vector<16xf32>
        %parallel_loop3A_508 = arith.addf %parallel_loop3A_501, %parallel_loop3A_507 : vector<16xf32>
        %parallel_loop3A_509 = arith.constant 6 : i32
        %parallel_loop3A_510 = arith.addi %parallel_loop3A_253, %parallel_loop3A_509 : i32
        %parallel_loop3A_511 = arith.index_cast %parallel_loop3A_510 : i32 to index
        %parallel_loop3A_512 = arith.constant 64 : index
        %parallel_loop3A_513 = tpu.vector_load %arg8[%parallel_loop3A_511, %parallel_loop3A_512] {strides = array<i32>} : memref<112x128xf32, #tpu.memory_space<vmem>>, vector<1x16xf32>,
        %parallel_loop3A_514 = vector.shape_cast %parallel_loop3A_513 : vector<1x16xf32> to vector<16xf32>
        %parallel_loop3A_515 = arith.addf %parallel_loop3A_508, %parallel_loop3A_514 : vector<16xf32>
        %parallel_loop3A_516 = arith.constant 0.142857149 : f32
        %parallel_loop3A_517 = vector.broadcast %parallel_loop3A_516 : f32 to vector<16xf32>
        %parallel_loop3A_518 = arith.mulf %parallel_loop3A_515, %parallel_loop3A_517 : vector<16xf32>
        %parallel_loop3A_519 = arith.index_cast %parallel_loop3A_251 : i32 to index
        %parallel_loop3A_520 = arith.constant 64 : index
        %parallel_loop3A_521 = tpu.vector_load %arg10[%parallel_loop3A_519, %parallel_loop3A_520] {strides = array<i32>} : memref<16x128xf32, #tpu.memory_space<vmem>>, vector<1x16xf32>,
        %parallel_loop3A_522 = vector.shape_cast %parallel_loop3A_521 : vector<1x16xf32> to vector<16xf32>
        %parallel_loop3A_523 = vector.shape_cast %parallel_loop3A_518 : vector<16xf32> to vector<1x16xf32>
        tpu.vector_store %arg10[%parallel_loop3A_519, %parallel_loop3A_520], %parallel_loop3A_523 {strides = array<i32>} : memref<16x128xf32, #tpu.memory_space<vmem>>, vector<1x16xf32>,
        %parallel_loop3A_524 = arith.index_cast %parallel_loop3A_253 : i32 to index
        %parallel_loop3A_525 = arith.constant 80 : index
        %parallel_loop3A_526 = tpu.vector_load %arg8[%parallel_loop3A_524, %parallel_loop3A_525] {strides = array<i32>} : memref<112x128xf32, #tpu.memory_space<vmem>>, vector<1x16xf32>,
        %parallel_loop3A_527 = vector.shape_cast %parallel_loop3A_526 : vector<1x16xf32> to vector<16xf32>
        %parallel_loop3A_528 = arith.constant 1 : i32
        %parallel_loop3A_529 = arith.addi %parallel_loop3A_253, %parallel_loop3A_528 : i32
        %parallel_loop3A_530 = arith.index_cast %parallel_loop3A_529 : i32 to index
        %parallel_loop3A_531 = arith.constant 80 : index
        %parallel_loop3A_532 = tpu.vector_load %arg8[%parallel_loop3A_530, %parallel_loop3A_531] {strides = array<i32>} : memref<112x128xf32, #tpu.memory_space<vmem>>, vector<1x16xf32>,
        %parallel_loop3A_533 = vector.shape_cast %parallel_loop3A_532 : vector<1x16xf32> to vector<16xf32>
        %parallel_loop3A_534 = arith.addf %parallel_loop3A_527, %parallel_loop3A_533 : vector<16xf32>
        %parallel_loop3A_535 = arith.constant 2 : i32
        %parallel_loop3A_536 = arith.addi %parallel_loop3A_253, %parallel_loop3A_535 : i32
        %parallel_loop3A_537 = arith.index_cast %parallel_loop3A_536 : i32 to index
        %parallel_loop3A_538 = arith.constant 80 : index
        %parallel_loop3A_539 = tpu.vector_load %arg8[%parallel_loop3A_537, %parallel_loop3A_538] {strides = array<i32>} : memref<112x128xf32, #tpu.memory_space<vmem>>, vector<1x16xf32>,
        %parallel_loop3A_540 = vector.shape_cast %parallel_loop3A_539 : vector<1x16xf32> to vector<16xf32>
        %parallel_loop3A_541 = arith.addf %parallel_loop3A_534, %parallel_loop3A_540 : vector<16xf32>
        %parallel_loop3A_542 = arith.constant 3 : i32
        %parallel_loop3A_543 = arith.addi %parallel_loop3A_253, %parallel_loop3A_542 : i32
        %parallel_loop3A_544 = arith.index_cast %parallel_loop3A_543 : i32 to index
        %parallel_loop3A_545 = arith.constant 80 : index
        %parallel_loop3A_546 = tpu.vector_load %arg8[%parallel_loop3A_544, %parallel_loop3A_545] {strides = array<i32>} : memref<112x128xf32, #tpu.memory_space<vmem>>, vector<1x16xf32>,
        %parallel_loop3A_547 = vector.shape_cast %parallel_loop3A_546 : vector<1x16xf32> to vector<16xf32>
        %parallel_loop3A_548 = arith.addf %parallel_loop3A_541, %parallel_loop3A_547 : vector<16xf32>
        %parallel_loop3A_549 = arith.constant 4 : i32
        %parallel_loop3A_550 = arith.addi %parallel_loop3A_253, %parallel_loop3A_549 : i32
        %parallel_loop3A_551 = arith.index_cast %parallel_loop3A_550 : i32 to index
        %parallel_loop3A_552 = arith.constant 80 : index
        %parallel_loop3A_553 = tpu.vector_load %arg8[%parallel_loop3A_551, %parallel_loop3A_552] {strides = array<i32>} : memref<112x128xf32, #tpu.memory_space<vmem>>, vector<1x16xf32>,
        %parallel_loop3A_554 = vector.shape_cast %parallel_loop3A_553 : vector<1x16xf32> to vector<16xf32>
        %parallel_loop3A_555 = arith.addf %parallel_loop3A_548, %parallel_loop3A_554 : vector<16xf32>
        %parallel_loop3A_556 = arith.constant 5 : i32
        %parallel_loop3A_557 = arith.addi %parallel_loop3A_253, %parallel_loop3A_556 : i32
        %parallel_loop3A_558 = arith.index_cast %parallel_loop3A_557 : i32 to index
        %parallel_loop3A_559 = arith.constant 80 : index
        %parallel_loop3A_560 = tpu.vector_load %arg8[%parallel_loop3A_558, %parallel_loop3A_559] {strides = array<i32>} : memref<112x128xf32, #tpu.memory_space<vmem>>, vector<1x16xf32>,
        %parallel_loop3A_561 = vector.shape_cast %parallel_loop3A_560 : vector<1x16xf32> to vector<16xf32>
        %parallel_loop3A_562 = arith.addf %parallel_loop3A_555, %parallel_loop3A_561 : vector<16xf32>
        %parallel_loop3A_563 = arith.constant 6 : i32
        %parallel_loop3A_564 = arith.addi %parallel_loop3A_253, %parallel_loop3A_563 : i32
        %parallel_loop3A_565 = arith.index_cast %parallel_loop3A_564 : i32 to index
        %parallel_loop3A_566 = arith.constant 80 : index
        %parallel_loop3A_567 = tpu.vector_load %arg8[%parallel_loop3A_565, %parallel_loop3A_566] {strides = array<i32>} : memref<112x128xf32, #tpu.memory_space<vmem>>, vector<1x16xf32>,
        %parallel_loop3A_568 = vector.shape_cast %parallel_loop3A_567 : vector<1x16xf32> to vector<16xf32>
        %parallel_loop3A_569 = arith.addf %parallel_loop3A_562, %parallel_loop3A_568 : vector<16xf32>
        %parallel_loop3A_570 = arith.constant 0.142857149 : f32
        %parallel_loop3A_571 = vector.broadcast %parallel_loop3A_570 : f32 to vector<16xf32>
        %parallel_loop3A_572 = arith.mulf %parallel_loop3A_569, %parallel_loop3A_571 : vector<16xf32>
        %parallel_loop3A_573 = arith.index_cast %parallel_loop3A_251 : i32 to index
        %parallel_loop3A_574 = arith.constant 80 : index
        %parallel_loop3A_575 = tpu.vector_load %arg10[%parallel_loop3A_573, %parallel_loop3A_574] {strides = array<i32>} : memref<16x128xf32, #tpu.memory_space<vmem>>, vector<1x16xf32>,
        %parallel_loop3A_576 = vector.shape_cast %parallel_loop3A_575 : vector<1x16xf32> to vector<16xf32>
        %parallel_loop3A_577 = vector.shape_cast %parallel_loop3A_572 : vector<16xf32> to vector<1x16xf32>
        tpu.vector_store %arg10[%parallel_loop3A_573, %parallel_loop3A_574], %parallel_loop3A_577 {strides = array<i32>} : memref<16x128xf32, #tpu.memory_space<vmem>>, vector<1x16xf32>,
        %parallel_loop3A_578 = arith.index_cast %parallel_loop3A_253 : i32 to index
        %parallel_loop3A_579 = arith.constant 96 : index
        %parallel_loop3A_580 = tpu.vector_load %arg8[%parallel_loop3A_578, %parallel_loop3A_579] {strides = array<i32>} : memref<112x128xf32, #tpu.memory_space<vmem>>, vector<1x16xf32>,
        %parallel_loop3A_581 = vector.shape_cast %parallel_loop3A_580 : vector<1x16xf32> to vector<16xf32>
        %parallel_loop3A_582 = arith.constant 1 : i32
        %parallel_loop3A_583 = arith.addi %parallel_loop3A_253, %parallel_loop3A_582 : i32
        %parallel_loop3A_584 = arith.index_cast %parallel_loop3A_583 : i32 to index
        %parallel_loop3A_585 = arith.constant 96 : index
        %parallel_loop3A_586 = tpu.vector_load %arg8[%parallel_loop3A_584, %parallel_loop3A_585] {strides = array<i32>} : memref<112x128xf32, #tpu.memory_space<vmem>>, vector<1x16xf32>,
        %parallel_loop3A_587 = vector.shape_cast %parallel_loop3A_586 : vector<1x16xf32> to vector<16xf32>
        %parallel_loop3A_588 = arith.addf %parallel_loop3A_581, %parallel_loop3A_587 : vector<16xf32>
        %parallel_loop3A_589 = arith.constant 2 : i32
        %parallel_loop3A_590 = arith.addi %parallel_loop3A_253, %parallel_loop3A_589 : i32
        %parallel_loop3A_591 = arith.index_cast %parallel_loop3A_590 : i32 to index
        %parallel_loop3A_592 = arith.constant 96 : index
        %parallel_loop3A_593 = tpu.vector_load %arg8[%parallel_loop3A_591, %parallel_loop3A_592] {strides = array<i32>} : memref<112x128xf32, #tpu.memory_space<vmem>>, vector<1x16xf32>,
        %parallel_loop3A_594 = vector.shape_cast %parallel_loop3A_593 : vector<1x16xf32> to vector<16xf32>
        %parallel_loop3A_595 = arith.addf %parallel_loop3A_588, %parallel_loop3A_594 : vector<16xf32>
        %parallel_loop3A_596 = arith.constant 3 : i32
        %parallel_loop3A_597 = arith.addi %parallel_loop3A_253, %parallel_loop3A_596 : i32
        %parallel_loop3A_598 = arith.index_cast %parallel_loop3A_597 : i32 to index
        %parallel_loop3A_599 = arith.constant 96 : index
        %parallel_loop3A_600 = tpu.vector_load %arg8[%parallel_loop3A_598, %parallel_loop3A_599] {strides = array<i32>} : memref<112x128xf32, #tpu.memory_space<vmem>>, vector<1x16xf32>,
        %parallel_loop3A_601 = vector.shape_cast %parallel_loop3A_600 : vector<1x16xf32> to vector<16xf32>
        %parallel_loop3A_602 = arith.addf %parallel_loop3A_595, %parallel_loop3A_601 : vector<16xf32>
        %parallel_loop3A_603 = arith.constant 4 : i32
        %parallel_loop3A_604 = arith.addi %parallel_loop3A_253, %parallel_loop3A_603 : i32
        %parallel_loop3A_605 = arith.index_cast %parallel_loop3A_604 : i32 to index
        %parallel_loop3A_606 = arith.constant 96 : index
        %parallel_loop3A_607 = tpu.vector_load %arg8[%parallel_loop3A_605, %parallel_loop3A_606] {strides = array<i32>} : memref<112x128xf32, #tpu.memory_space<vmem>>, vector<1x16xf32>,
        %parallel_loop3A_608 = vector.shape_cast %parallel_loop3A_607 : vector<1x16xf32> to vector<16xf32>
        %parallel_loop3A_609 = arith.addf %parallel_loop3A_602, %parallel_loop3A_608 : vector<16xf32>
        %parallel_loop3A_610 = arith.constant 5 : i32
        %parallel_loop3A_611 = arith.addi %parallel_loop3A_253, %parallel_loop3A_610 : i32
        %parallel_loop3A_612 = arith.index_cast %parallel_loop3A_611 : i32 to index
        %parallel_loop3A_613 = arith.constant 96 : index
        %parallel_loop3A_614 = tpu.vector_load %arg8[%parallel_loop3A_612, %parallel_loop3A_613] {strides = array<i32>} : memref<112x128xf32, #tpu.memory_space<vmem>>, vector<1x16xf32>,
        %parallel_loop3A_615 = vector.shape_cast %parallel_loop3A_614 : vector<1x16xf32> to vector<16xf32>
        %parallel_loop3A_616 = arith.addf %parallel_loop3A_609, %parallel_loop3A_615 : vector<16xf32>
        %parallel_loop3A_617 = arith.constant 6 : i32
        %parallel_loop3A_618 = arith.addi %parallel_loop3A_253, %parallel_loop3A_617 : i32
        %parallel_loop3A_619 = arith.index_cast %parallel_loop3A_618 : i32 to index
        %parallel_loop3A_620 = arith.constant 96 : index
        %parallel_loop3A_621 = tpu.vector_load %arg8[%parallel_loop3A_619, %parallel_loop3A_620] {strides = array<i32>} : memref<112x128xf32, #tpu.memory_space<vmem>>, vector<1x16xf32>,
        %parallel_loop3A_622 = vector.shape_cast %parallel_loop3A_621 : vector<1x16xf32> to vector<16xf32>
        %parallel_loop3A_623 = arith.addf %parallel_loop3A_616, %parallel_loop3A_622 : vector<16xf32>
        %parallel_loop3A_624 = arith.constant 0.142857149 : f32
        %parallel_loop3A_625 = vector.broadcast %parallel_loop3A_624 : f32 to vector<16xf32>
        %parallel_loop3A_626 = arith.mulf %parallel_loop3A_623, %parallel_loop3A_625 : vector<16xf32>
        %parallel_loop3A_627 = arith.index_cast %parallel_loop3A_251 : i32 to index
        %parallel_loop3A_628 = arith.constant 96 : index
        %parallel_loop3A_629 = tpu.vector_load %arg10[%parallel_loop3A_627, %parallel_loop3A_628] {strides = array<i32>} : memref<16x128xf32, #tpu.memory_space<vmem>>, vector<1x16xf32>,
        %parallel_loop3A_630 = vector.shape_cast %parallel_loop3A_629 : vector<1x16xf32> to vector<16xf32>
        %parallel_loop3A_631 = vector.shape_cast %parallel_loop3A_626 : vector<16xf32> to vector<1x16xf32>
        tpu.vector_store %arg10[%parallel_loop3A_627, %parallel_loop3A_628], %parallel_loop3A_631 {strides = array<i32>} : memref<16x128xf32, #tpu.memory_space<vmem>>, vector<1x16xf32>,
        %parallel_loop3A_632 = arith.index_cast %parallel_loop3A_253 : i32 to index
        %parallel_loop3A_633 = arith.constant 112 : index
        %parallel_loop3A_634 = tpu.vector_load %arg8[%parallel_loop3A_632, %parallel_loop3A_633] {strides = array<i32>} : memref<112x128xf32, #tpu.memory_space<vmem>>, vector<1x16xf32>,
        %parallel_loop3A_635 = vector.shape_cast %parallel_loop3A_634 : vector<1x16xf32> to vector<16xf32>
        %parallel_loop3A_636 = arith.constant 1 : i32
        %parallel_loop3A_637 = arith.addi %parallel_loop3A_253, %parallel_loop3A_636 : i32
        %parallel_loop3A_638 = arith.index_cast %parallel_loop3A_637 : i32 to index
        %parallel_loop3A_639 = arith.constant 112 : index
        %parallel_loop3A_640 = tpu.vector_load %arg8[%parallel_loop3A_638, %parallel_loop3A_639] {strides = array<i32>} : memref<112x128xf32, #tpu.memory_space<vmem>>, vector<1x16xf32>,
        %parallel_loop3A_641 = vector.shape_cast %parallel_loop3A_640 : vector<1x16xf32> to vector<16xf32>
        %parallel_loop3A_642 = arith.addf %parallel_loop3A_635, %parallel_loop3A_641 : vector<16xf32>
        %parallel_loop3A_643 = arith.constant 2 : i32
        %parallel_loop3A_644 = arith.addi %parallel_loop3A_253, %parallel_loop3A_643 : i32
        %parallel_loop3A_645 = arith.index_cast %parallel_loop3A_644 : i32 to index
        %parallel_loop3A_646 = arith.constant 112 : index
        %parallel_loop3A_647 = tpu.vector_load %arg8[%parallel_loop3A_645, %parallel_loop3A_646] {strides = array<i32>} : memref<112x128xf32, #tpu.memory_space<vmem>>, vector<1x16xf32>,
        %parallel_loop3A_648 = vector.shape_cast %parallel_loop3A_647 : vector<1x16xf32> to vector<16xf32>
        %parallel_loop3A_649 = arith.addf %parallel_loop3A_642, %parallel_loop3A_648 : vector<16xf32>
        %parallel_loop3A_650 = arith.constant 3 : i32
        %parallel_loop3A_651 = arith.addi %parallel_loop3A_253, %parallel_loop3A_650 : i32
        %parallel_loop3A_652 = arith.index_cast %parallel_loop3A_651 : i32 to index
        %parallel_loop3A_653 = arith.constant 112 : index
        %parallel_loop3A_654 = tpu.vector_load %arg8[%parallel_loop3A_652, %parallel_loop3A_653] {strides = array<i32>} : memref<112x128xf32, #tpu.memory_space<vmem>>, vector<1x16xf32>,
        %parallel_loop3A_655 = vector.shape_cast %parallel_loop3A_654 : vector<1x16xf32> to vector<16xf32>
        %parallel_loop3A_656 = arith.addf %parallel_loop3A_649, %parallel_loop3A_655 : vector<16xf32>
        %parallel_loop3A_657 = arith.constant 4 : i32
        %parallel_loop3A_658 = arith.addi %parallel_loop3A_253, %parallel_loop3A_657 : i32
        %parallel_loop3A_659 = arith.index_cast %parallel_loop3A_658 : i32 to index
        %parallel_loop3A_660 = arith.constant 112 : index
        %parallel_loop3A_661 = tpu.vector_load %arg8[%parallel_loop3A_659, %parallel_loop3A_660] {strides = array<i32>} : memref<112x128xf32, #tpu.memory_space<vmem>>, vector<1x16xf32>,
        %parallel_loop3A_662 = vector.shape_cast %parallel_loop3A_661 : vector<1x16xf32> to vector<16xf32>
        %parallel_loop3A_663 = arith.addf %parallel_loop3A_656, %parallel_loop3A_662 : vector<16xf32>
        %parallel_loop3A_664 = arith.constant 5 : i32
        %parallel_loop3A_665 = arith.addi %parallel_loop3A_253, %parallel_loop3A_664 : i32
        %parallel_loop3A_666 = arith.index_cast %parallel_loop3A_665 : i32 to index
        %parallel_loop3A_667 = arith.constant 112 : index
        %parallel_loop3A_668 = tpu.vector_load %arg8[%parallel_loop3A_666, %parallel_loop3A_667] {strides = array<i32>} : memref<112x128xf32, #tpu.memory_space<vmem>>, vector<1x16xf32>,
        %parallel_loop3A_669 = vector.shape_cast %parallel_loop3A_668 : vector<1x16xf32> to vector<16xf32>
        %parallel_loop3A_670 = arith.addf %parallel_loop3A_663, %parallel_loop3A_669 : vector<16xf32>
        %parallel_loop3A_671 = arith.constant 6 : i32
        %parallel_loop3A_672 = arith.addi %parallel_loop3A_253, %parallel_loop3A_671 : i32
        %parallel_loop3A_673 = arith.index_cast %parallel_loop3A_672 : i32 to index
        %parallel_loop3A_674 = arith.constant 112 : index
        %parallel_loop3A_675 = tpu.vector_load %arg8[%parallel_loop3A_673, %parallel_loop3A_674] {strides = array<i32>} : memref<112x128xf32, #tpu.memory_space<vmem>>, vector<1x16xf32>,
        %parallel_loop3A_676 = vector.shape_cast %parallel_loop3A_675 : vector<1x16xf32> to vector<16xf32>
        %parallel_loop3A_677 = arith.addf %parallel_loop3A_670, %parallel_loop3A_676 : vector<16xf32>
        %parallel_loop3A_678 = arith.constant 0.142857149 : f32
        %parallel_loop3A_679 = vector.broadcast %parallel_loop3A_678 : f32 to vector<16xf32>
        %parallel_loop3A_680 = arith.mulf %parallel_loop3A_677, %parallel_loop3A_679 : vector<16xf32>
        %parallel_loop3A_681 = arith.index_cast %parallel_loop3A_251 : i32 to index
        %parallel_loop3A_682 = arith.constant 112 : index
        %parallel_loop3A_683 = tpu.vector_load %arg10[%parallel_loop3A_681, %parallel_loop3A_682] {strides = array<i32>} : memref<16x128xf32, #tpu.memory_space<vmem>>, vector<1x16xf32>,
        %parallel_loop3A_684 = vector.shape_cast %parallel_loop3A_683 : vector<1x16xf32> to vector<16xf32>
        %parallel_loop3A_685 = vector.shape_cast %parallel_loop3A_680 : vector<16xf32> to vector<1x16xf32>
        tpu.vector_store %arg10[%parallel_loop3A_681, %parallel_loop3A_682], %parallel_loop3A_685 {strides = array<i32>} : memref<16x128xf32, #tpu.memory_space<vmem>>, vector<1x16xf32>,
      } {sc.loop_unroll_factor = 4 : i64, sc.parallel_access}
      %add3A_179 = arith.constant 4 : i32
      %add3A_180 = arith.addi %add3A_150, %add3A_179 : i32
      %lt3A_181 = arith.constant 84 : i32
      %lt3A_182 = arith.cmpi slt, %add3A_180, %lt3A_181 : i32
      %convert_element_type3A_183 = arith.extui %lt3A_182 : i1 to i32
      %cond3A_184 = arith.constant 0 : i32
      %cond3A_185 = arith.cmpi ne, %convert_element_type3A_183, %cond3A_184 : i32
      scf.if %cond3A_185 {
        %add3A_251 = arith.constant 4 : i32
        %add3A_252 = arith.addi %add3A_150, %add3A_251 : i32
        %mul3A_253 = arith.constant 112 : i32
        %mul3A_254 = arith.muli %add3A_252, %mul3A_253 : i32
        %dma_start3A_255 = tpu.memref_slice %arg5[%mul3A_254] : memref<9408xi32, #tpu.memory_space<vmem>> -> memref<112xi32, #tpu.memory_space<vmem>>
        %dma_start3A_256 = arith.constant 0 : i32
        %dma_start3A_257 = arith.constant 0 : i32
        %dma_start3A_258 = tpu.memref_slice %arg2[%dma_start3A_256, %dma_start3A_257] : memref<163842x128xf32, #tpu.memory_space<hbm>> -> memref<163842x128xf32, #tpu.memory_space<hbm>>
        tpu.enqueue_indirect_dma source(%dma_start3A_258 : memref<163842x128xf32, #tpu.memory_space<hbm>>) target(%arg8 : memref<112x128xf32, #tpu.memory_space<vmem>>) offsets(%dma_start3A_255 : memref<112xi32, #tpu.memory_space<vmem>>) semaphore(%arg14 : memref<!tpu.dma_semaphore, #tpu.memory_space<semaphore_mem>>)
      } else {
      }
      %ge3A_186 = arith.constant 16 : i32
      %ge3A_187 = arith.cmpi sge, %sub3A_163, %ge3A_186 : i32
      %convert_element_type3A_188 = arith.extui %ge3A_187 : i1 to i32
      %cond3A_189 = arith.constant 0 : i32
      %cond3A_190 = arith.cmpi ne, %convert_element_type3A_188, %cond3A_189 : i32
      scf.if %cond3A_190 {
        %dma_start3A_251 = arith.constant 0 : i32
        %dma_start3A_252 = tpu.memref_slice %arg4[%add3A_161, %dma_start3A_251] : memref<40962x128xf32, #tpu.memory_space<hbm>> -> memref<16x128xf32, #tpu.memory_space<hbm>>
        %dma_start3A_253 = arith.constant 0 : i32
        %dma_start3A_254 = tpu.memref_slice %arg4[%add3A_161, %dma_start3A_253] : memref<40962x128xf32, #tpu.memory_space<hbm>> -> memref<16x128xf32, #tpu.memory_space<hbm>>
        tpu.enqueue_dma source(%arg10 : memref<16x128xf32, #tpu.memory_space<vmem>>) target(%dma_start3A_254 : memref<16x128xf32, #tpu.memory_space<hbm>>) target_semaphore(%arg16 : memref<!tpu.dma_semaphore, #tpu.memory_space<semaphore_mem>>)
      } else {
      }
      %gt3A_191 = arith.constant 0 : i32
      %gt3A_192 = arith.cmpi sgt, %sub3A_163, %gt3A_191 : i32
      %lt3A_193 = arith.constant 16 : i32
      %lt3A_194 = arith.cmpi slt, %sub3A_163, %lt3A_193 : i32
      %and3A_195 = arith.andi %gt3A_192, %lt3A_194 : i1
      %convert_element_type3A_196 = arith.extui %and3A_195 : i1 to i32
      %cond3A_197 = arith.constant 0 : i32
      %cond3A_198 = arith.cmpi ne, %convert_element_type3A_196, %cond3A_197 : i32
      scf.if %cond3A_198 {
        "tpu.region"() ({
          %run_scoped3A = tpu.sem_alloc : memref<!tpu.dma_semaphore, #tpu.memory_space<semaphore_mem>>
          %dma_start3A_251 = arith.constant 0 : i32
          %dma_start3A_252 = arith.constant 0 : i32
          %dma_start3A_253 = tpu.memref_slice %arg10[%dma_start3A_251, %dma_start3A_252] : memref<16x128xf32, #tpu.memory_space<vmem>> -> memref<2x128xf32, #tpu.memory_space<vmem>>
          %dma_start3A_254 = arith.constant 0 : i32
          %dma_start3A_255 = tpu.memref_slice %arg4[%add3A_161, %dma_start3A_254] : memref<40962x128xf32, #tpu.memory_space<hbm>> -> memref<2x128xf32, #tpu.memory_space<hbm>>
          %dma_start3A_256 = arith.constant 0 : i32
          %dma_start3A_257 = tpu.memref_slice %arg4[%add3A_161, %dma_start3A_256] : memref<40962x128xf32, #tpu.memory_space<hbm>> -> memref<2x128xf32, #tpu.memory_space<hbm>>
          %dma_start3A_258 = arith.constant 0 : i32
          %dma_start3A_259 = arith.constant 0 : i32
          %dma_start3A_260 = tpu.memref_slice %arg10[%dma_start3A_258, %dma_start3A_259] : memref<16x128xf32, #tpu.memory_space<vmem>> -> memref<2x128xf32, #tpu.memory_space<vmem>>
          tpu.enqueue_dma source(%dma_start3A_260 : memref<2x128xf32, #tpu.memory_space<vmem>>) target(%dma_start3A_257 : memref<2x128xf32, #tpu.memory_space<hbm>>) target_semaphore(%run_scoped3A : memref<!tpu.dma_semaphore, #tpu.memory_space<semaphore_mem>>)
          %dma_wait3A_261 = arith.constant 0 : i32
          %dma_wait3A_262 = arith.constant 0 : i32
          %dma_wait3A_263 = tpu.memref_slice %arg10[%dma_wait3A_261, %dma_wait3A_262] : memref<16x128xf32, #tpu.memory_space<vmem>> -> memref<2x128xf32, #tpu.memory_space<vmem>>
          %dma_wait3A_264 = arith.constant 0 : i32
          %dma_wait3A_265 = tpu.memref_slice %arg4[%add3A_161, %dma_wait3A_264] : memref<40962x128xf32, #tpu.memory_space<hbm>> -> memref<2x128xf32, #tpu.memory_space<hbm>>
          %dma_wait3A_266 = arith.constant 0 : i32
          %dma_wait3A_267 = tpu.memref_slice %arg4[%add3A_161, %dma_wait3A_266] : memref<40962x128xf32, #tpu.memory_space<hbm>> -> memref<2x128xf32, #tpu.memory_space<hbm>>
          %dma_wait3A_268 = arith.constant 0 : i32
          %dma_wait3A_269 = arith.constant 0 : i32
          %dma_wait3A_270 = tpu.memref_slice %arg10[%dma_wait3A_268, %dma_wait3A_269] : memref<16x128xf32, #tpu.memory_space<vmem>> -> memref<2x128xf32, #tpu.memory_space<vmem>>
          tpu.wait_dma2 semaphore(%run_scoped3A : memref<!tpu.dma_semaphore, #tpu.memory_space<semaphore_mem>>) src(%dma_wait3A_270 : memref<2x128xf32, #tpu.memory_space<vmem>>) dst(%dma_wait3A_267 : memref<2x128xf32, #tpu.memory_space<hbm>>)
          tpu.yield
        }) : () -> ()
      } else {
      }
      %mul3A_199 = arith.constant 4 : i32
      %mul3A_200 = arith.muli %scan3A_47, %mul3A_199 : i32
      %add3A_201 = arith.constant 3 : i32
      %add3A_202 = arith.addi %mul3A_200, %add3A_201 : i32
      %dma_wait3A_203 = arith.constant 0 : i32
      %dma_wait3A_204 = arith.constant 0 : i32
      %dma_wait3A_205 = tpu.memref_slice %arg2[%dma_wait3A_203, %dma_wait3A_204] : memref<163842x128xf32, #tpu.memory_space<hbm>> -> memref<112x128xf32, #tpu.memory_space<hbm>>
      %dma_wait3A_206 = arith.constant 0 : i32
      %dma_wait3A_207 = arith.constant 0 : i32
      %dma_wait3A_208 = tpu.memref_slice %arg2[%dma_wait3A_206, %dma_wait3A_207] : memref<163842x128xf32, #tpu.memory_space<hbm>> -> memref<112x128xf32, #tpu.memory_space<hbm>>
      tpu.wait_dma2 semaphore(%arg15 : memref<!tpu.dma_semaphore, #tpu.memory_space<semaphore_mem>>) src(%dma_wait3A_208 : memref<112x128xf32, #tpu.memory_space<hbm>>) dst(%arg9 : memref<112x128xf32, #tpu.memory_space<vmem>>)
      %mul3A_209 = arith.constant 1344 : i32
      %mul3A_210 = arith.muli %add3A, %mul3A_209 : i32
      %mul3A_211 = arith.constant 16 : i32
      %mul3A_212 = arith.muli %add3A_202, %mul3A_211 : i32
      %add3A_213 = arith.addi %mul3A_210, %mul3A_212 : i32
      %sub3A_214 = arith.constant 40962 : i32
      %sub3A_215 = arith.subi %sub3A_214, %add3A_213 : i32
      %ge3A_216 = arith.constant 2 : i32
      %ge3A_217 = arith.cmpi sge, %add3A_202, %ge3A_216 : i32
      %sub3A_218 = arith.constant 32 : i32
      %sub3A_219 = arith.subi %add3A_213, %sub3A_218 : i32
      %sub3A_220 = arith.constant 40962 : i32
      %sub3A_221 = arith.subi %sub3A_220, %sub3A_219 : i32
      %ge3A_222 = arith.constant 16 : i32
      %ge3A_223 = arith.cmpi sge, %sub3A_221, %ge3A_222 : i32
      %and3A_224 = arith.andi %ge3A_217, %ge3A_223 : i1
      %convert_element_type3A_225 = arith.extui %and3A_224 : i1 to i32
      %cond3A_226 = arith.constant 0 : i32
      %cond3A_227 = arith.cmpi ne, %convert_element_type3A_225, %cond3A_226 : i32
      scf.if %cond3A_227 {
        %dma_wait3A_251 = arith.constant 0 : i32
        %dma_wait3A_252 = arith.constant 0 : i32
        %dma_wait3A_253 = tpu.memref_slice %arg4[%dma_wait3A_251, %dma_wait3A_252] : memref<40962x128xf32, #tpu.memory_space<hbm>> -> memref<16x128xf32, #tpu.memory_space<hbm>>
        %dma_wait3A_254 = arith.constant 0 : i32
        %dma_wait3A_255 = arith.constant 0 : i32
        %dma_wait3A_256 = tpu.memref_slice %arg4[%dma_wait3A_254, %dma_wait3A_255] : memref<40962x128xf32, #tpu.memory_space<hbm>> -> memref<16x128xf32, #tpu.memory_space<hbm>>
        tpu.wait_dma2 semaphore(%arg17 : memref<!tpu.dma_semaphore, #tpu.memory_space<semaphore_mem>>) src(%arg11 : memref<16x128xf32, #tpu.memory_space<vmem>>) dst(%dma_wait3A_256 : memref<16x128xf32, #tpu.memory_space<hbm>>)
      } else {
      }
      %parallel_loop3A_228 = arith.constant 0 : i32
      %parallel_loop3A_229 = arith.constant 16 : i32
      %parallel_loop3A_230 = arith.constant 1 : i32
      scf.for %parallel_loop3A_251 = %parallel_loop3A_228 to %parallel_loop3A_229 step %parallel_loop3A_230  : i32 {
        %parallel_loop3A_252 = arith.constant 7 : i32
        %parallel_loop3A_253 = arith.muli %parallel_loop3A_251, %parallel_loop3A_252 : i32
        %parallel_loop3A_254 = arith.index_cast %parallel_loop3A_253 : i32 to index
        %parallel_loop3A_255 = arith.constant 0 : index
        %parallel_loop3A_256 = tpu.vector_load %arg9[%parallel_loop3A_254, %parallel_loop3A_255] {strides = array<i32>} : memref<112x128xf32, #tpu.memory_space<vmem>>, vector<1x16xf32>,
        %parallel_loop3A_257 = vector.shape_cast %parallel_loop3A_256 : vector<1x16xf32> to vector<16xf32>
        %parallel_loop3A_258 = arith.constant 1 : i32
        %parallel_loop3A_259 = arith.addi %parallel_loop3A_253, %parallel_loop3A_258 : i32
        %parallel_loop3A_260 = arith.index_cast %parallel_loop3A_259 : i32 to index
        %parallel_loop3A_261 = arith.constant 0 : index
        %parallel_loop3A_262 = tpu.vector_load %arg9[%parallel_loop3A_260, %parallel_loop3A_261] {strides = array<i32>} : memref<112x128xf32, #tpu.memory_space<vmem>>, vector<1x16xf32>,
        %parallel_loop3A_263 = vector.shape_cast %parallel_loop3A_262 : vector<1x16xf32> to vector<16xf32>
        %parallel_loop3A_264 = arith.addf %parallel_loop3A_257, %parallel_loop3A_263 : vector<16xf32>
        %parallel_loop3A_265 = arith.constant 2 : i32
        %parallel_loop3A_266 = arith.addi %parallel_loop3A_253, %parallel_loop3A_265 : i32
        %parallel_loop3A_267 = arith.index_cast %parallel_loop3A_266 : i32 to index
        %parallel_loop3A_268 = arith.constant 0 : index
        %parallel_loop3A_269 = tpu.vector_load %arg9[%parallel_loop3A_267, %parallel_loop3A_268] {strides = array<i32>} : memref<112x128xf32, #tpu.memory_space<vmem>>, vector<1x16xf32>,
        %parallel_loop3A_270 = vector.shape_cast %parallel_loop3A_269 : vector<1x16xf32> to vector<16xf32>
        %parallel_loop3A_271 = arith.addf %parallel_loop3A_264, %parallel_loop3A_270 : vector<16xf32>
        %parallel_loop3A_272 = arith.constant 3 : i32
        %parallel_loop3A_273 = arith.addi %parallel_loop3A_253, %parallel_loop3A_272 : i32
        %parallel_loop3A_274 = arith.index_cast %parallel_loop3A_273 : i32 to index
        %parallel_loop3A_275 = arith.constant 0 : index
        %parallel_loop3A_276 = tpu.vector_load %arg9[%parallel_loop3A_274, %parallel_loop3A_275] {strides = array<i32>} : memref<112x128xf32, #tpu.memory_space<vmem>>, vector<1x16xf32>,
        %parallel_loop3A_277 = vector.shape_cast %parallel_loop3A_276 : vector<1x16xf32> to vector<16xf32>
        %parallel_loop3A_278 = arith.addf %parallel_loop3A_271, %parallel_loop3A_277 : vector<16xf32>
        %parallel_loop3A_279 = arith.constant 4 : i32
        %parallel_loop3A_280 = arith.addi %parallel_loop3A_253, %parallel_loop3A_279 : i32
        %parallel_loop3A_281 = arith.index_cast %parallel_loop3A_280 : i32 to index
        %parallel_loop3A_282 = arith.constant 0 : index
        %parallel_loop3A_283 = tpu.vector_load %arg9[%parallel_loop3A_281, %parallel_loop3A_282] {strides = array<i32>} : memref<112x128xf32, #tpu.memory_space<vmem>>, vector<1x16xf32>,
        %parallel_loop3A_284 = vector.shape_cast %parallel_loop3A_283 : vector<1x16xf32> to vector<16xf32>
        %parallel_loop3A_285 = arith.addf %parallel_loop3A_278, %parallel_loop3A_284 : vector<16xf32>
        %parallel_loop3A_286 = arith.constant 5 : i32
        %parallel_loop3A_287 = arith.addi %parallel_loop3A_253, %parallel_loop3A_286 : i32
        %parallel_loop3A_288 = arith.index_cast %parallel_loop3A_287 : i32 to index
        %parallel_loop3A_289 = arith.constant 0 : index
        %parallel_loop3A_290 = tpu.vector_load %arg9[%parallel_loop3A_288, %parallel_loop3A_289] {strides = array<i32>} : memref<112x128xf32, #tpu.memory_space<vmem>>, vector<1x16xf32>,
        %parallel_loop3A_291 = vector.shape_cast %parallel_loop3A_290 : vector<1x16xf32> to vector<16xf32>
        %parallel_loop3A_292 = arith.addf %parallel_loop3A_285, %parallel_loop3A_291 : vector<16xf32>
        %parallel_loop3A_293 = arith.constant 6 : i32
        %parallel_loop3A_294 = arith.addi %parallel_loop3A_253, %parallel_loop3A_293 : i32
        %parallel_loop3A_295 = arith.index_cast %parallel_loop3A_294 : i32 to index
        %parallel_loop3A_296 = arith.constant 0 : index
        %parallel_loop3A_297 = tpu.vector_load %arg9[%parallel_loop3A_295, %parallel_loop3A_296] {strides = array<i32>} : memref<112x128xf32, #tpu.memory_space<vmem>>, vector<1x16xf32>,
        %parallel_loop3A_298 = vector.shape_cast %parallel_loop3A_297 : vector<1x16xf32> to vector<16xf32>
        %parallel_loop3A_299 = arith.addf %parallel_loop3A_292, %parallel_loop3A_298 : vector<16xf32>
        %parallel_loop3A_300 = arith.constant 0.142857149 : f32
        %parallel_loop3A_301 = vector.broadcast %parallel_loop3A_300 : f32 to vector<16xf32>
        %parallel_loop3A_302 = arith.mulf %parallel_loop3A_299, %parallel_loop3A_301 : vector<16xf32>
        %parallel_loop3A_303 = arith.index_cast %parallel_loop3A_251 : i32 to index
        %parallel_loop3A_304 = arith.constant 0 : index
        %parallel_loop3A_305 = tpu.vector_load %arg11[%parallel_loop3A_303, %parallel_loop3A_304] {strides = array<i32>} : memref<16x128xf32, #tpu.memory_space<vmem>>, vector<1x16xf32>,
        %parallel_loop3A_306 = vector.shape_cast %parallel_loop3A_305 : vector<1x16xf32> to vector<16xf32>
        %parallel_loop3A_307 = vector.shape_cast %parallel_loop3A_302 : vector<16xf32> to vector<1x16xf32>
        tpu.vector_store %arg11[%parallel_loop3A_303, %parallel_loop3A_304], %parallel_loop3A_307 {strides = array<i32>} : memref<16x128xf32, #tpu.memory_space<vmem>>, vector<1x16xf32>,
        %parallel_loop3A_308 = arith.index_cast %parallel_loop3A_253 : i32 to index
        %parallel_loop3A_309 = arith.constant 16 : index
        %parallel_loop3A_310 = tpu.vector_load %arg9[%parallel_loop3A_308, %parallel_loop3A_309] {strides = array<i32>} : memref<112x128xf32, #tpu.memory_space<vmem>>, vector<1x16xf32>,
        %parallel_loop3A_311 = vector.shape_cast %parallel_loop3A_310 : vector<1x16xf32> to vector<16xf32>
        %parallel_loop3A_312 = arith.constant 1 : i32
        %parallel_loop3A_313 = arith.addi %parallel_loop3A_253, %parallel_loop3A_312 : i32
        %parallel_loop3A_314 = arith.index_cast %parallel_loop3A_313 : i32 to index
        %parallel_loop3A_315 = arith.constant 16 : index
        %parallel_loop3A_316 = tpu.vector_load %arg9[%parallel_loop3A_314, %parallel_loop3A_315] {strides = array<i32>} : memref<112x128xf32, #tpu.memory_space<vmem>>, vector<1x16xf32>,
        %parallel_loop3A_317 = vector.shape_cast %parallel_loop3A_316 : vector<1x16xf32> to vector<16xf32>
        %parallel_loop3A_318 = arith.addf %parallel_loop3A_311, %parallel_loop3A_317 : vector<16xf32>
        %parallel_loop3A_319 = arith.constant 2 : i32
        %parallel_loop3A_320 = arith.addi %parallel_loop3A_253, %parallel_loop3A_319 : i32
        %parallel_loop3A_321 = arith.index_cast %parallel_loop3A_320 : i32 to index
        %parallel_loop3A_322 = arith.constant 16 : index
        %parallel_loop3A_323 = tpu.vector_load %arg9[%parallel_loop3A_321, %parallel_loop3A_322] {strides = array<i32>} : memref<112x128xf32, #tpu.memory_space<vmem>>, vector<1x16xf32>,
        %parallel_loop3A_324 = vector.shape_cast %parallel_loop3A_323 : vector<1x16xf32> to vector<16xf32>
        %parallel_loop3A_325 = arith.addf %parallel_loop3A_318, %parallel_loop3A_324 : vector<16xf32>
        %parallel_loop3A_326 = arith.constant 3 : i32
        %parallel_loop3A_327 = arith.addi %parallel_loop3A_253, %parallel_loop3A_326 : i32
        %parallel_loop3A_328 = arith.index_cast %parallel_loop3A_327 : i32 to index
        %parallel_loop3A_329 = arith.constant 16 : index
        %parallel_loop3A_330 = tpu.vector_load %arg9[%parallel_loop3A_328, %parallel_loop3A_329] {strides = array<i32>} : memref<112x128xf32, #tpu.memory_space<vmem>>, vector<1x16xf32>,
        %parallel_loop3A_331 = vector.shape_cast %parallel_loop3A_330 : vector<1x16xf32> to vector<16xf32>
        %parallel_loop3A_332 = arith.addf %parallel_loop3A_325, %parallel_loop3A_331 : vector<16xf32>
        %parallel_loop3A_333 = arith.constant 4 : i32
        %parallel_loop3A_334 = arith.addi %parallel_loop3A_253, %parallel_loop3A_333 : i32
        %parallel_loop3A_335 = arith.index_cast %parallel_loop3A_334 : i32 to index
        %parallel_loop3A_336 = arith.constant 16 : index
        %parallel_loop3A_337 = tpu.vector_load %arg9[%parallel_loop3A_335, %parallel_loop3A_336] {strides = array<i32>} : memref<112x128xf32, #tpu.memory_space<vmem>>, vector<1x16xf32>,
        %parallel_loop3A_338 = vector.shape_cast %parallel_loop3A_337 : vector<1x16xf32> to vector<16xf32>
        %parallel_loop3A_339 = arith.addf %parallel_loop3A_332, %parallel_loop3A_338 : vector<16xf32>
        %parallel_loop3A_340 = arith.constant 5 : i32
        %parallel_loop3A_341 = arith.addi %parallel_loop3A_253, %parallel_loop3A_340 : i32
        %parallel_loop3A_342 = arith.index_cast %parallel_loop3A_341 : i32 to index
        %parallel_loop3A_343 = arith.constant 16 : index
        %parallel_loop3A_344 = tpu.vector_load %arg9[%parallel_loop3A_342, %parallel_loop3A_343] {strides = array<i32>} : memref<112x128xf32, #tpu.memory_space<vmem>>, vector<1x16xf32>,
        %parallel_loop3A_345 = vector.shape_cast %parallel_loop3A_344 : vector<1x16xf32> to vector<16xf32>
        %parallel_loop3A_346 = arith.addf %parallel_loop3A_339, %parallel_loop3A_345 : vector<16xf32>
        %parallel_loop3A_347 = arith.constant 6 : i32
        %parallel_loop3A_348 = arith.addi %parallel_loop3A_253, %parallel_loop3A_347 : i32
        %parallel_loop3A_349 = arith.index_cast %parallel_loop3A_348 : i32 to index
        %parallel_loop3A_350 = arith.constant 16 : index
        %parallel_loop3A_351 = tpu.vector_load %arg9[%parallel_loop3A_349, %parallel_loop3A_350] {strides = array<i32>} : memref<112x128xf32, #tpu.memory_space<vmem>>, vector<1x16xf32>,
        %parallel_loop3A_352 = vector.shape_cast %parallel_loop3A_351 : vector<1x16xf32> to vector<16xf32>
        %parallel_loop3A_353 = arith.addf %parallel_loop3A_346, %parallel_loop3A_352 : vector<16xf32>
        %parallel_loop3A_354 = arith.constant 0.142857149 : f32
        %parallel_loop3A_355 = vector.broadcast %parallel_loop3A_354 : f32 to vector<16xf32>
        %parallel_loop3A_356 = arith.mulf %parallel_loop3A_353, %parallel_loop3A_355 : vector<16xf32>
        %parallel_loop3A_357 = arith.index_cast %parallel_loop3A_251 : i32 to index
        %parallel_loop3A_358 = arith.constant 16 : index
        %parallel_loop3A_359 = tpu.vector_load %arg11[%parallel_loop3A_357, %parallel_loop3A_358] {strides = array<i32>} : memref<16x128xf32, #tpu.memory_space<vmem>>, vector<1x16xf32>,
        %parallel_loop3A_360 = vector.shape_cast %parallel_loop3A_359 : vector<1x16xf32> to vector<16xf32>
        %parallel_loop3A_361 = vector.shape_cast %parallel_loop3A_356 : vector<16xf32> to vector<1x16xf32>
        tpu.vector_store %arg11[%parallel_loop3A_357, %parallel_loop3A_358], %parallel_loop3A_361 {strides = array<i32>} : memref<16x128xf32, #tpu.memory_space<vmem>>, vector<1x16xf32>,
        %parallel_loop3A_362 = arith.index_cast %parallel_loop3A_253 : i32 to index
        %parallel_loop3A_363 = arith.constant 32 : index
        %parallel_loop3A_364 = tpu.vector_load %arg9[%parallel_loop3A_362, %parallel_loop3A_363] {strides = array<i32>} : memref<112x128xf32, #tpu.memory_space<vmem>>, vector<1x16xf32>,
        %parallel_loop3A_365 = vector.shape_cast %parallel_loop3A_364 : vector<1x16xf32> to vector<16xf32>
        %parallel_loop3A_366 = arith.constant 1 : i32
        %parallel_loop3A_367 = arith.addi %parallel_loop3A_253, %parallel_loop3A_366 : i32
        %parallel_loop3A_368 = arith.index_cast %parallel_loop3A_367 : i32 to index
        %parallel_loop3A_369 = arith.constant 32 : index
        %parallel_loop3A_370 = tpu.vector_load %arg9[%parallel_loop3A_368, %parallel_loop3A_369] {strides = array<i32>} : memref<112x128xf32, #tpu.memory_space<vmem>>, vector<1x16xf32>,
        %parallel_loop3A_371 = vector.shape_cast %parallel_loop3A_370 : vector<1x16xf32> to vector<16xf32>
        %parallel_loop3A_372 = arith.addf %parallel_loop3A_365, %parallel_loop3A_371 : vector<16xf32>
        %parallel_loop3A_373 = arith.constant 2 : i32
        %parallel_loop3A_374 = arith.addi %parallel_loop3A_253, %parallel_loop3A_373 : i32
        %parallel_loop3A_375 = arith.index_cast %parallel_loop3A_374 : i32 to index
        %parallel_loop3A_376 = arith.constant 32 : index
        %parallel_loop3A_377 = tpu.vector_load %arg9[%parallel_loop3A_375, %parallel_loop3A_376] {strides = array<i32>} : memref<112x128xf32, #tpu.memory_space<vmem>>, vector<1x16xf32>,
        %parallel_loop3A_378 = vector.shape_cast %parallel_loop3A_377 : vector<1x16xf32> to vector<16xf32>
        %parallel_loop3A_379 = arith.addf %parallel_loop3A_372, %parallel_loop3A_378 : vector<16xf32>
        %parallel_loop3A_380 = arith.constant 3 : i32
        %parallel_loop3A_381 = arith.addi %parallel_loop3A_253, %parallel_loop3A_380 : i32
        %parallel_loop3A_382 = arith.index_cast %parallel_loop3A_381 : i32 to index
        %parallel_loop3A_383 = arith.constant 32 : index
        %parallel_loop3A_384 = tpu.vector_load %arg9[%parallel_loop3A_382, %parallel_loop3A_383] {strides = array<i32>} : memref<112x128xf32, #tpu.memory_space<vmem>>, vector<1x16xf32>,
        %parallel_loop3A_385 = vector.shape_cast %parallel_loop3A_384 : vector<1x16xf32> to vector<16xf32>
        %parallel_loop3A_386 = arith.addf %parallel_loop3A_379, %parallel_loop3A_385 : vector<16xf32>
        %parallel_loop3A_387 = arith.constant 4 : i32
        %parallel_loop3A_388 = arith.addi %parallel_loop3A_253, %parallel_loop3A_387 : i32
        %parallel_loop3A_389 = arith.index_cast %parallel_loop3A_388 : i32 to index
        %parallel_loop3A_390 = arith.constant 32 : index
        %parallel_loop3A_391 = tpu.vector_load %arg9[%parallel_loop3A_389, %parallel_loop3A_390] {strides = array<i32>} : memref<112x128xf32, #tpu.memory_space<vmem>>, vector<1x16xf32>,
        %parallel_loop3A_392 = vector.shape_cast %parallel_loop3A_391 : vector<1x16xf32> to vector<16xf32>
        %parallel_loop3A_393 = arith.addf %parallel_loop3A_386, %parallel_loop3A_392 : vector<16xf32>
        %parallel_loop3A_394 = arith.constant 5 : i32
        %parallel_loop3A_395 = arith.addi %parallel_loop3A_253, %parallel_loop3A_394 : i32
        %parallel_loop3A_396 = arith.index_cast %parallel_loop3A_395 : i32 to index
        %parallel_loop3A_397 = arith.constant 32 : index
        %parallel_loop3A_398 = tpu.vector_load %arg9[%parallel_loop3A_396, %parallel_loop3A_397] {strides = array<i32>} : memref<112x128xf32, #tpu.memory_space<vmem>>, vector<1x16xf32>,
        %parallel_loop3A_399 = vector.shape_cast %parallel_loop3A_398 : vector<1x16xf32> to vector<16xf32>
        %parallel_loop3A_400 = arith.addf %parallel_loop3A_393, %parallel_loop3A_399 : vector<16xf32>
        %parallel_loop3A_401 = arith.constant 6 : i32
        %parallel_loop3A_402 = arith.addi %parallel_loop3A_253, %parallel_loop3A_401 : i32
        %parallel_loop3A_403 = arith.index_cast %parallel_loop3A_402 : i32 to index
        %parallel_loop3A_404 = arith.constant 32 : index
        %parallel_loop3A_405 = tpu.vector_load %arg9[%parallel_loop3A_403, %parallel_loop3A_404] {strides = array<i32>} : memref<112x128xf32, #tpu.memory_space<vmem>>, vector<1x16xf32>,
        %parallel_loop3A_406 = vector.shape_cast %parallel_loop3A_405 : vector<1x16xf32> to vector<16xf32>
        %parallel_loop3A_407 = arith.addf %parallel_loop3A_400, %parallel_loop3A_406 : vector<16xf32>
        %parallel_loop3A_408 = arith.constant 0.142857149 : f32
        %parallel_loop3A_409 = vector.broadcast %parallel_loop3A_408 : f32 to vector<16xf32>
        %parallel_loop3A_410 = arith.mulf %parallel_loop3A_407, %parallel_loop3A_409 : vector<16xf32>
        %parallel_loop3A_411 = arith.index_cast %parallel_loop3A_251 : i32 to index
        %parallel_loop3A_412 = arith.constant 32 : index
        %parallel_loop3A_413 = tpu.vector_load %arg11[%parallel_loop3A_411, %parallel_loop3A_412] {strides = array<i32>} : memref<16x128xf32, #tpu.memory_space<vmem>>, vector<1x16xf32>,
        %parallel_loop3A_414 = vector.shape_cast %parallel_loop3A_413 : vector<1x16xf32> to vector<16xf32>
        %parallel_loop3A_415 = vector.shape_cast %parallel_loop3A_410 : vector<16xf32> to vector<1x16xf32>
        tpu.vector_store %arg11[%parallel_loop3A_411, %parallel_loop3A_412], %parallel_loop3A_415 {strides = array<i32>} : memref<16x128xf32, #tpu.memory_space<vmem>>, vector<1x16xf32>,
        %parallel_loop3A_416 = arith.index_cast %parallel_loop3A_253 : i32 to index
        %parallel_loop3A_417 = arith.constant 48 : index
        %parallel_loop3A_418 = tpu.vector_load %arg9[%parallel_loop3A_416, %parallel_loop3A_417] {strides = array<i32>} : memref<112x128xf32, #tpu.memory_space<vmem>>, vector<1x16xf32>,
        %parallel_loop3A_419 = vector.shape_cast %parallel_loop3A_418 : vector<1x16xf32> to vector<16xf32>
        %parallel_loop3A_420 = arith.constant 1 : i32
        %parallel_loop3A_421 = arith.addi %parallel_loop3A_253, %parallel_loop3A_420 : i32
        %parallel_loop3A_422 = arith.index_cast %parallel_loop3A_421 : i32 to index
        %parallel_loop3A_423 = arith.constant 48 : index
        %parallel_loop3A_424 = tpu.vector_load %arg9[%parallel_loop3A_422, %parallel_loop3A_423] {strides = array<i32>} : memref<112x128xf32, #tpu.memory_space<vmem>>, vector<1x16xf32>,
        %parallel_loop3A_425 = vector.shape_cast %parallel_loop3A_424 : vector<1x16xf32> to vector<16xf32>
        %parallel_loop3A_426 = arith.addf %parallel_loop3A_419, %parallel_loop3A_425 : vector<16xf32>
        %parallel_loop3A_427 = arith.constant 2 : i32
        %parallel_loop3A_428 = arith.addi %parallel_loop3A_253, %parallel_loop3A_427 : i32
        %parallel_loop3A_429 = arith.index_cast %parallel_loop3A_428 : i32 to index
        %parallel_loop3A_430 = arith.constant 48 : index
        %parallel_loop3A_431 = tpu.vector_load %arg9[%parallel_loop3A_429, %parallel_loop3A_430] {strides = array<i32>} : memref<112x128xf32, #tpu.memory_space<vmem>>, vector<1x16xf32>,
        %parallel_loop3A_432 = vector.shape_cast %parallel_loop3A_431 : vector<1x16xf32> to vector<16xf32>
        %parallel_loop3A_433 = arith.addf %parallel_loop3A_426, %parallel_loop3A_432 : vector<16xf32>
        %parallel_loop3A_434 = arith.constant 3 : i32
        %parallel_loop3A_435 = arith.addi %parallel_loop3A_253, %parallel_loop3A_434 : i32
        %parallel_loop3A_436 = arith.index_cast %parallel_loop3A_435 : i32 to index
        %parallel_loop3A_437 = arith.constant 48 : index
        %parallel_loop3A_438 = tpu.vector_load %arg9[%parallel_loop3A_436, %parallel_loop3A_437] {strides = array<i32>} : memref<112x128xf32, #tpu.memory_space<vmem>>, vector<1x16xf32>,
        %parallel_loop3A_439 = vector.shape_cast %parallel_loop3A_438 : vector<1x16xf32> to vector<16xf32>
        %parallel_loop3A_440 = arith.addf %parallel_loop3A_433, %parallel_loop3A_439 : vector<16xf32>
        %parallel_loop3A_441 = arith.constant 4 : i32
        %parallel_loop3A_442 = arith.addi %parallel_loop3A_253, %parallel_loop3A_441 : i32
        %parallel_loop3A_443 = arith.index_cast %parallel_loop3A_442 : i32 to index
        %parallel_loop3A_444 = arith.constant 48 : index
        %parallel_loop3A_445 = tpu.vector_load %arg9[%parallel_loop3A_443, %parallel_loop3A_444] {strides = array<i32>} : memref<112x128xf32, #tpu.memory_space<vmem>>, vector<1x16xf32>,
        %parallel_loop3A_446 = vector.shape_cast %parallel_loop3A_445 : vector<1x16xf32> to vector<16xf32>
        %parallel_loop3A_447 = arith.addf %parallel_loop3A_440, %parallel_loop3A_446 : vector<16xf32>
        %parallel_loop3A_448 = arith.constant 5 : i32
        %parallel_loop3A_449 = arith.addi %parallel_loop3A_253, %parallel_loop3A_448 : i32
        %parallel_loop3A_450 = arith.index_cast %parallel_loop3A_449 : i32 to index
        %parallel_loop3A_451 = arith.constant 48 : index
        %parallel_loop3A_452 = tpu.vector_load %arg9[%parallel_loop3A_450, %parallel_loop3A_451] {strides = array<i32>} : memref<112x128xf32, #tpu.memory_space<vmem>>, vector<1x16xf32>,
        %parallel_loop3A_453 = vector.shape_cast %parallel_loop3A_452 : vector<1x16xf32> to vector<16xf32>
        %parallel_loop3A_454 = arith.addf %parallel_loop3A_447, %parallel_loop3A_453 : vector<16xf32>
        %parallel_loop3A_455 = arith.constant 6 : i32
        %parallel_loop3A_456 = arith.addi %parallel_loop3A_253, %parallel_loop3A_455 : i32
        %parallel_loop3A_457 = arith.index_cast %parallel_loop3A_456 : i32 to index
        %parallel_loop3A_458 = arith.constant 48 : index
        %parallel_loop3A_459 = tpu.vector_load %arg9[%parallel_loop3A_457, %parallel_loop3A_458] {strides = array<i32>} : memref<112x128xf32, #tpu.memory_space<vmem>>, vector<1x16xf32>,
        %parallel_loop3A_460 = vector.shape_cast %parallel_loop3A_459 : vector<1x16xf32> to vector<16xf32>
        %parallel_loop3A_461 = arith.addf %parallel_loop3A_454, %parallel_loop3A_460 : vector<16xf32>
        %parallel_loop3A_462 = arith.constant 0.142857149 : f32
        %parallel_loop3A_463 = vector.broadcast %parallel_loop3A_462 : f32 to vector<16xf32>
        %parallel_loop3A_464 = arith.mulf %parallel_loop3A_461, %parallel_loop3A_463 : vector<16xf32>
        %parallel_loop3A_465 = arith.index_cast %parallel_loop3A_251 : i32 to index
        %parallel_loop3A_466 = arith.constant 48 : index
        %parallel_loop3A_467 = tpu.vector_load %arg11[%parallel_loop3A_465, %parallel_loop3A_466] {strides = array<i32>} : memref<16x128xf32, #tpu.memory_space<vmem>>, vector<1x16xf32>,
        %parallel_loop3A_468 = vector.shape_cast %parallel_loop3A_467 : vector<1x16xf32> to vector<16xf32>
        %parallel_loop3A_469 = vector.shape_cast %parallel_loop3A_464 : vector<16xf32> to vector<1x16xf32>
        tpu.vector_store %arg11[%parallel_loop3A_465, %parallel_loop3A_466], %parallel_loop3A_469 {strides = array<i32>} : memref<16x128xf32, #tpu.memory_space<vmem>>, vector<1x16xf32>,
        %parallel_loop3A_470 = arith.index_cast %parallel_loop3A_253 : i32 to index
        %parallel_loop3A_471 = arith.constant 64 : index
        %parallel_loop3A_472 = tpu.vector_load %arg9[%parallel_loop3A_470, %parallel_loop3A_471] {strides = array<i32>} : memref<112x128xf32, #tpu.memory_space<vmem>>, vector<1x16xf32>,
        %parallel_loop3A_473 = vector.shape_cast %parallel_loop3A_472 : vector<1x16xf32> to vector<16xf32>
        %parallel_loop3A_474 = arith.constant 1 : i32
        %parallel_loop3A_475 = arith.addi %parallel_loop3A_253, %parallel_loop3A_474 : i32
        %parallel_loop3A_476 = arith.index_cast %parallel_loop3A_475 : i32 to index
        %parallel_loop3A_477 = arith.constant 64 : index
        %parallel_loop3A_478 = tpu.vector_load %arg9[%parallel_loop3A_476, %parallel_loop3A_477] {strides = array<i32>} : memref<112x128xf32, #tpu.memory_space<vmem>>, vector<1x16xf32>,
        %parallel_loop3A_479 = vector.shape_cast %parallel_loop3A_478 : vector<1x16xf32> to vector<16xf32>
        %parallel_loop3A_480 = arith.addf %parallel_loop3A_473, %parallel_loop3A_479 : vector<16xf32>
        %parallel_loop3A_481 = arith.constant 2 : i32
        %parallel_loop3A_482 = arith.addi %parallel_loop3A_253, %parallel_loop3A_481 : i32
        %parallel_loop3A_483 = arith.index_cast %parallel_loop3A_482 : i32 to index
        %parallel_loop3A_484 = arith.constant 64 : index
        %parallel_loop3A_485 = tpu.vector_load %arg9[%parallel_loop3A_483, %parallel_loop3A_484] {strides = array<i32>} : memref<112x128xf32, #tpu.memory_space<vmem>>, vector<1x16xf32>,
        %parallel_loop3A_486 = vector.shape_cast %parallel_loop3A_485 : vector<1x16xf32> to vector<16xf32>
        %parallel_loop3A_487 = arith.addf %parallel_loop3A_480, %parallel_loop3A_486 : vector<16xf32>
        %parallel_loop3A_488 = arith.constant 3 : i32
        %parallel_loop3A_489 = arith.addi %parallel_loop3A_253, %parallel_loop3A_488 : i32
        %parallel_loop3A_490 = arith.index_cast %parallel_loop3A_489 : i32 to index
        %parallel_loop3A_491 = arith.constant 64 : index
        %parallel_loop3A_492 = tpu.vector_load %arg9[%parallel_loop3A_490, %parallel_loop3A_491] {strides = array<i32>} : memref<112x128xf32, #tpu.memory_space<vmem>>, vector<1x16xf32>,
        %parallel_loop3A_493 = vector.shape_cast %parallel_loop3A_492 : vector<1x16xf32> to vector<16xf32>
        %parallel_loop3A_494 = arith.addf %parallel_loop3A_487, %parallel_loop3A_493 : vector<16xf32>
        %parallel_loop3A_495 = arith.constant 4 : i32
        %parallel_loop3A_496 = arith.addi %parallel_loop3A_253, %parallel_loop3A_495 : i32
        %parallel_loop3A_497 = arith.index_cast %parallel_loop3A_496 : i32 to index
        %parallel_loop3A_498 = arith.constant 64 : index
        %parallel_loop3A_499 = tpu.vector_load %arg9[%parallel_loop3A_497, %parallel_loop3A_498] {strides = array<i32>} : memref<112x128xf32, #tpu.memory_space<vmem>>, vector<1x16xf32>,
        %parallel_loop3A_500 = vector.shape_cast %parallel_loop3A_499 : vector<1x16xf32> to vector<16xf32>
        %parallel_loop3A_501 = arith.addf %parallel_loop3A_494, %parallel_loop3A_500 : vector<16xf32>
        %parallel_loop3A_502 = arith.constant 5 : i32
        %parallel_loop3A_503 = arith.addi %parallel_loop3A_253, %parallel_loop3A_502 : i32
        %parallel_loop3A_504 = arith.index_cast %parallel_loop3A_503 : i32 to index
        %parallel_loop3A_505 = arith.constant 64 : index
        %parallel_loop3A_506 = tpu.vector_load %arg9[%parallel_loop3A_504, %parallel_loop3A_505] {strides = array<i32>} : memref<112x128xf32, #tpu.memory_space<vmem>>, vector<1x16xf32>,
        %parallel_loop3A_507 = vector.shape_cast %parallel_loop3A_506 : vector<1x16xf32> to vector<16xf32>
        %parallel_loop3A_508 = arith.addf %parallel_loop3A_501, %parallel_loop3A_507 : vector<16xf32>
        %parallel_loop3A_509 = arith.constant 6 : i32
        %parallel_loop3A_510 = arith.addi %parallel_loop3A_253, %parallel_loop3A_509 : i32
        %parallel_loop3A_511 = arith.index_cast %parallel_loop3A_510 : i32 to index
        %parallel_loop3A_512 = arith.constant 64 : index
        %parallel_loop3A_513 = tpu.vector_load %arg9[%parallel_loop3A_511, %parallel_loop3A_512] {strides = array<i32>} : memref<112x128xf32, #tpu.memory_space<vmem>>, vector<1x16xf32>,
        %parallel_loop3A_514 = vector.shape_cast %parallel_loop3A_513 : vector<1x16xf32> to vector<16xf32>
        %parallel_loop3A_515 = arith.addf %parallel_loop3A_508, %parallel_loop3A_514 : vector<16xf32>
        %parallel_loop3A_516 = arith.constant 0.142857149 : f32
        %parallel_loop3A_517 = vector.broadcast %parallel_loop3A_516 : f32 to vector<16xf32>
        %parallel_loop3A_518 = arith.mulf %parallel_loop3A_515, %parallel_loop3A_517 : vector<16xf32>
        %parallel_loop3A_519 = arith.index_cast %parallel_loop3A_251 : i32 to index
        %parallel_loop3A_520 = arith.constant 64 : index
        %parallel_loop3A_521 = tpu.vector_load %arg11[%parallel_loop3A_519, %parallel_loop3A_520] {strides = array<i32>} : memref<16x128xf32, #tpu.memory_space<vmem>>, vector<1x16xf32>,
        %parallel_loop3A_522 = vector.shape_cast %parallel_loop3A_521 : vector<1x16xf32> to vector<16xf32>
        %parallel_loop3A_523 = vector.shape_cast %parallel_loop3A_518 : vector<16xf32> to vector<1x16xf32>
        tpu.vector_store %arg11[%parallel_loop3A_519, %parallel_loop3A_520], %parallel_loop3A_523 {strides = array<i32>} : memref<16x128xf32, #tpu.memory_space<vmem>>, vector<1x16xf32>,
        %parallel_loop3A_524 = arith.index_cast %parallel_loop3A_253 : i32 to index
        %parallel_loop3A_525 = arith.constant 80 : index
        %parallel_loop3A_526 = tpu.vector_load %arg9[%parallel_loop3A_524, %parallel_loop3A_525] {strides = array<i32>} : memref<112x128xf32, #tpu.memory_space<vmem>>, vector<1x16xf32>,
        %parallel_loop3A_527 = vector.shape_cast %parallel_loop3A_526 : vector<1x16xf32> to vector<16xf32>
        %parallel_loop3A_528 = arith.constant 1 : i32
        %parallel_loop3A_529 = arith.addi %parallel_loop3A_253, %parallel_loop3A_528 : i32
        %parallel_loop3A_530 = arith.index_cast %parallel_loop3A_529 : i32 to index
        %parallel_loop3A_531 = arith.constant 80 : index
        %parallel_loop3A_532 = tpu.vector_load %arg9[%parallel_loop3A_530, %parallel_loop3A_531] {strides = array<i32>} : memref<112x128xf32, #tpu.memory_space<vmem>>, vector<1x16xf32>,
        %parallel_loop3A_533 = vector.shape_cast %parallel_loop3A_532 : vector<1x16xf32> to vector<16xf32>
        %parallel_loop3A_534 = arith.addf %parallel_loop3A_527, %parallel_loop3A_533 : vector<16xf32>
        %parallel_loop3A_535 = arith.constant 2 : i32
        %parallel_loop3A_536 = arith.addi %parallel_loop3A_253, %parallel_loop3A_535 : i32
        %parallel_loop3A_537 = arith.index_cast %parallel_loop3A_536 : i32 to index
        %parallel_loop3A_538 = arith.constant 80 : index
        %parallel_loop3A_539 = tpu.vector_load %arg9[%parallel_loop3A_537, %parallel_loop3A_538] {strides = array<i32>} : memref<112x128xf32, #tpu.memory_space<vmem>>, vector<1x16xf32>,
        %parallel_loop3A_540 = vector.shape_cast %parallel_loop3A_539 : vector<1x16xf32> to vector<16xf32>
        %parallel_loop3A_541 = arith.addf %parallel_loop3A_534, %parallel_loop3A_540 : vector<16xf32>
        %parallel_loop3A_542 = arith.constant 3 : i32
        %parallel_loop3A_543 = arith.addi %parallel_loop3A_253, %parallel_loop3A_542 : i32
        %parallel_loop3A_544 = arith.index_cast %parallel_loop3A_543 : i32 to index
        %parallel_loop3A_545 = arith.constant 80 : index
        %parallel_loop3A_546 = tpu.vector_load %arg9[%parallel_loop3A_544, %parallel_loop3A_545] {strides = array<i32>} : memref<112x128xf32, #tpu.memory_space<vmem>>, vector<1x16xf32>,
        %parallel_loop3A_547 = vector.shape_cast %parallel_loop3A_546 : vector<1x16xf32> to vector<16xf32>
        %parallel_loop3A_548 = arith.addf %parallel_loop3A_541, %parallel_loop3A_547 : vector<16xf32>
        %parallel_loop3A_549 = arith.constant 4 : i32
        %parallel_loop3A_550 = arith.addi %parallel_loop3A_253, %parallel_loop3A_549 : i32
        %parallel_loop3A_551 = arith.index_cast %parallel_loop3A_550 : i32 to index
        %parallel_loop3A_552 = arith.constant 80 : index
        %parallel_loop3A_553 = tpu.vector_load %arg9[%parallel_loop3A_551, %parallel_loop3A_552] {strides = array<i32>} : memref<112x128xf32, #tpu.memory_space<vmem>>, vector<1x16xf32>,
        %parallel_loop3A_554 = vector.shape_cast %parallel_loop3A_553 : vector<1x16xf32> to vector<16xf32>
        %parallel_loop3A_555 = arith.addf %parallel_loop3A_548, %parallel_loop3A_554 : vector<16xf32>
        %parallel_loop3A_556 = arith.constant 5 : i32
        %parallel_loop3A_557 = arith.addi %parallel_loop3A_253, %parallel_loop3A_556 : i32
        %parallel_loop3A_558 = arith.index_cast %parallel_loop3A_557 : i32 to index
        %parallel_loop3A_559 = arith.constant 80 : index
        %parallel_loop3A_560 = tpu.vector_load %arg9[%parallel_loop3A_558, %parallel_loop3A_559] {strides = array<i32>} : memref<112x128xf32, #tpu.memory_space<vmem>>, vector<1x16xf32>,
        %parallel_loop3A_561 = vector.shape_cast %parallel_loop3A_560 : vector<1x16xf32> to vector<16xf32>
        %parallel_loop3A_562 = arith.addf %parallel_loop3A_555, %parallel_loop3A_561 : vector<16xf32>
        %parallel_loop3A_563 = arith.constant 6 : i32
        %parallel_loop3A_564 = arith.addi %parallel_loop3A_253, %parallel_loop3A_563 : i32
        %parallel_loop3A_565 = arith.index_cast %parallel_loop3A_564 : i32 to index
        %parallel_loop3A_566 = arith.constant 80 : index
        %parallel_loop3A_567 = tpu.vector_load %arg9[%parallel_loop3A_565, %parallel_loop3A_566] {strides = array<i32>} : memref<112x128xf32, #tpu.memory_space<vmem>>, vector<1x16xf32>,
        %parallel_loop3A_568 = vector.shape_cast %parallel_loop3A_567 : vector<1x16xf32> to vector<16xf32>
        %parallel_loop3A_569 = arith.addf %parallel_loop3A_562, %parallel_loop3A_568 : vector<16xf32>
        %parallel_loop3A_570 = arith.constant 0.142857149 : f32
        %parallel_loop3A_571 = vector.broadcast %parallel_loop3A_570 : f32 to vector<16xf32>
        %parallel_loop3A_572 = arith.mulf %parallel_loop3A_569, %parallel_loop3A_571 : vector<16xf32>
        %parallel_loop3A_573 = arith.index_cast %parallel_loop3A_251 : i32 to index
        %parallel_loop3A_574 = arith.constant 80 : index
        %parallel_loop3A_575 = tpu.vector_load %arg11[%parallel_loop3A_573, %parallel_loop3A_574] {strides = array<i32>} : memref<16x128xf32, #tpu.memory_space<vmem>>, vector<1x16xf32>,
        %parallel_loop3A_576 = vector.shape_cast %parallel_loop3A_575 : vector<1x16xf32> to vector<16xf32>
        %parallel_loop3A_577 = vector.shape_cast %parallel_loop3A_572 : vector<16xf32> to vector<1x16xf32>
        tpu.vector_store %arg11[%parallel_loop3A_573, %parallel_loop3A_574], %parallel_loop3A_577 {strides = array<i32>} : memref<16x128xf32, #tpu.memory_space<vmem>>, vector<1x16xf32>,
        %parallel_loop3A_578 = arith.index_cast %parallel_loop3A_253 : i32 to index
        %parallel_loop3A_579 = arith.constant 96 : index
        %parallel_loop3A_580 = tpu.vector_load %arg9[%parallel_loop3A_578, %parallel_loop3A_579] {strides = array<i32>} : memref<112x128xf32, #tpu.memory_space<vmem>>, vector<1x16xf32>,
        %parallel_loop3A_581 = vector.shape_cast %parallel_loop3A_580 : vector<1x16xf32> to vector<16xf32>
        %parallel_loop3A_582 = arith.constant 1 : i32
        %parallel_loop3A_583 = arith.addi %parallel_loop3A_253, %parallel_loop3A_582 : i32
        %parallel_loop3A_584 = arith.index_cast %parallel_loop3A_583 : i32 to index
        %parallel_loop3A_585 = arith.constant 96 : index
        %parallel_loop3A_586 = tpu.vector_load %arg9[%parallel_loop3A_584, %parallel_loop3A_585] {strides = array<i32>} : memref<112x128xf32, #tpu.memory_space<vmem>>, vector<1x16xf32>,
        %parallel_loop3A_587 = vector.shape_cast %parallel_loop3A_586 : vector<1x16xf32> to vector<16xf32>
        %parallel_loop3A_588 = arith.addf %parallel_loop3A_581, %parallel_loop3A_587 : vector<16xf32>
        %parallel_loop3A_589 = arith.constant 2 : i32
        %parallel_loop3A_590 = arith.addi %parallel_loop3A_253, %parallel_loop3A_589 : i32
        %parallel_loop3A_591 = arith.index_cast %parallel_loop3A_590 : i32 to index
        %parallel_loop3A_592 = arith.constant 96 : index
        %parallel_loop3A_593 = tpu.vector_load %arg9[%parallel_loop3A_591, %parallel_loop3A_592] {strides = array<i32>} : memref<112x128xf32, #tpu.memory_space<vmem>>, vector<1x16xf32>,
        %parallel_loop3A_594 = vector.shape_cast %parallel_loop3A_593 : vector<1x16xf32> to vector<16xf32>
        %parallel_loop3A_595 = arith.addf %parallel_loop3A_588, %parallel_loop3A_594 : vector<16xf32>
        %parallel_loop3A_596 = arith.constant 3 : i32
        %parallel_loop3A_597 = arith.addi %parallel_loop3A_253, %parallel_loop3A_596 : i32
        %parallel_loop3A_598 = arith.index_cast %parallel_loop3A_597 : i32 to index
        %parallel_loop3A_599 = arith.constant 96 : index
        %parallel_loop3A_600 = tpu.vector_load %arg9[%parallel_loop3A_598, %parallel_loop3A_599] {strides = array<i32>} : memref<112x128xf32, #tpu.memory_space<vmem>>, vector<1x16xf32>,
        %parallel_loop3A_601 = vector.shape_cast %parallel_loop3A_600 : vector<1x16xf32> to vector<16xf32>
        %parallel_loop3A_602 = arith.addf %parallel_loop3A_595, %parallel_loop3A_601 : vector<16xf32>
        %parallel_loop3A_603 = arith.constant 4 : i32
        %parallel_loop3A_604 = arith.addi %parallel_loop3A_253, %parallel_loop3A_603 : i32
        %parallel_loop3A_605 = arith.index_cast %parallel_loop3A_604 : i32 to index
        %parallel_loop3A_606 = arith.constant 96 : index
        %parallel_loop3A_607 = tpu.vector_load %arg9[%parallel_loop3A_605, %parallel_loop3A_606] {strides = array<i32>} : memref<112x128xf32, #tpu.memory_space<vmem>>, vector<1x16xf32>,
        %parallel_loop3A_608 = vector.shape_cast %parallel_loop3A_607 : vector<1x16xf32> to vector<16xf32>
        %parallel_loop3A_609 = arith.addf %parallel_loop3A_602, %parallel_loop3A_608 : vector<16xf32>
        %parallel_loop3A_610 = arith.constant 5 : i32
        %parallel_loop3A_611 = arith.addi %parallel_loop3A_253, %parallel_loop3A_610 : i32
        %parallel_loop3A_612 = arith.index_cast %parallel_loop3A_611 : i32 to index
        %parallel_loop3A_613 = arith.constant 96 : index
        %parallel_loop3A_614 = tpu.vector_load %arg9[%parallel_loop3A_612, %parallel_loop3A_613] {strides = array<i32>} : memref<112x128xf32, #tpu.memory_space<vmem>>, vector<1x16xf32>,
        %parallel_loop3A_615 = vector.shape_cast %parallel_loop3A_614 : vector<1x16xf32> to vector<16xf32>
        %parallel_loop3A_616 = arith.addf %parallel_loop3A_609, %parallel_loop3A_615 : vector<16xf32>
        %parallel_loop3A_617 = arith.constant 6 : i32
        %parallel_loop3A_618 = arith.addi %parallel_loop3A_253, %parallel_loop3A_617 : i32
        %parallel_loop3A_619 = arith.index_cast %parallel_loop3A_618 : i32 to index
        %parallel_loop3A_620 = arith.constant 96 : index
        %parallel_loop3A_621 = tpu.vector_load %arg9[%parallel_loop3A_619, %parallel_loop3A_620] {strides = array<i32>} : memref<112x128xf32, #tpu.memory_space<vmem>>, vector<1x16xf32>,
        %parallel_loop3A_622 = vector.shape_cast %parallel_loop3A_621 : vector<1x16xf32> to vector<16xf32>
        %parallel_loop3A_623 = arith.addf %parallel_loop3A_616, %parallel_loop3A_622 : vector<16xf32>
        %parallel_loop3A_624 = arith.constant 0.142857149 : f32
        %parallel_loop3A_625 = vector.broadcast %parallel_loop3A_624 : f32 to vector<16xf32>
        %parallel_loop3A_626 = arith.mulf %parallel_loop3A_623, %parallel_loop3A_625 : vector<16xf32>
        %parallel_loop3A_627 = arith.index_cast %parallel_loop3A_251 : i32 to index
        %parallel_loop3A_628 = arith.constant 96 : index
        %parallel_loop3A_629 = tpu.vector_load %arg11[%parallel_loop3A_627, %parallel_loop3A_628] {strides = array<i32>} : memref<16x128xf32, #tpu.memory_space<vmem>>, vector<1x16xf32>,
        %parallel_loop3A_630 = vector.shape_cast %parallel_loop3A_629 : vector<1x16xf32> to vector<16xf32>
        %parallel_loop3A_631 = vector.shape_cast %parallel_loop3A_626 : vector<16xf32> to vector<1x16xf32>
        tpu.vector_store %arg11[%parallel_loop3A_627, %parallel_loop3A_628], %parallel_loop3A_631 {strides = array<i32>} : memref<16x128xf32, #tpu.memory_space<vmem>>, vector<1x16xf32>,
        %parallel_loop3A_632 = arith.index_cast %parallel_loop3A_253 : i32 to index
        %parallel_loop3A_633 = arith.constant 112 : index
        %parallel_loop3A_634 = tpu.vector_load %arg9[%parallel_loop3A_632, %parallel_loop3A_633] {strides = array<i32>} : memref<112x128xf32, #tpu.memory_space<vmem>>, vector<1x16xf32>,
        %parallel_loop3A_635 = vector.shape_cast %parallel_loop3A_634 : vector<1x16xf32> to vector<16xf32>
        %parallel_loop3A_636 = arith.constant 1 : i32
        %parallel_loop3A_637 = arith.addi %parallel_loop3A_253, %parallel_loop3A_636 : i32
        %parallel_loop3A_638 = arith.index_cast %parallel_loop3A_637 : i32 to index
        %parallel_loop3A_639 = arith.constant 112 : index
        %parallel_loop3A_640 = tpu.vector_load %arg9[%parallel_loop3A_638, %parallel_loop3A_639] {strides = array<i32>} : memref<112x128xf32, #tpu.memory_space<vmem>>, vector<1x16xf32>,
        %parallel_loop3A_641 = vector.shape_cast %parallel_loop3A_640 : vector<1x16xf32> to vector<16xf32>
        %parallel_loop3A_642 = arith.addf %parallel_loop3A_635, %parallel_loop3A_641 : vector<16xf32>
        %parallel_loop3A_643 = arith.constant 2 : i32
        %parallel_loop3A_644 = arith.addi %parallel_loop3A_253, %parallel_loop3A_643 : i32
        %parallel_loop3A_645 = arith.index_cast %parallel_loop3A_644 : i32 to index
        %parallel_loop3A_646 = arith.constant 112 : index
        %parallel_loop3A_647 = tpu.vector_load %arg9[%parallel_loop3A_645, %parallel_loop3A_646] {strides = array<i32>} : memref<112x128xf32, #tpu.memory_space<vmem>>, vector<1x16xf32>,
        %parallel_loop3A_648 = vector.shape_cast %parallel_loop3A_647 : vector<1x16xf32> to vector<16xf32>
        %parallel_loop3A_649 = arith.addf %parallel_loop3A_642, %parallel_loop3A_648 : vector<16xf32>
        %parallel_loop3A_650 = arith.constant 3 : i32
        %parallel_loop3A_651 = arith.addi %parallel_loop3A_253, %parallel_loop3A_650 : i32
        %parallel_loop3A_652 = arith.index_cast %parallel_loop3A_651 : i32 to index
        %parallel_loop3A_653 = arith.constant 112 : index
        %parallel_loop3A_654 = tpu.vector_load %arg9[%parallel_loop3A_652, %parallel_loop3A_653] {strides = array<i32>} : memref<112x128xf32, #tpu.memory_space<vmem>>, vector<1x16xf32>,
        %parallel_loop3A_655 = vector.shape_cast %parallel_loop3A_654 : vector<1x16xf32> to vector<16xf32>
        %parallel_loop3A_656 = arith.addf %parallel_loop3A_649, %parallel_loop3A_655 : vector<16xf32>
        %parallel_loop3A_657 = arith.constant 4 : i32
        %parallel_loop3A_658 = arith.addi %parallel_loop3A_253, %parallel_loop3A_657 : i32
        %parallel_loop3A_659 = arith.index_cast %parallel_loop3A_658 : i32 to index
        %parallel_loop3A_660 = arith.constant 112 : index
        %parallel_loop3A_661 = tpu.vector_load %arg9[%parallel_loop3A_659, %parallel_loop3A_660] {strides = array<i32>} : memref<112x128xf32, #tpu.memory_space<vmem>>, vector<1x16xf32>,
        %parallel_loop3A_662 = vector.shape_cast %parallel_loop3A_661 : vector<1x16xf32> to vector<16xf32>
        %parallel_loop3A_663 = arith.addf %parallel_loop3A_656, %parallel_loop3A_662 : vector<16xf32>
        %parallel_loop3A_664 = arith.constant 5 : i32
        %parallel_loop3A_665 = arith.addi %parallel_loop3A_253, %parallel_loop3A_664 : i32
        %parallel_loop3A_666 = arith.index_cast %parallel_loop3A_665 : i32 to index
        %parallel_loop3A_667 = arith.constant 112 : index
        %parallel_loop3A_668 = tpu.vector_load %arg9[%parallel_loop3A_666, %parallel_loop3A_667] {strides = array<i32>} : memref<112x128xf32, #tpu.memory_space<vmem>>, vector<1x16xf32>,
        %parallel_loop3A_669 = vector.shape_cast %parallel_loop3A_668 : vector<1x16xf32> to vector<16xf32>
        %parallel_loop3A_670 = arith.addf %parallel_loop3A_663, %parallel_loop3A_669 : vector<16xf32>
        %parallel_loop3A_671 = arith.constant 6 : i32
        %parallel_loop3A_672 = arith.addi %parallel_loop3A_253, %parallel_loop3A_671 : i32
        %parallel_loop3A_673 = arith.index_cast %parallel_loop3A_672 : i32 to index
        %parallel_loop3A_674 = arith.constant 112 : index
        %parallel_loop3A_675 = tpu.vector_load %arg9[%parallel_loop3A_673, %parallel_loop3A_674] {strides = array<i32>} : memref<112x128xf32, #tpu.memory_space<vmem>>, vector<1x16xf32>,
        %parallel_loop3A_676 = vector.shape_cast %parallel_loop3A_675 : vector<1x16xf32> to vector<16xf32>
        %parallel_loop3A_677 = arith.addf %parallel_loop3A_670, %parallel_loop3A_676 : vector<16xf32>
        %parallel_loop3A_678 = arith.constant 0.142857149 : f32
        %parallel_loop3A_679 = vector.broadcast %parallel_loop3A_678 : f32 to vector<16xf32>
        %parallel_loop3A_680 = arith.mulf %parallel_loop3A_677, %parallel_loop3A_679 : vector<16xf32>
        %parallel_loop3A_681 = arith.index_cast %parallel_loop3A_251 : i32 to index
        %parallel_loop3A_682 = arith.constant 112 : index
        %parallel_loop3A_683 = tpu.vector_load %arg11[%parallel_loop3A_681, %parallel_loop3A_682] {strides = array<i32>} : memref<16x128xf32, #tpu.memory_space<vmem>>, vector<1x16xf32>,
        %parallel_loop3A_684 = vector.shape_cast %parallel_loop3A_683 : vector<1x16xf32> to vector<16xf32>
        %parallel_loop3A_685 = vector.shape_cast %parallel_loop3A_680 : vector<16xf32> to vector<1x16xf32>
        tpu.vector_store %arg11[%parallel_loop3A_681, %parallel_loop3A_682], %parallel_loop3A_685 {strides = array<i32>} : memref<16x128xf32, #tpu.memory_space<vmem>>, vector<1x16xf32>,
      } {sc.loop_unroll_factor = 4 : i64, sc.parallel_access}
      %add3A_231 = arith.constant 4 : i32
      %add3A_232 = arith.addi %add3A_202, %add3A_231 : i32
      %lt3A_233 = arith.constant 84 : i32
      %lt3A_234 = arith.cmpi slt, %add3A_232, %lt3A_233 : i32
      %convert_element_type3A_235 = arith.extui %lt3A_234 : i1 to i32
      %cond3A_236 = arith.constant 0 : i32
      %cond3A_237 = arith.cmpi ne, %convert_element_type3A_235, %cond3A_236 : i32
      scf.if %cond3A_237 {
        %add3A_251 = arith.constant 4 : i32
        %add3A_252 = arith.addi %add3A_202, %add3A_251 : i32
        %mul3A_253 = arith.constant 112 : i32
        %mul3A_254 = arith.muli %add3A_252, %mul3A_253 : i32
        %dma_start3A_255 = tpu.memref_slice %arg5[%mul3A_254] : memref<9408xi32, #tpu.memory_space<vmem>> -> memref<112xi32, #tpu.memory_space<vmem>>
        %dma_start3A_256 = arith.constant 0 : i32
        %dma_start3A_257 = arith.constant 0 : i32
        %dma_start3A_258 = tpu.memref_slice %arg2[%dma_start3A_256, %dma_start3A_257] : memref<163842x128xf32, #tpu.memory_space<hbm>> -> memref<163842x128xf32, #tpu.memory_space<hbm>>
        tpu.enqueue_indirect_dma source(%dma_start3A_258 : memref<163842x128xf32, #tpu.memory_space<hbm>>) target(%arg9 : memref<112x128xf32, #tpu.memory_space<vmem>>) offsets(%dma_start3A_255 : memref<112xi32, #tpu.memory_space<vmem>>) semaphore(%arg15 : memref<!tpu.dma_semaphore, #tpu.memory_space<semaphore_mem>>)
      } else {
      }
      %ge3A_238 = arith.constant 16 : i32
      %ge3A_239 = arith.cmpi sge, %sub3A_215, %ge3A_238 : i32
      %convert_element_type3A_240 = arith.extui %ge3A_239 : i1 to i32
      %cond3A_241 = arith.constant 0 : i32
      %cond3A_242 = arith.cmpi ne, %convert_element_type3A_240, %cond3A_241 : i32
      scf.if %cond3A_242 {
        %dma_start3A_251 = arith.constant 0 : i32
        %dma_start3A_252 = tpu.memref_slice %arg4[%add3A_213, %dma_start3A_251] : memref<40962x128xf32, #tpu.memory_space<hbm>> -> memref<16x128xf32, #tpu.memory_space<hbm>>
        %dma_start3A_253 = arith.constant 0 : i32
        %dma_start3A_254 = tpu.memref_slice %arg4[%add3A_213, %dma_start3A_253] : memref<40962x128xf32, #tpu.memory_space<hbm>> -> memref<16x128xf32, #tpu.memory_space<hbm>>
        tpu.enqueue_dma source(%arg11 : memref<16x128xf32, #tpu.memory_space<vmem>>) target(%dma_start3A_254 : memref<16x128xf32, #tpu.memory_space<hbm>>) target_semaphore(%arg17 : memref<!tpu.dma_semaphore, #tpu.memory_space<semaphore_mem>>)
      } else {
      }
      %gt3A_243 = arith.constant 0 : i32
      %gt3A_244 = arith.cmpi sgt, %sub3A_215, %gt3A_243 : i32
      %lt3A_245 = arith.constant 16 : i32
      %lt3A_246 = arith.cmpi slt, %sub3A_215, %lt3A_245 : i32
      %and3A_247 = arith.andi %gt3A_244, %lt3A_246 : i1
      %convert_element_type3A_248 = arith.extui %and3A_247 : i1 to i32
      %cond3A_249 = arith.constant 0 : i32
      %cond3A_250 = arith.cmpi ne, %convert_element_type3A_248, %cond3A_249 : i32
      scf.if %cond3A_250 {
        "tpu.region"() ({
          %run_scoped3A = tpu.sem_alloc : memref<!tpu.dma_semaphore, #tpu.memory_space<semaphore_mem>>
          %dma_start3A_251 = arith.constant 0 : i32
          %dma_start3A_252 = arith.constant 0 : i32
          %dma_start3A_253 = tpu.memref_slice %arg11[%dma_start3A_251, %dma_start3A_252] : memref<16x128xf32, #tpu.memory_space<vmem>> -> memref<2x128xf32, #tpu.memory_space<vmem>>
          %dma_start3A_254 = arith.constant 0 : i32
          %dma_start3A_255 = tpu.memref_slice %arg4[%add3A_213, %dma_start3A_254] : memref<40962x128xf32, #tpu.memory_space<hbm>> -> memref<2x128xf32, #tpu.memory_space<hbm>>
          %dma_start3A_256 = arith.constant 0 : i32
          %dma_start3A_257 = tpu.memref_slice %arg4[%add3A_213, %dma_start3A_256] : memref<40962x128xf32, #tpu.memory_space<hbm>> -> memref<2x128xf32, #tpu.memory_space<hbm>>
          %dma_start3A_258 = arith.constant 0 : i32
          %dma_start3A_259 = arith.constant 0 : i32
          %dma_start3A_260 = tpu.memref_slice %arg11[%dma_start3A_258, %dma_start3A_259] : memref<16x128xf32, #tpu.memory_space<vmem>> -> memref<2x128xf32, #tpu.memory_space<vmem>>
          tpu.enqueue_dma source(%dma_start3A_260 : memref<2x128xf32, #tpu.memory_space<vmem>>) target(%dma_start3A_257 : memref<2x128xf32, #tpu.memory_space<hbm>>) target_semaphore(%run_scoped3A : memref<!tpu.dma_semaphore, #tpu.memory_space<semaphore_mem>>)
          %dma_wait3A_261 = arith.constant 0 : i32
          %dma_wait3A_262 = arith.constant 0 : i32
          %dma_wait3A_263 = tpu.memref_slice %arg11[%dma_wait3A_261, %dma_wait3A_262] : memref<16x128xf32, #tpu.memory_space<vmem>> -> memref<2x128xf32, #tpu.memory_space<vmem>>
          %dma_wait3A_264 = arith.constant 0 : i32
          %dma_wait3A_265 = tpu.memref_slice %arg4[%add3A_213, %dma_wait3A_264] : memref<40962x128xf32, #tpu.memory_space<hbm>> -> memref<2x128xf32, #tpu.memory_space<hbm>>
          %dma_wait3A_266 = arith.constant 0 : i32
          %dma_wait3A_267 = tpu.memref_slice %arg4[%add3A_213, %dma_wait3A_266] : memref<40962x128xf32, #tpu.memory_space<hbm>> -> memref<2x128xf32, #tpu.memory_space<hbm>>
          %dma_wait3A_268 = arith.constant 0 : i32
          %dma_wait3A_269 = arith.constant 0 : i32
          %dma_wait3A_270 = tpu.memref_slice %arg11[%dma_wait3A_268, %dma_wait3A_269] : memref<16x128xf32, #tpu.memory_space<vmem>> -> memref<2x128xf32, #tpu.memory_space<vmem>>
          tpu.wait_dma2 semaphore(%run_scoped3A : memref<!tpu.dma_semaphore, #tpu.memory_space<semaphore_mem>>) src(%dma_wait3A_270 : memref<2x128xf32, #tpu.memory_space<vmem>>) dst(%dma_wait3A_267 : memref<2x128xf32, #tpu.memory_space<hbm>>)
          tpu.yield
        }) : () -> ()
      } else {
      }
    }
    %scan3A_28 = arith.constant 21 : i32
    %mul3A_29 = arith.constant 1344 : i32
    %mul3A_30 = arith.muli %add3A, %mul3A_29 : i32
    %add3A_31 = arith.constant 1312 : i32
    %add3A_32 = arith.addi %mul3A_30, %add3A_31 : i32
    %sub3A = arith.constant 40962 : i32
    %sub3A_33 = arith.subi %sub3A, %add3A_32 : i32
    %ge3A = arith.constant 16 : i32
    %ge3A_34 = arith.cmpi sge, %sub3A_33, %ge3A : i32
    %convert_element_type3A = arith.extui %ge3A_34 : i1 to i32
    %cond3A = arith.constant 0 : i32
    %cond3A_35 = arith.cmpi ne, %convert_element_type3A, %cond3A : i32
    scf.if %cond3A_35 {
      %dma_wait3A = arith.constant 0 : i32
      %dma_wait3A_47 = arith.constant 0 : i32
      %dma_wait3A_48 = tpu.memref_slice %arg4[%dma_wait3A, %dma_wait3A_47] : memref<40962x128xf32, #tpu.memory_space<hbm>> -> memref<16x128xf32, #tpu.memory_space<hbm>>
      %dma_wait3A_49 = arith.constant 0 : i32
      %dma_wait3A_50 = arith.constant 0 : i32
      %dma_wait3A_51 = tpu.memref_slice %arg4[%dma_wait3A_49, %dma_wait3A_50] : memref<40962x128xf32, #tpu.memory_space<hbm>> -> memref<16x128xf32, #tpu.memory_space<hbm>>
      tpu.wait_dma2 semaphore(%arg16 : memref<!tpu.dma_semaphore, #tpu.memory_space<semaphore_mem>>) src(%arg10 : memref<16x128xf32, #tpu.memory_space<vmem>>) dst(%dma_wait3A_51 : memref<16x128xf32, #tpu.memory_space<hbm>>)
    } else {
    }
    %mul3A_36 = arith.constant 1344 : i32
    %mul3A_37 = arith.muli %add3A, %mul3A_36 : i32
    %add3A_38 = arith.constant 1328 : i32
    %add3A_39 = arith.addi %mul3A_37, %add3A_38 : i32
    %sub3A_40 = arith.constant 40962 : i32
    %sub3A_41 = arith.subi %sub3A_40, %add3A_39 : i32
    %ge3A_42 = arith.constant 16 : i32
    %ge3A_43 = arith.cmpi sge, %sub3A_41, %ge3A_42 : i32
    %convert_element_type3A_44 = arith.extui %ge3A_43 : i1 to i32
    %cond3A_45 = arith.constant 0 : i32
    %cond3A_46 = arith.cmpi ne, %convert_element_type3A_44, %cond3A_45 : i32
    scf.if %cond3A_46 {
      %dma_wait3A = arith.constant 0 : i32
      %dma_wait3A_47 = arith.constant 0 : i32
      %dma_wait3A_48 = tpu.memref_slice %arg4[%dma_wait3A, %dma_wait3A_47] : memref<40962x128xf32, #tpu.memory_space<hbm>> -> memref<16x128xf32, #tpu.memory_space<hbm>>
      %dma_wait3A_49 = arith.constant 0 : i32
      %dma_wait3A_50 = arith.constant 0 : i32
      %dma_wait3A_51 = tpu.memref_slice %arg4[%dma_wait3A_49, %dma_wait3A_50] : memref<40962x128xf32, #tpu.memory_space<hbm>> -> memref<16x128xf32, #tpu.memory_space<hbm>>
      tpu.wait_dma2 semaphore(%arg17 : memref<!tpu.dma_semaphore, #tpu.memory_space<semaphore_mem>>) src(%arg11 : memref<16x128xf32, #tpu.memory_space<vmem>>) dst(%dma_wait3A_51 : memref<16x128xf32, #tpu.memory_space<hbm>>)
    } else {
    }
    return
  }
}

</mosaic_0001>

<sc_bundles>
// kernel: kernel.3.cloned.1.call-start
scs
__scs_entry_jumppad:
0x0: {  	(pc) =	sbr.rel $0x88, $3  }
0x1: {  	(tag) =	ssettag $0x0;
	lr =	simm.s32 $0x1  }
0x2: {  	[smem:$0x3F9F] =	sst lr;
	_ =	strace $0xD0000000  }
0x3: {  	_ = 	snop  }
0x4: {  	_ = 	snop  }
0x5: {  	_ = 	snop  }
0x6: {  	_ = 	snop  }
0x7: {  	_ = 	snop  }
__scs_overlays_trampoline_lowered:
0x8: {  	[smem:$0x3FAE] =	sst s0  }
0x9: {  	[smem:$0x3FAF] =	sst s1  }
0xa: {  	[smem:$0x3FB0] =	sst s2  }
0xb: {  	[smem:$0x3FB1] =	sst s3  }
0xc: {  	[smem:$0x3FB2] =	sst s4  }
0xd: {  	[smem:$0x3FB3] =	sst s5  }
0xe: {  	[smem:$0x3FB4] =	sst s6  }
0xf: {  	[smem:$0x3FB5] =	sst s7  }
0x10: {  	[smem:$0x3FB6] =	sst s8  }
0x11: {  	[smem:$0x3FB7] =	sst s9;
	s0 =	simm.s32 @!p0 $0x0  }
0x12: {  	s1 =	sld [smem:$0x3F9D];
	s0 =	simm.s32 @p0 $0x1  }
0x13: {  	[smem:$0x3FB8] =	sst s0;
	s0 =	simm.s32 @!p1 $0x0  }
0x14: {  	s2 =	sld [smem:$0x3F9C];
	s0 =	simm.s32 @p1 $0x1  }
0x15: {  	[smem:$0x3FB9] =	sst s0;
	s0 =	simm.s32 @!p2 $0x0  }
0x16: {  	s3 =	sld [smem:$0x3FDB];
	s0 =	simm.s32 @p2 $0x1  }
0x17: {  	s4 =	simm.s32 $0x1BF5;
	[smem:$0x3FBB] =	sst s0  }
0x18: {  	s0 =	sld [smem:$0x3F9E];
	_ =	swait.ge [sflag:s4], $0x0  }
0x19: {  	s7 =	sld [smem:$0x3F9F]  }
0x1a: {  	s8 =	sadd.s32 $0xFFFFE003, lr  }
0x1b: {  	s9 =	sadd.s32 $0xFFFFFEF7, lr;
	s5 =	simm.s32 $0xFFFFFFFF;
	p2 =	slt.u32 s8, $0xFFFFF086  }
0x1c: {  	p1 =	slt.u32 s9, $0xF7A;
	s5 =	simm.s32 @!p2 $0x0  }
0x1d: {  	s5 =	simm.s32 @p1 $0x1;
	p0 =	seq.s32 s7, s2  }
0x1e: {  	s7 =	smul.u32 @!p0 $0xF7A, s2;
	p2 =	seq.s32 @!p0 s5, $0x0  }
0x1f: {  	s9 =	smul.u32 $0xF7A, s1;
	s8 =	simm.s32 @!p0 $0x1BF5;
	p2 =	por !p2, p0  }
0x20: {  	[sflag:s8] =	ssyncset.s32 @!p0 $0xFFFFF086;
	s6 =	sadd.s32 @!p0 s3, s7;
	s7 =	simm.s32 @!p0 $0x108  }
0x21: {  	s3 =	sadd.s32 s3, s9;
	s6 =	sadd.s32 @!p0 $0x88, s6;
	s7 =	simm.s32 @p2 $0x1082  }
0x22: {  	[simem:s7], [sflag:s8] =	dma.local @!p0 [hbm:s6], $0xF7A  }
0x23: {  	s9 =	sor.u32 $0xD0000000, s2;
	s6 =	simm.s32 $0x108;
	_ =	swait.ge @!p0 [sflag:s8], $0x0  }
0x24: {  	s3 =	sadd.s32 $0x88, s3;
	s6 =	simm.s32 @!p1 $0x1082;
	[sflag:s4] =	ssyncset.s32 $0xFFFFF086  }
0x25: {  	[simem:s6], [sflag:s4] =	dma.local [hbm:s3], $0xF7A  }
0x26: {  	[smem:$0x3F9F] =	sst s1;
	(tag) =	ssettag s2;
	_ =	strace s9  }
0x27: {  	s1 =	sld [smem:$0x3FAF]  }
0x28: {  	s2 =	sld [smem:$0x3FB0]  }
0x29: {  	s4 =	sld [smem:$0x3FB2]  }
0x2a: {  	p0 =	seq.s32 s5, $0x0;
	s5 =	sld [smem:$0x3FB3]  }
0x2b: {  	s6 =	sld [smem:$0x3FB4]  }
0x2c: {  	s7 =	sld [smem:$0x3FB5]  }
0x2d: {  	s3 =	simm.s32 $0x108;
	s8 =	sld [smem:$0x3FB6]  }
0x2e: {  	s3 =	simm.s32 @!p0 $0x1082;
	s9 =	sld [smem:$0x3FB7]  }
0x2f: {  	lr =	sadd.s32 s0, s3;
	s0 =	sld [smem:$0x3FAE]  }
0x30: {  	s3 =	sld [smem:$0x3FB1]  }
0x31: {  	[smem:$0x3FBA] =	sst s10  }
0x32: {  	s10 =	sld [smem:$0x3FB8];
	_ =	sdelay $0x3  }
0x33: {  	p0 =	seq.s32 s10, $0x1;
	s10 =	sld [smem:$0x3FBA];
	_ =	sdelay $0x3  }
0x34: {  	[smem:$0x3FBA] =	sst s10  }
0x35: {  	s10 =	sld [smem:$0x3FB9];
	_ =	sdelay $0x3  }
0x36: {  	p1 =	seq.s32 s10, $0x1;
	s10 =	sld [smem:$0x3FBA];
	_ =	sdelay $0x3  }
0x37: {  	[smem:$0x3FBA] =	sst s10  }
0x38: {  	s10 =	sld [smem:$0x3FBB]  }
0x39: {  	_ = 	snop;
	(pc) =	sbr.ind lr, $3  }
0x3a: {  	_ = 	snop  }
0x3b: {  	_ = 	snop  }
0x3c: {  	p2 =	seq.s32 s10, $0x1;
	s10 =	sld [smem:$0x3FBA]  }
0x3d: {  	_ =	shalt  }
0x3e: {  	_ =	shalt  }
0x3f: {  	_ =	shalt  }
0x40: {  	_ =	shalt  }
0x41: {  	_ =	shalt  }
0x42: {  	_ =	shalt  }
0x43: {  	_ =	shalt  }
0x44: {  	_ =	shalt  }
0x45: {  	_ =	shalt  }
0x46: {  	_ =	shalt  }
0x47: {  	_ =	shalt  }
0x48: {  	_ =	shalt  }
0x49: {  	_ =	shalt  }
0x4a: {  	_ =	shalt  }
0x4b: {  	_ =	shalt  }
0x4c: {  	_ =	shalt  }
0x4d: {  	_ =	shalt  }
0x4e: {  	_ =	shalt  }
0x4f: {  	_ =	shalt  }
0x50: {  	_ =	shalt  }
0x51: {  	_ =	shalt  }
0x52: {  	_ =	shalt  }
0x53: {  	_ =	shalt  }
0x54: {  	_ =	shalt  }
0x55: {  	_ =	shalt  }
0x56: {  	_ =	shalt  }
0x57: {  	_ =	shalt  }
0x58: {  	_ =	shalt  }
0x59: {  	_ =	shalt  }
0x5a: {  	_ =	shalt  }
0x5b: {  	_ =	shalt  }
0x5c: {  	_ =	shalt  }
0x5d: {  	_ =	shalt  }
0x5e: {  	_ =	shalt  }
0x5f: {  	_ =	shalt  }
0x60: {  	_ =	shalt  }
0x61: {  	_ =	shalt  }
0x62: {  	_ =	shalt  }
0x63: {  	_ =	shalt  }
0x64: {  	_ =	shalt  }
0x65: {  	_ =	shalt  }
0x66: {  	_ =	shalt  }
0x67: {  	_ =	shalt  }
0x68: {  	_ =	shalt  }
0x69: {  	_ =	shalt  }
0x6a: {  	_ =	shalt  }
0x6b: {  	_ =	shalt  }
0x6c: {  	_ =	shalt  }
0x6d: {  	_ =	shalt  }
0x6e: {  	_ =	shalt  }
0x6f: {  	_ =	shalt  }
0x70: {  	_ =	shalt  }
0x71: {  	_ =	shalt  }
0x72: {  	_ =	shalt  }
0x73: {  	_ =	shalt  }
0x74: {  	_ =	shalt  }
0x75: {  	_ =	shalt  }
0x76: {  	_ =	shalt  }
0x77: {  	_ =	shalt  }
0x78: {  	_ =	shalt  }
0x79: {  	_ =	shalt  }
0x7a: {  	_ =	shalt  }
0x7b: {  	_ =	shalt  }
0x7c: {  	_ =	shalt  }
0x7d: {  	_ =	shalt  }
0x7e: {  	_ =	shalt  }
0x7f: {  	_ =	shalt  }
0x80: {  	_ =	shalt  }
0x81: {  	_ =	shalt  }
0x82: {  	_ =	shalt  }
0x83: {  	_ =	shalt  }
0x84: {  	_ =	shalt  }
0x85: {  	_ =	shalt  }
0x86: {  	_ =	shalt  }
0x87: {  	_ =	shalt  }
.Lfunc_end0:
.L_simem_size_0:
called_computation_lowered:
.L_overlay_start_0:
0x88: {  	s2 =	sld [smem:$0x3FD9]  }
0x89: {  	s3 =	sld [smem:$0x3FFE];
	_ =	sdelay $0x1  }
0x8a: {  	s1 =	srdreg.scid  }
0x8b: {  	s0 =	sand.u32 $0x1, s1  }
0x8c: {  	s17 =	sshll.u32 s0, $0xA;
	s2 =	sadd.s32 s3, s2  }
0x8d: {  	s2 =	sadd.s32 s2, s17  }
0x8e: {  	[smem:$0x3FC6] =	sst s2  }
0x8f: {  	_ = 	snop  }
0x90: {  	s2 =	sld [smem:$0x3FC9]  }
0x91: {  	s18 =	sld [smem:$0x3FD0];
	(tm) =	ssettm $0x1  }
0x92: {  	s4 =	sld [smem:$0x3FFB];
	_ =	sdelay $0x3  }
0x93: {  	_ =	strace s4  }
0x94: {  	s4 =	sld [smem:$0x3FFC];
	_ =	sdelay $0x3  }
0x95: {  	_ =	strace s4  }
0x96: {  	s4 =	sld [smem:$0x3FFD];
	_ =	sdelay $0x3  }
0x97: {  	_ =	strace s4  }
0x98: {  	_ =	strace $0x8FFFFFFF  }
0x99: {  	s19 =	sld [smem:$0x3FDB];
	_ =	sdelay $0x1  }
0x9a: {  	s5 =	simm.s32 $_scs_section_size  }
0x9b: {  	s6 =	simm.s32 $_size__tile_overlayer_lowered;
	s7 =	simm.s32 $_tile_overlayer_lowered  }
0x9c: {  	s22 =	simm.s32 $0x1BFF;
	s21 =	sshll.u32 s7, $0x1;
	s4 =	sadd.s32 s5, s19  }
0x9d: {  	s8 =	simm.s32 $0x0;
	s20 =	sshll.u32 s6, $0x1;
	s6 =	sadd.s32 s21, s4  }
0x9e: {  	[timem:s8], [sflag:s22] =	dma.local [hbm:s6], s20  }
0x9f: {  	_ =	swait.ge [sflag:s22], s20  }
0xa0: {  	s5 =	ssub.s32 $0x0, s20;
	[sflag:s22] =	ssyncset.done $0x0  }
0xa1: {  	[sflag:s22] =	ssyncadd.s32 s5;
	_ =	sdelay $0x1  }
0xa2: {  	s23 =	simm.s32 $0x1B8B  }
0xa3: {  	_ =	swait.ge [sflag:s23], $0x1  }
0xa4: {  	[sflag:s23] =	ssyncset.done $0x0  }
0xa5: {  	s25 =	simm.s32 $0x1B8E;
	s24 =	sld [smem:$0x3FFE];
	[sflag:s23] =	ssyncadd.s32 $0xFFFFFFFF  }
0xa6: {  	s26 =	simm.s32 $execute0_lowered;
	[smem:$0x3FD2] =	sst s25  }
0xa7: {  	s6 =	sshll.u32 s26, $0x1;
	_ =	strace $0x80000046;
	[dreg:$0x1] =	wrdreg $0xFFFFFFFF  }
0xa8: {  	s28 =	simm.s32 $_size_execute0_lowered;
	s4 =	sadd.s32 s4, s6;
	[dreg:$0x0] =	wrdreg $0x0  }
0xa9: {  	s6 =	sshll.u32 s28, $0x1;
	[dreg:$0x2] =	wrdreg s4  }
0xaa: {  	[dreg:$0x3] =	wrdreg s6  }
0xab: {  	[dreg:$0x4] =	wrdreg $0xC0  }
0xac: {  	_ =	task [dreg:s8], $0x5FFFF  }
0xad: {  	[dreg:$0x1] =	wrdreg $0xFFFFFFFF  }
0xae: {  	[dreg:$0x0] =	wrdreg $0x60  }
0xaf: {  	[dreg:$0x2] =	wrdreg s2  }
0xb0: {  	[dreg:$0x3] =	wrdreg s24  }
0xb1: {  	[dreg:$0x4] =	wrdreg s18  }
0xb2: {  	[dreg:$0x5] =	wrdreg $0x9  }
0xb3: {  	_ =	task.clear_ibuf [dreg:s8], $0x6FFFF;
	_ =	strace $0x90000046  }
0xb4: {  	s29 =	simm.s32 $0x9;
	_ =	strace $0x80000048  }
0xb5: {  	_ =	swait.ge [sflag:s29], $0x1  }
0xb6: {  	[sflag:s29] =	ssyncadd.s32 $0xFFFFFFFF  }
0xb7: {  	_ =	strace $0x90000048  }
0xb8: {  	_ =	sfence  }
0xb9: {  	s30 =	sld [smem:$0x0];
	_ =	sdelay $0x2  }
0xba: {  	s31 =	sshll.u32 s1, $0xD;
	s1 =	sshrl.u32 s1, $0x2  }
0xbb: {  	s3 =	sand.u32 $0x4000, s31;
	s1 =	sadd.s32 s1, s30  }
0xbc: {  	s0 =	sor.u32 s3, s0;
	s1 =	sshll.u32 s1, $0x11  }
0xbd: {  	s0 =	sor.u32 s1, s0  }
0xbe: {  	s0 =	sadd.s32 $0x8F2B, s0  }
0xbf: {  	[sflag:s0] =	ssyncadd.remote.s32 $0x1  }
0xc0: {  	_ =	sfence.sel $0xFFFF  }
0xc1: {  	[dreg:$0x0] =	wrdreg $0xFFFFFFFF;
	(pc) =	sbr.abs _section_cstart, $3  }
0xc2: {  	[dreg:$0x1] =	wrdreg $0xFFFFFFFF  }
0xc3: {  	_ =	task.clear_ibuf [dreg:s8], $0x2FFFF;
	_ =	strace $0x9FFFFFFF  }
0xc4: {  	(tm) =	ssettm $0x7FFFFFFF  }
0xc5: {  	_ =	shalt  }
tec
execute0_lowered:
.L_overlay_start_1:
0x0: {  	(tag) =	ssettag $0x1  }
0x1: {  	s1 =	rddreg [dreg:$0x0]  }
0x2: {  	s0 =	srdreg.scid;
	s2 =	rddreg [dreg:$0x1]  }
0x3: {  	s10 =	stileid.u32;
	s3 =	rddreg [dreg:$0x2]  }
0x4: {  	s8 =	simm.s32 $0x7;
	s9 =	simm.s32 $0x70;
	s11 =	simm.s32 $0x5D00  }
0x5: {  	s12 =	simm.s32 $0xE0;
	s13 =	simm.s32 $0x9500;
	s14 =	simm.s32 $0x150  }
0x6: {  	s15 =	simm.s32 $0xCD00;
	s16 =	simm.s32 $0x1;
	s17 =	simm.s32 $0x2  }
0x7: {  	s18 =	simm.s32 $0x3;
	s0 =	sand.u32 $0x1, s0;
	s4 =	sshll.u32 s10, $0x1  }
0x8: {  	s19 =	simm.s32 $0x4;
	s20 =	simm.s32 $0x0;
	s6 =	sor.u32 s0, s4  }
0x9: {  	s4 =	simm.s32 $0x0;
	s0 =	ssub.s32 $0x2, s0;
	s5 =	smul.u32 $0x498, s6  }
0xa: {  	p0 =	seq.s32 s10, $0xF;
	[smem:$0x7FF] =	sst s4;
	s31 =	sshrl.u32 s0, $0x1  }
0xb: {  	s6 =	smul.u32 $0x540, s6;
	s0 =	ssub.s32 s0, s31;
	s2 =	sadd.s32 s5, s2  }
0xc: {  	_ =	strace $0x80000047;
	s7 =	smax.u32 s0, $0x1;
	s5 =	sadd.s32 $0x400, s2  }
.LBB2_1:
0xd: {  	[tilespmem:s4], [sflag:$0x7] =	stream.linear.gather [hbm4b:s5+s4], $0x24C0, $0x38;
	[tilespmem:$0x11500] =	vst v63  }
0xe: {  	_ =	swait.ge [sflag:s8], $0x24C0  }
0xf: {  	[sflag:s8] =	ssyncset.done $0x0  }
0x10: {  	s0 =	simm.s32 $0x2500;
	[sflag:s8] =	ssyncadd.s32 $0xFFFFDB40  }
0x11: {  	[tilespmem:s0], [sflag:$0x1] =	stream.indirect.gather [hbm4b:s1+s9], $0x80, s4, s9, $0xb8;
	[tilespmem:$0x11500] =	vst v63  }
0x12: {  	_ = 	snop  }
0x13: {  	[tilespmem:s11], [sflag:$0x2] =	stream.indirect.gather [hbm4b:s1+s9], $0x80, s9, s9, $0xb8;
	[tilespmem:$0x11500] =	vst v63  }
0x14: {  	_ = 	snop  }
0x15: {  	[tilespmem:s13], [sflag:$0x3] =	stream.indirect.gather [hbm4b:s1+s9], $0x80, s12, s9, $0xb8;
	[tilespmem:$0x11500] =	vst v63  }
0x16: {  	s21 =	simm.s32 $0x0  }
0x17: {  	[tilespmem:s15], [sflag:$0x4] =	stream.indirect.gather [hbm4b:s1+s9], $0x80, s14, s9, $0xb8;
	[tilespmem:$0x11500] =	vst v63  }
.LBB2_2:
0x18: {  	s23 =	sshll.u32 s21, $0x6  }
0x19: {  	p2 =	seq.s32 s21, $0x0;
	s24 =	sadd.s32 s6, s23  }
0x1a: {  	_ =	swait.ge [sflag:s16], $0x3800;
	p1 =	sgt.u32 @!p2 s24, $0xA012  }
0x1b: {  	[sflag:s16] =	ssyncset.done $0x0;
	p1 =	por p1, p2  }
0x1c: {  	[sflag:s16] =	ssyncadd.s32 $0xFFFFC800;
	s0 =	simm.s32 @!p1 $0x5  }
0x1d: {  	_ =	swait.ge @!p1 [sflag:s0], $0x800  }
0x1e: {  	[sflag:s0] =	ssyncset.done @!p1 $0x0  }
0x1f: {  	s22 =	simm.s32 $0x0;
	[sflag:s0] =	ssyncadd.s32 @!p1 $0xFFFFF800  }
.LBB2_3:
0x20: {  	s0 =	smul.u32 $0xE00, s22;
	_ =	sdelay $0x1  }
0x21: {  	s26 =	sshra.s32 s0, $0x2  }
0x22: {  	v0 =	vld [tilespmem:s26+$0x2500]  }
0x23: {  	v1 =	vld [tilespmem:s26+$0x2580];
	_ =	sdelay $0x1  }
0x24: {  	v2 =	vld [tilespmem:s26+$0x2600];
	_ =	sdelay $0x1  }
0x25: {  	v3 =	vld [tilespmem:s26+$0x2680]  }
0x26: {  	v0 =	vadd.f32 v1, v0  }
0x27: {  	v14 =	vld [tilespmem:s26+$0x2700]  }
0x28: {  	v0 =	vadd.f32 v2, v0  }
0x29: {  	v15 =	vld [tilespmem:s26+$0x2780]  }
0x2a: {  	v0 =	vadd.f32 v3, v0  }
0x2b: {  	v16 =	vld [tilespmem:s26+$0x2800]  }
0x2c: {  	v0 =	vadd.f32 v14, v0;
	_ =	sdelay $0x1  }
0x2d: {  	v0 =	vadd.f32 v15, v0;
	_ =	sdelay $0x1  }
0x2e: {  	v0 =	vadd.f32 v16, v0;
	_ =	sdelay $0x1  }
0x2f: {  	s25 =	sshll.u32 s22, $0x7;
	v0 =	vmul.f32 $1.428571490e-01, v0  }
0x30: {  	s25 =	sand.u32 $0x3FFFFF80, s25  }
0x31: {  	[tilespmem:s25+$0x10500] =	vst v0  }
0x32: {  	v0 =	vld [tilespmem:s26+$0x2510]  }
0x33: {  	v17 =	vld [tilespmem:s26+$0x2590];
	_ =	sdelay $0x1  }
0x34: {  	v18 =	vld [tilespmem:s26+$0x2610];
	_ =	sdelay $0x1  }
0x35: {  	v19 =	vld [tilespmem:s26+$0x2690]  }
0x36: {  	v0 =	vadd.f32 v17, v0  }
0x37: {  	v20 =	vld [tilespmem:s26+$0x2710]  }
0x38: {  	v0 =	vadd.f32 v18, v0  }
0x39: {  	v21 =	vld [tilespmem:s26+$0x2790]  }
0x3a: {  	v0 =	vadd.f32 v19, v0  }
0x3b: {  	v22 =	vld [tilespmem:s26+$0x2810]  }
0x3c: {  	v0 =	vadd.f32 v20, v0;
	_ =	sdelay $0x1  }
0x3d: {  	v0 =	vadd.f32 v21, v0;
	_ =	sdelay $0x1  }
0x3e: {  	v0 =	vadd.f32 v22, v0;
	_ =	sdelay $0x1  }
0x3f: {  	v0 =	vmul.f32 $1.428571490e-01, v0;
	_ =	sdelay $0x1  }
0x40: {  	[tilespmem:s25+$0x10510] =	vst v0  }
0x41: {  	v0 =	vld [tilespmem:s26+$0x2520]  }
0x42: {  	v23 =	vld [tilespmem:s26+$0x25A0];
	_ =	sdelay $0x1  }
0x43: {  	v24 =	vld [tilespmem:s26+$0x2620];
	_ =	sdelay $0x1  }
0x44: {  	v25 =	vld [tilespmem:s26+$0x26A0]  }
0x45: {  	v0 =	vadd.f32 v23, v0  }
0x46: {  	v26 =	vld [tilespmem:s26+$0x2720]  }
0x47: {  	v0 =	vadd.f32 v24, v0  }
0x48: {  	v27 =	vld [tilespmem:s26+$0x27A0]  }
0x49: {  	v0 =	vadd.f32 v25, v0  }
0x4a: {  	v28 =	vld [tilespmem:s26+$0x2820]  }
0x4b: {  	s28 =	sor.u32 $0x1, s22;
	v0 =	vadd.f32 v26, v0  }
0x4c: {  	s2 =	smul.u32 $0xE00, s28  }
0x4d: {  	v0 =	vadd.f32 v27, v0  }
0x4e: {  	s29 =	sshra.s32 s2, $0x2  }
0x4f: {  	v4 =	vld [tilespmem:s29+$0x2500];
	v0 =	vadd.f32 v28, v0  }
0x50: {  	v33 =	vld [tilespmem:s29+$0x2580]  }
0x51: {  	v0 =	vmul.f32 $1.428571490e-01, v0  }
0x52: {  	v34 =	vld [tilespmem:s29+$0x2600]  }
0x53: {  	v35 =	vld [tilespmem:s29+$0x2680];
	[tilespmem:s25+$0x10520] =	vst v0  }
0x54: {  	v0 =	vld [tilespmem:s26+$0x2530]  }
0x55: {  	v2 =	vadd.f32 v33, v4;
	v29 =	vld [tilespmem:s26+$0x25B0]  }
0x56: {  	v36 =	vld [tilespmem:s29+$0x2700]  }
0x57: {  	v2 =	vadd.f32 v34, v2;
	v30 =	vld [tilespmem:s26+$0x2630]  }
0x58: {  	v37 =	vld [tilespmem:s29+$0x2780]  }
0x59: {  	v1 =	vadd.f32 v35, v2;
	v31 =	vld [tilespmem:s26+$0x26B0]  }
0x5a: {  	v38 =	vld [tilespmem:s29+$0x2800];
	v0 =	vadd.f32 v29, v0  }
0x5b: {  	v1 =	vadd.f32 v36, v1;
	v32 =	vld [tilespmem:s26+$0x2730]  }
0x5c: {  	v0 =	vadd.f32 v30, v0  }
0x5d: {  	v1 =	vadd.f32 v37, v1;
	v5 =	vld [tilespmem:s26+$0x27B0]  }
0x5e: {  	v0 =	vadd.f32 v31, v0  }
0x5f: {  	s10 =	sor.u32 $0x3, s22;
	v1 =	vadd.f32 v38, v1;
	v6 =	vld [tilespmem:s26+$0x2830]  }
0x60: {  	s31 =	smul.u32 $0xE00, s10;
	v0 =	vadd.f32 v32, v0  }
0x61: {  	s0 =	sshll.u32 s28, $0x7;
	v1 =	vmul.f32 $1.428571490e-01, v1  }
0x62: {  	s28 =	sand.u32 $0x3FFFFF80, s0;
	s31 =	sshra.s32 s31, $0x2;
	v0 =	vadd.f32 v5, v0  }
0x63: {  	v59 =	vld [tilespmem:s31+$0x2580];
	[tilespmem:s28+$0x10500] =	vst v1  }
0x64: {  	v1 =	vld [tilespmem:s29+$0x2510];
	v0 =	vadd.f32 v6, v0  }
0x65: {  	v43 =	vld [tilespmem:s29+$0x2590]  }
0x66: {  	v61 =	vld [tilespmem:s31+$0x2600];
	v0 =	vmul.f32 $1.428571490e-01, v0  }
0x67: {  	v45 =	vld [tilespmem:s29+$0x2610]  }
0x68: {  	v47 =	vld [tilespmem:s29+$0x2690];
	[tilespmem:s25+$0x10530] =	vst v0  }
0x69: {  	v0 =	vld [tilespmem:s26+$0x2540]  }
0x6a: {  	v1 =	vadd.f32 v43, v1;
	v39 =	vld [tilespmem:s26+$0x25C0]  }
0x6b: {  	v48 =	vld [tilespmem:s29+$0x2710]  }
0x6c: {  	v1 =	vadd.f32 v45, v1;
	v40 =	vld [tilespmem:s26+$0x2640]  }
0x6d: {  	v49 =	vld [tilespmem:s29+$0x2790]  }
0x6e: {  	v1 =	vadd.f32 v47, v1;
	v41 =	vld [tilespmem:s26+$0x26C0]  }
0x6f: {  	s0 =	sor.u32 $0x2, s22;
	v50 =	vld [tilespmem:s29+$0x2810];
	v0 =	vadd.f32 v39, v0  }
0x70: {  	s30 =	smul.u32 $0xE00, s0;
	v1 =	vadd.f32 v48, v1;
	v42 =	vld [tilespmem:s26+$0x2740]  }
0x71: {  	v63 =	vld [tilespmem:s31+$0x2680];
	v0 =	vadd.f32 v40, v0  }
0x72: {  	s30 =	sshra.s32 s30, $0x2;
	v1 =	vadd.f32 v49, v1;
	v44 =	vld [tilespmem:s26+$0x27C0]  }
0x73: {  	v57 =	vld [tilespmem:s30+$0x2500];
	v0 =	vadd.f32 v41, v0  }
0x74: {  	v1 =	vadd.f32 v50, v1;
	v46 =	vld [tilespmem:s26+$0x2840]  }
0x75: {  	v13 =	vld [tilespmem:s30+$0x2580];
	v0 =	vadd.f32 v42, v0  }
0x76: {  	v58 =	vld [tilespmem:s30+$0x2600];
	v1 =	vmul.f32 $1.428571490e-01, v1  }
0x77: {  	v14 =	vld [tilespmem:s31+$0x2500];
	v0 =	vadd.f32 v44, v0  }
0x78: {  	v17 =	vld [tilespmem:s31+$0x2780];
	[tilespmem:s28+$0x10510] =	vst v1  }
0x79: {  	v1 =	vld [tilespmem:s29+$0x2520];
	v0 =	vadd.f32 v46, v0  }
0x7a: {  	v8 =	vld [tilespmem:s29+$0x25A0]  }
0x7b: {  	v9 =	vld [tilespmem:s29+$0x2620];
	v0 =	vmul.f32 $1.428571490e-01, v0  }
0x7c: {  	v10 =	vld [tilespmem:s29+$0x26A0]  }
0x7d: {  	v11 =	vld [tilespmem:s29+$0x2720];
	[tilespmem:s25+$0x10540] =	vst v0  }
0x7e: {  	v0 =	vld [tilespmem:s26+$0x2550]  }
0x7f: {  	v1 =	vadd.f32 v8, v1;
	v51 =	vld [tilespmem:s26+$0x25D0]  }
0x80: {  	v56 =	vld [tilespmem:s29+$0x27A0]  }
0x81: {  	v1 =	vadd.f32 v9, v1;
	v5 =	vadd.f32 v59, v14;
	v52 =	vld [tilespmem:s26+$0x2650]  }
0x82: {  	v14 =	vld [tilespmem:s31+$0x2700]  }
0x83: {  	v1 =	vadd.f32 v10, v1;
	v5 =	vadd.f32 v61, v5;
	v53 =	vld [tilespmem:s26+$0x26D0]  }
0x84: {  	v12 =	vld [tilespmem:s29+$0x2820];
	v0 =	vadd.f32 v51, v0  }
0x85: {  	v1 =	vadd.f32 v11, v1;
	v18 =	vadd.f32 v63, v5;
	v54 =	vld [tilespmem:s26+$0x2750]  }
0x86: {  	v19 =	vld [tilespmem:s31+$0x2800];
	v0 =	vadd.f32 v52, v0  }
0x87: {  	v1 =	vadd.f32 v56, v1;
	v2 =	vadd.f32 v14, v18;
	v55 =	vld [tilespmem:s26+$0x27D0]  }
0x88: {  	v60 =	vld [tilespmem:s30+$0x2680];
	v0 =	vadd.f32 v53, v0  }
0x89: {  	v1 =	vadd.f32 v12, v1;
	v2 =	vadd.f32 v17, v2;
	v7 =	vld [tilespmem:s26+$0x2850]  }
0x8a: {  	v4 =	vadd.f32 v13, v57;
	v0 =	vadd.f32 v54, v0  }
0x8b: {  	v62 =	vld [tilespmem:s30+$0x2700];
	v1 =	vmul.f32 $1.428571490e-01, v1;
	v23 =	vadd.f32 v19, v2  }
0x8c: {  	v3 =	vadd.f32 v58, v4;
	v0 =	vadd.f32 v55, v0  }
0x8d: {  	s10 =	sshll.u32 s10, $0x7;
	s0 =	sshll.u32 s0, $0x7;
	v13 =	vld [tilespmem:s30+$0x2780];
	[tilespmem:s28+$0x10520] =	vst v1;
	v1 =	vmul.f32 $1.428571490e-01, v23  }
0x8e: {  	s2 =	sand.u32 $0x3FFFFF80, s0;
	s0 =	sand.u32 $0x3FFFFF80, s10;
	v3 =	vadd.f32 v60, v3;
	v0 =	vadd.f32 v7, v0  }
0x8f: {  	v15 =	vld [tilespmem:s30+$0x2800];
	[tilespmem:s0+$0x10500] =	vst v1  }
0x90: {  	v16 =	vadd.f32 v62, v3;
	v1 =	vld [tilespmem:s31+$0x2510];
	v0 =	vmul.f32 $1.428571490e-01, v0  }
0x91: {  	v27 =	vld [tilespmem:s31+$0x2590]  }
0x92: {  	v24 =	vld [tilespmem:s29+$0x2530];
	[tilespmem:s25+$0x10550] =	vst v0;
	v0 =	vadd.f32 v13, v16  }
0x93: {  	v29 =	vld [tilespmem:s31+$0x2610]  }
0x94: {  	v36 =	vld [tilespmem:s29+$0x25B0];
	v0 =	vadd.f32 v15, v0  }
0x95: {  	v31 =	vld [tilespmem:s31+$0x2690]  }
0x96: {  	v43 =	vld [tilespmem:s29+$0x2830];
	v1 =	vadd.f32 v27, v1;
	v0 =	vmul.f32 $1.428571490e-01, v0  }
0x97: {  	v33 =	vld [tilespmem:s31+$0x2710]  }
0x98: {  	v35 =	vld [tilespmem:s31+$0x2790];
	v1 =	vadd.f32 v29, v1;
	[tilespmem:s2+$0x10500] =	vst v0  }
0x99: {  	v0 =	vld [tilespmem:s30+$0x2510]  }
0x9a: {  	v1 =	vadd.f32 v31, v1;
	v25 =	vld [tilespmem:s30+$0x2590]  }
0x9b: {  	v37 =	vld [tilespmem:s31+$0x2810]  }
0x9c: {  	v1 =	vadd.f32 v33, v1;
	v26 =	vld [tilespmem:s30+$0x2610]  }
0x9d: {  	v39 =	vld [tilespmem:s29+$0x2630]  }
0x9e: {  	v1 =	vadd.f32 v35, v1;
	v28 =	vld [tilespmem:s30+$0x2690]  }
0x9f: {  	v40 =	vld [tilespmem:s29+$0x26B0];
	v0 =	vadd.f32 v25, v0  }
0xa0: {  	v1 =	vadd.f32 v37, v1;
	v30 =	vld [tilespmem:s30+$0x2710]  }
0xa1: {  	v41 =	vld [tilespmem:s29+$0x2730];
	v0 =	vadd.f32 v26, v0  }
0xa2: {  	v1 =	vmul.f32 $1.428571490e-01, v1;
	v32 =	vld [tilespmem:s30+$0x2790]  }
0xa3: {  	v42 =	vld [tilespmem:s29+$0x27B0];
	v0 =	vadd.f32 v28, v0  }
0xa4: {  	[tilespmem:s0+$0x10510] =	vst v1;
	v34 =	vld [tilespmem:s30+$0x2810]  }
0xa5: {  	v1 =	vld [tilespmem:s31+$0x2520];
	v0 =	vadd.f32 v30, v0  }
0xa6: {  	v48 =	vld [tilespmem:s31+$0x25A0]  }
0xa7: {  	v49 =	vld [tilespmem:s31+$0x2620];
	v0 =	vadd.f32 v32, v0  }
0xa8: {  	v51 =	vld [tilespmem:s31+$0x26A0]  }
0xa9: {  	v56 =	vld [tilespmem:s31+$0x27A0];
	v0 =	vadd.f32 v34, v0  }
0xaa: {  	v58 =	vld [tilespmem:s31+$0x2820]  }
0xab: {  	v53 =	vld [tilespmem:s31+$0x2720];
	v1 =	vadd.f32 v48, v1;
	v0 =	vmul.f32 $1.428571490e-01, v0  }
0xac: {  	v6 =	vld [tilespmem:s26+$0x2560]  }
0xad: {  	v2 =	vadd.f32 v36, v24;
	v1 =	vadd.f32 v49, v1;
	v20 =	vld [tilespmem:s26+$0x25E0];
	[tilespmem:s2+$0x10510] =	vst v0  }
0xae: {  	v45 =	vld [tilespmem:s30+$0x2520]  }
0xaf: {  	v44 =	vadd.f32 v39, v2;
	v1 =	vadd.f32 v51, v1;
	v46 =	vld [tilespmem:s30+$0x25A0]  }
0xb0: {  	v21 =	vld [tilespmem:s26+$0x2660]  }
0xb1: {  	v1 =	vadd.f32 v53, v1;
	v0 =	vadd.f32 v40, v44;
	v47 =	vld [tilespmem:s30+$0x2620]  }
0xb2: {  	v22 =	vld [tilespmem:s26+$0x26E0]  }
0xb3: {  	v1 =	vadd.f32 v56, v1;
	v15 =	vld [tilespmem:s30+$0x26A0];
	v0 =	vadd.f32 v41, v0  }
0xb4: {  	v3 =	vld [tilespmem:s26+$0x2760];
	v2 =	vadd.f32 v46, v45  }
0xb5: {  	v1 =	vadd.f32 v58, v1;
	v50 =	vld [tilespmem:s30+$0x2720];
	v0 =	vadd.f32 v42, v0  }
0xb6: {  	v9 =	vld [tilespmem:s26+$0x27E0];
	v2 =	vadd.f32 v47, v2  }
0xb7: {  	v1 =	vmul.f32 $1.428571490e-01, v1;
	v52 =	vld [tilespmem:s30+$0x27A0];
	v0 =	vadd.f32 v43, v0  }
0xb8: {  	v38 =	vld [tilespmem:s26+$0x2860];
	v2 =	vadd.f32 v15, v2  }
0xb9: {  	[tilespmem:s0+$0x10520] =	vst v1;
	v54 =	vld [tilespmem:s30+$0x2820];
	v0 =	vmul.f32 $1.428571490e-01, v0  }
0xba: {  	v1 =	vld [tilespmem:s31+$0x2530];
	v55 =	vadd.f32 v50, v2  }
0xbb: {  	v24 =	vld [tilespmem:s31+$0x2630];
	[tilespmem:s28+$0x10530] =	vst v0  }
0xbc: {  	v57 =	vld [tilespmem:s29+$0x2540];
	v0 =	vadd.f32 v52, v55  }
0xbd: {  	v59 =	vld [tilespmem:s29+$0x25C0]  }
0xbe: {  	v26 =	vld [tilespmem:s31+$0x26B0];
	v0 =	vadd.f32 v54, v0  }
0xbf: {  	v60 =	vld [tilespmem:s29+$0x2640]  }
0xc0: {  	v17 =	vadd.f32 v20, v6;
	v61 =	vld [tilespmem:s29+$0x26C0];
	v0 =	vmul.f32 $1.428571490e-01, v0  }
0xc1: {  	v62 =	vld [tilespmem:s29+$0x2740]  }
0xc2: {  	v11 =	vadd.f32 v59, v57;
	[tilespmem:s2+$0x10520] =	vst v0;
	v0 =	vadd.f32 v21, v17;
	v21 =	vld [tilespmem:s31+$0x25B0]  }
0xc3: {  	v63 =	vld [tilespmem:s29+$0x27C0]  }
0xc4: {  	v4 =	vadd.f32 v60, v11;
	v18 =	vld [tilespmem:s30+$0x2530]  }
0xc5: {  	v19 =	vld [tilespmem:s30+$0x25B0]  }
0xc6: {  	v16 =	vld [tilespmem:s29+$0x2840];
	v4 =	vadd.f32 v61, v4  }
0xc7: {  	v20 =	vld [tilespmem:s30+$0x2630];
	v1 =	vadd.f32 v21, v1  }
0xc8: {  	v28 =	vld [tilespmem:s31+$0x2730];
	v2 =	vadd.f32 v62, v4  }
0xc9: {  	v0 =	vadd.f32 v22, v0;
	v22 =	vld [tilespmem:s30+$0x26B0];
	v1 =	vadd.f32 v24, v1  }
0xca: {  	v30 =	vld [tilespmem:s31+$0x27B0];
	v4 =	vadd.f32 v63, v2;
	v23 =	vadd.f32 v19, v18  }
0xcb: {  	v25 =	vld [tilespmem:s30+$0x2730];
	v0 =	vadd.f32 v3, v0;
	v1 =	vadd.f32 v26, v1  }
0xcc: {  	v32 =	vld [tilespmem:s31+$0x2830];
	v33 =	vadd.f32 v16, v4;
	v3 =	vadd.f32 v20, v23  }
0xcd: {  	v27 =	vld [tilespmem:s30+$0x27B0];
	v1 =	vadd.f32 v28, v1  }
0xce: {  	v0 =	vadd.f32 v9, v0;
	v7 =	vmul.f32 $1.428571490e-01, v33;
	v3 =	vadd.f32 v22, v3  }
0xcf: {  	v29 =	vld [tilespmem:s30+$0x2830];
	v5 =	vadd.f32 v30, v1  }
0xd0: {  	v0 =	vadd.f32 v38, v0;
	[tilespmem:s28+$0x10540] =	vst v7;
	v3 =	vadd.f32 v25, v3  }
0xd1: {  	v35 =	vld [tilespmem:s29+$0x2550];
	v5 =	vadd.f32 v32, v5  }
0xd2: {  	v0 =	vmul.f32 $1.428571490e-01, v0;
	v47 =	vld [tilespmem:s29+$0x25D0];
	v31 =	vadd.f32 v27, v3  }
0xd3: {  	v49 =	vld [tilespmem:s29+$0x2650];
	v5 =	vmul.f32 $1.428571490e-01, v5  }
0xd4: {  	v50 =	vld [tilespmem:s29+$0x26D0];
	[tilespmem:s25+$0x10560] =	vst v0;
	v0 =	vadd.f32 v29, v31  }
0xd5: {  	v51 =	vld [tilespmem:s29+$0x2750];
	[tilespmem:s0+$0x10530] =	vst v5  }
0xd6: {  	v34 =	vmul.f32 $1.428571490e-01, v0;
	v5 =	vld [tilespmem:s31+$0x2540]  }
0xd7: {  	v38 =	vld [tilespmem:s31+$0x25C0]  }
0xd8: {  	[tilespmem:s2+$0x10530] =	vst v34;
	v40 =	vld [tilespmem:s31+$0x2640]  }
0xd9: {  	v36 =	vld [tilespmem:s30+$0x2540]  }
0xda: {  	v8 =	vld [tilespmem:s30+$0x25C0]  }
0xdb: {  	v42 =	vld [tilespmem:s31+$0x26C0]  }
0xdc: {  	v37 =	vld [tilespmem:s30+$0x2640];
	v5 =	vadd.f32 v38, v5  }
0xdd: {  	v44 =	vld [tilespmem:s31+$0x2740]  }
0xde: {  	v39 =	vld [tilespmem:s30+$0x26C0];
	v5 =	vadd.f32 v40, v5  }
0xdf: {  	v46 =	vld [tilespmem:s31+$0x27C0];
	v7 =	vadd.f32 v8, v36  }
0xe0: {  	v41 =	vld [tilespmem:s30+$0x2740];
	v9 =	vadd.f32 v42, v5  }
0xe1: {  	v48 =	vld [tilespmem:s31+$0x2840];
	v7 =	vadd.f32 v37, v7  }
0xe2: {  	v43 =	vld [tilespmem:s30+$0x27C0];
	v9 =	vadd.f32 v44, v9  }
0xe3: {  	v52 =	vld [tilespmem:s29+$0x27D0];
	v7 =	vadd.f32 v39, v7  }
0xe4: {  	v45 =	vld [tilespmem:s30+$0x2840];
	v8 =	vadd.f32 v46, v9  }
0xe5: {  	v53 =	vld [tilespmem:s29+$0x2850];
	v7 =	vadd.f32 v41, v7  }
0xe6: {  	v2 =	vld [tilespmem:s26+$0x2570];
	v8 =	vadd.f32 v48, v8  }
0xe7: {  	v4 =	vld [tilespmem:s26+$0x25F0];
	v7 =	vadd.f32 v43, v7  }
0xe8: {  	v1 =	vld [tilespmem:s26+$0x26F0];
	v8 =	vmul.f32 $1.428571490e-01, v8  }
0xe9: {  	v3 =	vld [tilespmem:s26+$0x2670];
	v6 =	vadd.f32 v47, v35;
	v7 =	vadd.f32 v45, v7  }
0xea: {  	v0 =	vld [tilespmem:s26+$0x2770];
	[tilespmem:s0+$0x10540] =	vst v8  }
0xeb: {  	v6 =	vadd.f32 v49, v6;
	v7 =	vmul.f32 $1.428571490e-01, v7;
	v8 =	vld [tilespmem:s31+$0x2550]  }
0xec: {  	v56 =	vld [tilespmem:s31+$0x25D0]  }
0xed: {  	v6 =	vadd.f32 v50, v6;
	[tilespmem:s2+$0x10540] =	vst v7;
	v58 =	vld [tilespmem:s31+$0x2650]  }
0xee: {  	v7 =	vld [tilespmem:s30+$0x2550]  }
0xef: {  	v6 =	vadd.f32 v51, v6;
	v54 =	vld [tilespmem:s30+$0x25D0]  }
0xf0: {  	v60 =	vld [tilespmem:s31+$0x26D0]  }
0xf1: {  	v6 =	vadd.f32 v52, v6;
	v55 =	vld [tilespmem:s30+$0x2650]  }
0xf2: {  	v62 =	vld [tilespmem:s31+$0x2750];
	v8 =	vadd.f32 v56, v8  }
0xf3: {  	v6 =	vadd.f32 v53, v6;
	v57 =	vld [tilespmem:s30+$0x26D0]  }
0xf4: {  	v16 =	vld [tilespmem:s31+$0x27D0];
	v7 =	vadd.f32 v54, v7;
	v8 =	vadd.f32 v58, v8  }
0xf5: {  	v59 =	vld [tilespmem:s30+$0x2750]  }
0xf6: {  	v38 =	vld [tilespmem:s26+$0x2870];
	v6 =	vmul.f32 $1.428571490e-01, v6;
	v7 =	vadd.f32 v55, v7;
	v8 =	vadd.f32 v60, v8  }
0xf7: {  	v18 =	vld [tilespmem:s31+$0x2850]  }
0xf8: {  	[tilespmem:s28+$0x10550] =	vst v6;
	v61 =	vld [tilespmem:s30+$0x27D0];
	v7 =	vadd.f32 v57, v7;
	v8 =	vadd.f32 v62, v8  }
0xf9: {  	v17 =	vld [tilespmem:s29+$0x2560]  }
0xfa: {  	v63 =	vld [tilespmem:s30+$0x2850];
	v15 =	vadd.f32 v59, v7;
	v7 =	vadd.f32 v16, v8  }
0xfb: {  	v19 =	vld [tilespmem:s29+$0x25E0]  }
0xfc: {  	v20 =	vld [tilespmem:s29+$0x2660];
	v7 =	vadd.f32 v18, v7  }
0xfd: {  	v21 =	vld [tilespmem:s29+$0x26E0];
	v6 =	vadd.f32 v61, v15  }
0xfe: {  	v22 =	vld [tilespmem:s29+$0x2760];
	v7 =	vmul.f32 $1.428571490e-01, v7  }
0xff: {  	v23 =	vld [tilespmem:s29+$0x27E0];
	v6 =	vadd.f32 v63, v6  }
0x100: {  	v24 =	vld [tilespmem:s29+$0x2860];
	[tilespmem:s0+$0x10550] =	vst v7  }
0x101: {  	v25 =	vadd.f32 v19, v17;
	v6 =	vmul.f32 $1.428571490e-01, v6;
	v7 =	vld [tilespmem:s31+$0x2560]  }
0x102: {  	v29 =	vld [tilespmem:s31+$0x25E0]  }
0x103: {  	[tilespmem:s2+$0x10550] =	vst v6;
	v6 =	vadd.f32 v20, v25;
	v31 =	vld [tilespmem:s31+$0x2660]  }
0x104: {  	v26 =	vld [tilespmem:s30+$0x2560]  }
0x105: {  	v27 =	vld [tilespmem:s30+$0x25E0];
	v6 =	vadd.f32 v21, v6  }
0x106: {  	v33 =	vld [tilespmem:s31+$0x26E0]  }
0x107: {  	v28 =	vld [tilespmem:s30+$0x2660];
	v6 =	vadd.f32 v22, v6  }
0x108: {  	v35 =	vld [tilespmem:s31+$0x2760];
	v7 =	vadd.f32 v29, v7  }
0x109: {  	v30 =	vld [tilespmem:s30+$0x26E0];
	v6 =	vadd.f32 v23, v6  }
0x10a: {  	v37 =	vld [tilespmem:s31+$0x27E0];
	v10 =	vadd.f32 v27, v26;
	v7 =	vadd.f32 v31, v7  }
0x10b: {  	v32 =	vld [tilespmem:s30+$0x2760];
	v6 =	vadd.f32 v24, v6  }
0x10c: {  	v39 =	vld [tilespmem:s31+$0x2860];
	v9 =	vadd.f32 v28, v10;
	v7 =	vadd.f32 v33, v7  }
0x10d: {  	v34 =	vld [tilespmem:s30+$0x27E0];
	v6 =	vmul.f32 $1.428571490e-01, v6  }
0x10e: {  	v5 =	vld [tilespmem:s26+$0x27F0];
	v9 =	vadd.f32 v30, v9;
	v7 =	vadd.f32 v35, v7  }
0x10f: {  	v36 =	vld [tilespmem:s30+$0x2860];
	[tilespmem:s28+$0x10560] =	vst v6  }
0x110: {  	v9 =	vadd.f32 v32, v9;
	v40 =	vld [tilespmem:s29+$0x2570];
	v7 =	vadd.f32 v37, v7  }
0x111: {  	v41 =	vld [tilespmem:s29+$0x25F0]  }
0x112: {  	v42 =	vld [tilespmem:s29+$0x2670];
	v9 =	vadd.f32 v34, v9;
	v6 =	vadd.f32 v39, v7  }
0x113: {  	v43 =	vld [tilespmem:s29+$0x26F0]  }
0x114: {  	v44 =	vld [tilespmem:s29+$0x2770];
	v9 =	vadd.f32 v36, v9;
	v6 =	vmul.f32 $1.428571490e-01, v6  }
0x115: {  	v45 =	vld [tilespmem:s29+$0x27F0]  }
0x116: {  	v46 =	vld [tilespmem:s29+$0x2870];
	v9 =	vmul.f32 $1.428571490e-01, v9;
	[tilespmem:s0+$0x10560] =	vst v6  }
0x117: {  	v6 =	vld [tilespmem:s31+$0x2570]  }
0x118: {  	[tilespmem:s2+$0x10560] =	vst v9;
	v17 =	vld [tilespmem:s31+$0x25F0]  }
0x119: {  	v9 =	vld [tilespmem:s30+$0x2570]  }
0x11a: {  	v16 =	vld [tilespmem:s30+$0x25F0]  }
0x11b: {  	v47 =	vld [tilespmem:s31+$0x2670]  }
0x11c: {  	v2 =	vadd.f32 v4, v2;
	v18 =	vld [tilespmem:s30+$0x2670]  }
0x11d: {  	v10 =	vadd.f32 v41, v40;
	v50 =	vld [tilespmem:s31+$0x26F0]  }
0x11e: {  	v2 =	vadd.f32 v3, v2;
	v48 =	vld [tilespmem:s30+$0x26F0];
	v6 =	vadd.f32 v17, v6  }
0x11f: {  	v10 =	vadd.f32 v42, v10;
	v53 =	vld [tilespmem:s31+$0x2770];
	v49 =	vadd.f32 v16, v9  }
0x120: {  	v1 =	vadd.f32 v1, v2;
	v51 =	vld [tilespmem:s30+$0x2770];
	v4 =	vadd.f32 v47, v6  }
0x121: {  	v56 =	vld [tilespmem:s31+$0x27F0];
	v8 =	vadd.f32 v43, v10;
	v52 =	vadd.f32 v18, v49  }
0x122: {  	v0 =	vadd.f32 v0, v1;
	v54 =	vld [tilespmem:s30+$0x27F0];
	v4 =	vadd.f32 v50, v4  }
0x123: {  	v58 =	vld [tilespmem:s31+$0x2870];
	v8 =	vadd.f32 v44, v8;
	v55 =	vadd.f32 v48, v52  }
0x124: {  	v0 =	vadd.f32 v5, v0;
	v57 =	vld [tilespmem:s30+$0x2870];
	v3 =	vadd.f32 v53, v4  }
0x125: {  	v59 =	vadd.f32 v45, v8;
	v1 =	vadd.f32 v51, v55  }
0x126: {  	v0 =	vadd.f32 v38, v0;
	v2 =	vadd.f32 v56, v3  }
0x127: {  	v60 =	vadd.f32 v46, v59;
	v1 =	vadd.f32 v54, v1  }
0x128: {  	p1 =	slt.u32 s22, $0xC;
	v0 =	vmul.f32 $1.428571490e-01, v0;
	v2 =	vadd.f32 v58, v2  }
.Ltmp0:
0x129: {  	v61 =	vmul.f32 $1.428571490e-01, v60;
	v1 =	vadd.f32 v57, v1;
	(pc) =	sbr.rel @p1 .LBB2_3-.Ltmp0, $4  }
0x12a: {  	[tilespmem:s25+$0x10570] =	vst v0;
	v63 =	vmul.f32 $1.428571490e-01, v2  }
0x12b: {  	[tilespmem:s28+$0x10570] =	vst v61;
	v62 =	vmul.f32 $1.428571490e-01, v1  }
0x12c: {  	s31 =	sadd.s32 $0x4, s22;
	[tilespmem:s0+$0x10570] =	vst v63  }
0x12d: {  	s22 =	smov.u32 s31;
	[tilespmem:s2+$0x10570] =	vst v62  }
0x12e: {  	p1 =	seq.s32 s21, $0x14  }
0x12f: {  	s0 =	smul.u32 @!p1 $0x700, s21  }
0x130: {  	p3 =	sgt.u32 s24, $0x9FF2  }
0x131: {  	s2 =	simm.s32 @!p1 $0x70;
	p4 =	sgt.u32 @p3 s24, $0xA001;
	s22 =	sshra.s32 @!p1 s0, $0x2  }
0x132: {  	s10 =	simm.s32 @!p1 $0x2500;
	p4 =	por p4, !p3;
	s0 =	sadd.s32 @!p1 $0x1C0, s22  }
0x133: {  	[tilespmem:s10], [sflag:$0x1] =	stream.indirect.gather @!p1 [hbm4b:s1+s2], $0x80, s0, s2, $0xb8;
	[tilespmem:$0x11500] =	vst v63  }
0x134: {  	s0 =	sshll.u32 @!p4 s24, $0x4  }
0x135: {  	s2 =	simm.s32 @!p4 $0x0;
	s10 =	simm.s32 @!p4 $0x10500;
	s0 =	sadd.s32 @!p4 s3, s0  }
0x136: {  	[hbm4b:s0+s2] =	stream.linear.scatter @!p4 [tilespmem:s10], [sflag:$0x8], $0x100, $0x38;
	[tilespmem:$0x11500] =	vst v63  }
0x137: {  	s0 =	simm.s32 @!p4 $0x8  }
0x138: {  	_ =	swait.ge @!p4 [sflag:s0], $0x100  }
0x139: {  	s23 =	sadd.s32 s23, s6;
	[sflag:s0] =	ssyncset.done @!p4 $0x0  }
0x13a: {  	s2 =	simm.s32 @!p3 $0x0;
	[sflag:s0] =	ssyncadd.s32 @!p4 $0xFFFFFF00;
	s0 =	sshll.u32 @!p3 s24, $0x4  }
0x13b: {  	s10 =	simm.s32 @!p3 $0x10500;
	s24 =	sadd.s32 $0x10, s23;
	s0 =	sadd.s32 @!p3 s3, s0  }
0x13c: {  	[hbm4b:s0+s2] =	stream.linear.scatter @!p3 [tilespmem:s10], [sflag:$0x5], $0x800, $0x38;
	[tilespmem:$0x11500] =	vst v63  }
0x13d: {  	p3 =	sgt.u32 @!p2 s24, $0xA012;
	_ =	swait.ge [sflag:s17], $0x3800  }
0x13e: {  	p2 =	por p3, p2;
	[sflag:s17] =	ssyncset.done $0x0  }
0x13f: {  	s0 =	simm.s32 @!p2 $0x6;
	[sflag:s17] =	ssyncadd.s32 $0xFFFFC800  }
0x140: {  	_ =	swait.ge @!p2 [sflag:s0], $0x800  }
0x141: {  	[sflag:s0] =	ssyncset.done @!p2 $0x0  }
0x142: {  	s25 =	simm.s32 $0x0;
	[sflag:s0] =	ssyncadd.s32 @!p2 $0xFFFFF800  }
.LBB2_5:
0x143: {  	s0 =	smul.u32 $0xE00, s25;
	_ =	sdelay $0x1  }
0x144: {  	s28 =	sshra.s32 s0, $0x2  }
0x145: {  	v0 =	vld [tilespmem:s28+$0x5D00]  }
0x146: {  	v1 =	vld [tilespmem:s28+$0x5D80];
	_ =	sdelay $0x1  }
0x147: {  	v2 =	vld [tilespmem:s28+$0x5E00];
	_ =	sdelay $0x1  }
0x148: {  	v3 =	vld [tilespmem:s28+$0x5E80]  }
0x149: {  	v0 =	vadd.f32 v1, v0  }
0x14a: {  	v14 =	vld [tilespmem:s28+$0x5F00]  }
0x14b: {  	v0 =	vadd.f32 v2, v0  }
0x14c: {  	v15 =	vld [tilespmem:s28+$0x5F80]  }
0x14d: {  	v0 =	vadd.f32 v3, v0  }
0x14e: {  	v16 =	vld [tilespmem:s28+$0x6000]  }
0x14f: {  	v0 =	vadd.f32 v14, v0;
	_ =	sdelay $0x1  }
0x150: {  	v0 =	vadd.f32 v15, v0;
	_ =	sdelay $0x1  }
0x151: {  	v0 =	vadd.f32 v16, v0;
	_ =	sdelay $0x1  }
0x152: {  	s30 =	sshll.u32 s25, $0x7;
	v0 =	vmul.f32 $1.428571490e-01, v0  }
0x153: {  	s26 =	sand.u32 $0x3FFFFF80, s30  }
0x154: {  	[tilespmem:s26+$0x10D00] =	vst v0  }
0x155: {  	v0 =	vld [tilespmem:s28+$0x5D10]  }
0x156: {  	v17 =	vld [tilespmem:s28+$0x5D90];
	_ =	sdelay $0x1  }
0x157: {  	v18 =	vld [tilespmem:s28+$0x5E10];
	_ =	sdelay $0x1  }
0x158: {  	v19 =	vld [tilespmem:s28+$0x5E90]  }
0x159: {  	v0 =	vadd.f32 v17, v0  }
0x15a: {  	v20 =	vld [tilespmem:s28+$0x5F10]  }
0x15b: {  	v0 =	vadd.f32 v18, v0  }
0x15c: {  	v21 =	vld [tilespmem:s28+$0x5F90]  }
0x15d: {  	v0 =	vadd.f32 v19, v0  }
0x15e: {  	v22 =	vld [tilespmem:s28+$0x6010]  }
0x15f: {  	v0 =	vadd.f32 v20, v0;
	_ =	sdelay $0x1  }
0x160: {  	v0 =	vadd.f32 v21, v0;
	_ =	sdelay $0x1  }
0x161: {  	v0 =	vadd.f32 v22, v0;
	_ =	sdelay $0x1  }
0x162: {  	v0 =	vmul.f32 $1.428571490e-01, v0;
	_ =	sdelay $0x1  }
0x163: {  	[tilespmem:s26+$0x10D10] =	vst v0  }
0x164: {  	v0 =	vld [tilespmem:s28+$0x5D20]  }
0x165: {  	v23 =	vld [tilespmem:s28+$0x5DA0];
	_ =	sdelay $0x1  }
0x166: {  	v24 =	vld [tilespmem:s28+$0x5E20];
	_ =	sdelay $0x1  }
0x167: {  	v25 =	vld [tilespmem:s28+$0x5EA0]  }
0x168: {  	v0 =	vadd.f32 v23, v0  }
0x169: {  	v26 =	vld [tilespmem:s28+$0x5F20]  }
0x16a: {  	v0 =	vadd.f32 v24, v0  }
0x16b: {  	v27 =	vld [tilespmem:s28+$0x5FA0]  }
0x16c: {  	v0 =	vadd.f32 v25, v0  }
0x16d: {  	v28 =	vld [tilespmem:s28+$0x6020]  }
0x16e: {  	s31 =	sor.u32 $0x1, s25;
	v0 =	vadd.f32 v26, v0  }
0x16f: {  	s2 =	smul.u32 $0xE00, s31  }
0x170: {  	v0 =	vadd.f32 v27, v0  }
0x171: {  	s30 =	sshra.s32 s2, $0x2  }
0x172: {  	v4 =	vld [tilespmem:s30+$0x5D00];
	v0 =	vadd.f32 v28, v0  }
0x173: {  	v33 =	vld [tilespmem:s30+$0x5D80]  }
0x174: {  	v0 =	vmul.f32 $1.428571490e-01, v0  }
0x175: {  	v34 =	vld [tilespmem:s30+$0x5E00]  }
0x176: {  	v35 =	vld [tilespmem:s30+$0x5E80];
	[tilespmem:s26+$0x10D20] =	vst v0  }
0x177: {  	v0 =	vld [tilespmem:s28+$0x5D30]  }
0x178: {  	v2 =	vadd.f32 v33, v4;
	v29 =	vld [tilespmem:s28+$0x5DB0]  }
0x179: {  	v36 =	vld [tilespmem:s30+$0x5F00]  }
0x17a: {  	v2 =	vadd.f32 v34, v2;
	v30 =	vld [tilespmem:s28+$0x5E30]  }
0x17b: {  	v37 =	vld [tilespmem:s30+$0x5F80]  }
0x17c: {  	v1 =	vadd.f32 v35, v2;
	v31 =	vld [tilespmem:s28+$0x5EB0]  }
0x17d: {  	v38 =	vld [tilespmem:s30+$0x6000];
	v0 =	vadd.f32 v29, v0  }
0x17e: {  	v1 =	vadd.f32 v36, v1;
	v32 =	vld [tilespmem:s28+$0x5F30]  }
0x17f: {  	v0 =	vadd.f32 v30, v0  }
0x180: {  	v1 =	vadd.f32 v37, v1;
	v5 =	vld [tilespmem:s28+$0x5FB0]  }
0x181: {  	s0 =	sshll.u32 s31, $0x7;
	v0 =	vadd.f32 v31, v0  }
0x182: {  	s29 =	sand.u32 $0x3FFFFF80, s0;
	s0 =	sor.u32 $0x2, s25;
	v1 =	vadd.f32 v38, v1;
	v6 =	vld [tilespmem:s28+$0x6030]  }
0x183: {  	s10 =	smul.u32 $0xE00, s0;
	v0 =	vadd.f32 v32, v0  }
0x184: {  	v1 =	vmul.f32 $1.428571490e-01, v1  }
0x185: {  	s31 =	sshra.s32 s10, $0x2;
	v0 =	vadd.f32 v5, v0  }
0x186: {  	v57 =	vld [tilespmem:s31+$0x5D00];
	[tilespmem:s29+$0x10D00] =	vst v1  }
0x187: {  	v1 =	vld [tilespmem:s30+$0x5D10];
	v0 =	vadd.f32 v6, v0  }
0x188: {  	v43 =	vld [tilespmem:s30+$0x5D90]  }
0x189: {  	v13 =	vld [tilespmem:s31+$0x5D80];
	v0 =	vmul.f32 $1.428571490e-01, v0  }
0x18a: {  	v45 =	vld [tilespmem:s30+$0x5E10]  }
0x18b: {  	v47 =	vld [tilespmem:s30+$0x5E90];
	[tilespmem:s26+$0x10D30] =	vst v0  }
0x18c: {  	v0 =	vld [tilespmem:s28+$0x5D40]  }
0x18d: {  	v1 =	vadd.f32 v43, v1;
	v39 =	vld [tilespmem:s28+$0x5DC0]  }
0x18e: {  	v48 =	vld [tilespmem:s30+$0x5F10]  }
0x18f: {  	v1 =	vadd.f32 v45, v1;
	v40 =	vld [tilespmem:s28+$0x5E40]  }
0x190: {  	v49 =	vld [tilespmem:s30+$0x5F90]  }
0x191: {  	v1 =	vadd.f32 v47, v1;
	v41 =	vld [tilespmem:s28+$0x5EC0]  }
0x192: {  	s10 =	sor.u32 $0x3, s25;
	v50 =	vld [tilespmem:s30+$0x6010];
	v0 =	vadd.f32 v39, v0  }
0x193: {  	s2 =	smul.u32 $0xE00, s10;
	v1 =	vadd.f32 v48, v1;
	v42 =	vld [tilespmem:s28+$0x5F40]  }
0x194: {  	v58 =	vld [tilespmem:s31+$0x5E00];
	v0 =	vadd.f32 v40, v0  }
0x195: {  	s2 =	sshra.s32 s2, $0x2;
	v1 =	vadd.f32 v49, v1;
	v44 =	vld [tilespmem:s28+$0x5FC0]  }
0x196: {  	v59 =	vld [tilespmem:s2+$0x5D80];
	v0 =	vadd.f32 v41, v0  }
0x197: {  	v1 =	vadd.f32 v50, v1;
	v46 =	vld [tilespmem:s28+$0x6040]  }
0x198: {  	v61 =	vld [tilespmem:s2+$0x5E00];
	v0 =	vadd.f32 v42, v0  }
0x199: {  	v63 =	vld [tilespmem:s2+$0x5E80];
	v1 =	vmul.f32 $1.428571490e-01, v1  }
0x19a: {  	v14 =	vld [tilespmem:s2+$0x5D00];
	v0 =	vadd.f32 v44, v0  }
0x19b: {  	v17 =	vld [tilespmem:s2+$0x5F80];
	[tilespmem:s29+$0x10D10] =	vst v1  }
0x19c: {  	v1 =	vld [tilespmem:s30+$0x5D20];
	v0 =	vadd.f32 v46, v0  }
0x19d: {  	v8 =	vld [tilespmem:s30+$0x5DA0]  }
0x19e: {  	v9 =	vld [tilespmem:s30+$0x5E20];
	v0 =	vmul.f32 $1.428571490e-01, v0  }
0x19f: {  	v10 =	vld [tilespmem:s30+$0x5EA0]  }
0x1a0: {  	v11 =	vld [tilespmem:s30+$0x5F20];
	[tilespmem:s26+$0x10D40] =	vst v0  }
0x1a1: {  	v0 =	vld [tilespmem:s28+$0x5D50]  }
0x1a2: {  	v1 =	vadd.f32 v8, v1;
	v51 =	vld [tilespmem:s28+$0x5DD0]  }
0x1a3: {  	v56 =	vld [tilespmem:s30+$0x5FA0]  }
0x1a4: {  	v1 =	vadd.f32 v9, v1;
	v5 =	vadd.f32 v59, v14;
	v52 =	vld [tilespmem:s28+$0x5E50]  }
0x1a5: {  	v14 =	vld [tilespmem:s2+$0x5F00]  }
0x1a6: {  	v1 =	vadd.f32 v10, v1;
	v5 =	vadd.f32 v61, v5;
	v53 =	vld [tilespmem:s28+$0x5ED0]  }
0x1a7: {  	v12 =	vld [tilespmem:s30+$0x6020];
	v0 =	vadd.f32 v51, v0  }
0x1a8: {  	v1 =	vadd.f32 v11, v1;
	v18 =	vadd.f32 v63, v5;
	v54 =	vld [tilespmem:s28+$0x5F50]  }
0x1a9: {  	v19 =	vld [tilespmem:s2+$0x6000];
	v0 =	vadd.f32 v52, v0  }
0x1aa: {  	v1 =	vadd.f32 v56, v1;
	v2 =	vadd.f32 v14, v18;
	v55 =	vld [tilespmem:s28+$0x5FD0]  }
0x1ab: {  	v60 =	vld [tilespmem:s31+$0x5E80];
	v0 =	vadd.f32 v53, v0  }
0x1ac: {  	v1 =	vadd.f32 v12, v1;
	v2 =	vadd.f32 v17, v2;
	v7 =	vld [tilespmem:s28+$0x6050]  }
0x1ad: {  	v4 =	vadd.f32 v13, v57;
	v0 =	vadd.f32 v54, v0  }
0x1ae: {  	v62 =	vld [tilespmem:s31+$0x5F00];
	v1 =	vmul.f32 $1.428571490e-01, v1;
	v23 =	vadd.f32 v19, v2  }
0x1af: {  	v3 =	vadd.f32 v58, v4;
	v0 =	vadd.f32 v55, v0  }
0x1b0: {  	s10 =	sshll.u32 s10, $0x7;
	v13 =	vld [tilespmem:s31+$0x5F80];
	[tilespmem:s29+$0x10D20] =	vst v1;
	v1 =	vmul.f32 $1.428571490e-01, v23  }
0x1b1: {  	s10 =	sand.u32 $0x3FFFFF80, s10;
	v3 =	vadd.f32 v60, v3;
	v0 =	vadd.f32 v7, v0  }
0x1b2: {  	v15 =	vld [tilespmem:s31+$0x6000];
	[tilespmem:s10+$0x10D00] =	vst v1  }
0x1b3: {  	v16 =	vadd.f32 v62, v3;
	v1 =	vld [tilespmem:s2+$0x5D10];
	v0 =	vmul.f32 $1.428571490e-01, v0  }
0x1b4: {  	v27 =	vld [tilespmem:s2+$0x5D90]  }
0x1b5: {  	v24 =	vld [tilespmem:s30+$0x5D30];
	[tilespmem:s26+$0x10D50] =	vst v0;
	v0 =	vadd.f32 v13, v16  }
0x1b6: {  	v29 =	vld [tilespmem:s2+$0x5E10]  }
0x1b7: {  	v36 =	vld [tilespmem:s30+$0x5DB0];
	v0 =	vadd.f32 v15, v0  }
0x1b8: {  	v31 =	vld [tilespmem:s2+$0x5E90]  }
0x1b9: {  	s0 =	sshll.u32 s0, $0x7;
	v43 =	vld [tilespmem:s30+$0x6030];
	v1 =	vadd.f32 v27, v1;
	v0 =	vmul.f32 $1.428571490e-01, v0  }
0x1ba: {  	s0 =	sand.u32 $0x3FFFFF80, s0;
	v33 =	vld [tilespmem:s2+$0x5F10]  }
0x1bb: {  	v35 =	vld [tilespmem:s2+$0x5F90];
	v1 =	vadd.f32 v29, v1;
	[tilespmem:s0+$0x10D00] =	vst v0  }
0x1bc: {  	v0 =	vld [tilespmem:s31+$0x5D10]  }
0x1bd: {  	v1 =	vadd.f32 v31, v1;
	v25 =	vld [tilespmem:s31+$0x5D90]  }
0x1be: {  	v37 =	vld [tilespmem:s2+$0x6010]  }
0x1bf: {  	v1 =	vadd.f32 v33, v1;
	v26 =	vld [tilespmem:s31+$0x5E10]  }
0x1c0: {  	v39 =	vld [tilespmem:s30+$0x5E30]  }
0x1c1: {  	v1 =	vadd.f32 v35, v1;
	v28 =	vld [tilespmem:s31+$0x5E90]  }
0x1c2: {  	v40 =	vld [tilespmem:s30+$0x5EB0];
	v0 =	vadd.f32 v25, v0  }
0x1c3: {  	v1 =	vadd.f32 v37, v1;
	v30 =	vld [tilespmem:s31+$0x5F10]  }
0x1c4: {  	v41 =	vld [tilespmem:s30+$0x5F30];
	v0 =	vadd.f32 v26, v0  }
0x1c5: {  	v1 =	vmul.f32 $1.428571490e-01, v1;
	v32 =	vld [tilespmem:s31+$0x5F90]  }
0x1c6: {  	v42 =	vld [tilespmem:s30+$0x5FB0];
	v0 =	vadd.f32 v28, v0  }
0x1c7: {  	[tilespmem:s10+$0x10D10] =	vst v1;
	v34 =	vld [tilespmem:s31+$0x6010]  }
0x1c8: {  	v1 =	vld [tilespmem:s2+$0x5D20];
	v0 =	vadd.f32 v30, v0  }
0x1c9: {  	v48 =	vld [tilespmem:s2+$0x5DA0]  }
0x1ca: {  	v49 =	vld [tilespmem:s2+$0x5E20];
	v0 =	vadd.f32 v32, v0  }
0x1cb: {  	v51 =	vld [tilespmem:s2+$0x5EA0]  }
0x1cc: {  	v56 =	vld [tilespmem:s2+$0x5FA0];
	v0 =	vadd.f32 v34, v0  }
0x1cd: {  	v58 =	vld [tilespmem:s2+$0x6020]  }
0x1ce: {  	v53 =	vld [tilespmem:s2+$0x5F20];
	v1 =	vadd.f32 v48, v1;
	v0 =	vmul.f32 $1.428571490e-01, v0  }
0x1cf: {  	v6 =	vld [tilespmem:s28+$0x5D60]  }
0x1d0: {  	v2 =	vadd.f32 v36, v24;
	v1 =	vadd.f32 v49, v1;
	v20 =	vld [tilespmem:s28+$0x5DE0];
	[tilespmem:s0+$0x10D10] =	vst v0  }
0x1d1: {  	v45 =	vld [tilespmem:s31+$0x5D20]  }
0x1d2: {  	v44 =	vadd.f32 v39, v2;
	v1 =	vadd.f32 v51, v1;
	v46 =	vld [tilespmem:s31+$0x5DA0]  }
0x1d3: {  	v21 =	vld [tilespmem:s28+$0x5E60]  }
0x1d4: {  	v1 =	vadd.f32 v53, v1;
	v0 =	vadd.f32 v40, v44;
	v47 =	vld [tilespmem:s31+$0x5E20]  }
0x1d5: {  	v22 =	vld [tilespmem:s28+$0x5EE0]  }
0x1d6: {  	v1 =	vadd.f32 v56, v1;
	v15 =	vld [tilespmem:s31+$0x5EA0];
	v0 =	vadd.f32 v41, v0  }
0x1d7: {  	v3 =	vld [tilespmem:s28+$0x5F60];
	v2 =	vadd.f32 v46, v45  }
0x1d8: {  	v1 =	vadd.f32 v58, v1;
	v50 =	vld [tilespmem:s31+$0x5F20];
	v0 =	vadd.f32 v42, v0  }
0x1d9: {  	v9 =	vld [tilespmem:s28+$0x5FE0];
	v2 =	vadd.f32 v47, v2  }
0x1da: {  	v1 =	vmul.f32 $1.428571490e-01, v1;
	v52 =	vld [tilespmem:s31+$0x5FA0];
	v0 =	vadd.f32 v43, v0  }
0x1db: {  	v38 =	vld [tilespmem:s28+$0x6060];
	v2 =	vadd.f32 v15, v2  }
0x1dc: {  	[tilespmem:s10+$0x10D20] =	vst v1;
	v54 =	vld [tilespmem:s31+$0x6020];
	v0 =	vmul.f32 $1.428571490e-01, v0  }
0x1dd: {  	v1 =	vld [tilespmem:s2+$0x5D30];
	v55 =	vadd.f32 v50, v2  }
0x1de: {  	v24 =	vld [tilespmem:s2+$0x5E30];
	[tilespmem:s29+$0x10D30] =	vst v0  }
0x1df: {  	v57 =	vld [tilespmem:s30+$0x5D40];
	v0 =	vadd.f32 v52, v55  }
0x1e0: {  	v59 =	vld [tilespmem:s30+$0x5DC0]  }
0x1e1: {  	v26 =	vld [tilespmem:s2+$0x5EB0];
	v0 =	vadd.f32 v54, v0  }
0x1e2: {  	v60 =	vld [tilespmem:s30+$0x5E40]  }
0x1e3: {  	v17 =	vadd.f32 v20, v6;
	v61 =	vld [tilespmem:s30+$0x5EC0];
	v0 =	vmul.f32 $1.428571490e-01, v0  }
0x1e4: {  	v62 =	vld [tilespmem:s30+$0x5F40]  }
0x1e5: {  	v11 =	vadd.f32 v59, v57;
	[tilespmem:s0+$0x10D20] =	vst v0;
	v0 =	vadd.f32 v21, v17;
	v21 =	vld [tilespmem:s2+$0x5DB0]  }
0x1e6: {  	v63 =	vld [tilespmem:s30+$0x5FC0]  }
0x1e7: {  	v4 =	vadd.f32 v60, v11;
	v18 =	vld [tilespmem:s31+$0x5D30]  }
0x1e8: {  	v19 =	vld [tilespmem:s31+$0x5DB0]  }
0x1e9: {  	v16 =	vld [tilespmem:s30+$0x6040];
	v4 =	vadd.f32 v61, v4  }
0x1ea: {  	v20 =	vld [tilespmem:s31+$0x5E30];
	v1 =	vadd.f32 v21, v1  }
0x1eb: {  	v28 =	vld [tilespmem:s2+$0x5F30];
	v2 =	vadd.f32 v62, v4  }
0x1ec: {  	v0 =	vadd.f32 v22, v0;
	v22 =	vld [tilespmem:s31+$0x5EB0];
	v1 =	vadd.f32 v24, v1  }
0x1ed: {  	v30 =	vld [tilespmem:s2+$0x5FB0];
	v4 =	vadd.f32 v63, v2;
	v23 =	vadd.f32 v19, v18  }
0x1ee: {  	v25 =	vld [tilespmem:s31+$0x5F30];
	v0 =	vadd.f32 v3, v0;
	v1 =	vadd.f32 v26, v1  }
0x1ef: {  	v32 =	vld [tilespmem:s2+$0x6030];
	v33 =	vadd.f32 v16, v4;
	v3 =	vadd.f32 v20, v23  }
0x1f0: {  	v27 =	vld [tilespmem:s31+$0x5FB0];
	v1 =	vadd.f32 v28, v1  }
0x1f1: {  	v0 =	vadd.f32 v9, v0;
	v7 =	vmul.f32 $1.428571490e-01, v33;
	v3 =	vadd.f32 v22, v3  }
0x1f2: {  	v29 =	vld [tilespmem:s31+$0x6030];
	v5 =	vadd.f32 v30, v1  }
0x1f3: {  	v0 =	vadd.f32 v38, v0;
	[tilespmem:s29+$0x10D40] =	vst v7;
	v3 =	vadd.f32 v25, v3  }
0x1f4: {  	v35 =	vld [tilespmem:s30+$0x5D50];
	v5 =	vadd.f32 v32, v5  }
0x1f5: {  	v0 =	vmul.f32 $1.428571490e-01, v0;
	v47 =	vld [tilespmem:s30+$0x5DD0];
	v31 =	vadd.f32 v27, v3  }
0x1f6: {  	v49 =	vld [tilespmem:s30+$0x5E50];
	v5 =	vmul.f32 $1.428571490e-01, v5  }
0x1f7: {  	v50 =	vld [tilespmem:s30+$0x5ED0];
	[tilespmem:s26+$0x10D60] =	vst v0;
	v0 =	vadd.f32 v29, v31  }
0x1f8: {  	v51 =	vld [tilespmem:s30+$0x5F50];
	[tilespmem:s10+$0x10D30] =	vst v5  }
0x1f9: {  	v34 =	vmul.f32 $1.428571490e-01, v0;
	v5 =	vld [tilespmem:s2+$0x5D40]  }
0x1fa: {  	v38 =	vld [tilespmem:s2+$0x5DC0]  }
0x1fb: {  	[tilespmem:s0+$0x10D30] =	vst v34;
	v40 =	vld [tilespmem:s2+$0x5E40]  }
0x1fc: {  	v36 =	vld [tilespmem:s31+$0x5D40]  }
0x1fd: {  	v8 =	vld [tilespmem:s31+$0x5DC0]  }
0x1fe: {  	v42 =	vld [tilespmem:s2+$0x5EC0]  }
0x1ff: {  	v37 =	vld [tilespmem:s31+$0x5E40];
	v5 =	vadd.f32 v38, v5  }
0x200: {  	v44 =	vld [tilespmem:s2+$0x5F40]  }
0x201: {  	v39 =	vld [tilespmem:s31+$0x5EC0];
	v5 =	vadd.f32 v40, v5  }
0x202: {  	v46 =	vld [tilespmem:s2+$0x5FC0];
	v7 =	vadd.f32 v8, v36  }
0x203: {  	v41 =	vld [tilespmem:s31+$0x5F40];
	v9 =	vadd.f32 v42, v5  }
0x204: {  	v48 =	vld [tilespmem:s2+$0x6040];
	v7 =	vadd.f32 v37, v7  }
0x205: {  	v43 =	vld [tilespmem:s31+$0x5FC0];
	v9 =	vadd.f32 v44, v9  }
0x206: {  	v52 =	vld [tilespmem:s30+$0x5FD0];
	v7 =	vadd.f32 v39, v7  }
0x207: {  	v45 =	vld [tilespmem:s31+$0x6040];
	v8 =	vadd.f32 v46, v9  }
0x208: {  	v53 =	vld [tilespmem:s30+$0x6050];
	v7 =	vadd.f32 v41, v7  }
0x209: {  	v2 =	vld [tilespmem:s28+$0x5D70];
	v8 =	vadd.f32 v48, v8  }
0x20a: {  	v4 =	vld [tilespmem:s28+$0x5DF0];
	v7 =	vadd.f32 v43, v7  }
0x20b: {  	v1 =	vld [tilespmem:s28+$0x5EF0];
	v8 =	vmul.f32 $1.428571490e-01, v8  }
0x20c: {  	v3 =	vld [tilespmem:s28+$0x5E70];
	v6 =	vadd.f32 v47, v35;
	v7 =	vadd.f32 v45, v7  }
0x20d: {  	v0 =	vld [tilespmem:s28+$0x5F70];
	[tilespmem:s10+$0x10D40] =	vst v8  }
0x20e: {  	v6 =	vadd.f32 v49, v6;
	v7 =	vmul.f32 $1.428571490e-01, v7;
	v8 =	vld [tilespmem:s2+$0x5D50]  }
0x20f: {  	v56 =	vld [tilespmem:s2+$0x5DD0]  }
0x210: {  	v6 =	vadd.f32 v50, v6;
	[tilespmem:s0+$0x10D40] =	vst v7;
	v58 =	vld [tilespmem:s2+$0x5E50]  }
0x211: {  	v7 =	vld [tilespmem:s31+$0x5D50]  }
0x212: {  	v6 =	vadd.f32 v51, v6;
	v54 =	vld [tilespmem:s31+$0x5DD0]  }
0x213: {  	v60 =	vld [tilespmem:s2+$0x5ED0]  }
0x214: {  	v6 =	vadd.f32 v52, v6;
	v55 =	vld [tilespmem:s31+$0x5E50]  }
0x215: {  	v62 =	vld [tilespmem:s2+$0x5F50];
	v8 =	vadd.f32 v56, v8  }
0x216: {  	v6 =	vadd.f32 v53, v6;
	v57 =	vld [tilespmem:s31+$0x5ED0]  }
0x217: {  	v16 =	vld [tilespmem:s2+$0x5FD0];
	v7 =	vadd.f32 v54, v7;
	v8 =	vadd.f32 v58, v8  }
0x218: {  	v59 =	vld [tilespmem:s31+$0x5F50]  }
0x219: {  	v38 =	vld [tilespmem:s28+$0x6070];
	v6 =	vmul.f32 $1.428571490e-01, v6;
	v7 =	vadd.f32 v55, v7;
	v8 =	vadd.f32 v60, v8  }
0x21a: {  	v18 =	vld [tilespmem:s2+$0x6050]  }
0x21b: {  	[tilespmem:s29+$0x10D50] =	vst v6;
	v61 =	vld [tilespmem:s31+$0x5FD0];
	v7 =	vadd.f32 v57, v7;
	v8 =	vadd.f32 v62, v8  }
0x21c: {  	v17 =	vld [tilespmem:s30+$0x5D60]  }
0x21d: {  	v63 =	vld [tilespmem:s31+$0x6050];
	v15 =	vadd.f32 v59, v7;
	v7 =	vadd.f32 v16, v8  }
0x21e: {  	v19 =	vld [tilespmem:s30+$0x5DE0]  }
0x21f: {  	v20 =	vld [tilespmem:s30+$0x5E60];
	v7 =	vadd.f32 v18, v7  }
0x220: {  	v21 =	vld [tilespmem:s30+$0x5EE0];
	v6 =	vadd.f32 v61, v15  }
0x221: {  	v22 =	vld [tilespmem:s30+$0x5F60];
	v7 =	vmul.f32 $1.428571490e-01, v7  }
0x222: {  	v23 =	vld [tilespmem:s30+$0x5FE0];
	v6 =	vadd.f32 v63, v6  }
0x223: {  	v24 =	vld [tilespmem:s30+$0x6060];
	[tilespmem:s10+$0x10D50] =	vst v7  }
0x224: {  	v25 =	vadd.f32 v19, v17;
	v6 =	vmul.f32 $1.428571490e-01, v6;
	v7 =	vld [tilespmem:s2+$0x5D60]  }
0x225: {  	v29 =	vld [tilespmem:s2+$0x5DE0]  }
0x226: {  	[tilespmem:s0+$0x10D50] =	vst v6;
	v6 =	vadd.f32 v20, v25;
	v31 =	vld [tilespmem:s2+$0x5E60]  }
0x227: {  	v26 =	vld [tilespmem:s31+$0x5D60]  }
0x228: {  	v27 =	vld [tilespmem:s31+$0x5DE0];
	v6 =	vadd.f32 v21, v6  }
0x229: {  	v33 =	vld [tilespmem:s2+$0x5EE0]  }
0x22a: {  	v28 =	vld [tilespmem:s31+$0x5E60];
	v6 =	vadd.f32 v22, v6  }
0x22b: {  	v35 =	vld [tilespmem:s2+$0x5F60];
	v7 =	vadd.f32 v29, v7  }
0x22c: {  	v30 =	vld [tilespmem:s31+$0x5EE0];
	v6 =	vadd.f32 v23, v6  }
0x22d: {  	v37 =	vld [tilespmem:s2+$0x5FE0];
	v10 =	vadd.f32 v27, v26;
	v7 =	vadd.f32 v31, v7  }
0x22e: {  	v32 =	vld [tilespmem:s31+$0x5F60];
	v6 =	vadd.f32 v24, v6  }
0x22f: {  	v39 =	vld [tilespmem:s2+$0x6060];
	v9 =	vadd.f32 v28, v10;
	v7 =	vadd.f32 v33, v7  }
0x230: {  	v34 =	vld [tilespmem:s31+$0x5FE0];
	v6 =	vmul.f32 $1.428571490e-01, v6  }
0x231: {  	v5 =	vld [tilespmem:s28+$0x5FF0];
	v9 =	vadd.f32 v30, v9;
	v7 =	vadd.f32 v35, v7  }
0x232: {  	v36 =	vld [tilespmem:s31+$0x6060];
	[tilespmem:s29+$0x10D60] =	vst v6  }
0x233: {  	v9 =	vadd.f32 v32, v9;
	v40 =	vld [tilespmem:s30+$0x5D70];
	v7 =	vadd.f32 v37, v7  }
0x234: {  	v41 =	vld [tilespmem:s30+$0x5DF0]  }
0x235: {  	v42 =	vld [tilespmem:s30+$0x5E70];
	v9 =	vadd.f32 v34, v9;
	v6 =	vadd.f32 v39, v7  }
0x236: {  	v43 =	vld [tilespmem:s30+$0x5EF0]  }
0x237: {  	v44 =	vld [tilespmem:s30+$0x5F70];
	v9 =	vadd.f32 v36, v9;
	v6 =	vmul.f32 $1.428571490e-01, v6  }
0x238: {  	v45 =	vld [tilespmem:s30+$0x5FF0]  }
0x239: {  	v46 =	vld [tilespmem:s30+$0x6070];
	v9 =	vmul.f32 $1.428571490e-01, v9;
	[tilespmem:s10+$0x10D60] =	vst v6  }
0x23a: {  	v6 =	vld [tilespmem:s2+$0x5D70]  }
0x23b: {  	[tilespmem:s0+$0x10D60] =	vst v9;
	v17 =	vld [tilespmem:s2+$0x5DF0]  }
0x23c: {  	v9 =	vld [tilespmem:s31+$0x5D70]  }
0x23d: {  	v16 =	vld [tilespmem:s31+$0x5DF0]  }
0x23e: {  	v47 =	vld [tilespmem:s2+$0x5E70]  }
0x23f: {  	v2 =	vadd.f32 v4, v2;
	v18 =	vld [tilespmem:s31+$0x5E70]  }
0x240: {  	v10 =	vadd.f32 v41, v40;
	v50 =	vld [tilespmem:s2+$0x5EF0]  }
0x241: {  	v2 =	vadd.f32 v3, v2;
	v48 =	vld [tilespmem:s31+$0x5EF0];
	v6 =	vadd.f32 v17, v6  }
0x242: {  	v10 =	vadd.f32 v42, v10;
	v53 =	vld [tilespmem:s2+$0x5F70];
	v49 =	vadd.f32 v16, v9  }
0x243: {  	v1 =	vadd.f32 v1, v2;
	v51 =	vld [tilespmem:s31+$0x5F70];
	v4 =	vadd.f32 v47, v6  }
0x244: {  	v56 =	vld [tilespmem:s2+$0x5FF0];
	v8 =	vadd.f32 v43, v10;
	v52 =	vadd.f32 v18, v49  }
0x245: {  	v0 =	vadd.f32 v0, v1;
	v54 =	vld [tilespmem:s31+$0x5FF0];
	v4 =	vadd.f32 v50, v4  }
0x246: {  	v58 =	vld [tilespmem:s2+$0x6070];
	v8 =	vadd.f32 v44, v8;
	v55 =	vadd.f32 v48, v52  }
0x247: {  	v0 =	vadd.f32 v5, v0;
	v57 =	vld [tilespmem:s31+$0x6070];
	v3 =	vadd.f32 v53, v4  }
0x248: {  	v59 =	vadd.f32 v45, v8;
	v1 =	vadd.f32 v51, v55  }
0x249: {  	v0 =	vadd.f32 v38, v0;
	v2 =	vadd.f32 v56, v3  }
0x24a: {  	v60 =	vadd.f32 v46, v59;
	v1 =	vadd.f32 v54, v1  }
0x24b: {  	p2 =	slt.u32 s25, $0xC;
	v0 =	vmul.f32 $1.428571490e-01, v0;
	v2 =	vadd.f32 v58, v2  }
.Ltmp1:
0x24c: {  	v61 =	vmul.f32 $1.428571490e-01, v60;
	v1 =	vadd.f32 v57, v1;
	(pc) =	sbr.rel @p2 .LBB2_5-.Ltmp1, $4  }
0x24d: {  	[tilespmem:s26+$0x10D70] =	vst v0;
	v63 =	vmul.f32 $1.428571490e-01, v2  }
0x24e: {  	[tilespmem:s29+$0x10D70] =	vst v61;
	v62 =	vmul.f32 $1.428571490e-01, v1  }
0x24f: {  	s31 =	sadd.s32 $0x4, s25;
	[tilespmem:s10+$0x10D70] =	vst v63  }
0x250: {  	s25 =	smov.u32 s31;
	[tilespmem:s0+$0x10D70] =	vst v62  }
0x251: {  	s0 =	sadd.s32 @!p1 $0x230, s22  }
0x252: {  	s2 =	simm.s32 @!p1 $0x70;
	s10 =	simm.s32 @!p1 $0x5D00;
	p2 =	sgt.u32 s24, $0x9FF2  }
0x253: {  	[tilespmem:s10], [sflag:$0x2] =	stream.indirect.gather @!p1 [hbm4b:s1+s2], $0x80, s0, s2, $0xb8;
	[tilespmem:$0x11500] =	vst v63  }
0x254: {  	s0 =	sshll.u32 @!p2 s24, $0x4  }
0x255: {  	s2 =	simm.s32 @!p2 $0x0;
	s10 =	simm.s32 @!p2 $0x10D00;
	s0 =	sadd.s32 @!p2 s3, s0  }
0x256: {  	[hbm4b:s0+s2] =	stream.linear.scatter @!p2 [tilespmem:s10], [sflag:$0x6], $0x800, $0x38;
	[tilespmem:$0x11500] =	vst v63  }
0x257: {  	s24 =	sadd.s32 $0x20, s23;
	_ =	swait.ge [sflag:s18], $0x3800  }
0x258: {  	p2 =	sgt.u32 s24, $0xA012;
	[sflag:s18] =	ssyncset.done $0x0  }
0x259: {  	s0 =	simm.s32 @!p2 $0x5;
	[sflag:s18] =	ssyncadd.s32 $0xFFFFC800  }
0x25a: {  	_ =	swait.ge @!p2 [sflag:s0], $0x800  }
0x25b: {  	[sflag:s0] =	ssyncset.done @!p2 $0x0  }
0x25c: {  	s25 =	simm.s32 $0x0;
	[sflag:s0] =	ssyncadd.s32 @!p2 $0xFFFFF800  }
.LBB2_7:
0x25d: {  	s0 =	smul.u32 $0xE00, s25;
	_ =	sdelay $0x1  }
0x25e: {  	s28 =	sshra.s32 s0, $0x2  }
0x25f: {  	v0 =	vld [tilespmem:s28+$0x9500]  }
0x260: {  	v1 =	vld [tilespmem:s28+$0x9580];
	_ =	sdelay $0x1  }
0x261: {  	v2 =	vld [tilespmem:s28+$0x9600];
	_ =	sdelay $0x1  }
0x262: {  	v3 =	vld [tilespmem:s28+$0x9680]  }
0x263: {  	v0 =	vadd.f32 v1, v0  }
0x264: {  	v14 =	vld [tilespmem:s28+$0x9700]  }
0x265: {  	v0 =	vadd.f32 v2, v0  }
0x266: {  	v15 =	vld [tilespmem:s28+$0x9780]  }
0x267: {  	v0 =	vadd.f32 v3, v0  }
0x268: {  	v16 =	vld [tilespmem:s28+$0x9800]  }
0x269: {  	v0 =	vadd.f32 v14, v0;
	_ =	sdelay $0x1  }
0x26a: {  	v0 =	vadd.f32 v15, v0;
	_ =	sdelay $0x1  }
0x26b: {  	v0 =	vadd.f32 v16, v0;
	_ =	sdelay $0x1  }
0x26c: {  	s30 =	sshll.u32 s25, $0x7;
	v0 =	vmul.f32 $1.428571490e-01, v0  }
0x26d: {  	s26 =	sand.u32 $0x3FFFFF80, s30  }
0x26e: {  	[tilespmem:s26+$0x10500] =	vst v0  }
0x26f: {  	v0 =	vld [tilespmem:s28+$0x9510]  }
0x270: {  	v17 =	vld [tilespmem:s28+$0x9590];
	_ =	sdelay $0x1  }
0x271: {  	v18 =	vld [tilespmem:s28+$0x9610];
	_ =	sdelay $0x1  }
0x272: {  	v19 =	vld [tilespmem:s28+$0x9690]  }
0x273: {  	v0 =	vadd.f32 v17, v0  }
0x274: {  	v20 =	vld [tilespmem:s28+$0x9710]  }
0x275: {  	v0 =	vadd.f32 v18, v0  }
0x276: {  	v21 =	vld [tilespmem:s28+$0x9790]  }
0x277: {  	v0 =	vadd.f32 v19, v0  }
0x278: {  	v22 =	vld [tilespmem:s28+$0x9810]  }
0x279: {  	v0 =	vadd.f32 v20, v0;
	_ =	sdelay $0x1  }
0x27a: {  	v0 =	vadd.f32 v21, v0;
	_ =	sdelay $0x1  }
0x27b: {  	v0 =	vadd.f32 v22, v0;
	_ =	sdelay $0x1  }
0x27c: {  	v0 =	vmul.f32 $1.428571490e-01, v0;
	_ =	sdelay $0x1  }
0x27d: {  	[tilespmem:s26+$0x10510] =	vst v0  }
0x27e: {  	v0 =	vld [tilespmem:s28+$0x9520]  }
0x27f: {  	v23 =	vld [tilespmem:s28+$0x95A0];
	_ =	sdelay $0x1  }
0x280: {  	v24 =	vld [tilespmem:s28+$0x9620];
	_ =	sdelay $0x1  }
0x281: {  	v25 =	vld [tilespmem:s28+$0x96A0]  }
0x282: {  	v0 =	vadd.f32 v23, v0  }
0x283: {  	v26 =	vld [tilespmem:s28+$0x9720]  }
0x284: {  	v0 =	vadd.f32 v24, v0  }
0x285: {  	v27 =	vld [tilespmem:s28+$0x97A0]  }
0x286: {  	v0 =	vadd.f32 v25, v0  }
0x287: {  	v28 =	vld [tilespmem:s28+$0x9820]  }
0x288: {  	s31 =	sor.u32 $0x1, s25;
	v0 =	vadd.f32 v26, v0  }
0x289: {  	s2 =	smul.u32 $0xE00, s31  }
0x28a: {  	v0 =	vadd.f32 v27, v0  }
0x28b: {  	s30 =	sshra.s32 s2, $0x2  }
0x28c: {  	v4 =	vld [tilespmem:s30+$0x9500];
	v0 =	vadd.f32 v28, v0  }
0x28d: {  	v33 =	vld [tilespmem:s30+$0x9580]  }
0x28e: {  	v0 =	vmul.f32 $1.428571490e-01, v0  }
0x28f: {  	v34 =	vld [tilespmem:s30+$0x9600]  }
0x290: {  	v35 =	vld [tilespmem:s30+$0x9680];
	[tilespmem:s26+$0x10520] =	vst v0  }
0x291: {  	v0 =	vld [tilespmem:s28+$0x9530]  }
0x292: {  	v2 =	vadd.f32 v33, v4;
	v29 =	vld [tilespmem:s28+$0x95B0]  }
0x293: {  	v36 =	vld [tilespmem:s30+$0x9700]  }
0x294: {  	v2 =	vadd.f32 v34, v2;
	v30 =	vld [tilespmem:s28+$0x9630]  }
0x295: {  	v37 =	vld [tilespmem:s30+$0x9780]  }
0x296: {  	v1 =	vadd.f32 v35, v2;
	v31 =	vld [tilespmem:s28+$0x96B0]  }
0x297: {  	v38 =	vld [tilespmem:s30+$0x9800];
	v0 =	vadd.f32 v29, v0  }
0x298: {  	v1 =	vadd.f32 v36, v1;
	v32 =	vld [tilespmem:s28+$0x9730]  }
0x299: {  	v0 =	vadd.f32 v30, v0  }
0x29a: {  	v1 =	vadd.f32 v37, v1;
	v5 =	vld [tilespmem:s28+$0x97B0]  }
0x29b: {  	s0 =	sshll.u32 s31, $0x7;
	v0 =	vadd.f32 v31, v0  }
0x29c: {  	s29 =	sand.u32 $0x3FFFFF80, s0;
	s0 =	sor.u32 $0x2, s25;
	v1 =	vadd.f32 v38, v1;
	v6 =	vld [tilespmem:s28+$0x9830]  }
0x29d: {  	s10 =	smul.u32 $0xE00, s0;
	v0 =	vadd.f32 v32, v0  }
0x29e: {  	v1 =	vmul.f32 $1.428571490e-01, v1  }
0x29f: {  	s31 =	sshra.s32 s10, $0x2;
	v0 =	vadd.f32 v5, v0  }
0x2a0: {  	v57 =	vld [tilespmem:s31+$0x9500];
	[tilespmem:s29+$0x10500] =	vst v1  }
0x2a1: {  	v1 =	vld [tilespmem:s30+$0x9510];
	v0 =	vadd.f32 v6, v0  }
0x2a2: {  	v43 =	vld [tilespmem:s30+$0x9590]  }
0x2a3: {  	v13 =	vld [tilespmem:s31+$0x9580];
	v0 =	vmul.f32 $1.428571490e-01, v0  }
0x2a4: {  	v45 =	vld [tilespmem:s30+$0x9610]  }
0x2a5: {  	v47 =	vld [tilespmem:s30+$0x9690];
	[tilespmem:s26+$0x10530] =	vst v0  }
0x2a6: {  	v0 =	vld [tilespmem:s28+$0x9540]  }
0x2a7: {  	v1 =	vadd.f32 v43, v1;
	v39 =	vld [tilespmem:s28+$0x95C0]  }
0x2a8: {  	v48 =	vld [tilespmem:s30+$0x9710]  }
0x2a9: {  	v1 =	vadd.f32 v45, v1;
	v40 =	vld [tilespmem:s28+$0x9640]  }
0x2aa: {  	v49 =	vld [tilespmem:s30+$0x9790]  }
0x2ab: {  	v1 =	vadd.f32 v47, v1;
	v41 =	vld [tilespmem:s28+$0x96C0]  }
0x2ac: {  	s10 =	sor.u32 $0x3, s25;
	v50 =	vld [tilespmem:s30+$0x9810];
	v0 =	vadd.f32 v39, v0  }
0x2ad: {  	s2 =	smul.u32 $0xE00, s10;
	v1 =	vadd.f32 v48, v1;
	v42 =	vld [tilespmem:s28+$0x9740]  }
0x2ae: {  	v58 =	vld [tilespmem:s31+$0x9600];
	v0 =	vadd.f32 v40, v0  }
0x2af: {  	s2 =	sshra.s32 s2, $0x2;
	v1 =	vadd.f32 v49, v1;
	v44 =	vld [tilespmem:s28+$0x97C0]  }
0x2b0: {  	v59 =	vld [tilespmem:s2+$0x9580];
	v0 =	vadd.f32 v41, v0  }
0x2b1: {  	v1 =	vadd.f32 v50, v1;
	v46 =	vld [tilespmem:s28+$0x9840]  }
0x2b2: {  	v61 =	vld [tilespmem:s2+$0x9600];
	v0 =	vadd.f32 v42, v0  }
0x2b3: {  	v63 =	vld [tilespmem:s2+$0x9680];
	v1 =	vmul.f32 $1.428571490e-01, v1  }
0x2b4: {  	v14 =	vld [tilespmem:s2+$0x9500];
	v0 =	vadd.f32 v44, v0  }
0x2b5: {  	v17 =	vld [tilespmem:s2+$0x9780];
	[tilespmem:s29+$0x10510] =	vst v1  }
0x2b6: {  	v1 =	vld [tilespmem:s30+$0x9520];
	v0 =	vadd.f32 v46, v0  }
0x2b7: {  	v8 =	vld [tilespmem:s30+$0x95A0]  }
0x2b8: {  	v9 =	vld [tilespmem:s30+$0x9620];
	v0 =	vmul.f32 $1.428571490e-01, v0  }
0x2b9: {  	v10 =	vld [tilespmem:s30+$0x96A0]  }
0x2ba: {  	v11 =	vld [tilespmem:s30+$0x9720];
	[tilespmem:s26+$0x10540] =	vst v0  }
0x2bb: {  	v0 =	vld [tilespmem:s28+$0x9550]  }
0x2bc: {  	v1 =	vadd.f32 v8, v1;
	v51 =	vld [tilespmem:s28+$0x95D0]  }
0x2bd: {  	v56 =	vld [tilespmem:s30+$0x97A0]  }
0x2be: {  	v1 =	vadd.f32 v9, v1;
	v5 =	vadd.f32 v59, v14;
	v52 =	vld [tilespmem:s28+$0x9650]  }
0x2bf: {  	v14 =	vld [tilespmem:s2+$0x9700]  }
0x2c0: {  	v1 =	vadd.f32 v10, v1;
	v5 =	vadd.f32 v61, v5;
	v53 =	vld [tilespmem:s28+$0x96D0]  }
0x2c1: {  	v12 =	vld [tilespmem:s30+$0x9820];
	v0 =	vadd.f32 v51, v0  }
0x2c2: {  	v1 =	vadd.f32 v11, v1;
	v18 =	vadd.f32 v63, v5;
	v54 =	vld [tilespmem:s28+$0x9750]  }
0x2c3: {  	v19 =	vld [tilespmem:s2+$0x9800];
	v0 =	vadd.f32 v52, v0  }
0x2c4: {  	v1 =	vadd.f32 v56, v1;
	v2 =	vadd.f32 v14, v18;
	v55 =	vld [tilespmem:s28+$0x97D0]  }
0x2c5: {  	v60 =	vld [tilespmem:s31+$0x9680];
	v0 =	vadd.f32 v53, v0  }
0x2c6: {  	v1 =	vadd.f32 v12, v1;
	v2 =	vadd.f32 v17, v2;
	v7 =	vld [tilespmem:s28+$0x9850]  }
0x2c7: {  	v4 =	vadd.f32 v13, v57;
	v0 =	vadd.f32 v54, v0  }
0x2c8: {  	v62 =	vld [tilespmem:s31+$0x9700];
	v1 =	vmul.f32 $1.428571490e-01, v1;
	v23 =	vadd.f32 v19, v2  }
0x2c9: {  	v3 =	vadd.f32 v58, v4;
	v0 =	vadd.f32 v55, v0  }
0x2ca: {  	s10 =	sshll.u32 s10, $0x7;
	v13 =	vld [tilespmem:s31+$0x9780];
	[tilespmem:s29+$0x10520] =	vst v1;
	v1 =	vmul.f32 $1.428571490e-01, v23  }
0x2cb: {  	s10 =	sand.u32 $0x3FFFFF80, s10;
	v3 =	vadd.f32 v60, v3;
	v0 =	vadd.f32 v7, v0  }
0x2cc: {  	v15 =	vld [tilespmem:s31+$0x9800];
	[tilespmem:s10+$0x10500] =	vst v1  }
0x2cd: {  	v16 =	vadd.f32 v62, v3;
	v1 =	vld [tilespmem:s2+$0x9510];
	v0 =	vmul.f32 $1.428571490e-01, v0  }
0x2ce: {  	v27 =	vld [tilespmem:s2+$0x9590]  }
0x2cf: {  	v24 =	vld [tilespmem:s30+$0x9530];
	[tilespmem:s26+$0x10550] =	vst v0;
	v0 =	vadd.f32 v13, v16  }
0x2d0: {  	v29 =	vld [tilespmem:s2+$0x9610]  }
0x2d1: {  	v36 =	vld [tilespmem:s30+$0x95B0];
	v0 =	vadd.f32 v15, v0  }
0x2d2: {  	v31 =	vld [tilespmem:s2+$0x9690]  }
0x2d3: {  	s0 =	sshll.u32 s0, $0x7;
	v43 =	vld [tilespmem:s30+$0x9830];
	v1 =	vadd.f32 v27, v1;
	v0 =	vmul.f32 $1.428571490e-01, v0  }
0x2d4: {  	s0 =	sand.u32 $0x3FFFFF80, s0;
	v33 =	vld [tilespmem:s2+$0x9710]  }
0x2d5: {  	v35 =	vld [tilespmem:s2+$0x9790];
	v1 =	vadd.f32 v29, v1;
	[tilespmem:s0+$0x10500] =	vst v0  }
0x2d6: {  	v0 =	vld [tilespmem:s31+$0x9510]  }
0x2d7: {  	v1 =	vadd.f32 v31, v1;
	v25 =	vld [tilespmem:s31+$0x9590]  }
0x2d8: {  	v37 =	vld [tilespmem:s2+$0x9810]  }
0x2d9: {  	v1 =	vadd.f32 v33, v1;
	v26 =	vld [tilespmem:s31+$0x9610]  }
0x2da: {  	v39 =	vld [tilespmem:s30+$0x9630]  }
0x2db: {  	v1 =	vadd.f32 v35, v1;
	v28 =	vld [tilespmem:s31+$0x9690]  }
0x2dc: {  	v40 =	vld [tilespmem:s30+$0x96B0];
	v0 =	vadd.f32 v25, v0  }
0x2dd: {  	v1 =	vadd.f32 v37, v1;
	v30 =	vld [tilespmem:s31+$0x9710]  }
0x2de: {  	v41 =	vld [tilespmem:s30+$0x9730];
	v0 =	vadd.f32 v26, v0  }
0x2df: {  	v1 =	vmul.f32 $1.428571490e-01, v1;
	v32 =	vld [tilespmem:s31+$0x9790]  }
0x2e0: {  	v42 =	vld [tilespmem:s30+$0x97B0];
	v0 =	vadd.f32 v28, v0  }
0x2e1: {  	[tilespmem:s10+$0x10510] =	vst v1;
	v34 =	vld [tilespmem:s31+$0x9810]  }
0x2e2: {  	v1 =	vld [tilespmem:s2+$0x9520];
	v0 =	vadd.f32 v30, v0  }
0x2e3: {  	v48 =	vld [tilespmem:s2+$0x95A0]  }
0x2e4: {  	v49 =	vld [tilespmem:s2+$0x9620];
	v0 =	vadd.f32 v32, v0  }
0x2e5: {  	v51 =	vld [tilespmem:s2+$0x96A0]  }
0x2e6: {  	v56 =	vld [tilespmem:s2+$0x97A0];
	v0 =	vadd.f32 v34, v0  }
0x2e7: {  	v58 =	vld [tilespmem:s2+$0x9820]  }
0x2e8: {  	v53 =	vld [tilespmem:s2+$0x9720];
	v1 =	vadd.f32 v48, v1;
	v0 =	vmul.f32 $1.428571490e-01, v0  }
0x2e9: {  	v6 =	vld [tilespmem:s28+$0x9560]  }
0x2ea: {  	v2 =	vadd.f32 v36, v24;
	v1 =	vadd.f32 v49, v1;
	v20 =	vld [tilespmem:s28+$0x95E0];
	[tilespmem:s0+$0x10510] =	vst v0  }
0x2eb: {  	v45 =	vld [tilespmem:s31+$0x9520]  }
0x2ec: {  	v44 =	vadd.f32 v39, v2;
	v1 =	vadd.f32 v51, v1;
	v46 =	vld [tilespmem:s31+$0x95A0]  }
0x2ed: {  	v21 =	vld [tilespmem:s28+$0x9660]  }
0x2ee: {  	v1 =	vadd.f32 v53, v1;
	v0 =	vadd.f32 v40, v44;
	v47 =	vld [tilespmem:s31+$0x9620]  }
0x2ef: {  	v22 =	vld [tilespmem:s28+$0x96E0]  }
0x2f0: {  	v1 =	vadd.f32 v56, v1;
	v15 =	vld [tilespmem:s31+$0x96A0];
	v0 =	vadd.f32 v41, v0  }
0x2f1: {  	v3 =	vld [tilespmem:s28+$0x9760];
	v2 =	vadd.f32 v46, v45  }
0x2f2: {  	v1 =	vadd.f32 v58, v1;
	v50 =	vld [tilespmem:s31+$0x9720];
	v0 =	vadd.f32 v42, v0  }
0x2f3: {  	v9 =	vld [tilespmem:s28+$0x97E0];
	v2 =	vadd.f32 v47, v2  }
0x2f4: {  	v1 =	vmul.f32 $1.428571490e-01, v1;
	v52 =	vld [tilespmem:s31+$0x97A0];
	v0 =	vadd.f32 v43, v0  }
0x2f5: {  	v38 =	vld [tilespmem:s28+$0x9860];
	v2 =	vadd.f32 v15, v2  }
0x2f6: {  	[tilespmem:s10+$0x10520] =	vst v1;
	v54 =	vld [tilespmem:s31+$0x9820];
	v0 =	vmul.f32 $1.428571490e-01, v0  }
0x2f7: {  	v1 =	vld [tilespmem:s2+$0x9530];
	v55 =	vadd.f32 v50, v2  }
0x2f8: {  	v24 =	vld [tilespmem:s2+$0x9630];
	[tilespmem:s29+$0x10530] =	vst v0  }
0x2f9: {  	v57 =	vld [tilespmem:s30+$0x9540];
	v0 =	vadd.f32 v52, v55  }
0x2fa: {  	v59 =	vld [tilespmem:s30+$0x95C0]  }
0x2fb: {  	v26 =	vld [tilespmem:s2+$0x96B0];
	v0 =	vadd.f32 v54, v0  }
0x2fc: {  	v60 =	vld [tilespmem:s30+$0x9640]  }
0x2fd: {  	v17 =	vadd.f32 v20, v6;
	v61 =	vld [tilespmem:s30+$0x96C0];
	v0 =	vmul.f32 $1.428571490e-01, v0  }
0x2fe: {  	v62 =	vld [tilespmem:s30+$0x9740]  }
0x2ff: {  	v11 =	vadd.f32 v59, v57;
	[tilespmem:s0+$0x10520] =	vst v0;
	v0 =	vadd.f32 v21, v17;
	v21 =	vld [tilespmem:s2+$0x95B0]  }
0x300: {  	v63 =	vld [tilespmem:s30+$0x97C0]  }
0x301: {  	v4 =	vadd.f32 v60, v11;
	v18 =	vld [tilespmem:s31+$0x9530]  }
0x302: {  	v19 =	vld [tilespmem:s31+$0x95B0]  }
0x303: {  	v16 =	vld [tilespmem:s30+$0x9840];
	v4 =	vadd.f32 v61, v4  }
0x304: {  	v20 =	vld [tilespmem:s31+$0x9630];
	v1 =	vadd.f32 v21, v1  }
0x305: {  	v28 =	vld [tilespmem:s2+$0x9730];
	v2 =	vadd.f32 v62, v4  }
0x306: {  	v0 =	vadd.f32 v22, v0;
	v22 =	vld [tilespmem:s31+$0x96B0];
	v1 =	vadd.f32 v24, v1  }
0x307: {  	v30 =	vld [tilespmem:s2+$0x97B0];
	v4 =	vadd.f32 v63, v2;
	v23 =	vadd.f32 v19, v18  }
0x308: {  	v25 =	vld [tilespmem:s31+$0x9730];
	v0 =	vadd.f32 v3, v0;
	v1 =	vadd.f32 v26, v1  }
0x309: {  	v32 =	vld [tilespmem:s2+$0x9830];
	v33 =	vadd.f32 v16, v4;
	v3 =	vadd.f32 v20, v23  }
0x30a: {  	v27 =	vld [tilespmem:s31+$0x97B0];
	v1 =	vadd.f32 v28, v1  }
0x30b: {  	v0 =	vadd.f32 v9, v0;
	v7 =	vmul.f32 $1.428571490e-01, v33;
	v3 =	vadd.f32 v22, v3  }
0x30c: {  	v29 =	vld [tilespmem:s31+$0x9830];
	v5 =	vadd.f32 v30, v1  }
0x30d: {  	v0 =	vadd.f32 v38, v0;
	[tilespmem:s29+$0x10540] =	vst v7;
	v3 =	vadd.f32 v25, v3  }
0x30e: {  	v35 =	vld [tilespmem:s30+$0x9550];
	v5 =	vadd.f32 v32, v5  }
0x30f: {  	v0 =	vmul.f32 $1.428571490e-01, v0;
	v47 =	vld [tilespmem:s30+$0x95D0];
	v31 =	vadd.f32 v27, v3  }
0x310: {  	v49 =	vld [tilespmem:s30+$0x9650];
	v5 =	vmul.f32 $1.428571490e-01, v5  }
0x311: {  	v50 =	vld [tilespmem:s30+$0x96D0];
	[tilespmem:s26+$0x10560] =	vst v0;
	v0 =	vadd.f32 v29, v31  }
0x312: {  	v51 =	vld [tilespmem:s30+$0x9750];
	[tilespmem:s10+$0x10530] =	vst v5  }
0x313: {  	v34 =	vmul.f32 $1.428571490e-01, v0;
	v5 =	vld [tilespmem:s2+$0x9540]  }
0x314: {  	v38 =	vld [tilespmem:s2+$0x95C0]  }
0x315: {  	[tilespmem:s0+$0x10530] =	vst v34;
	v40 =	vld [tilespmem:s2+$0x9640]  }
0x316: {  	v36 =	vld [tilespmem:s31+$0x9540]  }
0x317: {  	v8 =	vld [tilespmem:s31+$0x95C0]  }
0x318: {  	v42 =	vld [tilespmem:s2+$0x96C0]  }
0x319: {  	v37 =	vld [tilespmem:s31+$0x9640];
	v5 =	vadd.f32 v38, v5  }
0x31a: {  	v44 =	vld [tilespmem:s2+$0x9740]  }
0x31b: {  	v39 =	vld [tilespmem:s31+$0x96C0];
	v5 =	vadd.f32 v40, v5  }
0x31c: {  	v46 =	vld [tilespmem:s2+$0x97C0];
	v7 =	vadd.f32 v8, v36  }
0x31d: {  	v41 =	vld [tilespmem:s31+$0x9740];
	v9 =	vadd.f32 v42, v5  }
0x31e: {  	v48 =	vld [tilespmem:s2+$0x9840];
	v7 =	vadd.f32 v37, v7  }
0x31f: {  	v43 =	vld [tilespmem:s31+$0x97C0];
	v9 =	vadd.f32 v44, v9  }
0x320: {  	v52 =	vld [tilespmem:s30+$0x97D0];
	v7 =	vadd.f32 v39, v7  }
0x321: {  	v45 =	vld [tilespmem:s31+$0x9840];
	v8 =	vadd.f32 v46, v9  }
0x322: {  	v53 =	vld [tilespmem:s30+$0x9850];
	v7 =	vadd.f32 v41, v7  }
0x323: {  	v2 =	vld [tilespmem:s28+$0x9570];
	v8 =	vadd.f32 v48, v8  }
0x324: {  	v4 =	vld [tilespmem:s28+$0x95F0];
	v7 =	vadd.f32 v43, v7  }
0x325: {  	v1 =	vld [tilespmem:s28+$0x96F0];
	v8 =	vmul.f32 $1.428571490e-01, v8  }
0x326: {  	v3 =	vld [tilespmem:s28+$0x9670];
	v6 =	vadd.f32 v47, v35;
	v7 =	vadd.f32 v45, v7  }
0x327: {  	v0 =	vld [tilespmem:s28+$0x9770];
	[tilespmem:s10+$0x10540] =	vst v8  }
0x328: {  	v6 =	vadd.f32 v49, v6;
	v7 =	vmul.f32 $1.428571490e-01, v7;
	v8 =	vld [tilespmem:s2+$0x9550]  }
0x329: {  	v56 =	vld [tilespmem:s2+$0x95D0]  }
0x32a: {  	v6 =	vadd.f32 v50, v6;
	[tilespmem:s0+$0x10540] =	vst v7;
	v58 =	vld [tilespmem:s2+$0x9650]  }
0x32b: {  	v7 =	vld [tilespmem:s31+$0x9550]  }
0x32c: {  	v6 =	vadd.f32 v51, v6;
	v54 =	vld [tilespmem:s31+$0x95D0]  }
0x32d: {  	v60 =	vld [tilespmem:s2+$0x96D0]  }
0x32e: {  	v6 =	vadd.f32 v52, v6;
	v55 =	vld [tilespmem:s31+$0x9650]  }
0x32f: {  	v62 =	vld [tilespmem:s2+$0x9750];
	v8 =	vadd.f32 v56, v8  }
0x330: {  	v6 =	vadd.f32 v53, v6;
	v57 =	vld [tilespmem:s31+$0x96D0]  }
0x331: {  	v16 =	vld [tilespmem:s2+$0x97D0];
	v7 =	vadd.f32 v54, v7;
	v8 =	vadd.f32 v58, v8  }
0x332: {  	v59 =	vld [tilespmem:s31+$0x9750]  }
0x333: {  	v38 =	vld [tilespmem:s28+$0x9870];
	v6 =	vmul.f32 $1.428571490e-01, v6;
	v7 =	vadd.f32 v55, v7;
	v8 =	vadd.f32 v60, v8  }
0x334: {  	v18 =	vld [tilespmem:s2+$0x9850]  }
0x335: {  	[tilespmem:s29+$0x10550] =	vst v6;
	v61 =	vld [tilespmem:s31+$0x97D0];
	v7 =	vadd.f32 v57, v7;
	v8 =	vadd.f32 v62, v8  }
0x336: {  	v17 =	vld [tilespmem:s30+$0x9560]  }
0x337: {  	v63 =	vld [tilespmem:s31+$0x9850];
	v15 =	vadd.f32 v59, v7;
	v7 =	vadd.f32 v16, v8  }
0x338: {  	v19 =	vld [tilespmem:s30+$0x95E0]  }
0x339: {  	v20 =	vld [tilespmem:s30+$0x9660];
	v7 =	vadd.f32 v18, v7  }
0x33a: {  	v21 =	vld [tilespmem:s30+$0x96E0];
	v6 =	vadd.f32 v61, v15  }
0x33b: {  	v22 =	vld [tilespmem:s30+$0x9760];
	v7 =	vmul.f32 $1.428571490e-01, v7  }
0x33c: {  	v23 =	vld [tilespmem:s30+$0x97E0];
	v6 =	vadd.f32 v63, v6  }
0x33d: {  	v24 =	vld [tilespmem:s30+$0x9860];
	[tilespmem:s10+$0x10550] =	vst v7  }
0x33e: {  	v25 =	vadd.f32 v19, v17;
	v6 =	vmul.f32 $1.428571490e-01, v6;
	v7 =	vld [tilespmem:s2+$0x9560]  }
0x33f: {  	v29 =	vld [tilespmem:s2+$0x95E0]  }
0x340: {  	[tilespmem:s0+$0x10550] =	vst v6;
	v6 =	vadd.f32 v20, v25;
	v31 =	vld [tilespmem:s2+$0x9660]  }
0x341: {  	v26 =	vld [tilespmem:s31+$0x9560]  }
0x342: {  	v27 =	vld [tilespmem:s31+$0x95E0];
	v6 =	vadd.f32 v21, v6  }
0x343: {  	v33 =	vld [tilespmem:s2+$0x96E0]  }
0x344: {  	v28 =	vld [tilespmem:s31+$0x9660];
	v6 =	vadd.f32 v22, v6  }
0x345: {  	v35 =	vld [tilespmem:s2+$0x9760];
	v7 =	vadd.f32 v29, v7  }
0x346: {  	v30 =	vld [tilespmem:s31+$0x96E0];
	v6 =	vadd.f32 v23, v6  }
0x347: {  	v37 =	vld [tilespmem:s2+$0x97E0];
	v10 =	vadd.f32 v27, v26;
	v7 =	vadd.f32 v31, v7  }
0x348: {  	v32 =	vld [tilespmem:s31+$0x9760];
	v6 =	vadd.f32 v24, v6  }
0x349: {  	v39 =	vld [tilespmem:s2+$0x9860];
	v9 =	vadd.f32 v28, v10;
	v7 =	vadd.f32 v33, v7  }
0x34a: {  	v34 =	vld [tilespmem:s31+$0x97E0];
	v6 =	vmul.f32 $1.428571490e-01, v6  }
0x34b: {  	v5 =	vld [tilespmem:s28+$0x97F0];
	v9 =	vadd.f32 v30, v9;
	v7 =	vadd.f32 v35, v7  }
0x34c: {  	v36 =	vld [tilespmem:s31+$0x9860];
	[tilespmem:s29+$0x10560] =	vst v6  }
0x34d: {  	v9 =	vadd.f32 v32, v9;
	v40 =	vld [tilespmem:s30+$0x9570];
	v7 =	vadd.f32 v37, v7  }
0x34e: {  	v41 =	vld [tilespmem:s30+$0x95F0]  }
0x34f: {  	v42 =	vld [tilespmem:s30+$0x9670];
	v9 =	vadd.f32 v34, v9;
	v6 =	vadd.f32 v39, v7  }
0x350: {  	v43 =	vld [tilespmem:s30+$0x96F0]  }
0x351: {  	v44 =	vld [tilespmem:s30+$0x9770];
	v9 =	vadd.f32 v36, v9;
	v6 =	vmul.f32 $1.428571490e-01, v6  }
0x352: {  	v45 =	vld [tilespmem:s30+$0x97F0]  }
0x353: {  	v46 =	vld [tilespmem:s30+$0x9870];
	v9 =	vmul.f32 $1.428571490e-01, v9;
	[tilespmem:s10+$0x10560] =	vst v6  }
0x354: {  	v6 =	vld [tilespmem:s2+$0x9570]  }
0x355: {  	[tilespmem:s0+$0x10560] =	vst v9;
	v17 =	vld [tilespmem:s2+$0x95F0]  }
0x356: {  	v9 =	vld [tilespmem:s31+$0x9570]  }
0x357: {  	v16 =	vld [tilespmem:s31+$0x95F0]  }
0x358: {  	v47 =	vld [tilespmem:s2+$0x9670]  }
0x359: {  	v2 =	vadd.f32 v4, v2;
	v18 =	vld [tilespmem:s31+$0x9670]  }
0x35a: {  	v10 =	vadd.f32 v41, v40;
	v50 =	vld [tilespmem:s2+$0x96F0]  }
0x35b: {  	v2 =	vadd.f32 v3, v2;
	v48 =	vld [tilespmem:s31+$0x96F0];
	v6 =	vadd.f32 v17, v6  }
0x35c: {  	v10 =	vadd.f32 v42, v10;
	v53 =	vld [tilespmem:s2+$0x9770];
	v49 =	vadd.f32 v16, v9  }
0x35d: {  	v1 =	vadd.f32 v1, v2;
	v51 =	vld [tilespmem:s31+$0x9770];
	v4 =	vadd.f32 v47, v6  }
0x35e: {  	v56 =	vld [tilespmem:s2+$0x97F0];
	v8 =	vadd.f32 v43, v10;
	v52 =	vadd.f32 v18, v49  }
0x35f: {  	v0 =	vadd.f32 v0, v1;
	v54 =	vld [tilespmem:s31+$0x97F0];
	v4 =	vadd.f32 v50, v4  }
0x360: {  	v58 =	vld [tilespmem:s2+$0x9870];
	v8 =	vadd.f32 v44, v8;
	v55 =	vadd.f32 v48, v52  }
0x361: {  	v0 =	vadd.f32 v5, v0;
	v57 =	vld [tilespmem:s31+$0x9870];
	v3 =	vadd.f32 v53, v4  }
0x362: {  	v59 =	vadd.f32 v45, v8;
	v1 =	vadd.f32 v51, v55  }
0x363: {  	v0 =	vadd.f32 v38, v0;
	v2 =	vadd.f32 v56, v3  }
0x364: {  	v60 =	vadd.f32 v46, v59;
	v1 =	vadd.f32 v54, v1  }
0x365: {  	p2 =	slt.u32 s25, $0xC;
	v0 =	vmul.f32 $1.428571490e-01, v0;
	v2 =	vadd.f32 v58, v2  }
.Ltmp2:
0x366: {  	v61 =	vmul.f32 $1.428571490e-01, v60;
	v1 =	vadd.f32 v57, v1;
	(pc) =	sbr.rel @p2 .LBB2_7-.Ltmp2, $4  }
0x367: {  	[tilespmem:s26+$0x10570] =	vst v0;
	v63 =	vmul.f32 $1.428571490e-01, v2  }
0x368: {  	[tilespmem:s29+$0x10570] =	vst v61;
	v62 =	vmul.f32 $1.428571490e-01, v1  }
0x369: {  	s31 =	sadd.s32 $0x4, s25;
	[tilespmem:s10+$0x10570] =	vst v63  }
0x36a: {  	s25 =	smov.u32 s31;
	[tilespmem:s0+$0x10570] =	vst v62  }
0x36b: {  	s0 =	sadd.s32 @!p1 $0x2A0, s22  }
0x36c: {  	s2 =	simm.s32 @!p1 $0x70;
	s10 =	simm.s32 @!p1 $0x9500;
	p2 =	sgt.u32 s24, $0x9FF2  }
0x36d: {  	[tilespmem:s10], [sflag:$0x3] =	stream.indirect.gather @!p1 [hbm4b:s1+s2], $0x80, s0, s2, $0xb8;
	[tilespmem:$0x11500] =	vst v63  }
0x36e: {  	s0 =	sshll.u32 @!p2 s24, $0x4  }
0x36f: {  	s2 =	simm.s32 @!p2 $0x0;
	s10 =	simm.s32 @!p2 $0x10500;
	s0 =	sadd.s32 @!p2 s3, s0  }
0x370: {  	[hbm4b:s0+s2] =	stream.linear.scatter @!p2 [tilespmem:s10], [sflag:$0x5], $0x800, $0x38;
	[tilespmem:$0x11500] =	vst v63  }
0x371: {  	s23 =	sadd.s32 $0x30, s23;
	_ =	swait.ge [sflag:s19], $0x3800  }
0x372: {  	p2 =	sgt.u32 s23, $0xA012;
	[sflag:s19] =	ssyncset.done $0x0  }
0x373: {  	s0 =	simm.s32 @!p2 $0x6;
	[sflag:s19] =	ssyncadd.s32 $0xFFFFC800  }
0x374: {  	_ =	swait.ge @!p2 [sflag:s0], $0x800  }
0x375: {  	[sflag:s0] =	ssyncset.done @!p2 $0x0  }
0x376: {  	s24 =	simm.s32 $0x0;
	[sflag:s0] =	ssyncadd.s32 @!p2 $0xFFFFF800  }
.LBB2_9:
0x377: {  	s0 =	smul.u32 $0xE00, s24;
	_ =	sdelay $0x1  }
0x378: {  	s26 =	sshra.s32 s0, $0x2  }
0x379: {  	v0 =	vld [tilespmem:s26+$0xCD00]  }
0x37a: {  	v1 =	vld [tilespmem:s26+$0xCD80];
	_ =	sdelay $0x1  }
0x37b: {  	v2 =	vld [tilespmem:s26+$0xCE00];
	_ =	sdelay $0x1  }
0x37c: {  	v3 =	vld [tilespmem:s26+$0xCE80]  }
0x37d: {  	v0 =	vadd.f32 v1, v0  }
0x37e: {  	v14 =	vld [tilespmem:s26+$0xCF00]  }
0x37f: {  	v0 =	vadd.f32 v2, v0  }
0x380: {  	v15 =	vld [tilespmem:s26+$0xCF80]  }
0x381: {  	v0 =	vadd.f32 v3, v0  }
0x382: {  	v16 =	vld [tilespmem:s26+$0xD000]  }
0x383: {  	v0 =	vadd.f32 v14, v0;
	_ =	sdelay $0x1  }
0x384: {  	v0 =	vadd.f32 v15, v0;
	_ =	sdelay $0x1  }
0x385: {  	v0 =	vadd.f32 v16, v0;
	_ =	sdelay $0x1  }
0x386: {  	s25 =	sshll.u32 s24, $0x7;
	v0 =	vmul.f32 $1.428571490e-01, v0  }
0x387: {  	s25 =	sand.u32 $0x3FFFFF80, s25  }
0x388: {  	[tilespmem:s25+$0x10D00] =	vst v0  }
0x389: {  	v0 =	vld [tilespmem:s26+$0xCD10]  }
0x38a: {  	v17 =	vld [tilespmem:s26+$0xCD90];
	_ =	sdelay $0x1  }
0x38b: {  	v18 =	vld [tilespmem:s26+$0xCE10];
	_ =	sdelay $0x1  }
0x38c: {  	v19 =	vld [tilespmem:s26+$0xCE90]  }
0x38d: {  	v0 =	vadd.f32 v17, v0  }
0x38e: {  	v20 =	vld [tilespmem:s26+$0xCF10]  }
0x38f: {  	v0 =	vadd.f32 v18, v0  }
0x390: {  	v21 =	vld [tilespmem:s26+$0xCF90]  }
0x391: {  	v0 =	vadd.f32 v19, v0  }
0x392: {  	v22 =	vld [tilespmem:s26+$0xD010]  }
0x393: {  	v0 =	vadd.f32 v20, v0;
	_ =	sdelay $0x1  }
0x394: {  	v0 =	vadd.f32 v21, v0;
	_ =	sdelay $0x1  }
0x395: {  	v0 =	vadd.f32 v22, v0;
	_ =	sdelay $0x1  }
0x396: {  	v0 =	vmul.f32 $1.428571490e-01, v0;
	_ =	sdelay $0x1  }
0x397: {  	[tilespmem:s25+$0x10D10] =	vst v0  }
0x398: {  	v0 =	vld [tilespmem:s26+$0xCD20]  }
0x399: {  	v23 =	vld [tilespmem:s26+$0xCDA0];
	_ =	sdelay $0x1  }
0x39a: {  	v24 =	vld [tilespmem:s26+$0xCE20];
	_ =	sdelay $0x1  }
0x39b: {  	v25 =	vld [tilespmem:s26+$0xCEA0]  }
0x39c: {  	v0 =	vadd.f32 v23, v0  }
0x39d: {  	v26 =	vld [tilespmem:s26+$0xCF20]  }
0x39e: {  	v0 =	vadd.f32 v24, v0  }
0x39f: {  	v27 =	vld [tilespmem:s26+$0xCFA0]  }
0x3a0: {  	v0 =	vadd.f32 v25, v0  }
0x3a1: {  	v28 =	vld [tilespmem:s26+$0xD020]  }
0x3a2: {  	s28 =	sor.u32 $0x1, s24;
	v0 =	vadd.f32 v26, v0  }
0x3a3: {  	s2 =	smul.u32 $0xE00, s28  }
0x3a4: {  	v0 =	vadd.f32 v27, v0  }
0x3a5: {  	s29 =	sshra.s32 s2, $0x2  }
0x3a6: {  	v4 =	vld [tilespmem:s29+$0xCD00];
	v0 =	vadd.f32 v28, v0  }
0x3a7: {  	v33 =	vld [tilespmem:s29+$0xCD80]  }
0x3a8: {  	v0 =	vmul.f32 $1.428571490e-01, v0  }
0x3a9: {  	v34 =	vld [tilespmem:s29+$0xCE00]  }
0x3aa: {  	v35 =	vld [tilespmem:s29+$0xCE80];
	[tilespmem:s25+$0x10D20] =	vst v0  }
0x3ab: {  	v0 =	vld [tilespmem:s26+$0xCD30]  }
0x3ac: {  	v2 =	vadd.f32 v33, v4;
	v29 =	vld [tilespmem:s26+$0xCDB0]  }
0x3ad: {  	v36 =	vld [tilespmem:s29+$0xCF00]  }
0x3ae: {  	v2 =	vadd.f32 v34, v2;
	v30 =	vld [tilespmem:s26+$0xCE30]  }
0x3af: {  	v37 =	vld [tilespmem:s29+$0xCF80]  }
0x3b0: {  	v1 =	vadd.f32 v35, v2;
	v31 =	vld [tilespmem:s26+$0xCEB0]  }
0x3b1: {  	v38 =	vld [tilespmem:s29+$0xD000];
	v0 =	vadd.f32 v29, v0  }
0x3b2: {  	v1 =	vadd.f32 v36, v1;
	v32 =	vld [tilespmem:s26+$0xCF30]  }
0x3b3: {  	v0 =	vadd.f32 v30, v0  }
0x3b4: {  	v1 =	vadd.f32 v37, v1;
	v5 =	vld [tilespmem:s26+$0xCFB0]  }
0x3b5: {  	v0 =	vadd.f32 v31, v0  }
0x3b6: {  	s10 =	sor.u32 $0x3, s24;
	v1 =	vadd.f32 v38, v1;
	v6 =	vld [tilespmem:s26+$0xD030]  }
0x3b7: {  	s31 =	smul.u32 $0xE00, s10;
	v0 =	vadd.f32 v32, v0  }
0x3b8: {  	s0 =	sshll.u32 s28, $0x7;
	v1 =	vmul.f32 $1.428571490e-01, v1  }
0x3b9: {  	s28 =	sand.u32 $0x3FFFFF80, s0;
	s2 =	sshra.s32 s31, $0x2;
	v0 =	vadd.f32 v5, v0  }
0x3ba: {  	v59 =	vld [tilespmem:s2+$0xCD80];
	[tilespmem:s28+$0x10D00] =	vst v1  }
0x3bb: {  	v1 =	vld [tilespmem:s29+$0xCD10];
	v0 =	vadd.f32 v6, v0  }
0x3bc: {  	v43 =	vld [tilespmem:s29+$0xCD90]  }
0x3bd: {  	v61 =	vld [tilespmem:s2+$0xCE00];
	v0 =	vmul.f32 $1.428571490e-01, v0  }
0x3be: {  	v45 =	vld [tilespmem:s29+$0xCE10]  }
0x3bf: {  	v47 =	vld [tilespmem:s29+$0xCE90];
	[tilespmem:s25+$0x10D30] =	vst v0  }
0x3c0: {  	v0 =	vld [tilespmem:s26+$0xCD40]  }
0x3c1: {  	v1 =	vadd.f32 v43, v1;
	v39 =	vld [tilespmem:s26+$0xCDC0]  }
0x3c2: {  	v48 =	vld [tilespmem:s29+$0xCF10]  }
0x3c3: {  	v1 =	vadd.f32 v45, v1;
	v40 =	vld [tilespmem:s26+$0xCE40]  }
0x3c4: {  	v49 =	vld [tilespmem:s29+$0xCF90]  }
0x3c5: {  	v1 =	vadd.f32 v47, v1;
	v41 =	vld [tilespmem:s26+$0xCEC0]  }
0x3c6: {  	s0 =	sor.u32 $0x2, s24;
	v50 =	vld [tilespmem:s29+$0xD010];
	v0 =	vadd.f32 v39, v0  }
0x3c7: {  	s30 =	smul.u32 $0xE00, s0;
	v1 =	vadd.f32 v48, v1;
	v42 =	vld [tilespmem:s26+$0xCF40]  }
0x3c8: {  	v63 =	vld [tilespmem:s2+$0xCE80];
	v0 =	vadd.f32 v40, v0  }
0x3c9: {  	s30 =	sshra.s32 s30, $0x2;
	v1 =	vadd.f32 v49, v1;
	v44 =	vld [tilespmem:s26+$0xCFC0]  }
0x3ca: {  	v57 =	vld [tilespmem:s30+$0xCD00];
	v0 =	vadd.f32 v41, v0  }
0x3cb: {  	v1 =	vadd.f32 v50, v1;
	v46 =	vld [tilespmem:s26+$0xD040]  }
0x3cc: {  	v13 =	vld [tilespmem:s30+$0xCD80];
	v0 =	vadd.f32 v42, v0  }
0x3cd: {  	v58 =	vld [tilespmem:s30+$0xCE00];
	v1 =	vmul.f32 $1.428571490e-01, v1  }
0x3ce: {  	v14 =	vld [tilespmem:s2+$0xCD00];
	v0 =	vadd.f32 v44, v0  }
0x3cf: {  	v17 =	vld [tilespmem:s2+$0xCF80];
	[tilespmem:s28+$0x10D10] =	vst v1  }
0x3d0: {  	v1 =	vld [tilespmem:s29+$0xCD20];
	v0 =	vadd.f32 v46, v0  }
0x3d1: {  	v8 =	vld [tilespmem:s29+$0xCDA0]  }
0x3d2: {  	v9 =	vld [tilespmem:s29+$0xCE20];
	v0 =	vmul.f32 $1.428571490e-01, v0  }
0x3d3: {  	v10 =	vld [tilespmem:s29+$0xCEA0]  }
0x3d4: {  	v11 =	vld [tilespmem:s29+$0xCF20];
	[tilespmem:s25+$0x10D40] =	vst v0  }
0x3d5: {  	v0 =	vld [tilespmem:s26+$0xCD50]  }
0x3d6: {  	v1 =	vadd.f32 v8, v1;
	v51 =	vld [tilespmem:s26+$0xCDD0]  }
0x3d7: {  	v56 =	vld [tilespmem:s29+$0xCFA0]  }
0x3d8: {  	v1 =	vadd.f32 v9, v1;
	v5 =	vadd.f32 v59, v14;
	v52 =	vld [tilespmem:s26+$0xCE50]  }
0x3d9: {  	v14 =	vld [tilespmem:s2+$0xCF00]  }
0x3da: {  	v1 =	vadd.f32 v10, v1;
	v5 =	vadd.f32 v61, v5;
	v53 =	vld [tilespmem:s26+$0xCED0]  }
0x3db: {  	v12 =	vld [tilespmem:s29+$0xD020];
	v0 =	vadd.f32 v51, v0  }
0x3dc: {  	v1 =	vadd.f32 v11, v1;
	v18 =	vadd.f32 v63, v5;
	v54 =	vld [tilespmem:s26+$0xCF50]  }
0x3dd: {  	v19 =	vld [tilespmem:s2+$0xD000];
	v0 =	vadd.f32 v52, v0  }
0x3de: {  	v1 =	vadd.f32 v56, v1;
	v2 =	vadd.f32 v14, v18;
	v55 =	vld [tilespmem:s26+$0xCFD0]  }
0x3df: {  	v60 =	vld [tilespmem:s30+$0xCE80];
	v0 =	vadd.f32 v53, v0  }
0x3e0: {  	v1 =	vadd.f32 v12, v1;
	v2 =	vadd.f32 v17, v2;
	v7 =	vld [tilespmem:s26+$0xD050]  }
0x3e1: {  	v4 =	vadd.f32 v13, v57;
	v0 =	vadd.f32 v54, v0  }
0x3e2: {  	v62 =	vld [tilespmem:s30+$0xCF00];
	v1 =	vmul.f32 $1.428571490e-01, v1;
	v23 =	vadd.f32 v19, v2  }
0x3e3: {  	v3 =	vadd.f32 v58, v4;
	v0 =	vadd.f32 v55, v0  }
0x3e4: {  	s10 =	sshll.u32 s10, $0x7;
	v13 =	vld [tilespmem:s30+$0xCF80];
	[tilespmem:s28+$0x10D20] =	vst v1;
	v1 =	vmul.f32 $1.428571490e-01, v23  }
0x3e5: {  	s10 =	sand.u32 $0x3FFFFF80, s10;
	v3 =	vadd.f32 v60, v3;
	v0 =	vadd.f32 v7, v0  }
0x3e6: {  	v15 =	vld [tilespmem:s30+$0xD000];
	[tilespmem:s10+$0x10D00] =	vst v1  }
0x3e7: {  	v16 =	vadd.f32 v62, v3;
	v1 =	vld [tilespmem:s2+$0xCD10];
	v0 =	vmul.f32 $1.428571490e-01, v0  }
0x3e8: {  	v27 =	vld [tilespmem:s2+$0xCD90]  }
0x3e9: {  	v24 =	vld [tilespmem:s29+$0xCD30];
	[tilespmem:s25+$0x10D50] =	vst v0;
	v0 =	vadd.f32 v13, v16  }
0x3ea: {  	v29 =	vld [tilespmem:s2+$0xCE10]  }
0x3eb: {  	v36 =	vld [tilespmem:s29+$0xCDB0];
	v0 =	vadd.f32 v15, v0  }
0x3ec: {  	v31 =	vld [tilespmem:s2+$0xCE90]  }
0x3ed: {  	s0 =	sshll.u32 s0, $0x7;
	v43 =	vld [tilespmem:s29+$0xD030];
	v1 =	vadd.f32 v27, v1;
	v0 =	vmul.f32 $1.428571490e-01, v0  }
0x3ee: {  	s0 =	sand.u32 $0x3FFFFF80, s0;
	v33 =	vld [tilespmem:s2+$0xCF10]  }
0x3ef: {  	v35 =	vld [tilespmem:s2+$0xCF90];
	v1 =	vadd.f32 v29, v1;
	[tilespmem:s0+$0x10D00] =	vst v0  }
0x3f0: {  	v0 =	vld [tilespmem:s30+$0xCD10]  }
0x3f1: {  	v1 =	vadd.f32 v31, v1;
	v25 =	vld [tilespmem:s30+$0xCD90]  }
0x3f2: {  	v37 =	vld [tilespmem:s2+$0xD010]  }
0x3f3: {  	v1 =	vadd.f32 v33, v1;
	v26 =	vld [tilespmem:s30+$0xCE10]  }
0x3f4: {  	v39 =	vld [tilespmem:s29+$0xCE30]  }
0x3f5: {  	v1 =	vadd.f32 v35, v1;
	v28 =	vld [tilespmem:s30+$0xCE90]  }
0x3f6: {  	v40 =	vld [tilespmem:s29+$0xCEB0];
	v0 =	vadd.f32 v25, v0  }
0x3f7: {  	v1 =	vadd.f32 v37, v1;
	v30 =	vld [tilespmem:s30+$0xCF10]  }
0x3f8: {  	v41 =	vld [tilespmem:s29+$0xCF30];
	v0 =	vadd.f32 v26, v0  }
0x3f9: {  	v1 =	vmul.f32 $1.428571490e-01, v1;
	v32 =	vld [tilespmem:s30+$0xCF90]  }
0x3fa: {  	v42 =	vld [tilespmem:s29+$0xCFB0];
	v0 =	vadd.f32 v28, v0  }
0x3fb: {  	[tilespmem:s10+$0x10D10] =	vst v1;
	v34 =	vld [tilespmem:s30+$0xD010]  }
0x3fc: {  	v1 =	vld [tilespmem:s2+$0xCD20];
	v0 =	vadd.f32 v30, v0  }
0x3fd: {  	v48 =	vld [tilespmem:s2+$0xCDA0]  }
0x3fe: {  	v49 =	vld [tilespmem:s2+$0xCE20];
	v0 =	vadd.f32 v32, v0  }
0x3ff: {  	v51 =	vld [tilespmem:s2+$0xCEA0]  }
0x400: {  	v56 =	vld [tilespmem:s2+$0xCFA0];
	v0 =	vadd.f32 v34, v0  }
0x401: {  	v58 =	vld [tilespmem:s2+$0xD020]  }
0x402: {  	v53 =	vld [tilespmem:s2+$0xCF20];
	v1 =	vadd.f32 v48, v1;
	v0 =	vmul.f32 $1.428571490e-01, v0  }
0x403: {  	v6 =	vld [tilespmem:s26+$0xCD60]  }
0x404: {  	v2 =	vadd.f32 v36, v24;
	v1 =	vadd.f32 v49, v1;
	v20 =	vld [tilespmem:s26+$0xCDE0];
	[tilespmem:s0+$0x10D10] =	vst v0  }
0x405: {  	v45 =	vld [tilespmem:s30+$0xCD20]  }
0x406: {  	v44 =	vadd.f32 v39, v2;
	v1 =	vadd.f32 v51, v1;
	v46 =	vld [tilespmem:s30+$0xCDA0]  }
0x407: {  	v21 =	vld [tilespmem:s26+$0xCE60]  }
0x408: {  	v1 =	vadd.f32 v53, v1;
	v0 =	vadd.f32 v40, v44;
	v47 =	vld [tilespmem:s30+$0xCE20]  }
0x409: {  	v22 =	vld [tilespmem:s26+$0xCEE0]  }
0x40a: {  	v1 =	vadd.f32 v56, v1;
	v15 =	vld [tilespmem:s30+$0xCEA0];
	v0 =	vadd.f32 v41, v0  }
0x40b: {  	v3 =	vld [tilespmem:s26+$0xCF60];
	v2 =	vadd.f32 v46, v45  }
0x40c: {  	v1 =	vadd.f32 v58, v1;
	v50 =	vld [tilespmem:s30+$0xCF20];
	v0 =	vadd.f32 v42, v0  }
0x40d: {  	v9 =	vld [tilespmem:s26+$0xCFE0];
	v2 =	vadd.f32 v47, v2  }
0x40e: {  	v1 =	vmul.f32 $1.428571490e-01, v1;
	v52 =	vld [tilespmem:s30+$0xCFA0];
	v0 =	vadd.f32 v43, v0  }
0x40f: {  	v38 =	vld [tilespmem:s26+$0xD060];
	v2 =	vadd.f32 v15, v2  }
0x410: {  	[tilespmem:s10+$0x10D20] =	vst v1;
	v54 =	vld [tilespmem:s30+$0xD020];
	v0 =	vmul.f32 $1.428571490e-01, v0  }
0x411: {  	v1 =	vld [tilespmem:s2+$0xCD30];
	v55 =	vadd.f32 v50, v2  }
0x412: {  	v24 =	vld [tilespmem:s2+$0xCE30];
	[tilespmem:s28+$0x10D30] =	vst v0  }
0x413: {  	v57 =	vld [tilespmem:s29+$0xCD40];
	v0 =	vadd.f32 v52, v55  }
0x414: {  	v59 =	vld [tilespmem:s29+$0xCDC0]  }
0x415: {  	v26 =	vld [tilespmem:s2+$0xCEB0];
	v0 =	vadd.f32 v54, v0  }
0x416: {  	v60 =	vld [tilespmem:s29+$0xCE40]  }
0x417: {  	v17 =	vadd.f32 v20, v6;
	v61 =	vld [tilespmem:s29+$0xCEC0];
	v0 =	vmul.f32 $1.428571490e-01, v0  }
0x418: {  	v62 =	vld [tilespmem:s29+$0xCF40]  }
0x419: {  	v11 =	vadd.f32 v59, v57;
	[tilespmem:s0+$0x10D20] =	vst v0;
	v0 =	vadd.f32 v21, v17;
	v21 =	vld [tilespmem:s2+$0xCDB0]  }
0x41a: {  	v63 =	vld [tilespmem:s29+$0xCFC0]  }
0x41b: {  	v4 =	vadd.f32 v60, v11;
	v18 =	vld [tilespmem:s30+$0xCD30]  }
0x41c: {  	v19 =	vld [tilespmem:s30+$0xCDB0]  }
0x41d: {  	v16 =	vld [tilespmem:s29+$0xD040];
	v4 =	vadd.f32 v61, v4  }
0x41e: {  	v20 =	vld [tilespmem:s30+$0xCE30];
	v1 =	vadd.f32 v21, v1  }
0x41f: {  	v28 =	vld [tilespmem:s2+$0xCF30];
	v2 =	vadd.f32 v62, v4  }
0x420: {  	v0 =	vadd.f32 v22, v0;
	v22 =	vld [tilespmem:s30+$0xCEB0];
	v1 =	vadd.f32 v24, v1  }
0x421: {  	v30 =	vld [tilespmem:s2+$0xCFB0];
	v4 =	vadd.f32 v63, v2;
	v23 =	vadd.f32 v19, v18  }
0x422: {  	v25 =	vld [tilespmem:s30+$0xCF30];
	v0 =	vadd.f32 v3, v0;
	v1 =	vadd.f32 v26, v1  }
0x423: {  	v32 =	vld [tilespmem:s2+$0xD030];
	v33 =	vadd.f32 v16, v4;
	v3 =	vadd.f32 v20, v23  }
0x424: {  	v27 =	vld [tilespmem:s30+$0xCFB0];
	v1 =	vadd.f32 v28, v1  }
0x425: {  	v0 =	vadd.f32 v9, v0;
	v7 =	vmul.f32 $1.428571490e-01, v33;
	v3 =	vadd.f32 v22, v3  }
0x426: {  	v29 =	vld [tilespmem:s30+$0xD030];
	v5 =	vadd.f32 v30, v1  }
0x427: {  	v0 =	vadd.f32 v38, v0;
	[tilespmem:s28+$0x10D40] =	vst v7;
	v3 =	vadd.f32 v25, v3  }
0x428: {  	v35 =	vld [tilespmem:s29+$0xCD50];
	v5 =	vadd.f32 v32, v5  }
0x429: {  	v0 =	vmul.f32 $1.428571490e-01, v0;
	v47 =	vld [tilespmem:s29+$0xCDD0];
	v31 =	vadd.f32 v27, v3  }
0x42a: {  	v49 =	vld [tilespmem:s29+$0xCE50];
	v5 =	vmul.f32 $1.428571490e-01, v5  }
0x42b: {  	v50 =	vld [tilespmem:s29+$0xCED0];
	[tilespmem:s25+$0x10D60] =	vst v0;
	v0 =	vadd.f32 v29, v31  }
0x42c: {  	v51 =	vld [tilespmem:s29+$0xCF50];
	[tilespmem:s10+$0x10D30] =	vst v5  }
0x42d: {  	v34 =	vmul.f32 $1.428571490e-01, v0;
	v5 =	vld [tilespmem:s2+$0xCD40]  }
0x42e: {  	v38 =	vld [tilespmem:s2+$0xCDC0]  }
0x42f: {  	[tilespmem:s0+$0x10D30] =	vst v34;
	v40 =	vld [tilespmem:s2+$0xCE40]  }
0x430: {  	v36 =	vld [tilespmem:s30+$0xCD40]  }
0x431: {  	v8 =	vld [tilespmem:s30+$0xCDC0]  }
0x432: {  	v42 =	vld [tilespmem:s2+$0xCEC0]  }
0x433: {  	v37 =	vld [tilespmem:s30+$0xCE40];
	v5 =	vadd.f32 v38, v5  }
0x434: {  	v44 =	vld [tilespmem:s2+$0xCF40]  }
0x435: {  	v39 =	vld [tilespmem:s30+$0xCEC0];
	v5 =	vadd.f32 v40, v5  }
0x436: {  	v46 =	vld [tilespmem:s2+$0xCFC0];
	v7 =	vadd.f32 v8, v36  }
0x437: {  	v41 =	vld [tilespmem:s30+$0xCF40];
	v9 =	vadd.f32 v42, v5  }
0x438: {  	v48 =	vld [tilespmem:s2+$0xD040];
	v7 =	vadd.f32 v37, v7  }
0x439: {  	v43 =	vld [tilespmem:s30+$0xCFC0];
	v9 =	vadd.f32 v44, v9  }
0x43a: {  	v52 =	vld [tilespmem:s29+$0xCFD0];
	v7 =	vadd.f32 v39, v7  }
0x43b: {  	v45 =	vld [tilespmem:s30+$0xD040];
	v8 =	vadd.f32 v46, v9  }
0x43c: {  	v53 =	vld [tilespmem:s29+$0xD050];
	v7 =	vadd.f32 v41, v7  }
0x43d: {  	v2 =	vld [tilespmem:s26+$0xCD70];
	v8 =	vadd.f32 v48, v8  }
0x43e: {  	v4 =	vld [tilespmem:s26+$0xCDF0];
	v7 =	vadd.f32 v43, v7  }
0x43f: {  	v1 =	vld [tilespmem:s26+$0xCEF0];
	v8 =	vmul.f32 $1.428571490e-01, v8  }
0x440: {  	v3 =	vld [tilespmem:s26+$0xCE70];
	v6 =	vadd.f32 v47, v35;
	v7 =	vadd.f32 v45, v7  }
0x441: {  	v0 =	vld [tilespmem:s26+$0xCF70];
	[tilespmem:s10+$0x10D40] =	vst v8  }
0x442: {  	v6 =	vadd.f32 v49, v6;
	v7 =	vmul.f32 $1.428571490e-01, v7;
	v8 =	vld [tilespmem:s2+$0xCD50]  }
0x443: {  	v56 =	vld [tilespmem:s2+$0xCDD0]  }
0x444: {  	v6 =	vadd.f32 v50, v6;
	[tilespmem:s0+$0x10D40] =	vst v7;
	v58 =	vld [tilespmem:s2+$0xCE50]  }
0x445: {  	v7 =	vld [tilespmem:s30+$0xCD50]  }
0x446: {  	v6 =	vadd.f32 v51, v6;
	v54 =	vld [tilespmem:s30+$0xCDD0]  }
0x447: {  	v60 =	vld [tilespmem:s2+$0xCED0]  }
0x448: {  	v6 =	vadd.f32 v52, v6;
	v55 =	vld [tilespmem:s30+$0xCE50]  }
0x449: {  	v62 =	vld [tilespmem:s2+$0xCF50];
	v8 =	vadd.f32 v56, v8  }
0x44a: {  	v6 =	vadd.f32 v53, v6;
	v57 =	vld [tilespmem:s30+$0xCED0]  }
0x44b: {  	v16 =	vld [tilespmem:s2+$0xCFD0];
	v7 =	vadd.f32 v54, v7;
	v8 =	vadd.f32 v58, v8  }
0x44c: {  	v59 =	vld [tilespmem:s30+$0xCF50]  }
0x44d: {  	v38 =	vld [tilespmem:s26+$0xD070];
	v6 =	vmul.f32 $1.428571490e-01, v6;
	v7 =	vadd.f32 v55, v7;
	v8 =	vadd.f32 v60, v8  }
0x44e: {  	v18 =	vld [tilespmem:s2+$0xD050]  }
0x44f: {  	[tilespmem:s28+$0x10D50] =	vst v6;
	v61 =	vld [tilespmem:s30+$0xCFD0];
	v7 =	vadd.f32 v57, v7;
	v8 =	vadd.f32 v62, v8  }
0x450: {  	v17 =	vld [tilespmem:s29+$0xCD60]  }
0x451: {  	v63 =	vld [tilespmem:s30+$0xD050];
	v15 =	vadd.f32 v59, v7;
	v7 =	vadd.f32 v16, v8  }
0x452: {  	v19 =	vld [tilespmem:s29+$0xCDE0]  }
0x453: {  	v20 =	vld [tilespmem:s29+$0xCE60];
	v7 =	vadd.f32 v18, v7  }
0x454: {  	v21 =	vld [tilespmem:s29+$0xCEE0];
	v6 =	vadd.f32 v61, v15  }
0x455: {  	v22 =	vld [tilespmem:s29+$0xCF60];
	v7 =	vmul.f32 $1.428571490e-01, v7  }
0x456: {  	v23 =	vld [tilespmem:s29+$0xCFE0];
	v6 =	vadd.f32 v63, v6  }
0x457: {  	v24 =	vld [tilespmem:s29+$0xD060];
	[tilespmem:s10+$0x10D50] =	vst v7  }
0x458: {  	v25 =	vadd.f32 v19, v17;
	v6 =	vmul.f32 $1.428571490e-01, v6;
	v7 =	vld [tilespmem:s2+$0xCD60]  }
0x459: {  	v29 =	vld [tilespmem:s2+$0xCDE0]  }
0x45a: {  	[tilespmem:s0+$0x10D50] =	vst v6;
	v6 =	vadd.f32 v20, v25;
	v31 =	vld [tilespmem:s2+$0xCE60]  }
0x45b: {  	v26 =	vld [tilespmem:s30+$0xCD60]  }
0x45c: {  	v27 =	vld [tilespmem:s30+$0xCDE0];
	v6 =	vadd.f32 v21, v6  }
0x45d: {  	v33 =	vld [tilespmem:s2+$0xCEE0]  }
0x45e: {  	v28 =	vld [tilespmem:s30+$0xCE60];
	v6 =	vadd.f32 v22, v6  }
0x45f: {  	v35 =	vld [tilespmem:s2+$0xCF60];
	v7 =	vadd.f32 v29, v7  }
0x460: {  	v30 =	vld [tilespmem:s30+$0xCEE0];
	v6 =	vadd.f32 v23, v6  }
0x461: {  	v37 =	vld [tilespmem:s2+$0xCFE0];
	v10 =	vadd.f32 v27, v26;
	v7 =	vadd.f32 v31, v7  }
0x462: {  	v32 =	vld [tilespmem:s30+$0xCF60];
	v6 =	vadd.f32 v24, v6  }
0x463: {  	v39 =	vld [tilespmem:s2+$0xD060];
	v9 =	vadd.f32 v28, v10;
	v7 =	vadd.f32 v33, v7  }
0x464: {  	v34 =	vld [tilespmem:s30+$0xCFE0];
	v6 =	vmul.f32 $1.428571490e-01, v6  }
0x465: {  	v5 =	vld [tilespmem:s26+$0xCFF0];
	v9 =	vadd.f32 v30, v9;
	v7 =	vadd.f32 v35, v7  }
0x466: {  	v36 =	vld [tilespmem:s30+$0xD060];
	[tilespmem:s28+$0x10D60] =	vst v6  }
0x467: {  	v9 =	vadd.f32 v32, v9;
	v40 =	vld [tilespmem:s29+$0xCD70];
	v7 =	vadd.f32 v37, v7  }
0x468: {  	v41 =	vld [tilespmem:s29+$0xCDF0]  }
0x469: {  	v42 =	vld [tilespmem:s29+$0xCE70];
	v9 =	vadd.f32 v34, v9;
	v6 =	vadd.f32 v39, v7  }
0x46a: {  	v43 =	vld [tilespmem:s29+$0xCEF0]  }
0x46b: {  	v44 =	vld [tilespmem:s29+$0xCF70];
	v9 =	vadd.f32 v36, v9;
	v6 =	vmul.f32 $1.428571490e-01, v6  }
0x46c: {  	v45 =	vld [tilespmem:s29+$0xCFF0]  }
0x46d: {  	v46 =	vld [tilespmem:s29+$0xD070];
	v9 =	vmul.f32 $1.428571490e-01, v9;
	[tilespmem:s10+$0x10D60] =	vst v6  }
0x46e: {  	v6 =	vld [tilespmem:s2+$0xCD70]  }
0x46f: {  	[tilespmem:s0+$0x10D60] =	vst v9;
	v17 =	vld [tilespmem:s2+$0xCDF0]  }
0x470: {  	v9 =	vld [tilespmem:s30+$0xCD70]  }
0x471: {  	v16 =	vld [tilespmem:s30+$0xCDF0]  }
0x472: {  	v47 =	vld [tilespmem:s2+$0xCE70]  }
0x473: {  	v2 =	vadd.f32 v4, v2;
	v18 =	vld [tilespmem:s30+$0xCE70]  }
0x474: {  	v10 =	vadd.f32 v41, v40;
	v50 =	vld [tilespmem:s2+$0xCEF0]  }
0x475: {  	v2 =	vadd.f32 v3, v2;
	v48 =	vld [tilespmem:s30+$0xCEF0];
	v6 =	vadd.f32 v17, v6  }
0x476: {  	v10 =	vadd.f32 v42, v10;
	v53 =	vld [tilespmem:s2+$0xCF70];
	v49 =	vadd.f32 v16, v9  }
0x477: {  	v1 =	vadd.f32 v1, v2;
	v51 =	vld [tilespmem:s30+$0xCF70];
	v4 =	vadd.f32 v47, v6  }
0x478: {  	v56 =	vld [tilespmem:s2+$0xCFF0];
	v8 =	vadd.f32 v43, v10;
	v52 =	vadd.f32 v18, v49  }
0x479: {  	v0 =	vadd.f32 v0, v1;
	v54 =	vld [tilespmem:s30+$0xCFF0];
	v4 =	vadd.f32 v50, v4  }
0x47a: {  	v58 =	vld [tilespmem:s2+$0xD070];
	v8 =	vadd.f32 v44, v8;
	v55 =	vadd.f32 v48, v52  }
0x47b: {  	v0 =	vadd.f32 v5, v0;
	v57 =	vld [tilespmem:s30+$0xD070];
	v3 =	vadd.f32 v53, v4  }
0x47c: {  	v59 =	vadd.f32 v45, v8;
	v1 =	vadd.f32 v51, v55  }
0x47d: {  	v0 =	vadd.f32 v38, v0;
	v2 =	vadd.f32 v56, v3  }
0x47e: {  	v60 =	vadd.f32 v46, v59;
	v1 =	vadd.f32 v54, v1  }
0x47f: {  	p2 =	slt.u32 s24, $0xC;
	v0 =	vmul.f32 $1.428571490e-01, v0;
	v2 =	vadd.f32 v58, v2  }
.Ltmp3:
0x480: {  	v61 =	vmul.f32 $1.428571490e-01, v60;
	v1 =	vadd.f32 v57, v1;
	(pc) =	sbr.rel @p2 .LBB2_9-.Ltmp3, $4  }
0x481: {  	[tilespmem:s25+$0x10D70] =	vst v0;
	v63 =	vmul.f32 $1.428571490e-01, v2  }
0x482: {  	[tilespmem:s28+$0x10D70] =	vst v61;
	v62 =	vmul.f32 $1.428571490e-01, v1  }
0x483: {  	s31 =	sadd.s32 $0x4, s24;
	[tilespmem:s10+$0x10D70] =	vst v63  }
0x484: {  	s24 =	smov.u32 s31;
	[tilespmem:s0+$0x10D70] =	vst v62  }
0x485: {  	s0 =	sadd.s32 @!p1 $0x310, s22;
	s2 =	simm.s32 @!p1 $0x70;
	s10 =	simm.s32 @!p1 $0xCD00  }
0x486: {  	[tilespmem:s10], [sflag:$0x4] =	stream.indirect.gather @!p1 [hbm4b:s1+s2], $0x80, s0, s2, $0xb8;
	[tilespmem:$0x11500] =	vst v63  }
0x487: {  	p1 =	sgt.u32 s23, $0x9FF2  }
0x488: {  	s21 =	sadd.s32 $0x1, s21;
	s0 =	sshll.u32 @!p1 s23, $0x4  }
0x489: {  	s2 =	simm.s32 @!p1 $0x0;
	s10 =	simm.s32 @!p1 $0x10D00;
	s0 =	sadd.s32 @!p1 s3, s0  }
0x48a: {  	[hbm4b:s0+s2] =	stream.linear.scatter @!p1 [tilespmem:s10], [sflag:$0x6], $0x800, $0x38;
	[tilespmem:$0x11500] =	vst v63  }
0x48b: {  	p1 =	sne.s32 s21, $0x15  }
.Ltmp4:
0x48c: {  	_ = 	snop;
	(pc) =	sbr.rel @p1 .LBB2_2-.Ltmp4, $1  }
0x48d: {  	_ =	sdelay $0x3  }
0x48e: {  	s0 =	simm.s32 @!p0 $0x5;
	s20 =	sadd.s32 $0x1, s20  }
0x48f: {  	_ =	swait.ge @!p0 [sflag:s0], $0x800;
	p1 =	sne.s32 s20, s7  }
.Ltmp5:
0x490: {  	[sflag:s0] =	ssyncset.done @!p0 $0x0;
	(pc) =	sbr.rel @p1 .LBB2_1-.Ltmp5, $4  }
0x491: {  	[sflag:s0] =	ssyncadd.s32 @!p0 $0xFFFFF800;
	s0 =	simm.s32 @!p0 $0x6  }
0x492: {  	_ =	swait.ge @!p0 [sflag:s0], $0x800  }
0x493: {  	[sflag:s0] =	ssyncset.done @!p0 $0x0  }
0x494: {  	[sflag:s0] =	ssyncadd.s32 @!p0 $0xFFFFF800  }
0x495: {  	_ =	sfence.sel $0x180000  }
0x496: {  	[bflag:$0x0] =	sbarrier.arrive $0xFFFF  }
0x497: {  	_ =	strace $0x90000047  }
0x498: {  	s0 =	stileid.u32;
	[bflag:$0x2] =	sbarrier.arrive $0xFFFF  }
0x499: {  	p0 =	sne.s32 s0, $0x0;
	s0 =	rddreg [dreg:$0x3]  }
0x49a: {  	s0 =	sadd.s32 @!p0 $0x100000, s0  }
0x49b: {  	[sflag:s0] =	ssyncadd.tile.s32 @!p0 $0x1;
	_ =	shalt  }
.Lfunc_end2:
_tile_overlayer_lowered:
.L_overlay_start_2:
0x49c: {  	(tag) =	ssettag $0x2  }
0x49d: {  	s0 =	rddreg [dreg:$0x0];
	s2 =	stileid.u32  }
0x49e: {  	s1 =	rddreg [dreg:$0x1];
	p0 =	sne.s32 s2, $0x0  }
0x49f: {  	s3 =	rddreg [dreg:$0x2];
	[bflag:$0x3] =	sbarrier.arrive $0xFFFF;
	s2 =	simm.s32 @!p0 $0x1C07  }
0x4a0: {  	[timem:s3], [sflag:s2] =	dma.local @!p0 [hbm:s0], s1  }
0x4a1: {  	s0 =	simm.s32 @!p0 $0x7  }
0x4a2: {  	_ =	swait.ge @!p0 [sflag:s0], s1  }
0x4a3: {  	s1 =	ssub.s32 @!p0 $0x0, s1;
	[sflag:s0] =	ssyncset.done @!p0 $0x0  }
0x4a4: {  	[sflag:s0] =	ssyncadd.s32 @!p0 s1  }
0x4a5: {  	[bflag:$0x3] =	sbarrier.arrive $0xFFFF  }
0x4a6: {  	_ =	shalt  }

</sc_bundles>
